<compile_context>
chip_gen: v7x
topology: tpu7x:2x2x1
jax: 0.10.2.dev20260603
libtpu: 0.0.44.dev20260713+nightly
codegen_flags: <defaults>
</compile_context>

<pallas_src>
import functools

import jax
import jax.numpy as jnp
from jax import lax
from jax.experimental import pallas as pl
from jax.experimental.pallas import tpu as pltpu
from jax.experimental.pallas import tpu_sc as plsc

D_MODEL = 2048
MAX_POSITIONS = 512

_NC = 2
_NS = 16
_NW = _NC * _NS

_K = 16
_NCHUNK = 32


def _sc_gather(ids_hbm, table_hbm, out_hbm, idx_v, rows_v, gsem, ssem):
    wid = lax.axis_index("s") * _NC + lax.axis_index("c")
    base = wid * (_NCHUNK * _K)
    pltpu.sync_copy(ids_hbm.at[wid], idx_v)

    gathers = [None, None]
    scatters = [None, None]

    def start_gather(c):
        b = c % 2
        g = pltpu.async_copy(table_hbm.at[idx_v.at[pl.ds(c * _K, _K)]],
                             rows_v.at[b], gsem.at[b])
        gathers[b] = g

    start_gather(0)
    start_gather(1)
    for c in range(_NCHUNK):
        b = c % 2
        gathers[b].wait()
        s = pltpu.async_copy(rows_v.at[b], out_hbm.at[pl.ds(base + c * _K, _K)],
                             ssem.at[b])
        scatters[b] = s
        if c + 2 < _NCHUNK:
            scatters[b].wait()
            start_gather(c + 2)
    scatters[(_NCHUNK - 2) % 2].wait()
    scatters[(_NCHUNK - 1) % 2].wait()


@functools.partial(jax.jit, static_argnames=())
def kernel(branch_ids, pe):
    b, s = branch_ids.shape
    n = b * s
    ids2 = branch_ids.astype(jnp.int32).reshape(_NW, _NCHUNK * _K)

    mesh = plsc.VectorSubcoreMesh(core_axis_name="c", subcore_axis_name="s")
    out = pl.kernel(
        _sc_gather,
        out_type=jax.ShapeDtypeStruct((n, D_MODEL), jnp.float32),
        mesh=mesh,
        scratch_types=[
            pltpu.VMEM((_NCHUNK * _K,), jnp.int32),
            pltpu.VMEM((2, _K, D_MODEL), jnp.float32),
            pltpu.SemaphoreType.DMA((2,)),
            pltpu.SemaphoreType.DMA((2,)),
        ],
    )(ids2, pe)
    return out.reshape(b, s, D_MODEL)

# --- scband reference (transcript-rebuilt; emitter-appended) ---
"""Pipeline reference for scband-fourier-position-encoding-26070451486884 (READ-ONLY COPY).

The authoritative reference and input builder live on the scoring server;
editing this copy changes nothing except your own understanding.
"""

import jax, jax.numpy as jnp
import numpy as np
import math

D_MODEL = 2048
MAX_POSITIONS = 512
THETA = 10000.0

def _build_pe():
    position = jnp.arange(MAX_POSITIONS, dtype=jnp.float32)[:, None]
    div_term = jnp.exp(jnp.arange(0, D_MODEL, 2, dtype=jnp.float32) * (-math.log(THETA) / D_MODEL))
    pe = jnp.zeros((MAX_POSITIONS, D_MODEL), dtype=jnp.float32)
    pe = pe.at[:, 0::2].set(jnp.sin(position * div_term))
    pe = pe.at[:, 1::2].set(jnp.cos(position * div_term))
    return pe

def setup_inputs(seed: int = 0) -> dict:
    key = jax.random.key(seed)
    branch_ids = jax.random.randint(jax.random.fold_in(key, 0), (4, 4096), 0, 512)
    pe = _build_pe()
    return {"branch_ids": branch_ids, "pe": pe}

def reference(branch_ids, pe):
    ids = jnp.clip(branch_ids.astype(jnp.int32), 0, MAX_POSITIONS - 1)
    out = jnp.take(pe, ids, axis=0)
    return out

if __name__ == "__main__":
    import jax
    _d = setup_inputs()
    print(jax.jit(kernel)(*tuple(_d.values())))

</pallas_src>

<mosaic_0001>
#map = affine_map<(d0, d1) -> (0, 0)>
module attributes {stable_mosaic.version = 14 : i64} {
  func.func @_sc_gather(%arg0: i32, %arg1: i32, %arg2: memref<32x512xi32, #tpu.memory_space<hbm>>, %arg3: memref<512x2048xf32, #tpu.memory_space<hbm>>, %arg4: memref<16384x2048xf32, #tpu.memory_space<hbm>>, %arg5: memref<512xi32, #tpu.memory_space<vmem>>, %arg6: memref<2x16x2048xf32, #tpu.memory_space<vmem>>, %arg7: memref<2x!tpu.dma_semaphore, #tpu.memory_space<semaphore_mem>>, %arg8: memref<2x!tpu.dma_semaphore, #tpu.memory_space<semaphore_mem>>) attributes {dimension_semantics = [#tpu.dimension_semantics<core_parallel>, #tpu.dimension_semantics<subcore_parallel>], iteration_bounds = array<i64: 2, 16>, scalar_prefetch = 0 : i64, scratch_operands = 4 : i64, tpu.core_type = #tpu.core_type<sc_vector_subcore>, window_params = [{transform_indices = #map}, {transform_indices = #map}, {transform_indices = #map}]} {
    %mul3A = arith.constant 2 : i32
    %mul3A_0 = arith.muli %arg1, %mul3A : i32
    %add3A = arith.addi %mul3A_0, %arg0 : i32
    %mul3A_1 = arith.constant 512 : i32
    %mul3A_2 = arith.muli %add3A, %mul3A_1 : i32
    "tpu.region"() ({
      %run_scoped3A = tpu.sem_alloc : memref<!tpu.dma_semaphore, #tpu.memory_space<semaphore_mem>>
      %dma_start3A_1921 = arith.constant 0 : i32
      %dma_start3A_1922 = tpu.memref_slice %arg2[%add3A, %dma_start3A_1921] : memref<32x512xi32, #tpu.memory_space<hbm>> -> memref<1x512xi32, #tpu.memory_space<hbm>>
      %dma_start3A_1923 = tpu.memref_squeeze %dma_start3A_1922 : memref<1x512xi32, #tpu.memory_space<hbm>> -> memref<512xi32, #tpu.memory_space<hbm>>
      %dma_start3A_1924 = arith.constant 0 : i32
      %dma_start3A_1925 = tpu.memref_slice %arg2[%add3A, %dma_start3A_1924] : memref<32x512xi32, #tpu.memory_space<hbm>> -> memref<1x512xi32, #tpu.memory_space<hbm>>
      %dma_start3A_1926 = tpu.memref_squeeze %dma_start3A_1925 : memref<1x512xi32, #tpu.memory_space<hbm>> -> memref<512xi32, #tpu.memory_space<hbm>>
      tpu.enqueue_dma source(%dma_start3A_1926 : memref<512xi32, #tpu.memory_space<hbm>>) target(%arg5 : memref<512xi32, #tpu.memory_space<vmem>>) target_semaphore(%run_scoped3A : memref<!tpu.dma_semaphore, #tpu.memory_space<semaphore_mem>>)
      %dma_wait3A_1927 = arith.constant 0 : i32
      %dma_wait3A_1928 = tpu.memref_slice %arg2[%add3A, %dma_wait3A_1927] : memref<32x512xi32, #tpu.memory_space<hbm>> -> memref<1x512xi32, #tpu.memory_space<hbm>>
      %dma_wait3A_1929 = tpu.memref_squeeze %dma_wait3A_1928 : memref<1x512xi32, #tpu.memory_space<hbm>> -> memref<512xi32, #tpu.memory_space<hbm>>
      %dma_wait3A_1930 = arith.constant 0 : i32
      %dma_wait3A_1931 = tpu.memref_slice %arg2[%add3A, %dma_wait3A_1930] : memref<32x512xi32, #tpu.memory_space<hbm>> -> memref<1x512xi32, #tpu.memory_space<hbm>>
      %dma_wait3A_1932 = tpu.memref_squeeze %dma_wait3A_1931 : memref<1x512xi32, #tpu.memory_space<hbm>> -> memref<512xi32, #tpu.memory_space<hbm>>
      tpu.wait_dma2 semaphore(%run_scoped3A : memref<!tpu.dma_semaphore, #tpu.memory_space<semaphore_mem>>) src(%dma_wait3A_1932 : memref<512xi32, #tpu.memory_space<hbm>>) dst(%arg5 : memref<512xi32, #tpu.memory_space<vmem>>)
      tpu.yield
    }) : () -> ()
    %dma_start3A = arith.constant 0 : i32
    %dma_start3A_3 = arith.constant 0 : i32
    %dma_start3A_4 = arith.constant 0 : i32
    %dma_start3A_5 = arith.constant 0 : i32
    %dma_start3A_6 = tpu.memref_slice %arg6[%dma_start3A, %dma_start3A_4, %dma_start3A_5] : memref<2x16x2048xf32, #tpu.memory_space<vmem>> -> memref<1x16x2048xf32, #tpu.memory_space<vmem>>
    %dma_start3A_7 = tpu.memref_squeeze %dma_start3A_6 : memref<1x16x2048xf32, #tpu.memory_space<vmem>> -> memref<16x2048xf32, #tpu.memory_space<vmem>>
    %dma_start3A_8 = arith.constant 0 : i32
    %dma_start3A_9 = tpu.memref_slice %arg5[%dma_start3A_8] : memref<512xi32, #tpu.memory_space<vmem>> -> memref<16xi32, #tpu.memory_space<vmem>>
    %dma_start3A_10 = arith.constant 0 : i32
    %dma_start3A_11 = arith.constant 0 : i32
    %dma_start3A_12 = tpu.memref_slice %arg3[%dma_start3A_10, %dma_start3A_11] : memref<512x2048xf32, #tpu.memory_space<hbm>> -> memref<512x2048xf32, #tpu.memory_space<hbm>>
    %dma_start3A_13 = tpu.memref_slice %arg7[%dma_start3A_3] : memref<2x!tpu.dma_semaphore, #tpu.memory_space<semaphore_mem>> -> memref<1x!tpu.dma_semaphore, #tpu.memory_space<semaphore_mem>>
    %dma_start3A_14 = tpu.memref_squeeze %dma_start3A_13 : memref<1x!tpu.dma_semaphore, #tpu.memory_space<semaphore_mem>> -> memref<!tpu.dma_semaphore, #tpu.memory_space<semaphore_mem>>
    tpu.enqueue_indirect_dma source(%dma_start3A_12 : memref<512x2048xf32, #tpu.memory_space<hbm>>) target(%dma_start3A_7 : memref<16x2048xf32, #tpu.memory_space<vmem>>) offsets(%dma_start3A_9 : memref<16xi32, #tpu.memory_space<vmem>>) semaphore(%dma_start3A_14 : memref<!tpu.dma_semaphore, #tpu.memory_space<semaphore_mem>>)
    %dma_start3A_15 = arith.constant 1 : i32
    %dma_start3A_16 = arith.constant 1 : i32
    %dma_start3A_17 = arith.constant 0 : i32
    %dma_start3A_18 = arith.constant 0 : i32
    %dma_start3A_19 = tpu.memref_slice %arg6[%dma_start3A_15, %dma_start3A_17, %dma_start3A_18] : memref<2x16x2048xf32, #tpu.memory_space<vmem>> -> memref<1x16x2048xf32, #tpu.memory_space<vmem>>
    %dma_start3A_20 = tpu.memref_squeeze %dma_start3A_19 : memref<1x16x2048xf32, #tpu.memory_space<vmem>> -> memref<16x2048xf32, #tpu.memory_space<vmem>>
    %dma_start3A_21 = arith.constant 16 : i32
    %dma_start3A_22 = tpu.memref_slice %arg5[%dma_start3A_21] : memref<512xi32, #tpu.memory_space<vmem>> -> memref<16xi32, #tpu.memory_space<vmem>>
    %dma_start3A_23 = arith.constant 0 : i32
    %dma_start3A_24 = arith.constant 0 : i32
    %dma_start3A_25 = tpu.memref_slice %arg3[%dma_start3A_23, %dma_start3A_24] : memref<512x2048xf32, #tpu.memory_space<hbm>> -> memref<512x2048xf32, #tpu.memory_space<hbm>>
    %dma_start3A_26 = tpu.memref_slice %arg7[%dma_start3A_16] : memref<2x!tpu.dma_semaphore, #tpu.memory_space<semaphore_mem>> -> memref<1x!tpu.dma_semaphore, #tpu.memory_space<semaphore_mem>>
    %dma_start3A_27 = tpu.memref_squeeze %dma_start3A_26 : memref<1x!tpu.dma_semaphore, #tpu.memory_space<semaphore_mem>> -> memref<!tpu.dma_semaphore, #tpu.memory_space<semaphore_mem>>
    tpu.enqueue_indirect_dma source(%dma_start3A_25 : memref<512x2048xf32, #tpu.memory_space<hbm>>) target(%dma_start3A_20 : memref<16x2048xf32, #tpu.memory_space<vmem>>) offsets(%dma_start3A_22 : memref<16xi32, #tpu.memory_space<vmem>>) semaphore(%dma_start3A_27 : memref<!tpu.dma_semaphore, #tpu.memory_space<semaphore_mem>>)
    %dma_wait3A = arith.constant 0 : i32
    %dma_wait3A_28 = arith.constant 0 : i32
    %dma_wait3A_29 = arith.constant 0 : i32
    %dma_wait3A_30 = arith.constant 0 : i32
    %dma_wait3A_31 = tpu.memref_slice %arg6[%dma_wait3A, %dma_wait3A_29, %dma_wait3A_30] : memref<2x16x2048xf32, #tpu.memory_space<vmem>> -> memref<1x16x2048xf32, #tpu.memory_space<vmem>>
    %dma_wait3A_32 = tpu.memref_squeeze %dma_wait3A_31 : memref<1x16x2048xf32, #tpu.memory_space<vmem>> -> memref<16x2048xf32, #tpu.memory_space<vmem>>
    %dma_wait3A_33 = arith.constant 0 : i32
    %dma_wait3A_34 = tpu.memref_slice %arg5[%dma_wait3A_33] : memref<512xi32, #tpu.memory_space<vmem>> -> memref<16xi32, #tpu.memory_space<vmem>>
    %dma_wait3A_35 = arith.constant 0 : i32
    %dma_wait3A_36 = arith.constant 0 : i32
    %dma_wait3A_37 = tpu.memref_slice %arg3[%dma_wait3A_35, %dma_wait3A_36] : memref<512x2048xf32, #tpu.memory_space<hbm>> -> memref<512x2048xf32, #tpu.memory_space<hbm>>
    %dma_wait3A_38 = tpu.memref_slice %arg7[%dma_wait3A_28] : memref<2x!tpu.dma_semaphore, #tpu.memory_space<semaphore_mem>> -> memref<1x!tpu.dma_semaphore, #tpu.memory_space<semaphore_mem>>
    %dma_wait3A_39 = tpu.memref_squeeze %dma_wait3A_38 : memref<1x!tpu.dma_semaphore, #tpu.memory_space<semaphore_mem>> -> memref<!tpu.dma_semaphore, #tpu.memory_space<semaphore_mem>>
    tpu.wait_indirect_dma semaphore(%dma_wait3A_39 : memref<!tpu.dma_semaphore, #tpu.memory_space<semaphore_mem>>) src(%dma_wait3A_37 : memref<512x2048xf32, #tpu.memory_space<hbm>>) dst(%dma_wait3A_32 : memref<16x2048xf32, #tpu.memory_space<vmem>>)
    %add3A_40 = arith.constant 0 : i32
    %add3A_41 = arith.addi %mul3A_2, %add3A_40 : i32
    %dma_start3A_42 = arith.constant 0 : i32
    %dma_start3A_43 = arith.constant 0 : i32
    %dma_start3A_44 = arith.constant 0 : i32
    %dma_start3A_45 = arith.constant 0 : i32
    %dma_start3A_46 = tpu.memref_slice %arg6[%dma_start3A_42, %dma_start3A_44, %dma_start3A_45] : memref<2x16x2048xf32, #tpu.memory_space<vmem>> -> memref<1x16x2048xf32, #tpu.memory_space<vmem>>
    %dma_start3A_47 = tpu.memref_squeeze %dma_start3A_46 : memref<1x16x2048xf32, #tpu.memory_space<vmem>> -> memref<16x2048xf32, #tpu.memory_space<vmem>>
    %dma_start3A_48 = arith.constant 0 : i32
    %dma_start3A_49 = tpu.memref_slice %arg4[%add3A_41, %dma_start3A_48] : memref<16384x2048xf32, #tpu.memory_space<hbm>> -> memref<16x2048xf32, #tpu.memory_space<hbm>>
    %dma_start3A_50 = tpu.memref_slice %arg8[%dma_start3A_43] : memref<2x!tpu.dma_semaphore, #tpu.memory_space<semaphore_mem>> -> memref<1x!tpu.dma_semaphore, #tpu.memory_space<semaphore_mem>>
    %dma_start3A_51 = tpu.memref_squeeze %dma_start3A_50 : memref<1x!tpu.dma_semaphore, #tpu.memory_space<semaphore_mem>> -> memref<!tpu.dma_semaphore, #tpu.memory_space<semaphore_mem>>
    %dma_start3A_52 = arith.constant 0 : i32
    %dma_start3A_53 = tpu.memref_slice %arg4[%add3A_41, %dma_start3A_52] : memref<16384x2048xf32, #tpu.memory_space<hbm>> -> memref<16x2048xf32, #tpu.memory_space<hbm>>
    %dma_start3A_54 = arith.constant 0 : i32
    %dma_start3A_55 = arith.constant 0 : i32
    %dma_start3A_56 = tpu.memref_slice %arg6[%dma_start3A_42, %dma_start3A_54, %dma_start3A_55] : memref<2x16x2048xf32, #tpu.memory_space<vmem>> -> memref<1x16x2048xf32, #tpu.memory_space<vmem>>
    %dma_start3A_57 = tpu.memref_squeeze %dma_start3A_56 : memref<1x16x2048xf32, #tpu.memory_space<vmem>> -> memref<16x2048xf32, #tpu.memory_space<vmem>>
    tpu.enqueue_dma source(%dma_start3A_57 : memref<16x2048xf32, #tpu.memory_space<vmem>>) target(%dma_start3A_53 : memref<16x2048xf32, #tpu.memory_space<hbm>>) target_semaphore(%dma_start3A_51 : memref<!tpu.dma_semaphore, #tpu.memory_space<semaphore_mem>>)
    %dma_wait3A_58 = arith.constant 0 : i32
    %dma_wait3A_59 = arith.constant 0 : i32
    %dma_wait3A_60 = arith.constant 0 : i32
    %dma_wait3A_61 = arith.constant 0 : i32
    %dma_wait3A_62 = tpu.memref_slice %arg6[%dma_wait3A_58, %dma_wait3A_60, %dma_wait3A_61] : memref<2x16x2048xf32, #tpu.memory_space<vmem>> -> memref<1x16x2048xf32, #tpu.memory_space<vmem>>
    %dma_wait3A_63 = tpu.memref_squeeze %dma_wait3A_62 : memref<1x16x2048xf32, #tpu.memory_space<vmem>> -> memref<16x2048xf32, #tpu.memory_space<vmem>>
    %dma_wait3A_64 = arith.constant 0 : i32
    %dma_wait3A_65 = tpu.memref_slice %arg4[%add3A_41, %dma_wait3A_64] : memref<16384x2048xf32, #tpu.memory_space<hbm>> -> memref<16x2048xf32, #tpu.memory_space<hbm>>
    %dma_wait3A_66 = tpu.memref_slice %arg8[%dma_wait3A_59] : memref<2x!tpu.dma_semaphore, #tpu.memory_space<semaphore_mem>> -> memref<1x!tpu.dma_semaphore, #tpu.memory_space<semaphore_mem>>
    %dma_wait3A_67 = tpu.memref_squeeze %dma_wait3A_66 : memref<1x!tpu.dma_semaphore, #tpu.memory_space<semaphore_mem>> -> memref<!tpu.dma_semaphore, #tpu.memory_space<semaphore_mem>>
    %dma_wait3A_68 = arith.constant 0 : i32
    %dma_wait3A_69 = tpu.memref_slice %arg4[%add3A_41, %dma_wait3A_68] : memref<16384x2048xf32, #tpu.memory_space<hbm>> -> memref<16x2048xf32, #tpu.memory_space<hbm>>
    %dma_wait3A_70 = arith.constant 0 : i32
    %dma_wait3A_71 = arith.constant 0 : i32
    %dma_wait3A_72 = tpu.memref_slice %arg6[%dma_wait3A_58, %dma_wait3A_70, %dma_wait3A_71] : memref<2x16x2048xf32, #tpu.memory_space<vmem>> -> memref<1x16x2048xf32, #tpu.memory_space<vmem>>
    %dma_wait3A_73 = tpu.memref_squeeze %dma_wait3A_72 : memref<1x16x2048xf32, #tpu.memory_space<vmem>> -> memref<16x2048xf32, #tpu.memory_space<vmem>>
    tpu.wait_dma2 semaphore(%dma_wait3A_67 : memref<!tpu.dma_semaphore, #tpu.memory_space<semaphore_mem>>) src(%dma_wait3A_73 : memref<16x2048xf32, #tpu.memory_space<vmem>>) dst(%dma_wait3A_69 : memref<16x2048xf32, #tpu.memory_space<hbm>>)
    %dma_start3A_74 = arith.constant 0 : i32
    %dma_start3A_75 = arith.constant 0 : i32
    %dma_start3A_76 = arith.constant 0 : i32
    %dma_start3A_77 = arith.constant 0 : i32
    %dma_start3A_78 = tpu.memref_slice %arg6[%dma_start3A_74, %dma_start3A_76, %dma_start3A_77] : memref<2x16x2048xf32, #tpu.memory_space<vmem>> -> memref<1x16x2048xf32, #tpu.memory_space<vmem>>
    %dma_start3A_79 = tpu.memref_squeeze %dma_start3A_78 : memref<1x16x2048xf32, #tpu.memory_space<vmem>> -> memref<16x2048xf32, #tpu.memory_space<vmem>>
    %dma_start3A_80 = arith.constant 32 : i32
    %dma_start3A_81 = tpu.memref_slice %arg5[%dma_start3A_80] : memref<512xi32, #tpu.memory_space<vmem>> -> memref<16xi32, #tpu.memory_space<vmem>>
    %dma_start3A_82 = arith.constant 0 : i32
    %dma_start3A_83 = arith.constant 0 : i32
    %dma_start3A_84 = tpu.memref_slice %arg3[%dma_start3A_82, %dma_start3A_83] : memref<512x2048xf32, #tpu.memory_space<hbm>> -> memref<512x2048xf32, #tpu.memory_space<hbm>>
    %dma_start3A_85 = tpu.memref_slice %arg7[%dma_start3A_75] : memref<2x!tpu.dma_semaphore, #tpu.memory_space<semaphore_mem>> -> memref<1x!tpu.dma_semaphore, #tpu.memory_space<semaphore_mem>>
    %dma_start3A_86 = tpu.memref_squeeze %dma_start3A_85 : memref<1x!tpu.dma_semaphore, #tpu.memory_space<semaphore_mem>> -> memref<!tpu.dma_semaphore, #tpu.memory_space<semaphore_mem>>
    tpu.enqueue_indirect_dma source(%dma_start3A_84 : memref<512x2048xf32, #tpu.memory_space<hbm>>) target(%dma_start3A_79 : memref<16x2048xf32, #tpu.memory_space<vmem>>) offsets(%dma_start3A_81 : memref<16xi32, #tpu.memory_space<vmem>>) semaphore(%dma_start3A_86 : memref<!tpu.dma_semaphore, #tpu.memory_space<semaphore_mem>>)
    %dma_wait3A_87 = arith.constant 1 : i32
    %dma_wait3A_88 = arith.constant 1 : i32
    %dma_wait3A_89 = arith.constant 0 : i32
    %dma_wait3A_90 = arith.constant 0 : i32
    %dma_wait3A_91 = tpu.memref_slice %arg6[%dma_wait3A_87, %dma_wait3A_89, %dma_wait3A_90] : memref<2x16x2048xf32, #tpu.memory_space<vmem>> -> memref<1x16x2048xf32, #tpu.memory_space<vmem>>
    %dma_wait3A_92 = tpu.memref_squeeze %dma_wait3A_91 : memref<1x16x2048xf32, #tpu.memory_space<vmem>> -> memref<16x2048xf32, #tpu.memory_space<vmem>>
    %dma_wait3A_93 = arith.constant 16 : i32
    %dma_wait3A_94 = tpu.memref_slice %arg5[%dma_wait3A_93] : memref<512xi32, #tpu.memory_space<vmem>> -> memref<16xi32, #tpu.memory_space<vmem>>
    %dma_wait3A_95 = arith.constant 0 : i32
    %dma_wait3A_96 = arith.constant 0 : i32
    %dma_wait3A_97 = tpu.memref_slice %arg3[%dma_wait3A_95, %dma_wait3A_96] : memref<512x2048xf32, #tpu.memory_space<hbm>> -> memref<512x2048xf32, #tpu.memory_space<hbm>>
    %dma_wait3A_98 = tpu.memref_slice %arg7[%dma_wait3A_88] : memref<2x!tpu.dma_semaphore, #tpu.memory_space<semaphore_mem>> -> memref<1x!tpu.dma_semaphore, #tpu.memory_space<semaphore_mem>>
    %dma_wait3A_99 = tpu.memref_squeeze %dma_wait3A_98 : memref<1x!tpu.dma_semaphore, #tpu.memory_space<semaphore_mem>> -> memref<!tpu.dma_semaphore, #tpu.memory_space<semaphore_mem>>
    tpu.wait_indirect_dma semaphore(%dma_wait3A_99 : memref<!tpu.dma_semaphore, #tpu.memory_space<semaphore_mem>>) src(%dma_wait3A_97 : memref<512x2048xf32, #tpu.memory_space<hbm>>) dst(%dma_wait3A_92 : memref<16x2048xf32, #tpu.memory_space<vmem>>)
    %add3A_100 = arith.constant 16 : i32
    %add3A_101 = arith.addi %mul3A_2, %add3A_100 : i32
    %dma_start3A_102 = arith.constant 1 : i32
    %dma_start3A_103 = arith.constant 1 : i32
    %dma_start3A_104 = arith.constant 0 : i32
    %dma_start3A_105 = arith.constant 0 : i32
    %dma_start3A_106 = tpu.memref_slice %arg6[%dma_start3A_102, %dma_start3A_104, %dma_start3A_105] : memref<2x16x2048xf32, #tpu.memory_space<vmem>> -> memref<1x16x2048xf32, #tpu.memory_space<vmem>>
    %dma_start3A_107 = tpu.memref_squeeze %dma_start3A_106 : memref<1x16x2048xf32, #tpu.memory_space<vmem>> -> memref<16x2048xf32, #tpu.memory_space<vmem>>
    %dma_start3A_108 = arith.constant 0 : i32
    %dma_start3A_109 = tpu.memref_slice %arg4[%add3A_101, %dma_start3A_108] : memref<16384x2048xf32, #tpu.memory_space<hbm>> -> memref<16x2048xf32, #tpu.memory_space<hbm>>
    %dma_start3A_110 = tpu.memref_slice %arg8[%dma_start3A_103] : memref<2x!tpu.dma_semaphore, #tpu.memory_space<semaphore_mem>> -> memref<1x!tpu.dma_semaphore, #tpu.memory_space<semaphore_mem>>
    %dma_start3A_111 = tpu.memref_squeeze %dma_start3A_110 : memref<1x!tpu.dma_semaphore, #tpu.memory_space<semaphore_mem>> -> memref<!tpu.dma_semaphore, #tpu.memory_space<semaphore_mem>>
    %dma_start3A_112 = arith.constant 0 : i32
    %dma_start3A_113 = tpu.memref_slice %arg4[%add3A_101, %dma_start3A_112] : memref<16384x2048xf32, #tpu.memory_space<hbm>> -> memref<16x2048xf32, #tpu.memory_space<hbm>>
    %dma_start3A_114 = arith.constant 0 : i32
    %dma_start3A_115 = arith.constant 0 : i32
    %dma_start3A_116 = tpu.memref_slice %arg6[%dma_start3A_102, %dma_start3A_114, %dma_start3A_115] : memref<2x16x2048xf32, #tpu.memory_space<vmem>> -> memref<1x16x2048xf32, #tpu.memory_space<vmem>>
    %dma_start3A_117 = tpu.memref_squeeze %dma_start3A_116 : memref<1x16x2048xf32, #tpu.memory_space<vmem>> -> memref<16x2048xf32, #tpu.memory_space<vmem>>
    tpu.enqueue_dma source(%dma_start3A_117 : memref<16x2048xf32, #tpu.memory_space<vmem>>) target(%dma_start3A_113 : memref<16x2048xf32, #tpu.memory_space<hbm>>) target_semaphore(%dma_start3A_111 : memref<!tpu.dma_semaphore, #tpu.memory_space<semaphore_mem>>)
    %dma_wait3A_118 = arith.constant 1 : i32
    %dma_wait3A_119 = arith.constant 1 : i32
    %dma_wait3A_120 = arith.constant 0 : i32
    %dma_wait3A_121 = arith.constant 0 : i32
    %dma_wait3A_122 = tpu.memref_slice %arg6[%dma_wait3A_118, %dma_wait3A_120, %dma_wait3A_121] : memref<2x16x2048xf32, #tpu.memory_space<vmem>> -> memref<1x16x2048xf32, #tpu.memory_space<vmem>>
    %dma_wait3A_123 = tpu.memref_squeeze %dma_wait3A_122 : memref<1x16x2048xf32, #tpu.memory_space<vmem>> -> memref<16x2048xf32, #tpu.memory_space<vmem>>
    %dma_wait3A_124 = arith.constant 0 : i32
    %dma_wait3A_125 = tpu.memref_slice %arg4[%add3A_101, %dma_wait3A_124] : memref<16384x2048xf32, #tpu.memory_space<hbm>> -> memref<16x2048xf32, #tpu.memory_space<hbm>>
    %dma_wait3A_126 = tpu.memref_slice %arg8[%dma_wait3A_119] : memref<2x!tpu.dma_semaphore, #tpu.memory_space<semaphore_mem>> -> memref<1x!tpu.dma_semaphore, #tpu.memory_space<semaphore_mem>>
    %dma_wait3A_127 = tpu.memref_squeeze %dma_wait3A_126 : memref<1x!tpu.dma_semaphore, #tpu.memory_space<semaphore_mem>> -> memref<!tpu.dma_semaphore, #tpu.memory_space<semaphore_mem>>
    %dma_wait3A_128 = arith.constant 0 : i32
    %dma_wait3A_129 = tpu.memref_slice %arg4[%add3A_101, %dma_wait3A_128] : memref<16384x2048xf32, #tpu.memory_space<hbm>> -> memref<16x2048xf32, #tpu.memory_space<hbm>>
    %dma_wait3A_130 = arith.constant 0 : i32
    %dma_wait3A_131 = arith.constant 0 : i32
    %dma_wait3A_132 = tpu.memref_slice %arg6[%dma_wait3A_118, %dma_wait3A_130, %dma_wait3A_131] : memref<2x16x2048xf32, #tpu.memory_space<vmem>> -> memref<1x16x2048xf32, #tpu.memory_space<vmem>>
    %dma_wait3A_133 = tpu.memref_squeeze %dma_wait3A_132 : memref<1x16x2048xf32, #tpu.memory_space<vmem>> -> memref<16x2048xf32, #tpu.memory_space<vmem>>
    tpu.wait_dma2 semaphore(%dma_wait3A_127 : memref<!tpu.dma_semaphore, #tpu.memory_space<semaphore_mem>>) src(%dma_wait3A_133 : memref<16x2048xf32, #tpu.memory_space<vmem>>) dst(%dma_wait3A_129 : memref<16x2048xf32, #tpu.memory_space<hbm>>)
    %dma_start3A_134 = arith.constant 1 : i32
    %dma_start3A_135 = arith.constant 1 : i32
    %dma_start3A_136 = arith.constant 0 : i32
    %dma_start3A_137 = arith.constant 0 : i32
    %dma_start3A_138 = tpu.memref_slice %arg6[%dma_start3A_134, %dma_start3A_136, %dma_start3A_137] : memref<2x16x2048xf32, #tpu.memory_space<vmem>> -> memref<1x16x2048xf32, #tpu.memory_space<vmem>>
    %dma_start3A_139 = tpu.memref_squeeze %dma_start3A_138 : memref<1x16x2048xf32, #tpu.memory_space<vmem>> -> memref<16x2048xf32, #tpu.memory_space<vmem>>
    %dma_start3A_140 = arith.constant 48 : i32
    %dma_start3A_141 = tpu.memref_slice %arg5[%dma_start3A_140] : memref<512xi32, #tpu.memory_space<vmem>> -> memref<16xi32, #tpu.memory_space<vmem>>
    %dma_start3A_142 = arith.constant 0 : i32
    %dma_start3A_143 = arith.constant 0 : i32
    %dma_start3A_144 = tpu.memref_slice %arg3[%dma_start3A_142, %dma_start3A_143] : memref<512x2048xf32, #tpu.memory_space<hbm>> -> memref<512x2048xf32, #tpu.memory_space<hbm>>
    %dma_start3A_145 = tpu.memref_slice %arg7[%dma_start3A_135] : memref<2x!tpu.dma_semaphore, #tpu.memory_space<semaphore_mem>> -> memref<1x!tpu.dma_semaphore, #tpu.memory_space<semaphore_mem>>
    %dma_start3A_146 = tpu.memref_squeeze %dma_start3A_145 : memref<1x!tpu.dma_semaphore, #tpu.memory_space<semaphore_mem>> -> memref<!tpu.dma_semaphore, #tpu.memory_space<semaphore_mem>>
    tpu.enqueue_indirect_dma source(%dma_start3A_144 : memref<512x2048xf32, #tpu.memory_space<hbm>>) target(%dma_start3A_139 : memref<16x2048xf32, #tpu.memory_space<vmem>>) offsets(%dma_start3A_141 : memref<16xi32, #tpu.memory_space<vmem>>) semaphore(%dma_start3A_146 : memref<!tpu.dma_semaphore, #tpu.memory_space<semaphore_mem>>)
    %dma_wait3A_147 = arith.constant 0 : i32
    %dma_wait3A_148 = arith.constant 0 : i32
    %dma_wait3A_149 = arith.constant 0 : i32
    %dma_wait3A_150 = arith.constant 0 : i32
    %dma_wait3A_151 = tpu.memref_slice %arg6[%dma_wait3A_147, %dma_wait3A_149, %dma_wait3A_150] : memref<2x16x2048xf32, #tpu.memory_space<vmem>> -> memref<1x16x2048xf32, #tpu.memory_space<vmem>>
    %dma_wait3A_152 = tpu.memref_squeeze %dma_wait3A_151 : memref<1x16x2048xf32, #tpu.memory_space<vmem>> -> memref<16x2048xf32, #tpu.memory_space<vmem>>
    %dma_wait3A_153 = arith.constant 32 : i32
    %dma_wait3A_154 = tpu.memref_slice %arg5[%dma_wait3A_153] : memref<512xi32, #tpu.memory_space<vmem>> -> memref<16xi32, #tpu.memory_space<vmem>>
    %dma_wait3A_155 = arith.constant 0 : i32
    %dma_wait3A_156 = arith.constant 0 : i32
    %dma_wait3A_157 = tpu.memref_slice %arg3[%dma_wait3A_155, %dma_wait3A_156] : memref<512x2048xf32, #tpu.memory_space<hbm>> -> memref<512x2048xf32, #tpu.memory_space<hbm>>
    %dma_wait3A_158 = tpu.memref_slice %arg7[%dma_wait3A_148] : memref<2x!tpu.dma_semaphore, #tpu.memory_space<semaphore_mem>> -> memref<1x!tpu.dma_semaphore, #tpu.memory_space<semaphore_mem>>
    %dma_wait3A_159 = tpu.memref_squeeze %dma_wait3A_158 : memref<1x!tpu.dma_semaphore, #tpu.memory_space<semaphore_mem>> -> memref<!tpu.dma_semaphore, #tpu.memory_space<semaphore_mem>>
    tpu.wait_indirect_dma semaphore(%dma_wait3A_159 : memref<!tpu.dma_semaphore, #tpu.memory_space<semaphore_mem>>) src(%dma_wait3A_157 : memref<512x2048xf32, #tpu.memory_space<hbm>>) dst(%dma_wait3A_152 : memref<16x2048xf32, #tpu.memory_space<vmem>>)
    %add3A_160 = arith.constant 32 : i32
    %add3A_161 = arith.addi %mul3A_2, %add3A_160 : i32
    %dma_start3A_162 = arith.constant 0 : i32
    %dma_start3A_163 = arith.constant 0 : i32
    %dma_start3A_164 = arith.constant 0 : i32
    %dma_start3A_165 = arith.constant 0 : i32
    %dma_start3A_166 = tpu.memref_slice %arg6[%dma_start3A_162, %dma_start3A_164, %dma_start3A_165] : memref<2x16x2048xf32, #tpu.memory_space<vmem>> -> memref<1x16x2048xf32, #tpu.memory_space<vmem>>
    %dma_start3A_167 = tpu.memref_squeeze %dma_start3A_166 : memref<1x16x2048xf32, #tpu.memory_space<vmem>> -> memref<16x2048xf32, #tpu.memory_space<vmem>>
    %dma_start3A_168 = arith.constant 0 : i32
    %dma_start3A_169 = tpu.memref_slice %arg4[%add3A_161, %dma_start3A_168] : memref<16384x2048xf32, #tpu.memory_space<hbm>> -> memref<16x2048xf32, #tpu.memory_space<hbm>>
    %dma_start3A_170 = tpu.memref_slice %arg8[%dma_start3A_163] : memref<2x!tpu.dma_semaphore, #tpu.memory_space<semaphore_mem>> -> memref<1x!tpu.dma_semaphore, #tpu.memory_space<semaphore_mem>>
    %dma_start3A_171 = tpu.memref_squeeze %dma_start3A_170 : memref<1x!tpu.dma_semaphore, #tpu.memory_space<semaphore_mem>> -> memref<!tpu.dma_semaphore, #tpu.memory_space<semaphore_mem>>
    %dma_start3A_172 = arith.constant 0 : i32
    %dma_start3A_173 = tpu.memref_slice %arg4[%add3A_161, %dma_start3A_172] : memref<16384x2048xf32, #tpu.memory_space<hbm>> -> memref<16x2048xf32, #tpu.memory_space<hbm>>
    %dma_start3A_174 = arith.constant 0 : i32
    %dma_start3A_175 = arith.constant 0 : i32
    %dma_start3A_176 = tpu.memref_slice %arg6[%dma_start3A_162, %dma_start3A_174, %dma_start3A_175] : memref<2x16x2048xf32, #tpu.memory_space<vmem>> -> memref<1x16x2048xf32, #tpu.memory_space<vmem>>
    %dma_start3A_177 = tpu.memref_squeeze %dma_start3A_176 : memref<1x16x2048xf32, #tpu.memory_space<vmem>> -> memref<16x2048xf32, #tpu.memory_space<vmem>>
    tpu.enqueue_dma source(%dma_start3A_177 : memref<16x2048xf32, #tpu.memory_space<vmem>>) target(%dma_start3A_173 : memref<16x2048xf32, #tpu.memory_space<hbm>>) target_semaphore(%dma_start3A_171 : memref<!tpu.dma_semaphore, #tpu.memory_space<semaphore_mem>>)
    %dma_wait3A_178 = arith.constant 0 : i32
    %dma_wait3A_179 = arith.constant 0 : i32
    %dma_wait3A_180 = arith.constant 0 : i32
    %dma_wait3A_181 = arith.constant 0 : i32
    %dma_wait3A_182 = tpu.memref_slice %arg6[%dma_wait3A_178, %dma_wait3A_180, %dma_wait3A_181] : memref<2x16x2048xf32, #tpu.memory_space<vmem>> -> memref<1x16x2048xf32, #tpu.memory_space<vmem>>
    %dma_wait3A_183 = tpu.memref_squeeze %dma_wait3A_182 : memref<1x16x2048xf32, #tpu.memory_space<vmem>> -> memref<16x2048xf32, #tpu.memory_space<vmem>>
    %dma_wait3A_184 = arith.constant 0 : i32
    %dma_wait3A_185 = tpu.memref_slice %arg4[%add3A_161, %dma_wait3A_184] : memref<16384x2048xf32, #tpu.memory_space<hbm>> -> memref<16x2048xf32, #tpu.memory_space<hbm>>
    %dma_wait3A_186 = tpu.memref_slice %arg8[%dma_wait3A_179] : memref<2x!tpu.dma_semaphore, #tpu.memory_space<semaphore_mem>> -> memref<1x!tpu.dma_semaphore, #tpu.memory_space<semaphore_mem>>
    %dma_wait3A_187 = tpu.memref_squeeze %dma_wait3A_186 : memref<1x!tpu.dma_semaphore, #tpu.memory_space<semaphore_mem>> -> memref<!tpu.dma_semaphore, #tpu.memory_space<semaphore_mem>>
    %dma_wait3A_188 = arith.constant 0 : i32
    %dma_wait3A_189 = tpu.memref_slice %arg4[%add3A_161, %dma_wait3A_188] : memref<16384x2048xf32, #tpu.memory_space<hbm>> -> memref<16x2048xf32, #tpu.memory_space<hbm>>
    %dma_wait3A_190 = arith.constant 0 : i32
    %dma_wait3A_191 = arith.constant 0 : i32
    %dma_wait3A_192 = tpu.memref_slice %arg6[%dma_wait3A_178, %dma_wait3A_190, %dma_wait3A_191] : memref<2x16x2048xf32, #tpu.memory_space<vmem>> -> memref<1x16x2048xf32, #tpu.memory_space<vmem>>
    %dma_wait3A_193 = tpu.memref_squeeze %dma_wait3A_192 : memref<1x16x2048xf32, #tpu.memory_space<vmem>> -> memref<16x2048xf32, #tpu.memory_space<vmem>>
    tpu.wait_dma2 semaphore(%dma_wait3A_187 : memref<!tpu.dma_semaphore, #tpu.memory_space<semaphore_mem>>) src(%dma_wait3A_193 : memref<16x2048xf32, #tpu.memory_space<vmem>>) dst(%dma_wait3A_189 : memref<16x2048xf32, #tpu.memory_space<hbm>>)
    %dma_start3A_194 = arith.constant 0 : i32
    %dma_start3A_195 = arith.constant 0 : i32
    %dma_start3A_196 = arith.constant 0 : i32
    %dma_start3A_197 = arith.constant 0 : i32
    %dma_start3A_198 = tpu.memref_slice %arg6[%dma_start3A_194, %dma_start3A_196, %dma_start3A_197] : memref<2x16x2048xf32, #tpu.memory_space<vmem>> -> memref<1x16x2048xf32, #tpu.memory_space<vmem>>
    %dma_start3A_199 = tpu.memref_squeeze %dma_start3A_198 : memref<1x16x2048xf32, #tpu.memory_space<vmem>> -> memref<16x2048xf32, #tpu.memory_space<vmem>>
    %dma_start3A_200 = arith.constant 64 : i32
    %dma_start3A_201 = tpu.memref_slice %arg5[%dma_start3A_200] : memref<512xi32, #tpu.memory_space<vmem>> -> memref<16xi32, #tpu.memory_space<vmem>>
    %dma_start3A_202 = arith.constant 0 : i32
    %dma_start3A_203 = arith.constant 0 : i32
    %dma_start3A_204 = tpu.memref_slice %arg3[%dma_start3A_202, %dma_start3A_203] : memref<512x2048xf32, #tpu.memory_space<hbm>> -> memref<512x2048xf32, #tpu.memory_space<hbm>>
    %dma_start3A_205 = tpu.memref_slice %arg7[%dma_start3A_195] : memref<2x!tpu.dma_semaphore, #tpu.memory_space<semaphore_mem>> -> memref<1x!tpu.dma_semaphore, #tpu.memory_space<semaphore_mem>>
    %dma_start3A_206 = tpu.memref_squeeze %dma_start3A_205 : memref<1x!tpu.dma_semaphore, #tpu.memory_space<semaphore_mem>> -> memref<!tpu.dma_semaphore, #tpu.memory_space<semaphore_mem>>
    tpu.enqueue_indirect_dma source(%dma_start3A_204 : memref<512x2048xf32, #tpu.memory_space<hbm>>) target(%dma_start3A_199 : memref<16x2048xf32, #tpu.memory_space<vmem>>) offsets(%dma_start3A_201 : memref<16xi32, #tpu.memory_space<vmem>>) semaphore(%dma_start3A_206 : memref<!tpu.dma_semaphore, #tpu.memory_space<semaphore_mem>>)
    %dma_wait3A_207 = arith.constant 1 : i32
    %dma_wait3A_208 = arith.constant 1 : i32
    %dma_wait3A_209 = arith.constant 0 : i32
    %dma_wait3A_210 = arith.constant 0 : i32
    %dma_wait3A_211 = tpu.memref_slice %arg6[%dma_wait3A_207, %dma_wait3A_209, %dma_wait3A_210] : memref<2x16x2048xf32, #tpu.memory_space<vmem>> -> memref<1x16x2048xf32, #tpu.memory_space<vmem>>
    %dma_wait3A_212 = tpu.memref_squeeze %dma_wait3A_211 : memref<1x16x2048xf32, #tpu.memory_space<vmem>> -> memref<16x2048xf32, #tpu.memory_space<vmem>>
    %dma_wait3A_213 = arith.constant 48 : i32
    %dma_wait3A_214 = tpu.memref_slice %arg5[%dma_wait3A_213] : memref<512xi32, #tpu.memory_space<vmem>> -> memref<16xi32, #tpu.memory_space<vmem>>
    %dma_wait3A_215 = arith.constant 0 : i32
    %dma_wait3A_216 = arith.constant 0 : i32
    %dma_wait3A_217 = tpu.memref_slice %arg3[%dma_wait3A_215, %dma_wait3A_216] : memref<512x2048xf32, #tpu.memory_space<hbm>> -> memref<512x2048xf32, #tpu.memory_space<hbm>>
    %dma_wait3A_218 = tpu.memref_slice %arg7[%dma_wait3A_208] : memref<2x!tpu.dma_semaphore, #tpu.memory_space<semaphore_mem>> -> memref<1x!tpu.dma_semaphore, #tpu.memory_space<semaphore_mem>>
    %dma_wait3A_219 = tpu.memref_squeeze %dma_wait3A_218 : memref<1x!tpu.dma_semaphore, #tpu.memory_space<semaphore_mem>> -> memref<!tpu.dma_semaphore, #tpu.memory_space<semaphore_mem>>
    tpu.wait_indirect_dma semaphore(%dma_wait3A_219 : memref<!tpu.dma_semaphore, #tpu.memory_space<semaphore_mem>>) src(%dma_wait3A_217 : memref<512x2048xf32, #tpu.memory_space<hbm>>) dst(%dma_wait3A_212 : memref<16x2048xf32, #tpu.memory_space<vmem>>)
    %add3A_220 = arith.constant 48 : i32
    %add3A_221 = arith.addi %mul3A_2, %add3A_220 : i32
    %dma_start3A_222 = arith.constant 1 : i32
    %dma_start3A_223 = arith.constant 1 : i32
    %dma_start3A_224 = arith.constant 0 : i32
    %dma_start3A_225 = arith.constant 0 : i32
    %dma_start3A_226 = tpu.memref_slice %arg6[%dma_start3A_222, %dma_start3A_224, %dma_start3A_225] : memref<2x16x2048xf32, #tpu.memory_space<vmem>> -> memref<1x16x2048xf32, #tpu.memory_space<vmem>>
    %dma_start3A_227 = tpu.memref_squeeze %dma_start3A_226 : memref<1x16x2048xf32, #tpu.memory_space<vmem>> -> memref<16x2048xf32, #tpu.memory_space<vmem>>
    %dma_start3A_228 = arith.constant 0 : i32
    %dma_start3A_229 = tpu.memref_slice %arg4[%add3A_221, %dma_start3A_228] : memref<16384x2048xf32, #tpu.memory_space<hbm>> -> memref<16x2048xf32, #tpu.memory_space<hbm>>
    %dma_start3A_230 = tpu.memref_slice %arg8[%dma_start3A_223] : memref<2x!tpu.dma_semaphore, #tpu.memory_space<semaphore_mem>> -> memref<1x!tpu.dma_semaphore, #tpu.memory_space<semaphore_mem>>
    %dma_start3A_231 = tpu.memref_squeeze %dma_start3A_230 : memref<1x!tpu.dma_semaphore, #tpu.memory_space<semaphore_mem>> -> memref<!tpu.dma_semaphore, #tpu.memory_space<semaphore_mem>>
    %dma_start3A_232 = arith.constant 0 : i32
    %dma_start3A_233 = tpu.memref_slice %arg4[%add3A_221, %dma_start3A_232] : memref<16384x2048xf32, #tpu.memory_space<hbm>> -> memref<16x2048xf32, #tpu.memory_space<hbm>>
    %dma_start3A_234 = arith.constant 0 : i32
    %dma_start3A_235 = arith.constant 0 : i32
    %dma_start3A_236 = tpu.memref_slice %arg6[%dma_start3A_222, %dma_start3A_234, %dma_start3A_235] : memref<2x16x2048xf32, #tpu.memory_space<vmem>> -> memref<1x16x2048xf32, #tpu.memory_space<vmem>>
    %dma_start3A_237 = tpu.memref_squeeze %dma_start3A_236 : memref<1x16x2048xf32, #tpu.memory_space<vmem>> -> memref<16x2048xf32, #tpu.memory_space<vmem>>
    tpu.enqueue_dma source(%dma_start3A_237 : memref<16x2048xf32, #tpu.memory_space<vmem>>) target(%dma_start3A_233 : memref<16x2048xf32, #tpu.memory_space<hbm>>) target_semaphore(%dma_start3A_231 : memref<!tpu.dma_semaphore, #tpu.memory_space<semaphore_mem>>)
    %dma_wait3A_238 = arith.constant 1 : i32
    %dma_wait3A_239 = arith.constant 1 : i32
    %dma_wait3A_240 = arith.constant 0 : i32
    %dma_wait3A_241 = arith.constant 0 : i32
    %dma_wait3A_242 = tpu.memref_slice %arg6[%dma_wait3A_238, %dma_wait3A_240, %dma_wait3A_241] : memref<2x16x2048xf32, #tpu.memory_space<vmem>> -> memref<1x16x2048xf32, #tpu.memory_space<vmem>>
    %dma_wait3A_243 = tpu.memref_squeeze %dma_wait3A_242 : memref<1x16x2048xf32, #tpu.memory_space<vmem>> -> memref<16x2048xf32, #tpu.memory_space<vmem>>
    %dma_wait3A_244 = arith.constant 0 : i32
    %dma_wait3A_245 = tpu.memref_slice %arg4[%add3A_221, %dma_wait3A_244] : memref<16384x2048xf32, #tpu.memory_space<hbm>> -> memref<16x2048xf32, #tpu.memory_space<hbm>>
    %dma_wait3A_246 = tpu.memref_slice %arg8[%dma_wait3A_239] : memref<2x!tpu.dma_semaphore, #tpu.memory_space<semaphore_mem>> -> memref<1x!tpu.dma_semaphore, #tpu.memory_space<semaphore_mem>>
    %dma_wait3A_247 = tpu.memref_squeeze %dma_wait3A_246 : memref<1x!tpu.dma_semaphore, #tpu.memory_space<semaphore_mem>> -> memref<!tpu.dma_semaphore, #tpu.memory_space<semaphore_mem>>
    %dma_wait3A_248 = arith.constant 0 : i32
    %dma_wait3A_249 = tpu.memref_slice %arg4[%add3A_221, %dma_wait3A_248] : memref<16384x2048xf32, #tpu.memory_space<hbm>> -> memref<16x2048xf32, #tpu.memory_space<hbm>>
    %dma_wait3A_250 = arith.constant 0 : i32
    %dma_wait3A_251 = arith.constant 0 : i32
    %dma_wait3A_252 = tpu.memref_slice %arg6[%dma_wait3A_238, %dma_wait3A_250, %dma_wait3A_251] : memref<2x16x2048xf32, #tpu.memory_space<vmem>> -> memref<1x16x2048xf32, #tpu.memory_space<vmem>>
    %dma_wait3A_253 = tpu.memref_squeeze %dma_wait3A_252 : memref<1x16x2048xf32, #tpu.memory_space<vmem>> -> memref<16x2048xf32, #tpu.memory_space<vmem>>
    tpu.wait_dma2 semaphore(%dma_wait3A_247 : memref<!tpu.dma_semaphore, #tpu.memory_space<semaphore_mem>>) src(%dma_wait3A_253 : memref<16x2048xf32, #tpu.memory_space<vmem>>) dst(%dma_wait3A_249 : memref<16x2048xf32, #tpu.memory_space<hbm>>)
    %dma_start3A_254 = arith.constant 1 : i32
    %dma_start3A_255 = arith.constant 1 : i32
    %dma_start3A_256 = arith.constant 0 : i32
    %dma_start3A_257 = arith.constant 0 : i32
    %dma_start3A_258 = tpu.memref_slice %arg6[%dma_start3A_254, %dma_start3A_256, %dma_start3A_257] : memref<2x16x2048xf32, #tpu.memory_space<vmem>> -> memref<1x16x2048xf32, #tpu.memory_space<vmem>>
    %dma_start3A_259 = tpu.memref_squeeze %dma_start3A_258 : memref<1x16x2048xf32, #tpu.memory_space<vmem>> -> memref<16x2048xf32, #tpu.memory_space<vmem>>
    %dma_start3A_260 = arith.constant 80 : i32
    %dma_start3A_261 = tpu.memref_slice %arg5[%dma_start3A_260] : memref<512xi32, #tpu.memory_space<vmem>> -> memref<16xi32, #tpu.memory_space<vmem>>
    %dma_start3A_262 = arith.constant 0 : i32
    %dma_start3A_263 = arith.constant 0 : i32
    %dma_start3A_264 = tpu.memref_slice %arg3[%dma_start3A_262, %dma_start3A_263] : memref<512x2048xf32, #tpu.memory_space<hbm>> -> memref<512x2048xf32, #tpu.memory_space<hbm>>
    %dma_start3A_265 = tpu.memref_slice %arg7[%dma_start3A_255] : memref<2x!tpu.dma_semaphore, #tpu.memory_space<semaphore_mem>> -> memref<1x!tpu.dma_semaphore, #tpu.memory_space<semaphore_mem>>
    %dma_start3A_266 = tpu.memref_squeeze %dma_start3A_265 : memref<1x!tpu.dma_semaphore, #tpu.memory_space<semaphore_mem>> -> memref<!tpu.dma_semaphore, #tpu.memory_space<semaphore_mem>>
    tpu.enqueue_indirect_dma source(%dma_start3A_264 : memref<512x2048xf32, #tpu.memory_space<hbm>>) target(%dma_start3A_259 : memref<16x2048xf32, #tpu.memory_space<vmem>>) offsets(%dma_start3A_261 : memref<16xi32, #tpu.memory_space<vmem>>) semaphore(%dma_start3A_266 : memref<!tpu.dma_semaphore, #tpu.memory_space<semaphore_mem>>)
    %dma_wait3A_267 = arith.constant 0 : i32
    %dma_wait3A_268 = arith.constant 0 : i32
    %dma_wait3A_269 = arith.constant 0 : i32
    %dma_wait3A_270 = arith.constant 0 : i32
    %dma_wait3A_271 = tpu.memref_slice %arg6[%dma_wait3A_267, %dma_wait3A_269, %dma_wait3A_270] : memref<2x16x2048xf32, #tpu.memory_space<vmem>> -> memref<1x16x2048xf32, #tpu.memory_space<vmem>>
    %dma_wait3A_272 = tpu.memref_squeeze %dma_wait3A_271 : memref<1x16x2048xf32, #tpu.memory_space<vmem>> -> memref<16x2048xf32, #tpu.memory_space<vmem>>
    %dma_wait3A_273 = arith.constant 64 : i32
    %dma_wait3A_274 = tpu.memref_slice %arg5[%dma_wait3A_273] : memref<512xi32, #tpu.memory_space<vmem>> -> memref<16xi32, #tpu.memory_space<vmem>>
    %dma_wait3A_275 = arith.constant 0 : i32
    %dma_wait3A_276 = arith.constant 0 : i32
    %dma_wait3A_277 = tpu.memref_slice %arg3[%dma_wait3A_275, %dma_wait3A_276] : memref<512x2048xf32, #tpu.memory_space<hbm>> -> memref<512x2048xf32, #tpu.memory_space<hbm>>
    %dma_wait3A_278 = tpu.memref_slice %arg7[%dma_wait3A_268] : memref<2x!tpu.dma_semaphore, #tpu.memory_space<semaphore_mem>> -> memref<1x!tpu.dma_semaphore, #tpu.memory_space<semaphore_mem>>
    %dma_wait3A_279 = tpu.memref_squeeze %dma_wait3A_278 : memref<1x!tpu.dma_semaphore, #tpu.memory_space<semaphore_mem>> -> memref<!tpu.dma_semaphore, #tpu.memory_space<semaphore_mem>>
    tpu.wait_indirect_dma semaphore(%dma_wait3A_279 : memref<!tpu.dma_semaphore, #tpu.memory_space<semaphore_mem>>) src(%dma_wait3A_277 : memref<512x2048xf32, #tpu.memory_space<hbm>>) dst(%dma_wait3A_272 : memref<16x2048xf32, #tpu.memory_space<vmem>>)
    %add3A_280 = arith.constant 64 : i32
    %add3A_281 = arith.addi %mul3A_2, %add3A_280 : i32
    %dma_start3A_282 = arith.constant 0 : i32
    %dma_start3A_283 = arith.constant 0 : i32
    %dma_start3A_284 = arith.constant 0 : i32
    %dma_start3A_285 = arith.constant 0 : i32
    %dma_start3A_286 = tpu.memref_slice %arg6[%dma_start3A_282, %dma_start3A_284, %dma_start3A_285] : memref<2x16x2048xf32, #tpu.memory_space<vmem>> -> memref<1x16x2048xf32, #tpu.memory_space<vmem>>
    %dma_start3A_287 = tpu.memref_squeeze %dma_start3A_286 : memref<1x16x2048xf32, #tpu.memory_space<vmem>> -> memref<16x2048xf32, #tpu.memory_space<vmem>>
    %dma_start3A_288 = arith.constant 0 : i32
    %dma_start3A_289 = tpu.memref_slice %arg4[%add3A_281, %dma_start3A_288] : memref<16384x2048xf32, #tpu.memory_space<hbm>> -> memref<16x2048xf32, #tpu.memory_space<hbm>>
    %dma_start3A_290 = tpu.memref_slice %arg8[%dma_start3A_283] : memref<2x!tpu.dma_semaphore, #tpu.memory_space<semaphore_mem>> -> memref<1x!tpu.dma_semaphore, #tpu.memory_space<semaphore_mem>>
    %dma_start3A_291 = tpu.memref_squeeze %dma_start3A_290 : memref<1x!tpu.dma_semaphore, #tpu.memory_space<semaphore_mem>> -> memref<!tpu.dma_semaphore, #tpu.memory_space<semaphore_mem>>
    %dma_start3A_292 = arith.constant 0 : i32
    %dma_start3A_293 = tpu.memref_slice %arg4[%add3A_281, %dma_start3A_292] : memref<16384x2048xf32, #tpu.memory_space<hbm>> -> memref<16x2048xf32, #tpu.memory_space<hbm>>
    %dma_start3A_294 = arith.constant 0 : i32
    %dma_start3A_295 = arith.constant 0 : i32
    %dma_start3A_296 = tpu.memref_slice %arg6[%dma_start3A_282, %dma_start3A_294, %dma_start3A_295] : memref<2x16x2048xf32, #tpu.memory_space<vmem>> -> memref<1x16x2048xf32, #tpu.memory_space<vmem>>
    %dma_start3A_297 = tpu.memref_squeeze %dma_start3A_296 : memref<1x16x2048xf32, #tpu.memory_space<vmem>> -> memref<16x2048xf32, #tpu.memory_space<vmem>>
    tpu.enqueue_dma source(%dma_start3A_297 : memref<16x2048xf32, #tpu.memory_space<vmem>>) target(%dma_start3A_293 : memref<16x2048xf32, #tpu.memory_space<hbm>>) target_semaphore(%dma_start3A_291 : memref<!tpu.dma_semaphore, #tpu.memory_space<semaphore_mem>>)
    %dma_wait3A_298 = arith.constant 0 : i32
    %dma_wait3A_299 = arith.constant 0 : i32
    %dma_wait3A_300 = arith.constant 0 : i32
    %dma_wait3A_301 = arith.constant 0 : i32
    %dma_wait3A_302 = tpu.memref_slice %arg6[%dma_wait3A_298, %dma_wait3A_300, %dma_wait3A_301] : memref<2x16x2048xf32, #tpu.memory_space<vmem>> -> memref<1x16x2048xf32, #tpu.memory_space<vmem>>
    %dma_wait3A_303 = tpu.memref_squeeze %dma_wait3A_302 : memref<1x16x2048xf32, #tpu.memory_space<vmem>> -> memref<16x2048xf32, #tpu.memory_space<vmem>>
    %dma_wait3A_304 = arith.constant 0 : i32
    %dma_wait3A_305 = tpu.memref_slice %arg4[%add3A_281, %dma_wait3A_304] : memref<16384x2048xf32, #tpu.memory_space<hbm>> -> memref<16x2048xf32, #tpu.memory_space<hbm>>
    %dma_wait3A_306 = tpu.memref_slice %arg8[%dma_wait3A_299] : memref<2x!tpu.dma_semaphore, #tpu.memory_space<semaphore_mem>> -> memref<1x!tpu.dma_semaphore, #tpu.memory_space<semaphore_mem>>
    %dma_wait3A_307 = tpu.memref_squeeze %dma_wait3A_306 : memref<1x!tpu.dma_semaphore, #tpu.memory_space<semaphore_mem>> -> memref<!tpu.dma_semaphore, #tpu.memory_space<semaphore_mem>>
    %dma_wait3A_308 = arith.constant 0 : i32
    %dma_wait3A_309 = tpu.memref_slice %arg4[%add3A_281, %dma_wait3A_308] : memref<16384x2048xf32, #tpu.memory_space<hbm>> -> memref<16x2048xf32, #tpu.memory_space<hbm>>
    %dma_wait3A_310 = arith.constant 0 : i32
    %dma_wait3A_311 = arith.constant 0 : i32
    %dma_wait3A_312 = tpu.memref_slice %arg6[%dma_wait3A_298, %dma_wait3A_310, %dma_wait3A_311] : memref<2x16x2048xf32, #tpu.memory_space<vmem>> -> memref<1x16x2048xf32, #tpu.memory_space<vmem>>
    %dma_wait3A_313 = tpu.memref_squeeze %dma_wait3A_312 : memref<1x16x2048xf32, #tpu.memory_space<vmem>> -> memref<16x2048xf32, #tpu.memory_space<vmem>>
    tpu.wait_dma2 semaphore(%dma_wait3A_307 : memref<!tpu.dma_semaphore, #tpu.memory_space<semaphore_mem>>) src(%dma_wait3A_313 : memref<16x2048xf32, #tpu.memory_space<vmem>>) dst(%dma_wait3A_309 : memref<16x2048xf32, #tpu.memory_space<hbm>>)
    %dma_start3A_314 = arith.constant 0 : i32
    %dma_start3A_315 = arith.constant 0 : i32
    %dma_start3A_316 = arith.constant 0 : i32
    %dma_start3A_317 = arith.constant 0 : i32
    %dma_start3A_318 = tpu.memref_slice %arg6[%dma_start3A_314, %dma_start3A_316, %dma_start3A_317] : memref<2x16x2048xf32, #tpu.memory_space<vmem>> -> memref<1x16x2048xf32, #tpu.memory_space<vmem>>
    %dma_start3A_319 = tpu.memref_squeeze %dma_start3A_318 : memref<1x16x2048xf32, #tpu.memory_space<vmem>> -> memref<16x2048xf32, #tpu.memory_space<vmem>>
    %dma_start3A_320 = arith.constant 96 : i32
    %dma_start3A_321 = tpu.memref_slice %arg5[%dma_start3A_320] : memref<512xi32, #tpu.memory_space<vmem>> -> memref<16xi32, #tpu.memory_space<vmem>>
    %dma_start3A_322 = arith.constant 0 : i32
    %dma_start3A_323 = arith.constant 0 : i32
    %dma_start3A_324 = tpu.memref_slice %arg3[%dma_start3A_322, %dma_start3A_323] : memref<512x2048xf32, #tpu.memory_space<hbm>> -> memref<512x2048xf32, #tpu.memory_space<hbm>>
    %dma_start3A_325 = tpu.memref_slice %arg7[%dma_start3A_315] : memref<2x!tpu.dma_semaphore, #tpu.memory_space<semaphore_mem>> -> memref<1x!tpu.dma_semaphore, #tpu.memory_space<semaphore_mem>>
    %dma_start3A_326 = tpu.memref_squeeze %dma_start3A_325 : memref<1x!tpu.dma_semaphore, #tpu.memory_space<semaphore_mem>> -> memref<!tpu.dma_semaphore, #tpu.memory_space<semaphore_mem>>
    tpu.enqueue_indirect_dma source(%dma_start3A_324 : memref<512x2048xf32, #tpu.memory_space<hbm>>) target(%dma_start3A_319 : memref<16x2048xf32, #tpu.memory_space<vmem>>) offsets(%dma_start3A_321 : memref<16xi32, #tpu.memory_space<vmem>>) semaphore(%dma_start3A_326 : memref<!tpu.dma_semaphore, #tpu.memory_space<semaphore_mem>>)
    %dma_wait3A_327 = arith.constant 1 : i32
    %dma_wait3A_328 = arith.constant 1 : i32
    %dma_wait3A_329 = arith.constant 0 : i32
    %dma_wait3A_330 = arith.constant 0 : i32
    %dma_wait3A_331 = tpu.memref_slice %arg6[%dma_wait3A_327, %dma_wait3A_329, %dma_wait3A_330] : memref<2x16x2048xf32, #tpu.memory_space<vmem>> -> memref<1x16x2048xf32, #tpu.memory_space<vmem>>
    %dma_wait3A_332 = tpu.memref_squeeze %dma_wait3A_331 : memref<1x16x2048xf32, #tpu.memory_space<vmem>> -> memref<16x2048xf32, #tpu.memory_space<vmem>>
    %dma_wait3A_333 = arith.constant 80 : i32
    %dma_wait3A_334 = tpu.memref_slice %arg5[%dma_wait3A_333] : memref<512xi32, #tpu.memory_space<vmem>> -> memref<16xi32, #tpu.memory_space<vmem>>
    %dma_wait3A_335 = arith.constant 0 : i32
    %dma_wait3A_336 = arith.constant 0 : i32
    %dma_wait3A_337 = tpu.memref_slice %arg3[%dma_wait3A_335, %dma_wait3A_336] : memref<512x2048xf32, #tpu.memory_space<hbm>> -> memref<512x2048xf32, #tpu.memory_space<hbm>>
    %dma_wait3A_338 = tpu.memref_slice %arg7[%dma_wait3A_328] : memref<2x!tpu.dma_semaphore, #tpu.memory_space<semaphore_mem>> -> memref<1x!tpu.dma_semaphore, #tpu.memory_space<semaphore_mem>>
    %dma_wait3A_339 = tpu.memref_squeeze %dma_wait3A_338 : memref<1x!tpu.dma_semaphore, #tpu.memory_space<semaphore_mem>> -> memref<!tpu.dma_semaphore, #tpu.memory_space<semaphore_mem>>
    tpu.wait_indirect_dma semaphore(%dma_wait3A_339 : memref<!tpu.dma_semaphore, #tpu.memory_space<semaphore_mem>>) src(%dma_wait3A_337 : memref<512x2048xf32, #tpu.memory_space<hbm>>) dst(%dma_wait3A_332 : memref<16x2048xf32, #tpu.memory_space<vmem>>)
    %add3A_340 = arith.constant 80 : i32
    %add3A_341 = arith.addi %mul3A_2, %add3A_340 : i32
    %dma_start3A_342 = arith.constant 1 : i32
    %dma_start3A_343 = arith.constant 1 : i32
    %dma_start3A_344 = arith.constant 0 : i32
    %dma_start3A_345 = arith.constant 0 : i32
    %dma_start3A_346 = tpu.memref_slice %arg6[%dma_start3A_342, %dma_start3A_344, %dma_start3A_345] : memref<2x16x2048xf32, #tpu.memory_space<vmem>> -> memref<1x16x2048xf32, #tpu.memory_space<vmem>>
    %dma_start3A_347 = tpu.memref_squeeze %dma_start3A_346 : memref<1x16x2048xf32, #tpu.memory_space<vmem>> -> memref<16x2048xf32, #tpu.memory_space<vmem>>
    %dma_start3A_348 = arith.constant 0 : i32
    %dma_start3A_349 = tpu.memref_slice %arg4[%add3A_341, %dma_start3A_348] : memref<16384x2048xf32, #tpu.memory_space<hbm>> -> memref<16x2048xf32, #tpu.memory_space<hbm>>
    %dma_start3A_350 = tpu.memref_slice %arg8[%dma_start3A_343] : memref<2x!tpu.dma_semaphore, #tpu.memory_space<semaphore_mem>> -> memref<1x!tpu.dma_semaphore, #tpu.memory_space<semaphore_mem>>
    %dma_start3A_351 = tpu.memref_squeeze %dma_start3A_350 : memref<1x!tpu.dma_semaphore, #tpu.memory_space<semaphore_mem>> -> memref<!tpu.dma_semaphore, #tpu.memory_space<semaphore_mem>>
    %dma_start3A_352 = arith.constant 0 : i32
    %dma_start3A_353 = tpu.memref_slice %arg4[%add3A_341, %dma_start3A_352] : memref<16384x2048xf32, #tpu.memory_space<hbm>> -> memref<16x2048xf32, #tpu.memory_space<hbm>>
    %dma_start3A_354 = arith.constant 0 : i32
    %dma_start3A_355 = arith.constant 0 : i32
    %dma_start3A_356 = tpu.memref_slice %arg6[%dma_start3A_342, %dma_start3A_354, %dma_start3A_355] : memref<2x16x2048xf32, #tpu.memory_space<vmem>> -> memref<1x16x2048xf32, #tpu.memory_space<vmem>>
    %dma_start3A_357 = tpu.memref_squeeze %dma_start3A_356 : memref<1x16x2048xf32, #tpu.memory_space<vmem>> -> memref<16x2048xf32, #tpu.memory_space<vmem>>
    tpu.enqueue_dma source(%dma_start3A_357 : memref<16x2048xf32, #tpu.memory_space<vmem>>) target(%dma_start3A_353 : memref<16x2048xf32, #tpu.memory_space<hbm>>) target_semaphore(%dma_start3A_351 : memref<!tpu.dma_semaphore, #tpu.memory_space<semaphore_mem>>)
    %dma_wait3A_358 = arith.constant 1 : i32
    %dma_wait3A_359 = arith.constant 1 : i32
    %dma_wait3A_360 = arith.constant 0 : i32
    %dma_wait3A_361 = arith.constant 0 : i32
    %dma_wait3A_362 = tpu.memref_slice %arg6[%dma_wait3A_358, %dma_wait3A_360, %dma_wait3A_361] : memref<2x16x2048xf32, #tpu.memory_space<vmem>> -> memref<1x16x2048xf32, #tpu.memory_space<vmem>>
    %dma_wait3A_363 = tpu.memref_squeeze %dma_wait3A_362 : memref<1x16x2048xf32, #tpu.memory_space<vmem>> -> memref<16x2048xf32, #tpu.memory_space<vmem>>
    %dma_wait3A_364 = arith.constant 0 : i32
    %dma_wait3A_365 = tpu.memref_slice %arg4[%add3A_341, %dma_wait3A_364] : memref<16384x2048xf32, #tpu.memory_space<hbm>> -> memref<16x2048xf32, #tpu.memory_space<hbm>>
    %dma_wait3A_366 = tpu.memref_slice %arg8[%dma_wait3A_359] : memref<2x!tpu.dma_semaphore, #tpu.memory_space<semaphore_mem>> -> memref<1x!tpu.dma_semaphore, #tpu.memory_space<semaphore_mem>>
    %dma_wait3A_367 = tpu.memref_squeeze %dma_wait3A_366 : memref<1x!tpu.dma_semaphore, #tpu.memory_space<semaphore_mem>> -> memref<!tpu.dma_semaphore, #tpu.memory_space<semaphore_mem>>
    %dma_wait3A_368 = arith.constant 0 : i32
    %dma_wait3A_369 = tpu.memref_slice %arg4[%add3A_341, %dma_wait3A_368] : memref<16384x2048xf32, #tpu.memory_space<hbm>> -> memref<16x2048xf32, #tpu.memory_space<hbm>>
    %dma_wait3A_370 = arith.constant 0 : i32
    %dma_wait3A_371 = arith.constant 0 : i32
    %dma_wait3A_372 = tpu.memref_slice %arg6[%dma_wait3A_358, %dma_wait3A_370, %dma_wait3A_371] : memref<2x16x2048xf32, #tpu.memory_space<vmem>> -> memref<1x16x2048xf32, #tpu.memory_space<vmem>>
    %dma_wait3A_373 = tpu.memref_squeeze %dma_wait3A_372 : memref<1x16x2048xf32, #tpu.memory_space<vmem>> -> memref<16x2048xf32, #tpu.memory_space<vmem>>
    tpu.wait_dma2 semaphore(%dma_wait3A_367 : memref<!tpu.dma_semaphore, #tpu.memory_space<semaphore_mem>>) src(%dma_wait3A_373 : memref<16x2048xf32, #tpu.memory_space<vmem>>) dst(%dma_wait3A_369 : memref<16x2048xf32, #tpu.memory_space<hbm>>)
    %dma_start3A_374 = arith.constant 1 : i32
    %dma_start3A_375 = arith.constant 1 : i32
    %dma_start3A_376 = arith.constant 0 : i32
    %dma_start3A_377 = arith.constant 0 : i32
    %dma_start3A_378 = tpu.memref_slice %arg6[%dma_start3A_374, %dma_start3A_376, %dma_start3A_377] : memref<2x16x2048xf32, #tpu.memory_space<vmem>> -> memref<1x16x2048xf32, #tpu.memory_space<vmem>>
    %dma_start3A_379 = tpu.memref_squeeze %dma_start3A_378 : memref<1x16x2048xf32, #tpu.memory_space<vmem>> -> memref<16x2048xf32, #tpu.memory_space<vmem>>
    %dma_start3A_380 = arith.constant 112 : i32
    %dma_start3A_381 = tpu.memref_slice %arg5[%dma_start3A_380] : memref<512xi32, #tpu.memory_space<vmem>> -> memref<16xi32, #tpu.memory_space<vmem>>
    %dma_start3A_382 = arith.constant 0 : i32
    %dma_start3A_383 = arith.constant 0 : i32
    %dma_start3A_384 = tpu.memref_slice %arg3[%dma_start3A_382, %dma_start3A_383] : memref<512x2048xf32, #tpu.memory_space<hbm>> -> memref<512x2048xf32, #tpu.memory_space<hbm>>
    %dma_start3A_385 = tpu.memref_slice %arg7[%dma_start3A_375] : memref<2x!tpu.dma_semaphore, #tpu.memory_space<semaphore_mem>> -> memref<1x!tpu.dma_semaphore, #tpu.memory_space<semaphore_mem>>
    %dma_start3A_386 = tpu.memref_squeeze %dma_start3A_385 : memref<1x!tpu.dma_semaphore, #tpu.memory_space<semaphore_mem>> -> memref<!tpu.dma_semaphore, #tpu.memory_space<semaphore_mem>>
    tpu.enqueue_indirect_dma source(%dma_start3A_384 : memref<512x2048xf32, #tpu.memory_space<hbm>>) target(%dma_start3A_379 : memref<16x2048xf32, #tpu.memory_space<vmem>>) offsets(%dma_start3A_381 : memref<16xi32, #tpu.memory_space<vmem>>) semaphore(%dma_start3A_386 : memref<!tpu.dma_semaphore, #tpu.memory_space<semaphore_mem>>)
    %dma_wait3A_387 = arith.constant 0 : i32
    %dma_wait3A_388 = arith.constant 0 : i32
    %dma_wait3A_389 = arith.constant 0 : i32
    %dma_wait3A_390 = arith.constant 0 : i32
    %dma_wait3A_391 = tpu.memref_slice %arg6[%dma_wait3A_387, %dma_wait3A_389, %dma_wait3A_390] : memref<2x16x2048xf32, #tpu.memory_space<vmem>> -> memref<1x16x2048xf32, #tpu.memory_space<vmem>>
    %dma_wait3A_392 = tpu.memref_squeeze %dma_wait3A_391 : memref<1x16x2048xf32, #tpu.memory_space<vmem>> -> memref<16x2048xf32, #tpu.memory_space<vmem>>
    %dma_wait3A_393 = arith.constant 96 : i32
    %dma_wait3A_394 = tpu.memref_slice %arg5[%dma_wait3A_393] : memref<512xi32, #tpu.memory_space<vmem>> -> memref<16xi32, #tpu.memory_space<vmem>>
    %dma_wait3A_395 = arith.constant 0 : i32
    %dma_wait3A_396 = arith.constant 0 : i32
    %dma_wait3A_397 = tpu.memref_slice %arg3[%dma_wait3A_395, %dma_wait3A_396] : memref<512x2048xf32, #tpu.memory_space<hbm>> -> memref<512x2048xf32, #tpu.memory_space<hbm>>
    %dma_wait3A_398 = tpu.memref_slice %arg7[%dma_wait3A_388] : memref<2x!tpu.dma_semaphore, #tpu.memory_space<semaphore_mem>> -> memref<1x!tpu.dma_semaphore, #tpu.memory_space<semaphore_mem>>
    %dma_wait3A_399 = tpu.memref_squeeze %dma_wait3A_398 : memref<1x!tpu.dma_semaphore, #tpu.memory_space<semaphore_mem>> -> memref<!tpu.dma_semaphore, #tpu.memory_space<semaphore_mem>>
    tpu.wait_indirect_dma semaphore(%dma_wait3A_399 : memref<!tpu.dma_semaphore, #tpu.memory_space<semaphore_mem>>) src(%dma_wait3A_397 : memref<512x2048xf32, #tpu.memory_space<hbm>>) dst(%dma_wait3A_392 : memref<16x2048xf32, #tpu.memory_space<vmem>>)
    %add3A_400 = arith.constant 96 : i32
    %add3A_401 = arith.addi %mul3A_2, %add3A_400 : i32
    %dma_start3A_402 = arith.constant 0 : i32
    %dma_start3A_403 = arith.constant 0 : i32
    %dma_start3A_404 = arith.constant 0 : i32
    %dma_start3A_405 = arith.constant 0 : i32
    %dma_start3A_406 = tpu.memref_slice %arg6[%dma_start3A_402, %dma_start3A_404, %dma_start3A_405] : memref<2x16x2048xf32, #tpu.memory_space<vmem>> -> memref<1x16x2048xf32, #tpu.memory_space<vmem>>
    %dma_start3A_407 = tpu.memref_squeeze %dma_start3A_406 : memref<1x16x2048xf32, #tpu.memory_space<vmem>> -> memref<16x2048xf32, #tpu.memory_space<vmem>>
    %dma_start3A_408 = arith.constant 0 : i32
    %dma_start3A_409 = tpu.memref_slice %arg4[%add3A_401, %dma_start3A_408] : memref<16384x2048xf32, #tpu.memory_space<hbm>> -> memref<16x2048xf32, #tpu.memory_space<hbm>>
    %dma_start3A_410 = tpu.memref_slice %arg8[%dma_start3A_403] : memref<2x!tpu.dma_semaphore, #tpu.memory_space<semaphore_mem>> -> memref<1x!tpu.dma_semaphore, #tpu.memory_space<semaphore_mem>>
    %dma_start3A_411 = tpu.memref_squeeze %dma_start3A_410 : memref<1x!tpu.dma_semaphore, #tpu.memory_space<semaphore_mem>> -> memref<!tpu.dma_semaphore, #tpu.memory_space<semaphore_mem>>
    %dma_start3A_412 = arith.constant 0 : i32
    %dma_start3A_413 = tpu.memref_slice %arg4[%add3A_401, %dma_start3A_412] : memref<16384x2048xf32, #tpu.memory_space<hbm>> -> memref<16x2048xf32, #tpu.memory_space<hbm>>
    %dma_start3A_414 = arith.constant 0 : i32
    %dma_start3A_415 = arith.constant 0 : i32
    %dma_start3A_416 = tpu.memref_slice %arg6[%dma_start3A_402, %dma_start3A_414, %dma_start3A_415] : memref<2x16x2048xf32, #tpu.memory_space<vmem>> -> memref<1x16x2048xf32, #tpu.memory_space<vmem>>
    %dma_start3A_417 = tpu.memref_squeeze %dma_start3A_416 : memref<1x16x2048xf32, #tpu.memory_space<vmem>> -> memref<16x2048xf32, #tpu.memory_space<vmem>>
    tpu.enqueue_dma source(%dma_start3A_417 : memref<16x2048xf32, #tpu.memory_space<vmem>>) target(%dma_start3A_413 : memref<16x2048xf32, #tpu.memory_space<hbm>>) target_semaphore(%dma_start3A_411 : memref<!tpu.dma_semaphore, #tpu.memory_space<semaphore_mem>>)
    %dma_wait3A_418 = arith.constant 0 : i32
    %dma_wait3A_419 = arith.constant 0 : i32
    %dma_wait3A_420 = arith.constant 0 : i32
    %dma_wait3A_421 = arith.constant 0 : i32
    %dma_wait3A_422 = tpu.memref_slice %arg6[%dma_wait3A_418, %dma_wait3A_420, %dma_wait3A_421] : memref<2x16x2048xf32, #tpu.memory_space<vmem>> -> memref<1x16x2048xf32, #tpu.memory_space<vmem>>
    %dma_wait3A_423 = tpu.memref_squeeze %dma_wait3A_422 : memref<1x16x2048xf32, #tpu.memory_space<vmem>> -> memref<16x2048xf32, #tpu.memory_space<vmem>>
    %dma_wait3A_424 = arith.constant 0 : i32
    %dma_wait3A_425 = tpu.memref_slice %arg4[%add3A_401, %dma_wait3A_424] : memref<16384x2048xf32, #tpu.memory_space<hbm>> -> memref<16x2048xf32, #tpu.memory_space<hbm>>
    %dma_wait3A_426 = tpu.memref_slice %arg8[%dma_wait3A_419] : memref<2x!tpu.dma_semaphore, #tpu.memory_space<semaphore_mem>> -> memref<1x!tpu.dma_semaphore, #tpu.memory_space<semaphore_mem>>
    %dma_wait3A_427 = tpu.memref_squeeze %dma_wait3A_426 : memref<1x!tpu.dma_semaphore, #tpu.memory_space<semaphore_mem>> -> memref<!tpu.dma_semaphore, #tpu.memory_space<semaphore_mem>>
    %dma_wait3A_428 = arith.constant 0 : i32
    %dma_wait3A_429 = tpu.memref_slice %arg4[%add3A_401, %dma_wait3A_428] : memref<16384x2048xf32, #tpu.memory_space<hbm>> -> memref<16x2048xf32, #tpu.memory_space<hbm>>
    %dma_wait3A_430 = arith.constant 0 : i32
    %dma_wait3A_431 = arith.constant 0 : i32
    %dma_wait3A_432 = tpu.memref_slice %arg6[%dma_wait3A_418, %dma_wait3A_430, %dma_wait3A_431] : memref<2x16x2048xf32, #tpu.memory_space<vmem>> -> memref<1x16x2048xf32, #tpu.memory_space<vmem>>
    %dma_wait3A_433 = tpu.memref_squeeze %dma_wait3A_432 : memref<1x16x2048xf32, #tpu.memory_space<vmem>> -> memref<16x2048xf32, #tpu.memory_space<vmem>>
    tpu.wait_dma2 semaphore(%dma_wait3A_427 : memref<!tpu.dma_semaphore, #tpu.memory_space<semaphore_mem>>) src(%dma_wait3A_433 : memref<16x2048xf32, #tpu.memory_space<vmem>>) dst(%dma_wait3A_429 : memref<16x2048xf32, #tpu.memory_space<hbm>>)
    %dma_start3A_434 = arith.constant 0 : i32
    %dma_start3A_435 = arith.constant 0 : i32
    %dma_start3A_436 = arith.constant 0 : i32
    %dma_start3A_437 = arith.constant 0 : i32
    %dma_start3A_438 = tpu.memref_slice %arg6[%dma_start3A_434, %dma_start3A_436, %dma_start3A_437] : memref<2x16x2048xf32, #tpu.memory_space<vmem>> -> memref<1x16x2048xf32, #tpu.memory_space<vmem>>
    %dma_start3A_439 = tpu.memref_squeeze %dma_start3A_438 : memref<1x16x2048xf32, #tpu.memory_space<vmem>> -> memref<16x2048xf32, #tpu.memory_space<vmem>>
    %dma_start3A_440 = arith.constant 128 : i32
    %dma_start3A_441 = tpu.memref_slice %arg5[%dma_start3A_440] : memref<512xi32, #tpu.memory_space<vmem>> -> memref<16xi32, #tpu.memory_space<vmem>>
    %dma_start3A_442 = arith.constant 0 : i32
    %dma_start3A_443 = arith.constant 0 : i32
    %dma_start3A_444 = tpu.memref_slice %arg3[%dma_start3A_442, %dma_start3A_443] : memref<512x2048xf32, #tpu.memory_space<hbm>> -> memref<512x2048xf32, #tpu.memory_space<hbm>>
    %dma_start3A_445 = tpu.memref_slice %arg7[%dma_start3A_435] : memref<2x!tpu.dma_semaphore, #tpu.memory_space<semaphore_mem>> -> memref<1x!tpu.dma_semaphore, #tpu.memory_space<semaphore_mem>>
    %dma_start3A_446 = tpu.memref_squeeze %dma_start3A_445 : memref<1x!tpu.dma_semaphore, #tpu.memory_space<semaphore_mem>> -> memref<!tpu.dma_semaphore, #tpu.memory_space<semaphore_mem>>
    tpu.enqueue_indirect_dma source(%dma_start3A_444 : memref<512x2048xf32, #tpu.memory_space<hbm>>) target(%dma_start3A_439 : memref<16x2048xf32, #tpu.memory_space<vmem>>) offsets(%dma_start3A_441 : memref<16xi32, #tpu.memory_space<vmem>>) semaphore(%dma_start3A_446 : memref<!tpu.dma_semaphore, #tpu.memory_space<semaphore_mem>>)
    %dma_wait3A_447 = arith.constant 1 : i32
    %dma_wait3A_448 = arith.constant 1 : i32
    %dma_wait3A_449 = arith.constant 0 : i32
    %dma_wait3A_450 = arith.constant 0 : i32
    %dma_wait3A_451 = tpu.memref_slice %arg6[%dma_wait3A_447, %dma_wait3A_449, %dma_wait3A_450] : memref<2x16x2048xf32, #tpu.memory_space<vmem>> -> memref<1x16x2048xf32, #tpu.memory_space<vmem>>
    %dma_wait3A_452 = tpu.memref_squeeze %dma_wait3A_451 : memref<1x16x2048xf32, #tpu.memory_space<vmem>> -> memref<16x2048xf32, #tpu.memory_space<vmem>>
    %dma_wait3A_453 = arith.constant 112 : i32
    %dma_wait3A_454 = tpu.memref_slice %arg5[%dma_wait3A_453] : memref<512xi32, #tpu.memory_space<vmem>> -> memref<16xi32, #tpu.memory_space<vmem>>
    %dma_wait3A_455 = arith.constant 0 : i32
    %dma_wait3A_456 = arith.constant 0 : i32
    %dma_wait3A_457 = tpu.memref_slice %arg3[%dma_wait3A_455, %dma_wait3A_456] : memref<512x2048xf32, #tpu.memory_space<hbm>> -> memref<512x2048xf32, #tpu.memory_space<hbm>>
    %dma_wait3A_458 = tpu.memref_slice %arg7[%dma_wait3A_448] : memref<2x!tpu.dma_semaphore, #tpu.memory_space<semaphore_mem>> -> memref<1x!tpu.dma_semaphore, #tpu.memory_space<semaphore_mem>>
    %dma_wait3A_459 = tpu.memref_squeeze %dma_wait3A_458 : memref<1x!tpu.dma_semaphore, #tpu.memory_space<semaphore_mem>> -> memref<!tpu.dma_semaphore, #tpu.memory_space<semaphore_mem>>
    tpu.wait_indirect_dma semaphore(%dma_wait3A_459 : memref<!tpu.dma_semaphore, #tpu.memory_space<semaphore_mem>>) src(%dma_wait3A_457 : memref<512x2048xf32, #tpu.memory_space<hbm>>) dst(%dma_wait3A_452 : memref<16x2048xf32, #tpu.memory_space<vmem>>)
    %add3A_460 = arith.constant 112 : i32
    %add3A_461 = arith.addi %mul3A_2, %add3A_460 : i32
    %dma_start3A_462 = arith.constant 1 : i32
    %dma_start3A_463 = arith.constant 1 : i32
    %dma_start3A_464 = arith.constant 0 : i32
    %dma_start3A_465 = arith.constant 0 : i32
    %dma_start3A_466 = tpu.memref_slice %arg6[%dma_start3A_462, %dma_start3A_464, %dma_start3A_465] : memref<2x16x2048xf32, #tpu.memory_space<vmem>> -> memref<1x16x2048xf32, #tpu.memory_space<vmem>>
    %dma_start3A_467 = tpu.memref_squeeze %dma_start3A_466 : memref<1x16x2048xf32, #tpu.memory_space<vmem>> -> memref<16x2048xf32, #tpu.memory_space<vmem>>
    %dma_start3A_468 = arith.constant 0 : i32
    %dma_start3A_469 = tpu.memref_slice %arg4[%add3A_461, %dma_start3A_468] : memref<16384x2048xf32, #tpu.memory_space<hbm>> -> memref<16x2048xf32, #tpu.memory_space<hbm>>
    %dma_start3A_470 = tpu.memref_slice %arg8[%dma_start3A_463] : memref<2x!tpu.dma_semaphore, #tpu.memory_space<semaphore_mem>> -> memref<1x!tpu.dma_semaphore, #tpu.memory_space<semaphore_mem>>
    %dma_start3A_471 = tpu.memref_squeeze %dma_start3A_470 : memref<1x!tpu.dma_semaphore, #tpu.memory_space<semaphore_mem>> -> memref<!tpu.dma_semaphore, #tpu.memory_space<semaphore_mem>>
    %dma_start3A_472 = arith.constant 0 : i32
    %dma_start3A_473 = tpu.memref_slice %arg4[%add3A_461, %dma_start3A_472] : memref<16384x2048xf32, #tpu.memory_space<hbm>> -> memref<16x2048xf32, #tpu.memory_space<hbm>>
    %dma_start3A_474 = arith.constant 0 : i32
    %dma_start3A_475 = arith.constant 0 : i32
    %dma_start3A_476 = tpu.memref_slice %arg6[%dma_start3A_462, %dma_start3A_474, %dma_start3A_475] : memref<2x16x2048xf32, #tpu.memory_space<vmem>> -> memref<1x16x2048xf32, #tpu.memory_space<vmem>>
    %dma_start3A_477 = tpu.memref_squeeze %dma_start3A_476 : memref<1x16x2048xf32, #tpu.memory_space<vmem>> -> memref<16x2048xf32, #tpu.memory_space<vmem>>
    tpu.enqueue_dma source(%dma_start3A_477 : memref<16x2048xf32, #tpu.memory_space<vmem>>) target(%dma_start3A_473 : memref<16x2048xf32, #tpu.memory_space<hbm>>) target_semaphore(%dma_start3A_471 : memref<!tpu.dma_semaphore, #tpu.memory_space<semaphore_mem>>)
    %dma_wait3A_478 = arith.constant 1 : i32
    %dma_wait3A_479 = arith.constant 1 : i32
    %dma_wait3A_480 = arith.constant 0 : i32
    %dma_wait3A_481 = arith.constant 0 : i32
    %dma_wait3A_482 = tpu.memref_slice %arg6[%dma_wait3A_478, %dma_wait3A_480, %dma_wait3A_481] : memref<2x16x2048xf32, #tpu.memory_space<vmem>> -> memref<1x16x2048xf32, #tpu.memory_space<vmem>>
    %dma_wait3A_483 = tpu.memref_squeeze %dma_wait3A_482 : memref<1x16x2048xf32, #tpu.memory_space<vmem>> -> memref<16x2048xf32, #tpu.memory_space<vmem>>
    %dma_wait3A_484 = arith.constant 0 : i32
    %dma_wait3A_485 = tpu.memref_slice %arg4[%add3A_461, %dma_wait3A_484] : memref<16384x2048xf32, #tpu.memory_space<hbm>> -> memref<16x2048xf32, #tpu.memory_space<hbm>>
    %dma_wait3A_486 = tpu.memref_slice %arg8[%dma_wait3A_479] : memref<2x!tpu.dma_semaphore, #tpu.memory_space<semaphore_mem>> -> memref<1x!tpu.dma_semaphore, #tpu.memory_space<semaphore_mem>>
    %dma_wait3A_487 = tpu.memref_squeeze %dma_wait3A_486 : memref<1x!tpu.dma_semaphore, #tpu.memory_space<semaphore_mem>> -> memref<!tpu.dma_semaphore, #tpu.memory_space<semaphore_mem>>
    %dma_wait3A_488 = arith.constant 0 : i32
    %dma_wait3A_489 = tpu.memref_slice %arg4[%add3A_461, %dma_wait3A_488] : memref<16384x2048xf32, #tpu.memory_space<hbm>> -> memref<16x2048xf32, #tpu.memory_space<hbm>>
    %dma_wait3A_490 = arith.constant 0 : i32
    %dma_wait3A_491 = arith.constant 0 : i32
    %dma_wait3A_492 = tpu.memref_slice %arg6[%dma_wait3A_478, %dma_wait3A_490, %dma_wait3A_491] : memref<2x16x2048xf32, #tpu.memory_space<vmem>> -> memref<1x16x2048xf32, #tpu.memory_space<vmem>>
    %dma_wait3A_493 = tpu.memref_squeeze %dma_wait3A_492 : memref<1x16x2048xf32, #tpu.memory_space<vmem>> -> memref<16x2048xf32, #tpu.memory_space<vmem>>
    tpu.wait_dma2 semaphore(%dma_wait3A_487 : memref<!tpu.dma_semaphore, #tpu.memory_space<semaphore_mem>>) src(%dma_wait3A_493 : memref<16x2048xf32, #tpu.memory_space<vmem>>) dst(%dma_wait3A_489 : memref<16x2048xf32, #tpu.memory_space<hbm>>)
    %dma_start3A_494 = arith.constant 1 : i32
    %dma_start3A_495 = arith.constant 1 : i32
    %dma_start3A_496 = arith.constant 0 : i32
    %dma_start3A_497 = arith.constant 0 : i32
    %dma_start3A_498 = tpu.memref_slice %arg6[%dma_start3A_494, %dma_start3A_496, %dma_start3A_497] : memref<2x16x2048xf32, #tpu.memory_space<vmem>> -> memref<1x16x2048xf32, #tpu.memory_space<vmem>>
    %dma_start3A_499 = tpu.memref_squeeze %dma_start3A_498 : memref<1x16x2048xf32, #tpu.memory_space<vmem>> -> memref<16x2048xf32, #tpu.memory_space<vmem>>
    %dma_start3A_500 = arith.constant 144 : i32
    %dma_start3A_501 = tpu.memref_slice %arg5[%dma_start3A_500] : memref<512xi32, #tpu.memory_space<vmem>> -> memref<16xi32, #tpu.memory_space<vmem>>
    %dma_start3A_502 = arith.constant 0 : i32
    %dma_start3A_503 = arith.constant 0 : i32
    %dma_start3A_504 = tpu.memref_slice %arg3[%dma_start3A_502, %dma_start3A_503] : memref<512x2048xf32, #tpu.memory_space<hbm>> -> memref<512x2048xf32, #tpu.memory_space<hbm>>
    %dma_start3A_505 = tpu.memref_slice %arg7[%dma_start3A_495] : memref<2x!tpu.dma_semaphore, #tpu.memory_space<semaphore_mem>> -> memref<1x!tpu.dma_semaphore, #tpu.memory_space<semaphore_mem>>
    %dma_start3A_506 = tpu.memref_squeeze %dma_start3A_505 : memref<1x!tpu.dma_semaphore, #tpu.memory_space<semaphore_mem>> -> memref<!tpu.dma_semaphore, #tpu.memory_space<semaphore_mem>>
    tpu.enqueue_indirect_dma source(%dma_start3A_504 : memref<512x2048xf32, #tpu.memory_space<hbm>>) target(%dma_start3A_499 : memref<16x2048xf32, #tpu.memory_space<vmem>>) offsets(%dma_start3A_501 : memref<16xi32, #tpu.memory_space<vmem>>) semaphore(%dma_start3A_506 : memref<!tpu.dma_semaphore, #tpu.memory_space<semaphore_mem>>)
    %dma_wait3A_507 = arith.constant 0 : i32
    %dma_wait3A_508 = arith.constant 0 : i32
    %dma_wait3A_509 = arith.constant 0 : i32
    %dma_wait3A_510 = arith.constant 0 : i32
    %dma_wait3A_511 = tpu.memref_slice %arg6[%dma_wait3A_507, %dma_wait3A_509, %dma_wait3A_510] : memref<2x16x2048xf32, #tpu.memory_space<vmem>> -> memref<1x16x2048xf32, #tpu.memory_space<vmem>>
    %dma_wait3A_512 = tpu.memref_squeeze %dma_wait3A_511 : memref<1x16x2048xf32, #tpu.memory_space<vmem>> -> memref<16x2048xf32, #tpu.memory_space<vmem>>
    %dma_wait3A_513 = arith.constant 128 : i32
    %dma_wait3A_514 = tpu.memref_slice %arg5[%dma_wait3A_513] : memref<512xi32, #tpu.memory_space<vmem>> -> memref<16xi32, #tpu.memory_space<vmem>>
    %dma_wait3A_515 = arith.constant 0 : i32
    %dma_wait3A_516 = arith.constant 0 : i32
    %dma_wait3A_517 = tpu.memref_slice %arg3[%dma_wait3A_515, %dma_wait3A_516] : memref<512x2048xf32, #tpu.memory_space<hbm>> -> memref<512x2048xf32, #tpu.memory_space<hbm>>
    %dma_wait3A_518 = tpu.memref_slice %arg7[%dma_wait3A_508] : memref<2x!tpu.dma_semaphore, #tpu.memory_space<semaphore_mem>> -> memref<1x!tpu.dma_semaphore, #tpu.memory_space<semaphore_mem>>
    %dma_wait3A_519 = tpu.memref_squeeze %dma_wait3A_518 : memref<1x!tpu.dma_semaphore, #tpu.memory_space<semaphore_mem>> -> memref<!tpu.dma_semaphore, #tpu.memory_space<semaphore_mem>>
    tpu.wait_indirect_dma semaphore(%dma_wait3A_519 : memref<!tpu.dma_semaphore, #tpu.memory_space<semaphore_mem>>) src(%dma_wait3A_517 : memref<512x2048xf32, #tpu.memory_space<hbm>>) dst(%dma_wait3A_512 : memref<16x2048xf32, #tpu.memory_space<vmem>>)
    %add3A_520 = arith.constant 128 : i32
    %add3A_521 = arith.addi %mul3A_2, %add3A_520 : i32
    %dma_start3A_522 = arith.constant 0 : i32
    %dma_start3A_523 = arith.constant 0 : i32
    %dma_start3A_524 = arith.constant 0 : i32
    %dma_start3A_525 = arith.constant 0 : i32
    %dma_start3A_526 = tpu.memref_slice %arg6[%dma_start3A_522, %dma_start3A_524, %dma_start3A_525] : memref<2x16x2048xf32, #tpu.memory_space<vmem>> -> memref<1x16x2048xf32, #tpu.memory_space<vmem>>
    %dma_start3A_527 = tpu.memref_squeeze %dma_start3A_526 : memref<1x16x2048xf32, #tpu.memory_space<vmem>> -> memref<16x2048xf32, #tpu.memory_space<vmem>>
    %dma_start3A_528 = arith.constant 0 : i32
    %dma_start3A_529 = tpu.memref_slice %arg4[%add3A_521, %dma_start3A_528] : memref<16384x2048xf32, #tpu.memory_space<hbm>> -> memref<16x2048xf32, #tpu.memory_space<hbm>>
    %dma_start3A_530 = tpu.memref_slice %arg8[%dma_start3A_523] : memref<2x!tpu.dma_semaphore, #tpu.memory_space<semaphore_mem>> -> memref<1x!tpu.dma_semaphore, #tpu.memory_space<semaphore_mem>>
    %dma_start3A_531 = tpu.memref_squeeze %dma_start3A_530 : memref<1x!tpu.dma_semaphore, #tpu.memory_space<semaphore_mem>> -> memref<!tpu.dma_semaphore, #tpu.memory_space<semaphore_mem>>
    %dma_start3A_532 = arith.constant 0 : i32
    %dma_start3A_533 = tpu.memref_slice %arg4[%add3A_521, %dma_start3A_532] : memref<16384x2048xf32, #tpu.memory_space<hbm>> -> memref<16x2048xf32, #tpu.memory_space<hbm>>
    %dma_start3A_534 = arith.constant 0 : i32
    %dma_start3A_535 = arith.constant 0 : i32
    %dma_start3A_536 = tpu.memref_slice %arg6[%dma_start3A_522, %dma_start3A_534, %dma_start3A_535] : memref<2x16x2048xf32, #tpu.memory_space<vmem>> -> memref<1x16x2048xf32, #tpu.memory_space<vmem>>
    %dma_start3A_537 = tpu.memref_squeeze %dma_start3A_536 : memref<1x16x2048xf32, #tpu.memory_space<vmem>> -> memref<16x2048xf32, #tpu.memory_space<vmem>>
    tpu.enqueue_dma source(%dma_start3A_537 : memref<16x2048xf32, #tpu.memory_space<vmem>>) target(%dma_start3A_533 : memref<16x2048xf32, #tpu.memory_space<hbm>>) target_semaphore(%dma_start3A_531 : memref<!tpu.dma_semaphore, #tpu.memory_space<semaphore_mem>>)
    %dma_wait3A_538 = arith.constant 0 : i32
    %dma_wait3A_539 = arith.constant 0 : i32
    %dma_wait3A_540 = arith.constant 0 : i32
    %dma_wait3A_541 = arith.constant 0 : i32
    %dma_wait3A_542 = tpu.memref_slice %arg6[%dma_wait3A_538, %dma_wait3A_540, %dma_wait3A_541] : memref<2x16x2048xf32, #tpu.memory_space<vmem>> -> memref<1x16x2048xf32, #tpu.memory_space<vmem>>
    %dma_wait3A_543 = tpu.memref_squeeze %dma_wait3A_542 : memref<1x16x2048xf32, #tpu.memory_space<vmem>> -> memref<16x2048xf32, #tpu.memory_space<vmem>>
    %dma_wait3A_544 = arith.constant 0 : i32
    %dma_wait3A_545 = tpu.memref_slice %arg4[%add3A_521, %dma_wait3A_544] : memref<16384x2048xf32, #tpu.memory_space<hbm>> -> memref<16x2048xf32, #tpu.memory_space<hbm>>
    %dma_wait3A_546 = tpu.memref_slice %arg8[%dma_wait3A_539] : memref<2x!tpu.dma_semaphore, #tpu.memory_space<semaphore_mem>> -> memref<1x!tpu.dma_semaphore, #tpu.memory_space<semaphore_mem>>
    %dma_wait3A_547 = tpu.memref_squeeze %dma_wait3A_546 : memref<1x!tpu.dma_semaphore, #tpu.memory_space<semaphore_mem>> -> memref<!tpu.dma_semaphore, #tpu.memory_space<semaphore_mem>>
    %dma_wait3A_548 = arith.constant 0 : i32
    %dma_wait3A_549 = tpu.memref_slice %arg4[%add3A_521, %dma_wait3A_548] : memref<16384x2048xf32, #tpu.memory_space<hbm>> -> memref<16x2048xf32, #tpu.memory_space<hbm>>
    %dma_wait3A_550 = arith.constant 0 : i32
    %dma_wait3A_551 = arith.constant 0 : i32
    %dma_wait3A_552 = tpu.memref_slice %arg6[%dma_wait3A_538, %dma_wait3A_550, %dma_wait3A_551] : memref<2x16x2048xf32, #tpu.memory_space<vmem>> -> memref<1x16x2048xf32, #tpu.memory_space<vmem>>
    %dma_wait3A_553 = tpu.memref_squeeze %dma_wait3A_552 : memref<1x16x2048xf32, #tpu.memory_space<vmem>> -> memref<16x2048xf32, #tpu.memory_space<vmem>>
    tpu.wait_dma2 semaphore(%dma_wait3A_547 : memref<!tpu.dma_semaphore, #tpu.memory_space<semaphore_mem>>) src(%dma_wait3A_553 : memref<16x2048xf32, #tpu.memory_space<vmem>>) dst(%dma_wait3A_549 : memref<16x2048xf32, #tpu.memory_space<hbm>>)
    %dma_start3A_554 = arith.constant 0 : i32
    %dma_start3A_555 = arith.constant 0 : i32
    %dma_start3A_556 = arith.constant 0 : i32
    %dma_start3A_557 = arith.constant 0 : i32
    %dma_start3A_558 = tpu.memref_slice %arg6[%dma_start3A_554, %dma_start3A_556, %dma_start3A_557] : memref<2x16x2048xf32, #tpu.memory_space<vmem>> -> memref<1x16x2048xf32, #tpu.memory_space<vmem>>
    %dma_start3A_559 = tpu.memref_squeeze %dma_start3A_558 : memref<1x16x2048xf32, #tpu.memory_space<vmem>> -> memref<16x2048xf32, #tpu.memory_space<vmem>>
    %dma_start3A_560 = arith.constant 160 : i32
    %dma_start3A_561 = tpu.memref_slice %arg5[%dma_start3A_560] : memref<512xi32, #tpu.memory_space<vmem>> -> memref<16xi32, #tpu.memory_space<vmem>>
    %dma_start3A_562 = arith.constant 0 : i32
    %dma_start3A_563 = arith.constant 0 : i32
    %dma_start3A_564 = tpu.memref_slice %arg3[%dma_start3A_562, %dma_start3A_563] : memref<512x2048xf32, #tpu.memory_space<hbm>> -> memref<512x2048xf32, #tpu.memory_space<hbm>>
    %dma_start3A_565 = tpu.memref_slice %arg7[%dma_start3A_555] : memref<2x!tpu.dma_semaphore, #tpu.memory_space<semaphore_mem>> -> memref<1x!tpu.dma_semaphore, #tpu.memory_space<semaphore_mem>>
    %dma_start3A_566 = tpu.memref_squeeze %dma_start3A_565 : memref<1x!tpu.dma_semaphore, #tpu.memory_space<semaphore_mem>> -> memref<!tpu.dma_semaphore, #tpu.memory_space<semaphore_mem>>
    tpu.enqueue_indirect_dma source(%dma_start3A_564 : memref<512x2048xf32, #tpu.memory_space<hbm>>) target(%dma_start3A_559 : memref<16x2048xf32, #tpu.memory_space<vmem>>) offsets(%dma_start3A_561 : memref<16xi32, #tpu.memory_space<vmem>>) semaphore(%dma_start3A_566 : memref<!tpu.dma_semaphore, #tpu.memory_space<semaphore_mem>>)
    %dma_wait3A_567 = arith.constant 1 : i32
    %dma_wait3A_568 = arith.constant 1 : i32
    %dma_wait3A_569 = arith.constant 0 : i32
    %dma_wait3A_570 = arith.constant 0 : i32
    %dma_wait3A_571 = tpu.memref_slice %arg6[%dma_wait3A_567, %dma_wait3A_569, %dma_wait3A_570] : memref<2x16x2048xf32, #tpu.memory_space<vmem>> -> memref<1x16x2048xf32, #tpu.memory_space<vmem>>
    %dma_wait3A_572 = tpu.memref_squeeze %dma_wait3A_571 : memref<1x16x2048xf32, #tpu.memory_space<vmem>> -> memref<16x2048xf32, #tpu.memory_space<vmem>>
    %dma_wait3A_573 = arith.constant 144 : i32
    %dma_wait3A_574 = tpu.memref_slice %arg5[%dma_wait3A_573] : memref<512xi32, #tpu.memory_space<vmem>> -> memref<16xi32, #tpu.memory_space<vmem>>
    %dma_wait3A_575 = arith.constant 0 : i32
    %dma_wait3A_576 = arith.constant 0 : i32
    %dma_wait3A_577 = tpu.memref_slice %arg3[%dma_wait3A_575, %dma_wait3A_576] : memref<512x2048xf32, #tpu.memory_space<hbm>> -> memref<512x2048xf32, #tpu.memory_space<hbm>>
    %dma_wait3A_578 = tpu.memref_slice %arg7[%dma_wait3A_568] : memref<2x!tpu.dma_semaphore, #tpu.memory_space<semaphore_mem>> -> memref<1x!tpu.dma_semaphore, #tpu.memory_space<semaphore_mem>>
    %dma_wait3A_579 = tpu.memref_squeeze %dma_wait3A_578 : memref<1x!tpu.dma_semaphore, #tpu.memory_space<semaphore_mem>> -> memref<!tpu.dma_semaphore, #tpu.memory_space<semaphore_mem>>
    tpu.wait_indirect_dma semaphore(%dma_wait3A_579 : memref<!tpu.dma_semaphore, #tpu.memory_space<semaphore_mem>>) src(%dma_wait3A_577 : memref<512x2048xf32, #tpu.memory_space<hbm>>) dst(%dma_wait3A_572 : memref<16x2048xf32, #tpu.memory_space<vmem>>)
    %add3A_580 = arith.constant 144 : i32
    %add3A_581 = arith.addi %mul3A_2, %add3A_580 : i32
    %dma_start3A_582 = arith.constant 1 : i32
    %dma_start3A_583 = arith.constant 1 : i32
    %dma_start3A_584 = arith.constant 0 : i32
    %dma_start3A_585 = arith.constant 0 : i32
    %dma_start3A_586 = tpu.memref_slice %arg6[%dma_start3A_582, %dma_start3A_584, %dma_start3A_585] : memref<2x16x2048xf32, #tpu.memory_space<vmem>> -> memref<1x16x2048xf32, #tpu.memory_space<vmem>>
    %dma_start3A_587 = tpu.memref_squeeze %dma_start3A_586 : memref<1x16x2048xf32, #tpu.memory_space<vmem>> -> memref<16x2048xf32, #tpu.memory_space<vmem>>
    %dma_start3A_588 = arith.constant 0 : i32
    %dma_start3A_589 = tpu.memref_slice %arg4[%add3A_581, %dma_start3A_588] : memref<16384x2048xf32, #tpu.memory_space<hbm>> -> memref<16x2048xf32, #tpu.memory_space<hbm>>
    %dma_start3A_590 = tpu.memref_slice %arg8[%dma_start3A_583] : memref<2x!tpu.dma_semaphore, #tpu.memory_space<semaphore_mem>> -> memref<1x!tpu.dma_semaphore, #tpu.memory_space<semaphore_mem>>
    %dma_start3A_591 = tpu.memref_squeeze %dma_start3A_590 : memref<1x!tpu.dma_semaphore, #tpu.memory_space<semaphore_mem>> -> memref<!tpu.dma_semaphore, #tpu.memory_space<semaphore_mem>>
    %dma_start3A_592 = arith.constant 0 : i32
    %dma_start3A_593 = tpu.memref_slice %arg4[%add3A_581, %dma_start3A_592] : memref<16384x2048xf32, #tpu.memory_space<hbm>> -> memref<16x2048xf32, #tpu.memory_space<hbm>>
    %dma_start3A_594 = arith.constant 0 : i32
    %dma_start3A_595 = arith.constant 0 : i32
    %dma_start3A_596 = tpu.memref_slice %arg6[%dma_start3A_582, %dma_start3A_594, %dma_start3A_595] : memref<2x16x2048xf32, #tpu.memory_space<vmem>> -> memref<1x16x2048xf32, #tpu.memory_space<vmem>>
    %dma_start3A_597 = tpu.memref_squeeze %dma_start3A_596 : memref<1x16x2048xf32, #tpu.memory_space<vmem>> -> memref<16x2048xf32, #tpu.memory_space<vmem>>
    tpu.enqueue_dma source(%dma_start3A_597 : memref<16x2048xf32, #tpu.memory_space<vmem>>) target(%dma_start3A_593 : memref<16x2048xf32, #tpu.memory_space<hbm>>) target_semaphore(%dma_start3A_591 : memref<!tpu.dma_semaphore, #tpu.memory_space<semaphore_mem>>)
    %dma_wait3A_598 = arith.constant 1 : i32
    %dma_wait3A_599 = arith.constant 1 : i32
    %dma_wait3A_600 = arith.constant 0 : i32
    %dma_wait3A_601 = arith.constant 0 : i32
    %dma_wait3A_602 = tpu.memref_slice %arg6[%dma_wait3A_598, %dma_wait3A_600, %dma_wait3A_601] : memref<2x16x2048xf32, #tpu.memory_space<vmem>> -> memref<1x16x2048xf32, #tpu.memory_space<vmem>>
    %dma_wait3A_603 = tpu.memref_squeeze %dma_wait3A_602 : memref<1x16x2048xf32, #tpu.memory_space<vmem>> -> memref<16x2048xf32, #tpu.memory_space<vmem>>
    %dma_wait3A_604 = arith.constant 0 : i32
    %dma_wait3A_605 = tpu.memref_slice %arg4[%add3A_581, %dma_wait3A_604] : memref<16384x2048xf32, #tpu.memory_space<hbm>> -> memref<16x2048xf32, #tpu.memory_space<hbm>>
    %dma_wait3A_606 = tpu.memref_slice %arg8[%dma_wait3A_599] : memref<2x!tpu.dma_semaphore, #tpu.memory_space<semaphore_mem>> -> memref<1x!tpu.dma_semaphore, #tpu.memory_space<semaphore_mem>>
    %dma_wait3A_607 = tpu.memref_squeeze %dma_wait3A_606 : memref<1x!tpu.dma_semaphore, #tpu.memory_space<semaphore_mem>> -> memref<!tpu.dma_semaphore, #tpu.memory_space<semaphore_mem>>
    %dma_wait3A_608 = arith.constant 0 : i32
    %dma_wait3A_609 = tpu.memref_slice %arg4[%add3A_581, %dma_wait3A_608] : memref<16384x2048xf32, #tpu.memory_space<hbm>> -> memref<16x2048xf32, #tpu.memory_space<hbm>>
    %dma_wait3A_610 = arith.constant 0 : i32
    %dma_wait3A_611 = arith.constant 0 : i32
    %dma_wait3A_612 = tpu.memref_slice %arg6[%dma_wait3A_598, %dma_wait3A_610, %dma_wait3A_611] : memref<2x16x2048xf32, #tpu.memory_space<vmem>> -> memref<1x16x2048xf32, #tpu.memory_space<vmem>>
    %dma_wait3A_613 = tpu.memref_squeeze %dma_wait3A_612 : memref<1x16x2048xf32, #tpu.memory_space<vmem>> -> memref<16x2048xf32, #tpu.memory_space<vmem>>
    tpu.wait_dma2 semaphore(%dma_wait3A_607 : memref<!tpu.dma_semaphore, #tpu.memory_space<semaphore_mem>>) src(%dma_wait3A_613 : memref<16x2048xf32, #tpu.memory_space<vmem>>) dst(%dma_wait3A_609 : memref<16x2048xf32, #tpu.memory_space<hbm>>)
    %dma_start3A_614 = arith.constant 1 : i32
    %dma_start3A_615 = arith.constant 1 : i32
    %dma_start3A_616 = arith.constant 0 : i32
    %dma_start3A_617 = arith.constant 0 : i32
    %dma_start3A_618 = tpu.memref_slice %arg6[%dma_start3A_614, %dma_start3A_616, %dma_start3A_617] : memref<2x16x2048xf32, #tpu.memory_space<vmem>> -> memref<1x16x2048xf32, #tpu.memory_space<vmem>>
    %dma_start3A_619 = tpu.memref_squeeze %dma_start3A_618 : memref<1x16x2048xf32, #tpu.memory_space<vmem>> -> memref<16x2048xf32, #tpu.memory_space<vmem>>
    %dma_start3A_620 = arith.constant 176 : i32
    %dma_start3A_621 = tpu.memref_slice %arg5[%dma_start3A_620] : memref<512xi32, #tpu.memory_space<vmem>> -> memref<16xi32, #tpu.memory_space<vmem>>
    %dma_start3A_622 = arith.constant 0 : i32
    %dma_start3A_623 = arith.constant 0 : i32
    %dma_start3A_624 = tpu.memref_slice %arg3[%dma_start3A_622, %dma_start3A_623] : memref<512x2048xf32, #tpu.memory_space<hbm>> -> memref<512x2048xf32, #tpu.memory_space<hbm>>
    %dma_start3A_625 = tpu.memref_slice %arg7[%dma_start3A_615] : memref<2x!tpu.dma_semaphore, #tpu.memory_space<semaphore_mem>> -> memref<1x!tpu.dma_semaphore, #tpu.memory_space<semaphore_mem>>
    %dma_start3A_626 = tpu.memref_squeeze %dma_start3A_625 : memref<1x!tpu.dma_semaphore, #tpu.memory_space<semaphore_mem>> -> memref<!tpu.dma_semaphore, #tpu.memory_space<semaphore_mem>>
    tpu.enqueue_indirect_dma source(%dma_start3A_624 : memref<512x2048xf32, #tpu.memory_space<hbm>>) target(%dma_start3A_619 : memref<16x2048xf32, #tpu.memory_space<vmem>>) offsets(%dma_start3A_621 : memref<16xi32, #tpu.memory_space<vmem>>) semaphore(%dma_start3A_626 : memref<!tpu.dma_semaphore, #tpu.memory_space<semaphore_mem>>)
    %dma_wait3A_627 = arith.constant 0 : i32
    %dma_wait3A_628 = arith.constant 0 : i32
    %dma_wait3A_629 = arith.constant 0 : i32
    %dma_wait3A_630 = arith.constant 0 : i32
    %dma_wait3A_631 = tpu.memref_slice %arg6[%dma_wait3A_627, %dma_wait3A_629, %dma_wait3A_630] : memref<2x16x2048xf32, #tpu.memory_space<vmem>> -> memref<1x16x2048xf32, #tpu.memory_space<vmem>>
    %dma_wait3A_632 = tpu.memref_squeeze %dma_wait3A_631 : memref<1x16x2048xf32, #tpu.memory_space<vmem>> -> memref<16x2048xf32, #tpu.memory_space<vmem>>
    %dma_wait3A_633 = arith.constant 160 : i32
    %dma_wait3A_634 = tpu.memref_slice %arg5[%dma_wait3A_633] : memref<512xi32, #tpu.memory_space<vmem>> -> memref<16xi32, #tpu.memory_space<vmem>>
    %dma_wait3A_635 = arith.constant 0 : i32
    %dma_wait3A_636 = arith.constant 0 : i32
    %dma_wait3A_637 = tpu.memref_slice %arg3[%dma_wait3A_635, %dma_wait3A_636] : memref<512x2048xf32, #tpu.memory_space<hbm>> -> memref<512x2048xf32, #tpu.memory_space<hbm>>
    %dma_wait3A_638 = tpu.memref_slice %arg7[%dma_wait3A_628] : memref<2x!tpu.dma_semaphore, #tpu.memory_space<semaphore_mem>> -> memref<1x!tpu.dma_semaphore, #tpu.memory_space<semaphore_mem>>
    %dma_wait3A_639 = tpu.memref_squeeze %dma_wait3A_638 : memref<1x!tpu.dma_semaphore, #tpu.memory_space<semaphore_mem>> -> memref<!tpu.dma_semaphore, #tpu.memory_space<semaphore_mem>>
    tpu.wait_indirect_dma semaphore(%dma_wait3A_639 : memref<!tpu.dma_semaphore, #tpu.memory_space<semaphore_mem>>) src(%dma_wait3A_637 : memref<512x2048xf32, #tpu.memory_space<hbm>>) dst(%dma_wait3A_632 : memref<16x2048xf32, #tpu.memory_space<vmem>>)
    %add3A_640 = arith.constant 160 : i32
    %add3A_641 = arith.addi %mul3A_2, %add3A_640 : i32
    %dma_start3A_642 = arith.constant 0 : i32
    %dma_start3A_643 = arith.constant 0 : i32
    %dma_start3A_644 = arith.constant 0 : i32
    %dma_start3A_645 = arith.constant 0 : i32
    %dma_start3A_646 = tpu.memref_slice %arg6[%dma_start3A_642, %dma_start3A_644, %dma_start3A_645] : memref<2x16x2048xf32, #tpu.memory_space<vmem>> -> memref<1x16x2048xf32, #tpu.memory_space<vmem>>
    %dma_start3A_647 = tpu.memref_squeeze %dma_start3A_646 : memref<1x16x2048xf32, #tpu.memory_space<vmem>> -> memref<16x2048xf32, #tpu.memory_space<vmem>>
    %dma_start3A_648 = arith.constant 0 : i32
    %dma_start3A_649 = tpu.memref_slice %arg4[%add3A_641, %dma_start3A_648] : memref<16384x2048xf32, #tpu.memory_space<hbm>> -> memref<16x2048xf32, #tpu.memory_space<hbm>>
    %dma_start3A_650 = tpu.memref_slice %arg8[%dma_start3A_643] : memref<2x!tpu.dma_semaphore, #tpu.memory_space<semaphore_mem>> -> memref<1x!tpu.dma_semaphore, #tpu.memory_space<semaphore_mem>>
    %dma_start3A_651 = tpu.memref_squeeze %dma_start3A_650 : memref<1x!tpu.dma_semaphore, #tpu.memory_space<semaphore_mem>> -> memref<!tpu.dma_semaphore, #tpu.memory_space<semaphore_mem>>
    %dma_start3A_652 = arith.constant 0 : i32
    %dma_start3A_653 = tpu.memref_slice %arg4[%add3A_641, %dma_start3A_652] : memref<16384x2048xf32, #tpu.memory_space<hbm>> -> memref<16x2048xf32, #tpu.memory_space<hbm>>
    %dma_start3A_654 = arith.constant 0 : i32
    %dma_start3A_655 = arith.constant 0 : i32
    %dma_start3A_656 = tpu.memref_slice %arg6[%dma_start3A_642, %dma_start3A_654, %dma_start3A_655] : memref<2x16x2048xf32, #tpu.memory_space<vmem>> -> memref<1x16x2048xf32, #tpu.memory_space<vmem>>
    %dma_start3A_657 = tpu.memref_squeeze %dma_start3A_656 : memref<1x16x2048xf32, #tpu.memory_space<vmem>> -> memref<16x2048xf32, #tpu.memory_space<vmem>>
    tpu.enqueue_dma source(%dma_start3A_657 : memref<16x2048xf32, #tpu.memory_space<vmem>>) target(%dma_start3A_653 : memref<16x2048xf32, #tpu.memory_space<hbm>>) target_semaphore(%dma_start3A_651 : memref<!tpu.dma_semaphore, #tpu.memory_space<semaphore_mem>>)
    %dma_wait3A_658 = arith.constant 0 : i32
    %dma_wait3A_659 = arith.constant 0 : i32
    %dma_wait3A_660 = arith.constant 0 : i32
    %dma_wait3A_661 = arith.constant 0 : i32
    %dma_wait3A_662 = tpu.memref_slice %arg6[%dma_wait3A_658, %dma_wait3A_660, %dma_wait3A_661] : memref<2x16x2048xf32, #tpu.memory_space<vmem>> -> memref<1x16x2048xf32, #tpu.memory_space<vmem>>
    %dma_wait3A_663 = tpu.memref_squeeze %dma_wait3A_662 : memref<1x16x2048xf32, #tpu.memory_space<vmem>> -> memref<16x2048xf32, #tpu.memory_space<vmem>>
    %dma_wait3A_664 = arith.constant 0 : i32
    %dma_wait3A_665 = tpu.memref_slice %arg4[%add3A_641, %dma_wait3A_664] : memref<16384x2048xf32, #tpu.memory_space<hbm>> -> memref<16x2048xf32, #tpu.memory_space<hbm>>
    %dma_wait3A_666 = tpu.memref_slice %arg8[%dma_wait3A_659] : memref<2x!tpu.dma_semaphore, #tpu.memory_space<semaphore_mem>> -> memref<1x!tpu.dma_semaphore, #tpu.memory_space<semaphore_mem>>
    %dma_wait3A_667 = tpu.memref_squeeze %dma_wait3A_666 : memref<1x!tpu.dma_semaphore, #tpu.memory_space<semaphore_mem>> -> memref<!tpu.dma_semaphore, #tpu.memory_space<semaphore_mem>>
    %dma_wait3A_668 = arith.constant 0 : i32
    %dma_wait3A_669 = tpu.memref_slice %arg4[%add3A_641, %dma_wait3A_668] : memref<16384x2048xf32, #tpu.memory_space<hbm>> -> memref<16x2048xf32, #tpu.memory_space<hbm>>
    %dma_wait3A_670 = arith.constant 0 : i32
    %dma_wait3A_671 = arith.constant 0 : i32
    %dma_wait3A_672 = tpu.memref_slice %arg6[%dma_wait3A_658, %dma_wait3A_670, %dma_wait3A_671] : memref<2x16x2048xf32, #tpu.memory_space<vmem>> -> memref<1x16x2048xf32, #tpu.memory_space<vmem>>
    %dma_wait3A_673 = tpu.memref_squeeze %dma_wait3A_672 : memref<1x16x2048xf32, #tpu.memory_space<vmem>> -> memref<16x2048xf32, #tpu.memory_space<vmem>>
    tpu.wait_dma2 semaphore(%dma_wait3A_667 : memref<!tpu.dma_semaphore, #tpu.memory_space<semaphore_mem>>) src(%dma_wait3A_673 : memref<16x2048xf32, #tpu.memory_space<vmem>>) dst(%dma_wait3A_669 : memref<16x2048xf32, #tpu.memory_space<hbm>>)
    %dma_start3A_674 = arith.constant 0 : i32
    %dma_start3A_675 = arith.constant 0 : i32
    %dma_start3A_676 = arith.constant 0 : i32
    %dma_start3A_677 = arith.constant 0 : i32
    %dma_start3A_678 = tpu.memref_slice %arg6[%dma_start3A_674, %dma_start3A_676, %dma_start3A_677] : memref<2x16x2048xf32, #tpu.memory_space<vmem>> -> memref<1x16x2048xf32, #tpu.memory_space<vmem>>
    %dma_start3A_679 = tpu.memref_squeeze %dma_start3A_678 : memref<1x16x2048xf32, #tpu.memory_space<vmem>> -> memref<16x2048xf32, #tpu.memory_space<vmem>>
    %dma_start3A_680 = arith.constant 192 : i32
    %dma_start3A_681 = tpu.memref_slice %arg5[%dma_start3A_680] : memref<512xi32, #tpu.memory_space<vmem>> -> memref<16xi32, #tpu.memory_space<vmem>>
    %dma_start3A_682 = arith.constant 0 : i32
    %dma_start3A_683 = arith.constant 0 : i32
    %dma_start3A_684 = tpu.memref_slice %arg3[%dma_start3A_682, %dma_start3A_683] : memref<512x2048xf32, #tpu.memory_space<hbm>> -> memref<512x2048xf32, #tpu.memory_space<hbm>>
    %dma_start3A_685 = tpu.memref_slice %arg7[%dma_start3A_675] : memref<2x!tpu.dma_semaphore, #tpu.memory_space<semaphore_mem>> -> memref<1x!tpu.dma_semaphore, #tpu.memory_space<semaphore_mem>>
    %dma_start3A_686 = tpu.memref_squeeze %dma_start3A_685 : memref<1x!tpu.dma_semaphore, #tpu.memory_space<semaphore_mem>> -> memref<!tpu.dma_semaphore, #tpu.memory_space<semaphore_mem>>
    tpu.enqueue_indirect_dma source(%dma_start3A_684 : memref<512x2048xf32, #tpu.memory_space<hbm>>) target(%dma_start3A_679 : memref<16x2048xf32, #tpu.memory_space<vmem>>) offsets(%dma_start3A_681 : memref<16xi32, #tpu.memory_space<vmem>>) semaphore(%dma_start3A_686 : memref<!tpu.dma_semaphore, #tpu.memory_space<semaphore_mem>>)
    %dma_wait3A_687 = arith.constant 1 : i32
    %dma_wait3A_688 = arith.constant 1 : i32
    %dma_wait3A_689 = arith.constant 0 : i32
    %dma_wait3A_690 = arith.constant 0 : i32
    %dma_wait3A_691 = tpu.memref_slice %arg6[%dma_wait3A_687, %dma_wait3A_689, %dma_wait3A_690] : memref<2x16x2048xf32, #tpu.memory_space<vmem>> -> memref<1x16x2048xf32, #tpu.memory_space<vmem>>
    %dma_wait3A_692 = tpu.memref_squeeze %dma_wait3A_691 : memref<1x16x2048xf32, #tpu.memory_space<vmem>> -> memref<16x2048xf32, #tpu.memory_space<vmem>>
    %dma_wait3A_693 = arith.constant 176 : i32
    %dma_wait3A_694 = tpu.memref_slice %arg5[%dma_wait3A_693] : memref<512xi32, #tpu.memory_space<vmem>> -> memref<16xi32, #tpu.memory_space<vmem>>
    %dma_wait3A_695 = arith.constant 0 : i32
    %dma_wait3A_696 = arith.constant 0 : i32
    %dma_wait3A_697 = tpu.memref_slice %arg3[%dma_wait3A_695, %dma_wait3A_696] : memref<512x2048xf32, #tpu.memory_space<hbm>> -> memref<512x2048xf32, #tpu.memory_space<hbm>>
    %dma_wait3A_698 = tpu.memref_slice %arg7[%dma_wait3A_688] : memref<2x!tpu.dma_semaphore, #tpu.memory_space<semaphore_mem>> -> memref<1x!tpu.dma_semaphore, #tpu.memory_space<semaphore_mem>>
    %dma_wait3A_699 = tpu.memref_squeeze %dma_wait3A_698 : memref<1x!tpu.dma_semaphore, #tpu.memory_space<semaphore_mem>> -> memref<!tpu.dma_semaphore, #tpu.memory_space<semaphore_mem>>
    tpu.wait_indirect_dma semaphore(%dma_wait3A_699 : memref<!tpu.dma_semaphore, #tpu.memory_space<semaphore_mem>>) src(%dma_wait3A_697 : memref<512x2048xf32, #tpu.memory_space<hbm>>) dst(%dma_wait3A_692 : memref<16x2048xf32, #tpu.memory_space<vmem>>)
    %add3A_700 = arith.constant 176 : i32
    %add3A_701 = arith.addi %mul3A_2, %add3A_700 : i32
    %dma_start3A_702 = arith.constant 1 : i32
    %dma_start3A_703 = arith.constant 1 : i32
    %dma_start3A_704 = arith.constant 0 : i32
    %dma_start3A_705 = arith.constant 0 : i32
    %dma_start3A_706 = tpu.memref_slice %arg6[%dma_start3A_702, %dma_start3A_704, %dma_start3A_705] : memref<2x16x2048xf32, #tpu.memory_space<vmem>> -> memref<1x16x2048xf32, #tpu.memory_space<vmem>>
    %dma_start3A_707 = tpu.memref_squeeze %dma_start3A_706 : memref<1x16x2048xf32, #tpu.memory_space<vmem>> -> memref<16x2048xf32, #tpu.memory_space<vmem>>
    %dma_start3A_708 = arith.constant 0 : i32
    %dma_start3A_709 = tpu.memref_slice %arg4[%add3A_701, %dma_start3A_708] : memref<16384x2048xf32, #tpu.memory_space<hbm>> -> memref<16x2048xf32, #tpu.memory_space<hbm>>
    %dma_start3A_710 = tpu.memref_slice %arg8[%dma_start3A_703] : memref<2x!tpu.dma_semaphore, #tpu.memory_space<semaphore_mem>> -> memref<1x!tpu.dma_semaphore, #tpu.memory_space<semaphore_mem>>
    %dma_start3A_711 = tpu.memref_squeeze %dma_start3A_710 : memref<1x!tpu.dma_semaphore, #tpu.memory_space<semaphore_mem>> -> memref<!tpu.dma_semaphore, #tpu.memory_space<semaphore_mem>>
    %dma_start3A_712 = arith.constant 0 : i32
    %dma_start3A_713 = tpu.memref_slice %arg4[%add3A_701, %dma_start3A_712] : memref<16384x2048xf32, #tpu.memory_space<hbm>> -> memref<16x2048xf32, #tpu.memory_space<hbm>>
    %dma_start3A_714 = arith.constant 0 : i32
    %dma_start3A_715 = arith.constant 0 : i32
    %dma_start3A_716 = tpu.memref_slice %arg6[%dma_start3A_702, %dma_start3A_714, %dma_start3A_715] : memref<2x16x2048xf32, #tpu.memory_space<vmem>> -> memref<1x16x2048xf32, #tpu.memory_space<vmem>>
    %dma_start3A_717 = tpu.memref_squeeze %dma_start3A_716 : memref<1x16x2048xf32, #tpu.memory_space<vmem>> -> memref<16x2048xf32, #tpu.memory_space<vmem>>
    tpu.enqueue_dma source(%dma_start3A_717 : memref<16x2048xf32, #tpu.memory_space<vmem>>) target(%dma_start3A_713 : memref<16x2048xf32, #tpu.memory_space<hbm>>) target_semaphore(%dma_start3A_711 : memref<!tpu.dma_semaphore, #tpu.memory_space<semaphore_mem>>)
    %dma_wait3A_718 = arith.constant 1 : i32
    %dma_wait3A_719 = arith.constant 1 : i32
    %dma_wait3A_720 = arith.constant 0 : i32
    %dma_wait3A_721 = arith.constant 0 : i32
    %dma_wait3A_722 = tpu.memref_slice %arg6[%dma_wait3A_718, %dma_wait3A_720, %dma_wait3A_721] : memref<2x16x2048xf32, #tpu.memory_space<vmem>> -> memref<1x16x2048xf32, #tpu.memory_space<vmem>>
    %dma_wait3A_723 = tpu.memref_squeeze %dma_wait3A_722 : memref<1x16x2048xf32, #tpu.memory_space<vmem>> -> memref<16x2048xf32, #tpu.memory_space<vmem>>
    %dma_wait3A_724 = arith.constant 0 : i32
    %dma_wait3A_725 = tpu.memref_slice %arg4[%add3A_701, %dma_wait3A_724] : memref<16384x2048xf32, #tpu.memory_space<hbm>> -> memref<16x2048xf32, #tpu.memory_space<hbm>>
    %dma_wait3A_726 = tpu.memref_slice %arg8[%dma_wait3A_719] : memref<2x!tpu.dma_semaphore, #tpu.memory_space<semaphore_mem>> -> memref<1x!tpu.dma_semaphore, #tpu.memory_space<semaphore_mem>>
    %dma_wait3A_727 = tpu.memref_squeeze %dma_wait3A_726 : memref<1x!tpu.dma_semaphore, #tpu.memory_space<semaphore_mem>> -> memref<!tpu.dma_semaphore, #tpu.memory_space<semaphore_mem>>
    %dma_wait3A_728 = arith.constant 0 : i32
    %dma_wait3A_729 = tpu.memref_slice %arg4[%add3A_701, %dma_wait3A_728] : memref<16384x2048xf32, #tpu.memory_space<hbm>> -> memref<16x2048xf32, #tpu.memory_space<hbm>>
    %dma_wait3A_730 = arith.constant 0 : i32
    %dma_wait3A_731 = arith.constant 0 : i32
    %dma_wait3A_732 = tpu.memref_slice %arg6[%dma_wait3A_718, %dma_wait3A_730, %dma_wait3A_731] : memref<2x16x2048xf32, #tpu.memory_space<vmem>> -> memref<1x16x2048xf32, #tpu.memory_space<vmem>>
    %dma_wait3A_733 = tpu.memref_squeeze %dma_wait3A_732 : memref<1x16x2048xf32, #tpu.memory_space<vmem>> -> memref<16x2048xf32, #tpu.memory_space<vmem>>
    tpu.wait_dma2 semaphore(%dma_wait3A_727 : memref<!tpu.dma_semaphore, #tpu.memory_space<semaphore_mem>>) src(%dma_wait3A_733 : memref<16x2048xf32, #tpu.memory_space<vmem>>) dst(%dma_wait3A_729 : memref<16x2048xf32, #tpu.memory_space<hbm>>)
    %dma_start3A_734 = arith.constant 1 : i32
    %dma_start3A_735 = arith.constant 1 : i32
    %dma_start3A_736 = arith.constant 0 : i32
    %dma_start3A_737 = arith.constant 0 : i32
    %dma_start3A_738 = tpu.memref_slice %arg6[%dma_start3A_734, %dma_start3A_736, %dma_start3A_737] : memref<2x16x2048xf32, #tpu.memory_space<vmem>> -> memref<1x16x2048xf32, #tpu.memory_space<vmem>>
    %dma_start3A_739 = tpu.memref_squeeze %dma_start3A_738 : memref<1x16x2048xf32, #tpu.memory_space<vmem>> -> memref<16x2048xf32, #tpu.memory_space<vmem>>
    %dma_start3A_740 = arith.constant 208 : i32
    %dma_start3A_741 = tpu.memref_slice %arg5[%dma_start3A_740] : memref<512xi32, #tpu.memory_space<vmem>> -> memref<16xi32, #tpu.memory_space<vmem>>
    %dma_start3A_742 = arith.constant 0 : i32
    %dma_start3A_743 = arith.constant 0 : i32
    %dma_start3A_744 = tpu.memref_slice %arg3[%dma_start3A_742, %dma_start3A_743] : memref<512x2048xf32, #tpu.memory_space<hbm>> -> memref<512x2048xf32, #tpu.memory_space<hbm>>
    %dma_start3A_745 = tpu.memref_slice %arg7[%dma_start3A_735] : memref<2x!tpu.dma_semaphore, #tpu.memory_space<semaphore_mem>> -> memref<1x!tpu.dma_semaphore, #tpu.memory_space<semaphore_mem>>
    %dma_start3A_746 = tpu.memref_squeeze %dma_start3A_745 : memref<1x!tpu.dma_semaphore, #tpu.memory_space<semaphore_mem>> -> memref<!tpu.dma_semaphore, #tpu.memory_space<semaphore_mem>>
    tpu.enqueue_indirect_dma source(%dma_start3A_744 : memref<512x2048xf32, #tpu.memory_space<hbm>>) target(%dma_start3A_739 : memref<16x2048xf32, #tpu.memory_space<vmem>>) offsets(%dma_start3A_741 : memref<16xi32, #tpu.memory_space<vmem>>) semaphore(%dma_start3A_746 : memref<!tpu.dma_semaphore, #tpu.memory_space<semaphore_mem>>)
    %dma_wait3A_747 = arith.constant 0 : i32
    %dma_wait3A_748 = arith.constant 0 : i32
    %dma_wait3A_749 = arith.constant 0 : i32
    %dma_wait3A_750 = arith.constant 0 : i32
    %dma_wait3A_751 = tpu.memref_slice %arg6[%dma_wait3A_747, %dma_wait3A_749, %dma_wait3A_750] : memref<2x16x2048xf32, #tpu.memory_space<vmem>> -> memref<1x16x2048xf32, #tpu.memory_space<vmem>>
    %dma_wait3A_752 = tpu.memref_squeeze %dma_wait3A_751 : memref<1x16x2048xf32, #tpu.memory_space<vmem>> -> memref<16x2048xf32, #tpu.memory_space<vmem>>
    %dma_wait3A_753 = arith.constant 192 : i32
    %dma_wait3A_754 = tpu.memref_slice %arg5[%dma_wait3A_753] : memref<512xi32, #tpu.memory_space<vmem>> -> memref<16xi32, #tpu.memory_space<vmem>>
    %dma_wait3A_755 = arith.constant 0 : i32
    %dma_wait3A_756 = arith.constant 0 : i32
    %dma_wait3A_757 = tpu.memref_slice %arg3[%dma_wait3A_755, %dma_wait3A_756] : memref<512x2048xf32, #tpu.memory_space<hbm>> -> memref<512x2048xf32, #tpu.memory_space<hbm>>
    %dma_wait3A_758 = tpu.memref_slice %arg7[%dma_wait3A_748] : memref<2x!tpu.dma_semaphore, #tpu.memory_space<semaphore_mem>> -> memref<1x!tpu.dma_semaphore, #tpu.memory_space<semaphore_mem>>
    %dma_wait3A_759 = tpu.memref_squeeze %dma_wait3A_758 : memref<1x!tpu.dma_semaphore, #tpu.memory_space<semaphore_mem>> -> memref<!tpu.dma_semaphore, #tpu.memory_space<semaphore_mem>>
    tpu.wait_indirect_dma semaphore(%dma_wait3A_759 : memref<!tpu.dma_semaphore, #tpu.memory_space<semaphore_mem>>) src(%dma_wait3A_757 : memref<512x2048xf32, #tpu.memory_space<hbm>>) dst(%dma_wait3A_752 : memref<16x2048xf32, #tpu.memory_space<vmem>>)
    %add3A_760 = arith.constant 192 : i32
    %add3A_761 = arith.addi %mul3A_2, %add3A_760 : i32
    %dma_start3A_762 = arith.constant 0 : i32
    %dma_start3A_763 = arith.constant 0 : i32
    %dma_start3A_764 = arith.constant 0 : i32
    %dma_start3A_765 = arith.constant 0 : i32
    %dma_start3A_766 = tpu.memref_slice %arg6[%dma_start3A_762, %dma_start3A_764, %dma_start3A_765] : memref<2x16x2048xf32, #tpu.memory_space<vmem>> -> memref<1x16x2048xf32, #tpu.memory_space<vmem>>
    %dma_start3A_767 = tpu.memref_squeeze %dma_start3A_766 : memref<1x16x2048xf32, #tpu.memory_space<vmem>> -> memref<16x2048xf32, #tpu.memory_space<vmem>>
    %dma_start3A_768 = arith.constant 0 : i32
    %dma_start3A_769 = tpu.memref_slice %arg4[%add3A_761, %dma_start3A_768] : memref<16384x2048xf32, #tpu.memory_space<hbm>> -> memref<16x2048xf32, #tpu.memory_space<hbm>>
    %dma_start3A_770 = tpu.memref_slice %arg8[%dma_start3A_763] : memref<2x!tpu.dma_semaphore, #tpu.memory_space<semaphore_mem>> -> memref<1x!tpu.dma_semaphore, #tpu.memory_space<semaphore_mem>>
    %dma_start3A_771 = tpu.memref_squeeze %dma_start3A_770 : memref<1x!tpu.dma_semaphore, #tpu.memory_space<semaphore_mem>> -> memref<!tpu.dma_semaphore, #tpu.memory_space<semaphore_mem>>
    %dma_start3A_772 = arith.constant 0 : i32
    %dma_start3A_773 = tpu.memref_slice %arg4[%add3A_761, %dma_start3A_772] : memref<16384x2048xf32, #tpu.memory_space<hbm>> -> memref<16x2048xf32, #tpu.memory_space<hbm>>
    %dma_start3A_774 = arith.constant 0 : i32
    %dma_start3A_775 = arith.constant 0 : i32
    %dma_start3A_776 = tpu.memref_slice %arg6[%dma_start3A_762, %dma_start3A_774, %dma_start3A_775] : memref<2x16x2048xf32, #tpu.memory_space<vmem>> -> memref<1x16x2048xf32, #tpu.memory_space<vmem>>
    %dma_start3A_777 = tpu.memref_squeeze %dma_start3A_776 : memref<1x16x2048xf32, #tpu.memory_space<vmem>> -> memref<16x2048xf32, #tpu.memory_space<vmem>>
    tpu.enqueue_dma source(%dma_start3A_777 : memref<16x2048xf32, #tpu.memory_space<vmem>>) target(%dma_start3A_773 : memref<16x2048xf32, #tpu.memory_space<hbm>>) target_semaphore(%dma_start3A_771 : memref<!tpu.dma_semaphore, #tpu.memory_space<semaphore_mem>>)
    %dma_wait3A_778 = arith.constant 0 : i32
    %dma_wait3A_779 = arith.constant 0 : i32
    %dma_wait3A_780 = arith.constant 0 : i32
    %dma_wait3A_781 = arith.constant 0 : i32
    %dma_wait3A_782 = tpu.memref_slice %arg6[%dma_wait3A_778, %dma_wait3A_780, %dma_wait3A_781] : memref<2x16x2048xf32, #tpu.memory_space<vmem>> -> memref<1x16x2048xf32, #tpu.memory_space<vmem>>
    %dma_wait3A_783 = tpu.memref_squeeze %dma_wait3A_782 : memref<1x16x2048xf32, #tpu.memory_space<vmem>> -> memref<16x2048xf32, #tpu.memory_space<vmem>>
    %dma_wait3A_784 = arith.constant 0 : i32
    %dma_wait3A_785 = tpu.memref_slice %arg4[%add3A_761, %dma_wait3A_784] : memref<16384x2048xf32, #tpu.memory_space<hbm>> -> memref<16x2048xf32, #tpu.memory_space<hbm>>
    %dma_wait3A_786 = tpu.memref_slice %arg8[%dma_wait3A_779] : memref<2x!tpu.dma_semaphore, #tpu.memory_space<semaphore_mem>> -> memref<1x!tpu.dma_semaphore, #tpu.memory_space<semaphore_mem>>
    %dma_wait3A_787 = tpu.memref_squeeze %dma_wait3A_786 : memref<1x!tpu.dma_semaphore, #tpu.memory_space<semaphore_mem>> -> memref<!tpu.dma_semaphore, #tpu.memory_space<semaphore_mem>>
    %dma_wait3A_788 = arith.constant 0 : i32
    %dma_wait3A_789 = tpu.memref_slice %arg4[%add3A_761, %dma_wait3A_788] : memref<16384x2048xf32, #tpu.memory_space<hbm>> -> memref<16x2048xf32, #tpu.memory_space<hbm>>
    %dma_wait3A_790 = arith.constant 0 : i32
    %dma_wait3A_791 = arith.constant 0 : i32
    %dma_wait3A_792 = tpu.memref_slice %arg6[%dma_wait3A_778, %dma_wait3A_790, %dma_wait3A_791] : memref<2x16x2048xf32, #tpu.memory_space<vmem>> -> memref<1x16x2048xf32, #tpu.memory_space<vmem>>
    %dma_wait3A_793 = tpu.memref_squeeze %dma_wait3A_792 : memref<1x16x2048xf32, #tpu.memory_space<vmem>> -> memref<16x2048xf32, #tpu.memory_space<vmem>>
    tpu.wait_dma2 semaphore(%dma_wait3A_787 : memref<!tpu.dma_semaphore, #tpu.memory_space<semaphore_mem>>) src(%dma_wait3A_793 : memref<16x2048xf32, #tpu.memory_space<vmem>>) dst(%dma_wait3A_789 : memref<16x2048xf32, #tpu.memory_space<hbm>>)
    %dma_start3A_794 = arith.constant 0 : i32
    %dma_start3A_795 = arith.constant 0 : i32
    %dma_start3A_796 = arith.constant 0 : i32
    %dma_start3A_797 = arith.constant 0 : i32
    %dma_start3A_798 = tpu.memref_slice %arg6[%dma_start3A_794, %dma_start3A_796, %dma_start3A_797] : memref<2x16x2048xf32, #tpu.memory_space<vmem>> -> memref<1x16x2048xf32, #tpu.memory_space<vmem>>
    %dma_start3A_799 = tpu.memref_squeeze %dma_start3A_798 : memref<1x16x2048xf32, #tpu.memory_space<vmem>> -> memref<16x2048xf32, #tpu.memory_space<vmem>>
    %dma_start3A_800 = arith.constant 224 : i32
    %dma_start3A_801 = tpu.memref_slice %arg5[%dma_start3A_800] : memref<512xi32, #tpu.memory_space<vmem>> -> memref<16xi32, #tpu.memory_space<vmem>>
    %dma_start3A_802 = arith.constant 0 : i32
    %dma_start3A_803 = arith.constant 0 : i32
    %dma_start3A_804 = tpu.memref_slice %arg3[%dma_start3A_802, %dma_start3A_803] : memref<512x2048xf32, #tpu.memory_space<hbm>> -> memref<512x2048xf32, #tpu.memory_space<hbm>>
    %dma_start3A_805 = tpu.memref_slice %arg7[%dma_start3A_795] : memref<2x!tpu.dma_semaphore, #tpu.memory_space<semaphore_mem>> -> memref<1x!tpu.dma_semaphore, #tpu.memory_space<semaphore_mem>>
    %dma_start3A_806 = tpu.memref_squeeze %dma_start3A_805 : memref<1x!tpu.dma_semaphore, #tpu.memory_space<semaphore_mem>> -> memref<!tpu.dma_semaphore, #tpu.memory_space<semaphore_mem>>
    tpu.enqueue_indirect_dma source(%dma_start3A_804 : memref<512x2048xf32, #tpu.memory_space<hbm>>) target(%dma_start3A_799 : memref<16x2048xf32, #tpu.memory_space<vmem>>) offsets(%dma_start3A_801 : memref<16xi32, #tpu.memory_space<vmem>>) semaphore(%dma_start3A_806 : memref<!tpu.dma_semaphore, #tpu.memory_space<semaphore_mem>>)
    %dma_wait3A_807 = arith.constant 1 : i32
    %dma_wait3A_808 = arith.constant 1 : i32
    %dma_wait3A_809 = arith.constant 0 : i32
    %dma_wait3A_810 = arith.constant 0 : i32
    %dma_wait3A_811 = tpu.memref_slice %arg6[%dma_wait3A_807, %dma_wait3A_809, %dma_wait3A_810] : memref<2x16x2048xf32, #tpu.memory_space<vmem>> -> memref<1x16x2048xf32, #tpu.memory_space<vmem>>
    %dma_wait3A_812 = tpu.memref_squeeze %dma_wait3A_811 : memref<1x16x2048xf32, #tpu.memory_space<vmem>> -> memref<16x2048xf32, #tpu.memory_space<vmem>>
    %dma_wait3A_813 = arith.constant 208 : i32
    %dma_wait3A_814 = tpu.memref_slice %arg5[%dma_wait3A_813] : memref<512xi32, #tpu.memory_space<vmem>> -> memref<16xi32, #tpu.memory_space<vmem>>
    %dma_wait3A_815 = arith.constant 0 : i32
    %dma_wait3A_816 = arith.constant 0 : i32
    %dma_wait3A_817 = tpu.memref_slice %arg3[%dma_wait3A_815, %dma_wait3A_816] : memref<512x2048xf32, #tpu.memory_space<hbm>> -> memref<512x2048xf32, #tpu.memory_space<hbm>>
    %dma_wait3A_818 = tpu.memref_slice %arg7[%dma_wait3A_808] : memref<2x!tpu.dma_semaphore, #tpu.memory_space<semaphore_mem>> -> memref<1x!tpu.dma_semaphore, #tpu.memory_space<semaphore_mem>>
    %dma_wait3A_819 = tpu.memref_squeeze %dma_wait3A_818 : memref<1x!tpu.dma_semaphore, #tpu.memory_space<semaphore_mem>> -> memref<!tpu.dma_semaphore, #tpu.memory_space<semaphore_mem>>
    tpu.wait_indirect_dma semaphore(%dma_wait3A_819 : memref<!tpu.dma_semaphore, #tpu.memory_space<semaphore_mem>>) src(%dma_wait3A_817 : memref<512x2048xf32, #tpu.memory_space<hbm>>) dst(%dma_wait3A_812 : memref<16x2048xf32, #tpu.memory_space<vmem>>)
    %add3A_820 = arith.constant 208 : i32
    %add3A_821 = arith.addi %mul3A_2, %add3A_820 : i32
    %dma_start3A_822 = arith.constant 1 : i32
    %dma_start3A_823 = arith.constant 1 : i32
    %dma_start3A_824 = arith.constant 0 : i32
    %dma_start3A_825 = arith.constant 0 : i32
    %dma_start3A_826 = tpu.memref_slice %arg6[%dma_start3A_822, %dma_start3A_824, %dma_start3A_825] : memref<2x16x2048xf32, #tpu.memory_space<vmem>> -> memref<1x16x2048xf32, #tpu.memory_space<vmem>>
    %dma_start3A_827 = tpu.memref_squeeze %dma_start3A_826 : memref<1x16x2048xf32, #tpu.memory_space<vmem>> -> memref<16x2048xf32, #tpu.memory_space<vmem>>
    %dma_start3A_828 = arith.constant 0 : i32
    %dma_start3A_829 = tpu.memref_slice %arg4[%add3A_821, %dma_start3A_828] : memref<16384x2048xf32, #tpu.memory_space<hbm>> -> memref<16x2048xf32, #tpu.memory_space<hbm>>
    %dma_start3A_830 = tpu.memref_slice %arg8[%dma_start3A_823] : memref<2x!tpu.dma_semaphore, #tpu.memory_space<semaphore_mem>> -> memref<1x!tpu.dma_semaphore, #tpu.memory_space<semaphore_mem>>
    %dma_start3A_831 = tpu.memref_squeeze %dma_start3A_830 : memref<1x!tpu.dma_semaphore, #tpu.memory_space<semaphore_mem>> -> memref<!tpu.dma_semaphore, #tpu.memory_space<semaphore_mem>>
    %dma_start3A_832 = arith.constant 0 : i32
    %dma_start3A_833 = tpu.memref_slice %arg4[%add3A_821, %dma_start3A_832] : memref<16384x2048xf32, #tpu.memory_space<hbm>> -> memref<16x2048xf32, #tpu.memory_space<hbm>>
    %dma_start3A_834 = arith.constant 0 : i32
    %dma_start3A_835 = arith.constant 0 : i32
    %dma_start3A_836 = tpu.memref_slice %arg6[%dma_start3A_822, %dma_start3A_834, %dma_start3A_835] : memref<2x16x2048xf32, #tpu.memory_space<vmem>> -> memref<1x16x2048xf32, #tpu.memory_space<vmem>>
    %dma_start3A_837 = tpu.memref_squeeze %dma_start3A_836 : memref<1x16x2048xf32, #tpu.memory_space<vmem>> -> memref<16x2048xf32, #tpu.memory_space<vmem>>
    tpu.enqueue_dma source(%dma_start3A_837 : memref<16x2048xf32, #tpu.memory_space<vmem>>) target(%dma_start3A_833 : memref<16x2048xf32, #tpu.memory_space<hbm>>) target_semaphore(%dma_start3A_831 : memref<!tpu.dma_semaphore, #tpu.memory_space<semaphore_mem>>)
    %dma_wait3A_838 = arith.constant 1 : i32
    %dma_wait3A_839 = arith.constant 1 : i32
    %dma_wait3A_840 = arith.constant 0 : i32
    %dma_wait3A_841 = arith.constant 0 : i32
    %dma_wait3A_842 = tpu.memref_slice %arg6[%dma_wait3A_838, %dma_wait3A_840, %dma_wait3A_841] : memref<2x16x2048xf32, #tpu.memory_space<vmem>> -> memref<1x16x2048xf32, #tpu.memory_space<vmem>>
    %dma_wait3A_843 = tpu.memref_squeeze %dma_wait3A_842 : memref<1x16x2048xf32, #tpu.memory_space<vmem>> -> memref<16x2048xf32, #tpu.memory_space<vmem>>
    %dma_wait3A_844 = arith.constant 0 : i32
    %dma_wait3A_845 = tpu.memref_slice %arg4[%add3A_821, %dma_wait3A_844] : memref<16384x2048xf32, #tpu.memory_space<hbm>> -> memref<16x2048xf32, #tpu.memory_space<hbm>>
    %dma_wait3A_846 = tpu.memref_slice %arg8[%dma_wait3A_839] : memref<2x!tpu.dma_semaphore, #tpu.memory_space<semaphore_mem>> -> memref<1x!tpu.dma_semaphore, #tpu.memory_space<semaphore_mem>>
    %dma_wait3A_847 = tpu.memref_squeeze %dma_wait3A_846 : memref<1x!tpu.dma_semaphore, #tpu.memory_space<semaphore_mem>> -> memref<!tpu.dma_semaphore, #tpu.memory_space<semaphore_mem>>
    %dma_wait3A_848 = arith.constant 0 : i32
    %dma_wait3A_849 = tpu.memref_slice %arg4[%add3A_821, %dma_wait3A_848] : memref<16384x2048xf32, #tpu.memory_space<hbm>> -> memref<16x2048xf32, #tpu.memory_space<hbm>>
    %dma_wait3A_850 = arith.constant 0 : i32
    %dma_wait3A_851 = arith.constant 0 : i32
    %dma_wait3A_852 = tpu.memref_slice %arg6[%dma_wait3A_838, %dma_wait3A_850, %dma_wait3A_851] : memref<2x16x2048xf32, #tpu.memory_space<vmem>> -> memref<1x16x2048xf32, #tpu.memory_space<vmem>>
    %dma_wait3A_853 = tpu.memref_squeeze %dma_wait3A_852 : memref<1x16x2048xf32, #tpu.memory_space<vmem>> -> memref<16x2048xf32, #tpu.memory_space<vmem>>
    tpu.wait_dma2 semaphore(%dma_wait3A_847 : memref<!tpu.dma_semaphore, #tpu.memory_space<semaphore_mem>>) src(%dma_wait3A_853 : memref<16x2048xf32, #tpu.memory_space<vmem>>) dst(%dma_wait3A_849 : memref<16x2048xf32, #tpu.memory_space<hbm>>)
    %dma_start3A_854 = arith.constant 1 : i32
    %dma_start3A_855 = arith.constant 1 : i32
    %dma_start3A_856 = arith.constant 0 : i32
    %dma_start3A_857 = arith.constant 0 : i32
    %dma_start3A_858 = tpu.memref_slice %arg6[%dma_start3A_854, %dma_start3A_856, %dma_start3A_857] : memref<2x16x2048xf32, #tpu.memory_space<vmem>> -> memref<1x16x2048xf32, #tpu.memory_space<vmem>>
    %dma_start3A_859 = tpu.memref_squeeze %dma_start3A_858 : memref<1x16x2048xf32, #tpu.memory_space<vmem>> -> memref<16x2048xf32, #tpu.memory_space<vmem>>
    %dma_start3A_860 = arith.constant 240 : i32
    %dma_start3A_861 = tpu.memref_slice %arg5[%dma_start3A_860] : memref<512xi32, #tpu.memory_space<vmem>> -> memref<16xi32, #tpu.memory_space<vmem>>
    %dma_start3A_862 = arith.constant 0 : i32
    %dma_start3A_863 = arith.constant 0 : i32
    %dma_start3A_864 = tpu.memref_slice %arg3[%dma_start3A_862, %dma_start3A_863] : memref<512x2048xf32, #tpu.memory_space<hbm>> -> memref<512x2048xf32, #tpu.memory_space<hbm>>
    %dma_start3A_865 = tpu.memref_slice %arg7[%dma_start3A_855] : memref<2x!tpu.dma_semaphore, #tpu.memory_space<semaphore_mem>> -> memref<1x!tpu.dma_semaphore, #tpu.memory_space<semaphore_mem>>
    %dma_start3A_866 = tpu.memref_squeeze %dma_start3A_865 : memref<1x!tpu.dma_semaphore, #tpu.memory_space<semaphore_mem>> -> memref<!tpu.dma_semaphore, #tpu.memory_space<semaphore_mem>>
    tpu.enqueue_indirect_dma source(%dma_start3A_864 : memref<512x2048xf32, #tpu.memory_space<hbm>>) target(%dma_start3A_859 : memref<16x2048xf32, #tpu.memory_space<vmem>>) offsets(%dma_start3A_861 : memref<16xi32, #tpu.memory_space<vmem>>) semaphore(%dma_start3A_866 : memref<!tpu.dma_semaphore, #tpu.memory_space<semaphore_mem>>)
    %dma_wait3A_867 = arith.constant 0 : i32
    %dma_wait3A_868 = arith.constant 0 : i32
    %dma_wait3A_869 = arith.constant 0 : i32
    %dma_wait3A_870 = arith.constant 0 : i32
    %dma_wait3A_871 = tpu.memref_slice %arg6[%dma_wait3A_867, %dma_wait3A_869, %dma_wait3A_870] : memref<2x16x2048xf32, #tpu.memory_space<vmem>> -> memref<1x16x2048xf32, #tpu.memory_space<vmem>>
    %dma_wait3A_872 = tpu.memref_squeeze %dma_wait3A_871 : memref<1x16x2048xf32, #tpu.memory_space<vmem>> -> memref<16x2048xf32, #tpu.memory_space<vmem>>
    %dma_wait3A_873 = arith.constant 224 : i32
    %dma_wait3A_874 = tpu.memref_slice %arg5[%dma_wait3A_873] : memref<512xi32, #tpu.memory_space<vmem>> -> memref<16xi32, #tpu.memory_space<vmem>>
    %dma_wait3A_875 = arith.constant 0 : i32
    %dma_wait3A_876 = arith.constant 0 : i32
    %dma_wait3A_877 = tpu.memref_slice %arg3[%dma_wait3A_875, %dma_wait3A_876] : memref<512x2048xf32, #tpu.memory_space<hbm>> -> memref<512x2048xf32, #tpu.memory_space<hbm>>
    %dma_wait3A_878 = tpu.memref_slice %arg7[%dma_wait3A_868] : memref<2x!tpu.dma_semaphore, #tpu.memory_space<semaphore_mem>> -> memref<1x!tpu.dma_semaphore, #tpu.memory_space<semaphore_mem>>
    %dma_wait3A_879 = tpu.memref_squeeze %dma_wait3A_878 : memref<1x!tpu.dma_semaphore, #tpu.memory_space<semaphore_mem>> -> memref<!tpu.dma_semaphore, #tpu.memory_space<semaphore_mem>>
    tpu.wait_indirect_dma semaphore(%dma_wait3A_879 : memref<!tpu.dma_semaphore, #tpu.memory_space<semaphore_mem>>) src(%dma_wait3A_877 : memref<512x2048xf32, #tpu.memory_space<hbm>>) dst(%dma_wait3A_872 : memref<16x2048xf32, #tpu.memory_space<vmem>>)
    %add3A_880 = arith.constant 224 : i32
    %add3A_881 = arith.addi %mul3A_2, %add3A_880 : i32
    %dma_start3A_882 = arith.constant 0 : i32
    %dma_start3A_883 = arith.constant 0 : i32
    %dma_start3A_884 = arith.constant 0 : i32
    %dma_start3A_885 = arith.constant 0 : i32
    %dma_start3A_886 = tpu.memref_slice %arg6[%dma_start3A_882, %dma_start3A_884, %dma_start3A_885] : memref<2x16x2048xf32, #tpu.memory_space<vmem>> -> memref<1x16x2048xf32, #tpu.memory_space<vmem>>
    %dma_start3A_887 = tpu.memref_squeeze %dma_start3A_886 : memref<1x16x2048xf32, #tpu.memory_space<vmem>> -> memref<16x2048xf32, #tpu.memory_space<vmem>>
    %dma_start3A_888 = arith.constant 0 : i32
    %dma_start3A_889 = tpu.memref_slice %arg4[%add3A_881, %dma_start3A_888] : memref<16384x2048xf32, #tpu.memory_space<hbm>> -> memref<16x2048xf32, #tpu.memory_space<hbm>>
    %dma_start3A_890 = tpu.memref_slice %arg8[%dma_start3A_883] : memref<2x!tpu.dma_semaphore, #tpu.memory_space<semaphore_mem>> -> memref<1x!tpu.dma_semaphore, #tpu.memory_space<semaphore_mem>>
    %dma_start3A_891 = tpu.memref_squeeze %dma_start3A_890 : memref<1x!tpu.dma_semaphore, #tpu.memory_space<semaphore_mem>> -> memref<!tpu.dma_semaphore, #tpu.memory_space<semaphore_mem>>
    %dma_start3A_892 = arith.constant 0 : i32
    %dma_start3A_893 = tpu.memref_slice %arg4[%add3A_881, %dma_start3A_892] : memref<16384x2048xf32, #tpu.memory_space<hbm>> -> memref<16x2048xf32, #tpu.memory_space<hbm>>
    %dma_start3A_894 = arith.constant 0 : i32
    %dma_start3A_895 = arith.constant 0 : i32
    %dma_start3A_896 = tpu.memref_slice %arg6[%dma_start3A_882, %dma_start3A_894, %dma_start3A_895] : memref<2x16x2048xf32, #tpu.memory_space<vmem>> -> memref<1x16x2048xf32, #tpu.memory_space<vmem>>
    %dma_start3A_897 = tpu.memref_squeeze %dma_start3A_896 : memref<1x16x2048xf32, #tpu.memory_space<vmem>> -> memref<16x2048xf32, #tpu.memory_space<vmem>>
    tpu.enqueue_dma source(%dma_start3A_897 : memref<16x2048xf32, #tpu.memory_space<vmem>>) target(%dma_start3A_893 : memref<16x2048xf32, #tpu.memory_space<hbm>>) target_semaphore(%dma_start3A_891 : memref<!tpu.dma_semaphore, #tpu.memory_space<semaphore_mem>>)
    %dma_wait3A_898 = arith.constant 0 : i32
    %dma_wait3A_899 = arith.constant 0 : i32
    %dma_wait3A_900 = arith.constant 0 : i32
    %dma_wait3A_901 = arith.constant 0 : i32
    %dma_wait3A_902 = tpu.memref_slice %arg6[%dma_wait3A_898, %dma_wait3A_900, %dma_wait3A_901] : memref<2x16x2048xf32, #tpu.memory_space<vmem>> -> memref<1x16x2048xf32, #tpu.memory_space<vmem>>
    %dma_wait3A_903 = tpu.memref_squeeze %dma_wait3A_902 : memref<1x16x2048xf32, #tpu.memory_space<vmem>> -> memref<16x2048xf32, #tpu.memory_space<vmem>>
    %dma_wait3A_904 = arith.constant 0 : i32
    %dma_wait3A_905 = tpu.memref_slice %arg4[%add3A_881, %dma_wait3A_904] : memref<16384x2048xf32, #tpu.memory_space<hbm>> -> memref<16x2048xf32, #tpu.memory_space<hbm>>
    %dma_wait3A_906 = tpu.memref_slice %arg8[%dma_wait3A_899] : memref<2x!tpu.dma_semaphore, #tpu.memory_space<semaphore_mem>> -> memref<1x!tpu.dma_semaphore, #tpu.memory_space<semaphore_mem>>
    %dma_wait3A_907 = tpu.memref_squeeze %dma_wait3A_906 : memref<1x!tpu.dma_semaphore, #tpu.memory_space<semaphore_mem>> -> memref<!tpu.dma_semaphore, #tpu.memory_space<semaphore_mem>>
    %dma_wait3A_908 = arith.constant 0 : i32
    %dma_wait3A_909 = tpu.memref_slice %arg4[%add3A_881, %dma_wait3A_908] : memref<16384x2048xf32, #tpu.memory_space<hbm>> -> memref<16x2048xf32, #tpu.memory_space<hbm>>
    %dma_wait3A_910 = arith.constant 0 : i32
    %dma_wait3A_911 = arith.constant 0 : i32
    %dma_wait3A_912 = tpu.memref_slice %arg6[%dma_wait3A_898, %dma_wait3A_910, %dma_wait3A_911] : memref<2x16x2048xf32, #tpu.memory_space<vmem>> -> memref<1x16x2048xf32, #tpu.memory_space<vmem>>
    %dma_wait3A_913 = tpu.memref_squeeze %dma_wait3A_912 : memref<1x16x2048xf32, #tpu.memory_space<vmem>> -> memref<16x2048xf32, #tpu.memory_space<vmem>>
    tpu.wait_dma2 semaphore(%dma_wait3A_907 : memref<!tpu.dma_semaphore, #tpu.memory_space<semaphore_mem>>) src(%dma_wait3A_913 : memref<16x2048xf32, #tpu.memory_space<vmem>>) dst(%dma_wait3A_909 : memref<16x2048xf32, #tpu.memory_space<hbm>>)
    %dma_start3A_914 = arith.constant 0 : i32
    %dma_start3A_915 = arith.constant 0 : i32
    %dma_start3A_916 = arith.constant 0 : i32
    %dma_start3A_917 = arith.constant 0 : i32
    %dma_start3A_918 = tpu.memref_slice %arg6[%dma_start3A_914, %dma_start3A_916, %dma_start3A_917] : memref<2x16x2048xf32, #tpu.memory_space<vmem>> -> memref<1x16x2048xf32, #tpu.memory_space<vmem>>
    %dma_start3A_919 = tpu.memref_squeeze %dma_start3A_918 : memref<1x16x2048xf32, #tpu.memory_space<vmem>> -> memref<16x2048xf32, #tpu.memory_space<vmem>>
    %dma_start3A_920 = arith.constant 256 : i32
    %dma_start3A_921 = tpu.memref_slice %arg5[%dma_start3A_920] : memref<512xi32, #tpu.memory_space<vmem>> -> memref<16xi32, #tpu.memory_space<vmem>>
    %dma_start3A_922 = arith.constant 0 : i32
    %dma_start3A_923 = arith.constant 0 : i32
    %dma_start3A_924 = tpu.memref_slice %arg3[%dma_start3A_922, %dma_start3A_923] : memref<512x2048xf32, #tpu.memory_space<hbm>> -> memref<512x2048xf32, #tpu.memory_space<hbm>>
    %dma_start3A_925 = tpu.memref_slice %arg7[%dma_start3A_915] : memref<2x!tpu.dma_semaphore, #tpu.memory_space<semaphore_mem>> -> memref<1x!tpu.dma_semaphore, #tpu.memory_space<semaphore_mem>>
    %dma_start3A_926 = tpu.memref_squeeze %dma_start3A_925 : memref<1x!tpu.dma_semaphore, #tpu.memory_space<semaphore_mem>> -> memref<!tpu.dma_semaphore, #tpu.memory_space<semaphore_mem>>
    tpu.enqueue_indirect_dma source(%dma_start3A_924 : memref<512x2048xf32, #tpu.memory_space<hbm>>) target(%dma_start3A_919 : memref<16x2048xf32, #tpu.memory_space<vmem>>) offsets(%dma_start3A_921 : memref<16xi32, #tpu.memory_space<vmem>>) semaphore(%dma_start3A_926 : memref<!tpu.dma_semaphore, #tpu.memory_space<semaphore_mem>>)
    %dma_wait3A_927 = arith.constant 1 : i32
    %dma_wait3A_928 = arith.constant 1 : i32
    %dma_wait3A_929 = arith.constant 0 : i32
    %dma_wait3A_930 = arith.constant 0 : i32
    %dma_wait3A_931 = tpu.memref_slice %arg6[%dma_wait3A_927, %dma_wait3A_929, %dma_wait3A_930] : memref<2x16x2048xf32, #tpu.memory_space<vmem>> -> memref<1x16x2048xf32, #tpu.memory_space<vmem>>
    %dma_wait3A_932 = tpu.memref_squeeze %dma_wait3A_931 : memref<1x16x2048xf32, #tpu.memory_space<vmem>> -> memref<16x2048xf32, #tpu.memory_space<vmem>>
    %dma_wait3A_933 = arith.constant 240 : i32
    %dma_wait3A_934 = tpu.memref_slice %arg5[%dma_wait3A_933] : memref<512xi32, #tpu.memory_space<vmem>> -> memref<16xi32, #tpu.memory_space<vmem>>
    %dma_wait3A_935 = arith.constant 0 : i32
    %dma_wait3A_936 = arith.constant 0 : i32
    %dma_wait3A_937 = tpu.memref_slice %arg3[%dma_wait3A_935, %dma_wait3A_936] : memref<512x2048xf32, #tpu.memory_space<hbm>> -> memref<512x2048xf32, #tpu.memory_space<hbm>>
    %dma_wait3A_938 = tpu.memref_slice %arg7[%dma_wait3A_928] : memref<2x!tpu.dma_semaphore, #tpu.memory_space<semaphore_mem>> -> memref<1x!tpu.dma_semaphore, #tpu.memory_space<semaphore_mem>>
    %dma_wait3A_939 = tpu.memref_squeeze %dma_wait3A_938 : memref<1x!tpu.dma_semaphore, #tpu.memory_space<semaphore_mem>> -> memref<!tpu.dma_semaphore, #tpu.memory_space<semaphore_mem>>
    tpu.wait_indirect_dma semaphore(%dma_wait3A_939 : memref<!tpu.dma_semaphore, #tpu.memory_space<semaphore_mem>>) src(%dma_wait3A_937 : memref<512x2048xf32, #tpu.memory_space<hbm>>) dst(%dma_wait3A_932 : memref<16x2048xf32, #tpu.memory_space<vmem>>)
    %add3A_940 = arith.constant 240 : i32
    %add3A_941 = arith.addi %mul3A_2, %add3A_940 : i32
    %dma_start3A_942 = arith.constant 1 : i32
    %dma_start3A_943 = arith.constant 1 : i32
    %dma_start3A_944 = arith.constant 0 : i32
    %dma_start3A_945 = arith.constant 0 : i32
    %dma_start3A_946 = tpu.memref_slice %arg6[%dma_start3A_942, %dma_start3A_944, %dma_start3A_945] : memref<2x16x2048xf32, #tpu.memory_space<vmem>> -> memref<1x16x2048xf32, #tpu.memory_space<vmem>>
    %dma_start3A_947 = tpu.memref_squeeze %dma_start3A_946 : memref<1x16x2048xf32, #tpu.memory_space<vmem>> -> memref<16x2048xf32, #tpu.memory_space<vmem>>
    %dma_start3A_948 = arith.constant 0 : i32
    %dma_start3A_949 = tpu.memref_slice %arg4[%add3A_941, %dma_start3A_948] : memref<16384x2048xf32, #tpu.memory_space<hbm>> -> memref<16x2048xf32, #tpu.memory_space<hbm>>
    %dma_start3A_950 = tpu.memref_slice %arg8[%dma_start3A_943] : memref<2x!tpu.dma_semaphore, #tpu.memory_space<semaphore_mem>> -> memref<1x!tpu.dma_semaphore, #tpu.memory_space<semaphore_mem>>
    %dma_start3A_951 = tpu.memref_squeeze %dma_start3A_950 : memref<1x!tpu.dma_semaphore, #tpu.memory_space<semaphore_mem>> -> memref<!tpu.dma_semaphore, #tpu.memory_space<semaphore_mem>>
    %dma_start3A_952 = arith.constant 0 : i32
    %dma_start3A_953 = tpu.memref_slice %arg4[%add3A_941, %dma_start3A_952] : memref<16384x2048xf32, #tpu.memory_space<hbm>> -> memref<16x2048xf32, #tpu.memory_space<hbm>>
    %dma_start3A_954 = arith.constant 0 : i32
    %dma_start3A_955 = arith.constant 0 : i32
    %dma_start3A_956 = tpu.memref_slice %arg6[%dma_start3A_942, %dma_start3A_954, %dma_start3A_955] : memref<2x16x2048xf32, #tpu.memory_space<vmem>> -> memref<1x16x2048xf32, #tpu.memory_space<vmem>>
    %dma_start3A_957 = tpu.memref_squeeze %dma_start3A_956 : memref<1x16x2048xf32, #tpu.memory_space<vmem>> -> memref<16x2048xf32, #tpu.memory_space<vmem>>
    tpu.enqueue_dma source(%dma_start3A_957 : memref<16x2048xf32, #tpu.memory_space<vmem>>) target(%dma_start3A_953 : memref<16x2048xf32, #tpu.memory_space<hbm>>) target_semaphore(%dma_start3A_951 : memref<!tpu.dma_semaphore, #tpu.memory_space<semaphore_mem>>)
    %dma_wait3A_958 = arith.constant 1 : i32
    %dma_wait3A_959 = arith.constant 1 : i32
    %dma_wait3A_960 = arith.constant 0 : i32
    %dma_wait3A_961 = arith.constant 0 : i32
    %dma_wait3A_962 = tpu.memref_slice %arg6[%dma_wait3A_958, %dma_wait3A_960, %dma_wait3A_961] : memref<2x16x2048xf32, #tpu.memory_space<vmem>> -> memref<1x16x2048xf32, #tpu.memory_space<vmem>>
    %dma_wait3A_963 = tpu.memref_squeeze %dma_wait3A_962 : memref<1x16x2048xf32, #tpu.memory_space<vmem>> -> memref<16x2048xf32, #tpu.memory_space<vmem>>
    %dma_wait3A_964 = arith.constant 0 : i32
    %dma_wait3A_965 = tpu.memref_slice %arg4[%add3A_941, %dma_wait3A_964] : memref<16384x2048xf32, #tpu.memory_space<hbm>> -> memref<16x2048xf32, #tpu.memory_space<hbm>>
    %dma_wait3A_966 = tpu.memref_slice %arg8[%dma_wait3A_959] : memref<2x!tpu.dma_semaphore, #tpu.memory_space<semaphore_mem>> -> memref<1x!tpu.dma_semaphore, #tpu.memory_space<semaphore_mem>>
    %dma_wait3A_967 = tpu.memref_squeeze %dma_wait3A_966 : memref<1x!tpu.dma_semaphore, #tpu.memory_space<semaphore_mem>> -> memref<!tpu.dma_semaphore, #tpu.memory_space<semaphore_mem>>
    %dma_wait3A_968 = arith.constant 0 : i32
    %dma_wait3A_969 = tpu.memref_slice %arg4[%add3A_941, %dma_wait3A_968] : memref<16384x2048xf32, #tpu.memory_space<hbm>> -> memref<16x2048xf32, #tpu.memory_space<hbm>>
    %dma_wait3A_970 = arith.constant 0 : i32
    %dma_wait3A_971 = arith.constant 0 : i32
    %dma_wait3A_972 = tpu.memref_slice %arg6[%dma_wait3A_958, %dma_wait3A_970, %dma_wait3A_971] : memref<2x16x2048xf32, #tpu.memory_space<vmem>> -> memref<1x16x2048xf32, #tpu.memory_space<vmem>>
    %dma_wait3A_973 = tpu.memref_squeeze %dma_wait3A_972 : memref<1x16x2048xf32, #tpu.memory_space<vmem>> -> memref<16x2048xf32, #tpu.memory_space<vmem>>
    tpu.wait_dma2 semaphore(%dma_wait3A_967 : memref<!tpu.dma_semaphore, #tpu.memory_space<semaphore_mem>>) src(%dma_wait3A_973 : memref<16x2048xf32, #tpu.memory_space<vmem>>) dst(%dma_wait3A_969 : memref<16x2048xf32, #tpu.memory_space<hbm>>)
    %dma_start3A_974 = arith.constant 1 : i32
    %dma_start3A_975 = arith.constant 1 : i32
    %dma_start3A_976 = arith.constant 0 : i32
    %dma_start3A_977 = arith.constant 0 : i32
    %dma_start3A_978 = tpu.memref_slice %arg6[%dma_start3A_974, %dma_start3A_976, %dma_start3A_977] : memref<2x16x2048xf32, #tpu.memory_space<vmem>> -> memref<1x16x2048xf32, #tpu.memory_space<vmem>>
    %dma_start3A_979 = tpu.memref_squeeze %dma_start3A_978 : memref<1x16x2048xf32, #tpu.memory_space<vmem>> -> memref<16x2048xf32, #tpu.memory_space<vmem>>
    %dma_start3A_980 = arith.constant 272 : i32
    %dma_start3A_981 = tpu.memref_slice %arg5[%dma_start3A_980] : memref<512xi32, #tpu.memory_space<vmem>> -> memref<16xi32, #tpu.memory_space<vmem>>
    %dma_start3A_982 = arith.constant 0 : i32
    %dma_start3A_983 = arith.constant 0 : i32
    %dma_start3A_984 = tpu.memref_slice %arg3[%dma_start3A_982, %dma_start3A_983] : memref<512x2048xf32, #tpu.memory_space<hbm>> -> memref<512x2048xf32, #tpu.memory_space<hbm>>
    %dma_start3A_985 = tpu.memref_slice %arg7[%dma_start3A_975] : memref<2x!tpu.dma_semaphore, #tpu.memory_space<semaphore_mem>> -> memref<1x!tpu.dma_semaphore, #tpu.memory_space<semaphore_mem>>
    %dma_start3A_986 = tpu.memref_squeeze %dma_start3A_985 : memref<1x!tpu.dma_semaphore, #tpu.memory_space<semaphore_mem>> -> memref<!tpu.dma_semaphore, #tpu.memory_space<semaphore_mem>>
    tpu.enqueue_indirect_dma source(%dma_start3A_984 : memref<512x2048xf32, #tpu.memory_space<hbm>>) target(%dma_start3A_979 : memref<16x2048xf32, #tpu.memory_space<vmem>>) offsets(%dma_start3A_981 : memref<16xi32, #tpu.memory_space<vmem>>) semaphore(%dma_start3A_986 : memref<!tpu.dma_semaphore, #tpu.memory_space<semaphore_mem>>)
    %dma_wait3A_987 = arith.constant 0 : i32
    %dma_wait3A_988 = arith.constant 0 : i32
    %dma_wait3A_989 = arith.constant 0 : i32
    %dma_wait3A_990 = arith.constant 0 : i32
    %dma_wait3A_991 = tpu.memref_slice %arg6[%dma_wait3A_987, %dma_wait3A_989, %dma_wait3A_990] : memref<2x16x2048xf32, #tpu.memory_space<vmem>> -> memref<1x16x2048xf32, #tpu.memory_space<vmem>>
    %dma_wait3A_992 = tpu.memref_squeeze %dma_wait3A_991 : memref<1x16x2048xf32, #tpu.memory_space<vmem>> -> memref<16x2048xf32, #tpu.memory_space<vmem>>
    %dma_wait3A_993 = arith.constant 256 : i32
    %dma_wait3A_994 = tpu.memref_slice %arg5[%dma_wait3A_993] : memref<512xi32, #tpu.memory_space<vmem>> -> memref<16xi32, #tpu.memory_space<vmem>>
    %dma_wait3A_995 = arith.constant 0 : i32
    %dma_wait3A_996 = arith.constant 0 : i32
    %dma_wait3A_997 = tpu.memref_slice %arg3[%dma_wait3A_995, %dma_wait3A_996] : memref<512x2048xf32, #tpu.memory_space<hbm>> -> memref<512x2048xf32, #tpu.memory_space<hbm>>
    %dma_wait3A_998 = tpu.memref_slice %arg7[%dma_wait3A_988] : memref<2x!tpu.dma_semaphore, #tpu.memory_space<semaphore_mem>> -> memref<1x!tpu.dma_semaphore, #tpu.memory_space<semaphore_mem>>
    %dma_wait3A_999 = tpu.memref_squeeze %dma_wait3A_998 : memref<1x!tpu.dma_semaphore, #tpu.memory_space<semaphore_mem>> -> memref<!tpu.dma_semaphore, #tpu.memory_space<semaphore_mem>>
    tpu.wait_indirect_dma semaphore(%dma_wait3A_999 : memref<!tpu.dma_semaphore, #tpu.memory_space<semaphore_mem>>) src(%dma_wait3A_997 : memref<512x2048xf32, #tpu.memory_space<hbm>>) dst(%dma_wait3A_992 : memref<16x2048xf32, #tpu.memory_space<vmem>>)
    %add3A_1000 = arith.constant 256 : i32
    %add3A_1001 = arith.addi %mul3A_2, %add3A_1000 : i32
    %dma_start3A_1002 = arith.constant 0 : i32
    %dma_start3A_1003 = arith.constant 0 : i32
    %dma_start3A_1004 = arith.constant 0 : i32
    %dma_start3A_1005 = arith.constant 0 : i32
    %dma_start3A_1006 = tpu.memref_slice %arg6[%dma_start3A_1002, %dma_start3A_1004, %dma_start3A_1005] : memref<2x16x2048xf32, #tpu.memory_space<vmem>> -> memref<1x16x2048xf32, #tpu.memory_space<vmem>>
    %dma_start3A_1007 = tpu.memref_squeeze %dma_start3A_1006 : memref<1x16x2048xf32, #tpu.memory_space<vmem>> -> memref<16x2048xf32, #tpu.memory_space<vmem>>
    %dma_start3A_1008 = arith.constant 0 : i32
    %dma_start3A_1009 = tpu.memref_slice %arg4[%add3A_1001, %dma_start3A_1008] : memref<16384x2048xf32, #tpu.memory_space<hbm>> -> memref<16x2048xf32, #tpu.memory_space<hbm>>
    %dma_start3A_1010 = tpu.memref_slice %arg8[%dma_start3A_1003] : memref<2x!tpu.dma_semaphore, #tpu.memory_space<semaphore_mem>> -> memref<1x!tpu.dma_semaphore, #tpu.memory_space<semaphore_mem>>
    %dma_start3A_1011 = tpu.memref_squeeze %dma_start3A_1010 : memref<1x!tpu.dma_semaphore, #tpu.memory_space<semaphore_mem>> -> memref<!tpu.dma_semaphore, #tpu.memory_space<semaphore_mem>>
    %dma_start3A_1012 = arith.constant 0 : i32
    %dma_start3A_1013 = tpu.memref_slice %arg4[%add3A_1001, %dma_start3A_1012] : memref<16384x2048xf32, #tpu.memory_space<hbm>> -> memref<16x2048xf32, #tpu.memory_space<hbm>>
    %dma_start3A_1014 = arith.constant 0 : i32
    %dma_start3A_1015 = arith.constant 0 : i32
    %dma_start3A_1016 = tpu.memref_slice %arg6[%dma_start3A_1002, %dma_start3A_1014, %dma_start3A_1015] : memref<2x16x2048xf32, #tpu.memory_space<vmem>> -> memref<1x16x2048xf32, #tpu.memory_space<vmem>>
    %dma_start3A_1017 = tpu.memref_squeeze %dma_start3A_1016 : memref<1x16x2048xf32, #tpu.memory_space<vmem>> -> memref<16x2048xf32, #tpu.memory_space<vmem>>
    tpu.enqueue_dma source(%dma_start3A_1017 : memref<16x2048xf32, #tpu.memory_space<vmem>>) target(%dma_start3A_1013 : memref<16x2048xf32, #tpu.memory_space<hbm>>) target_semaphore(%dma_start3A_1011 : memref<!tpu.dma_semaphore, #tpu.memory_space<semaphore_mem>>)
    %dma_wait3A_1018 = arith.constant 0 : i32
    %dma_wait3A_1019 = arith.constant 0 : i32
    %dma_wait3A_1020 = arith.constant 0 : i32
    %dma_wait3A_1021 = arith.constant 0 : i32
    %dma_wait3A_1022 = tpu.memref_slice %arg6[%dma_wait3A_1018, %dma_wait3A_1020, %dma_wait3A_1021] : memref<2x16x2048xf32, #tpu.memory_space<vmem>> -> memref<1x16x2048xf32, #tpu.memory_space<vmem>>
    %dma_wait3A_1023 = tpu.memref_squeeze %dma_wait3A_1022 : memref<1x16x2048xf32, #tpu.memory_space<vmem>> -> memref<16x2048xf32, #tpu.memory_space<vmem>>
    %dma_wait3A_1024 = arith.constant 0 : i32
    %dma_wait3A_1025 = tpu.memref_slice %arg4[%add3A_1001, %dma_wait3A_1024] : memref<16384x2048xf32, #tpu.memory_space<hbm>> -> memref<16x2048xf32, #tpu.memory_space<hbm>>
    %dma_wait3A_1026 = tpu.memref_slice %arg8[%dma_wait3A_1019] : memref<2x!tpu.dma_semaphore, #tpu.memory_space<semaphore_mem>> -> memref<1x!tpu.dma_semaphore, #tpu.memory_space<semaphore_mem>>
    %dma_wait3A_1027 = tpu.memref_squeeze %dma_wait3A_1026 : memref<1x!tpu.dma_semaphore, #tpu.memory_space<semaphore_mem>> -> memref<!tpu.dma_semaphore, #tpu.memory_space<semaphore_mem>>
    %dma_wait3A_1028 = arith.constant 0 : i32
    %dma_wait3A_1029 = tpu.memref_slice %arg4[%add3A_1001, %dma_wait3A_1028] : memref<16384x2048xf32, #tpu.memory_space<hbm>> -> memref<16x2048xf32, #tpu.memory_space<hbm>>
    %dma_wait3A_1030 = arith.constant 0 : i32
    %dma_wait3A_1031 = arith.constant 0 : i32
    %dma_wait3A_1032 = tpu.memref_slice %arg6[%dma_wait3A_1018, %dma_wait3A_1030, %dma_wait3A_1031] : memref<2x16x2048xf32, #tpu.memory_space<vmem>> -> memref<1x16x2048xf32, #tpu.memory_space<vmem>>
    %dma_wait3A_1033 = tpu.memref_squeeze %dma_wait3A_1032 : memref<1x16x2048xf32, #tpu.memory_space<vmem>> -> memref<16x2048xf32, #tpu.memory_space<vmem>>
    tpu.wait_dma2 semaphore(%dma_wait3A_1027 : memref<!tpu.dma_semaphore, #tpu.memory_space<semaphore_mem>>) src(%dma_wait3A_1033 : memref<16x2048xf32, #tpu.memory_space<vmem>>) dst(%dma_wait3A_1029 : memref<16x2048xf32, #tpu.memory_space<hbm>>)
    %dma_start3A_1034 = arith.constant 0 : i32
    %dma_start3A_1035 = arith.constant 0 : i32
    %dma_start3A_1036 = arith.constant 0 : i32
    %dma_start3A_1037 = arith.constant 0 : i32
    %dma_start3A_1038 = tpu.memref_slice %arg6[%dma_start3A_1034, %dma_start3A_1036, %dma_start3A_1037] : memref<2x16x2048xf32, #tpu.memory_space<vmem>> -> memref<1x16x2048xf32, #tpu.memory_space<vmem>>
    %dma_start3A_1039 = tpu.memref_squeeze %dma_start3A_1038 : memref<1x16x2048xf32, #tpu.memory_space<vmem>> -> memref<16x2048xf32, #tpu.memory_space<vmem>>
    %dma_start3A_1040 = arith.constant 288 : i32
    %dma_start3A_1041 = tpu.memref_slice %arg5[%dma_start3A_1040] : memref<512xi32, #tpu.memory_space<vmem>> -> memref<16xi32, #tpu.memory_space<vmem>>
    %dma_start3A_1042 = arith.constant 0 : i32
    %dma_start3A_1043 = arith.constant 0 : i32
    %dma_start3A_1044 = tpu.memref_slice %arg3[%dma_start3A_1042, %dma_start3A_1043] : memref<512x2048xf32, #tpu.memory_space<hbm>> -> memref<512x2048xf32, #tpu.memory_space<hbm>>
    %dma_start3A_1045 = tpu.memref_slice %arg7[%dma_start3A_1035] : memref<2x!tpu.dma_semaphore, #tpu.memory_space<semaphore_mem>> -> memref<1x!tpu.dma_semaphore, #tpu.memory_space<semaphore_mem>>
    %dma_start3A_1046 = tpu.memref_squeeze %dma_start3A_1045 : memref<1x!tpu.dma_semaphore, #tpu.memory_space<semaphore_mem>> -> memref<!tpu.dma_semaphore, #tpu.memory_space<semaphore_mem>>
    tpu.enqueue_indirect_dma source(%dma_start3A_1044 : memref<512x2048xf32, #tpu.memory_space<hbm>>) target(%dma_start3A_1039 : memref<16x2048xf32, #tpu.memory_space<vmem>>) offsets(%dma_start3A_1041 : memref<16xi32, #tpu.memory_space<vmem>>) semaphore(%dma_start3A_1046 : memref<!tpu.dma_semaphore, #tpu.memory_space<semaphore_mem>>)
    %dma_wait3A_1047 = arith.constant 1 : i32
    %dma_wait3A_1048 = arith.constant 1 : i32
    %dma_wait3A_1049 = arith.constant 0 : i32
    %dma_wait3A_1050 = arith.constant 0 : i32
    %dma_wait3A_1051 = tpu.memref_slice %arg6[%dma_wait3A_1047, %dma_wait3A_1049, %dma_wait3A_1050] : memref<2x16x2048xf32, #tpu.memory_space<vmem>> -> memref<1x16x2048xf32, #tpu.memory_space<vmem>>
    %dma_wait3A_1052 = tpu.memref_squeeze %dma_wait3A_1051 : memref<1x16x2048xf32, #tpu.memory_space<vmem>> -> memref<16x2048xf32, #tpu.memory_space<vmem>>
    %dma_wait3A_1053 = arith.constant 272 : i32
    %dma_wait3A_1054 = tpu.memref_slice %arg5[%dma_wait3A_1053] : memref<512xi32, #tpu.memory_space<vmem>> -> memref<16xi32, #tpu.memory_space<vmem>>
    %dma_wait3A_1055 = arith.constant 0 : i32
    %dma_wait3A_1056 = arith.constant 0 : i32
    %dma_wait3A_1057 = tpu.memref_slice %arg3[%dma_wait3A_1055, %dma_wait3A_1056] : memref<512x2048xf32, #tpu.memory_space<hbm>> -> memref<512x2048xf32, #tpu.memory_space<hbm>>
    %dma_wait3A_1058 = tpu.memref_slice %arg7[%dma_wait3A_1048] : memref<2x!tpu.dma_semaphore, #tpu.memory_space<semaphore_mem>> -> memref<1x!tpu.dma_semaphore, #tpu.memory_space<semaphore_mem>>
    %dma_wait3A_1059 = tpu.memref_squeeze %dma_wait3A_1058 : memref<1x!tpu.dma_semaphore, #tpu.memory_space<semaphore_mem>> -> memref<!tpu.dma_semaphore, #tpu.memory_space<semaphore_mem>>
    tpu.wait_indirect_dma semaphore(%dma_wait3A_1059 : memref<!tpu.dma_semaphore, #tpu.memory_space<semaphore_mem>>) src(%dma_wait3A_1057 : memref<512x2048xf32, #tpu.memory_space<hbm>>) dst(%dma_wait3A_1052 : memref<16x2048xf32, #tpu.memory_space<vmem>>)
    %add3A_1060 = arith.constant 272 : i32
    %add3A_1061 = arith.addi %mul3A_2, %add3A_1060 : i32
    %dma_start3A_1062 = arith.constant 1 : i32
    %dma_start3A_1063 = arith.constant 1 : i32
    %dma_start3A_1064 = arith.constant 0 : i32
    %dma_start3A_1065 = arith.constant 0 : i32
    %dma_start3A_1066 = tpu.memref_slice %arg6[%dma_start3A_1062, %dma_start3A_1064, %dma_start3A_1065] : memref<2x16x2048xf32, #tpu.memory_space<vmem>> -> memref<1x16x2048xf32, #tpu.memory_space<vmem>>
    %dma_start3A_1067 = tpu.memref_squeeze %dma_start3A_1066 : memref<1x16x2048xf32, #tpu.memory_space<vmem>> -> memref<16x2048xf32, #tpu.memory_space<vmem>>
    %dma_start3A_1068 = arith.constant 0 : i32
    %dma_start3A_1069 = tpu.memref_slice %arg4[%add3A_1061, %dma_start3A_1068] : memref<16384x2048xf32, #tpu.memory_space<hbm>> -> memref<16x2048xf32, #tpu.memory_space<hbm>>
    %dma_start3A_1070 = tpu.memref_slice %arg8[%dma_start3A_1063] : memref<2x!tpu.dma_semaphore, #tpu.memory_space<semaphore_mem>> -> memref<1x!tpu.dma_semaphore, #tpu.memory_space<semaphore_mem>>
    %dma_start3A_1071 = tpu.memref_squeeze %dma_start3A_1070 : memref<1x!tpu.dma_semaphore, #tpu.memory_space<semaphore_mem>> -> memref<!tpu.dma_semaphore, #tpu.memory_space<semaphore_mem>>
    %dma_start3A_1072 = arith.constant 0 : i32
    %dma_start3A_1073 = tpu.memref_slice %arg4[%add3A_1061, %dma_start3A_1072] : memref<16384x2048xf32, #tpu.memory_space<hbm>> -> memref<16x2048xf32, #tpu.memory_space<hbm>>
    %dma_start3A_1074 = arith.constant 0 : i32
    %dma_start3A_1075 = arith.constant 0 : i32
    %dma_start3A_1076 = tpu.memref_slice %arg6[%dma_start3A_1062, %dma_start3A_1074, %dma_start3A_1075] : memref<2x16x2048xf32, #tpu.memory_space<vmem>> -> memref<1x16x2048xf32, #tpu.memory_space<vmem>>
    %dma_start3A_1077 = tpu.memref_squeeze %dma_start3A_1076 : memref<1x16x2048xf32, #tpu.memory_space<vmem>> -> memref<16x2048xf32, #tpu.memory_space<vmem>>
    tpu.enqueue_dma source(%dma_start3A_1077 : memref<16x2048xf32, #tpu.memory_space<vmem>>) target(%dma_start3A_1073 : memref<16x2048xf32, #tpu.memory_space<hbm>>) target_semaphore(%dma_start3A_1071 : memref<!tpu.dma_semaphore, #tpu.memory_space<semaphore_mem>>)
    %dma_wait3A_1078 = arith.constant 1 : i32
    %dma_wait3A_1079 = arith.constant 1 : i32
    %dma_wait3A_1080 = arith.constant 0 : i32
    %dma_wait3A_1081 = arith.constant 0 : i32
    %dma_wait3A_1082 = tpu.memref_slice %arg6[%dma_wait3A_1078, %dma_wait3A_1080, %dma_wait3A_1081] : memref<2x16x2048xf32, #tpu.memory_space<vmem>> -> memref<1x16x2048xf32, #tpu.memory_space<vmem>>
    %dma_wait3A_1083 = tpu.memref_squeeze %dma_wait3A_1082 : memref<1x16x2048xf32, #tpu.memory_space<vmem>> -> memref<16x2048xf32, #tpu.memory_space<vmem>>
    %dma_wait3A_1084 = arith.constant 0 : i32
    %dma_wait3A_1085 = tpu.memref_slice %arg4[%add3A_1061, %dma_wait3A_1084] : memref<16384x2048xf32, #tpu.memory_space<hbm>> -> memref<16x2048xf32, #tpu.memory_space<hbm>>
    %dma_wait3A_1086 = tpu.memref_slice %arg8[%dma_wait3A_1079] : memref<2x!tpu.dma_semaphore, #tpu.memory_space<semaphore_mem>> -> memref<1x!tpu.dma_semaphore, #tpu.memory_space<semaphore_mem>>
    %dma_wait3A_1087 = tpu.memref_squeeze %dma_wait3A_1086 : memref<1x!tpu.dma_semaphore, #tpu.memory_space<semaphore_mem>> -> memref<!tpu.dma_semaphore, #tpu.memory_space<semaphore_mem>>
    %dma_wait3A_1088 = arith.constant 0 : i32
    %dma_wait3A_1089 = tpu.memref_slice %arg4[%add3A_1061, %dma_wait3A_1088] : memref<16384x2048xf32, #tpu.memory_space<hbm>> -> memref<16x2048xf32, #tpu.memory_space<hbm>>
    %dma_wait3A_1090 = arith.constant 0 : i32
    %dma_wait3A_1091 = arith.constant 0 : i32
    %dma_wait3A_1092 = tpu.memref_slice %arg6[%dma_wait3A_1078, %dma_wait3A_1090, %dma_wait3A_1091] : memref<2x16x2048xf32, #tpu.memory_space<vmem>> -> memref<1x16x2048xf32, #tpu.memory_space<vmem>>
    %dma_wait3A_1093 = tpu.memref_squeeze %dma_wait3A_1092 : memref<1x16x2048xf32, #tpu.memory_space<vmem>> -> memref<16x2048xf32, #tpu.memory_space<vmem>>
    tpu.wait_dma2 semaphore(%dma_wait3A_1087 : memref<!tpu.dma_semaphore, #tpu.memory_space<semaphore_mem>>) src(%dma_wait3A_1093 : memref<16x2048xf32, #tpu.memory_space<vmem>>) dst(%dma_wait3A_1089 : memref<16x2048xf32, #tpu.memory_space<hbm>>)
    %dma_start3A_1094 = arith.constant 1 : i32
    %dma_start3A_1095 = arith.constant 1 : i32
    %dma_start3A_1096 = arith.constant 0 : i32
    %dma_start3A_1097 = arith.constant 0 : i32
    %dma_start3A_1098 = tpu.memref_slice %arg6[%dma_start3A_1094, %dma_start3A_1096, %dma_start3A_1097] : memref<2x16x2048xf32, #tpu.memory_space<vmem>> -> memref<1x16x2048xf32, #tpu.memory_space<vmem>>
    %dma_start3A_1099 = tpu.memref_squeeze %dma_start3A_1098 : memref<1x16x2048xf32, #tpu.memory_space<vmem>> -> memref<16x2048xf32, #tpu.memory_space<vmem>>
    %dma_start3A_1100 = arith.constant 304 : i32
    %dma_start3A_1101 = tpu.memref_slice %arg5[%dma_start3A_1100] : memref<512xi32, #tpu.memory_space<vmem>> -> memref<16xi32, #tpu.memory_space<vmem>>
    %dma_start3A_1102 = arith.constant 0 : i32
    %dma_start3A_1103 = arith.constant 0 : i32
    %dma_start3A_1104 = tpu.memref_slice %arg3[%dma_start3A_1102, %dma_start3A_1103] : memref<512x2048xf32, #tpu.memory_space<hbm>> -> memref<512x2048xf32, #tpu.memory_space<hbm>>
    %dma_start3A_1105 = tpu.memref_slice %arg7[%dma_start3A_1095] : memref<2x!tpu.dma_semaphore, #tpu.memory_space<semaphore_mem>> -> memref<1x!tpu.dma_semaphore, #tpu.memory_space<semaphore_mem>>
    %dma_start3A_1106 = tpu.memref_squeeze %dma_start3A_1105 : memref<1x!tpu.dma_semaphore, #tpu.memory_space<semaphore_mem>> -> memref<!tpu.dma_semaphore, #tpu.memory_space<semaphore_mem>>
    tpu.enqueue_indirect_dma source(%dma_start3A_1104 : memref<512x2048xf32, #tpu.memory_space<hbm>>) target(%dma_start3A_1099 : memref<16x2048xf32, #tpu.memory_space<vmem>>) offsets(%dma_start3A_1101 : memref<16xi32, #tpu.memory_space<vmem>>) semaphore(%dma_start3A_1106 : memref<!tpu.dma_semaphore, #tpu.memory_space<semaphore_mem>>)
    %dma_wait3A_1107 = arith.constant 0 : i32
    %dma_wait3A_1108 = arith.constant 0 : i32
    %dma_wait3A_1109 = arith.constant 0 : i32
    %dma_wait3A_1110 = arith.constant 0 : i32
    %dma_wait3A_1111 = tpu.memref_slice %arg6[%dma_wait3A_1107, %dma_wait3A_1109, %dma_wait3A_1110] : memref<2x16x2048xf32, #tpu.memory_space<vmem>> -> memref<1x16x2048xf32, #tpu.memory_space<vmem>>
    %dma_wait3A_1112 = tpu.memref_squeeze %dma_wait3A_1111 : memref<1x16x2048xf32, #tpu.memory_space<vmem>> -> memref<16x2048xf32, #tpu.memory_space<vmem>>
    %dma_wait3A_1113 = arith.constant 288 : i32
    %dma_wait3A_1114 = tpu.memref_slice %arg5[%dma_wait3A_1113] : memref<512xi32, #tpu.memory_space<vmem>> -> memref<16xi32, #tpu.memory_space<vmem>>
    %dma_wait3A_1115 = arith.constant 0 : i32
    %dma_wait3A_1116 = arith.constant 0 : i32
    %dma_wait3A_1117 = tpu.memref_slice %arg3[%dma_wait3A_1115, %dma_wait3A_1116] : memref<512x2048xf32, #tpu.memory_space<hbm>> -> memref<512x2048xf32, #tpu.memory_space<hbm>>
    %dma_wait3A_1118 = tpu.memref_slice %arg7[%dma_wait3A_1108] : memref<2x!tpu.dma_semaphore, #tpu.memory_space<semaphore_mem>> -> memref<1x!tpu.dma_semaphore, #tpu.memory_space<semaphore_mem>>
    %dma_wait3A_1119 = tpu.memref_squeeze %dma_wait3A_1118 : memref<1x!tpu.dma_semaphore, #tpu.memory_space<semaphore_mem>> -> memref<!tpu.dma_semaphore, #tpu.memory_space<semaphore_mem>>
    tpu.wait_indirect_dma semaphore(%dma_wait3A_1119 : memref<!tpu.dma_semaphore, #tpu.memory_space<semaphore_mem>>) src(%dma_wait3A_1117 : memref<512x2048xf32, #tpu.memory_space<hbm>>) dst(%dma_wait3A_1112 : memref<16x2048xf32, #tpu.memory_space<vmem>>)
    %add3A_1120 = arith.constant 288 : i32
    %add3A_1121 = arith.addi %mul3A_2, %add3A_1120 : i32
    %dma_start3A_1122 = arith.constant 0 : i32
    %dma_start3A_1123 = arith.constant 0 : i32
    %dma_start3A_1124 = arith.constant 0 : i32
    %dma_start3A_1125 = arith.constant 0 : i32
    %dma_start3A_1126 = tpu.memref_slice %arg6[%dma_start3A_1122, %dma_start3A_1124, %dma_start3A_1125] : memref<2x16x2048xf32, #tpu.memory_space<vmem>> -> memref<1x16x2048xf32, #tpu.memory_space<vmem>>
    %dma_start3A_1127 = tpu.memref_squeeze %dma_start3A_1126 : memref<1x16x2048xf32, #tpu.memory_space<vmem>> -> memref<16x2048xf32, #tpu.memory_space<vmem>>
    %dma_start3A_1128 = arith.constant 0 : i32
    %dma_start3A_1129 = tpu.memref_slice %arg4[%add3A_1121, %dma_start3A_1128] : memref<16384x2048xf32, #tpu.memory_space<hbm>> -> memref<16x2048xf32, #tpu.memory_space<hbm>>
    %dma_start3A_1130 = tpu.memref_slice %arg8[%dma_start3A_1123] : memref<2x!tpu.dma_semaphore, #tpu.memory_space<semaphore_mem>> -> memref<1x!tpu.dma_semaphore, #tpu.memory_space<semaphore_mem>>
    %dma_start3A_1131 = tpu.memref_squeeze %dma_start3A_1130 : memref<1x!tpu.dma_semaphore, #tpu.memory_space<semaphore_mem>> -> memref<!tpu.dma_semaphore, #tpu.memory_space<semaphore_mem>>
    %dma_start3A_1132 = arith.constant 0 : i32
    %dma_start3A_1133 = tpu.memref_slice %arg4[%add3A_1121, %dma_start3A_1132] : memref<16384x2048xf32, #tpu.memory_space<hbm>> -> memref<16x2048xf32, #tpu.memory_space<hbm>>
    %dma_start3A_1134 = arith.constant 0 : i32
    %dma_start3A_1135 = arith.constant 0 : i32
    %dma_start3A_1136 = tpu.memref_slice %arg6[%dma_start3A_1122, %dma_start3A_1134, %dma_start3A_1135] : memref<2x16x2048xf32, #tpu.memory_space<vmem>> -> memref<1x16x2048xf32, #tpu.memory_space<vmem>>
    %dma_start3A_1137 = tpu.memref_squeeze %dma_start3A_1136 : memref<1x16x2048xf32, #tpu.memory_space<vmem>> -> memref<16x2048xf32, #tpu.memory_space<vmem>>
    tpu.enqueue_dma source(%dma_start3A_1137 : memref<16x2048xf32, #tpu.memory_space<vmem>>) target(%dma_start3A_1133 : memref<16x2048xf32, #tpu.memory_space<hbm>>) target_semaphore(%dma_start3A_1131 : memref<!tpu.dma_semaphore, #tpu.memory_space<semaphore_mem>>)
    %dma_wait3A_1138 = arith.constant 0 : i32
    %dma_wait3A_1139 = arith.constant 0 : i32
    %dma_wait3A_1140 = arith.constant 0 : i32
    %dma_wait3A_1141 = arith.constant 0 : i32
    %dma_wait3A_1142 = tpu.memref_slice %arg6[%dma_wait3A_1138, %dma_wait3A_1140, %dma_wait3A_1141] : memref<2x16x2048xf32, #tpu.memory_space<vmem>> -> memref<1x16x2048xf32, #tpu.memory_space<vmem>>
    %dma_wait3A_1143 = tpu.memref_squeeze %dma_wait3A_1142 : memref<1x16x2048xf32, #tpu.memory_space<vmem>> -> memref<16x2048xf32, #tpu.memory_space<vmem>>
    %dma_wait3A_1144 = arith.constant 0 : i32
    %dma_wait3A_1145 = tpu.memref_slice %arg4[%add3A_1121, %dma_wait3A_1144] : memref<16384x2048xf32, #tpu.memory_space<hbm>> -> memref<16x2048xf32, #tpu.memory_space<hbm>>
    %dma_wait3A_1146 = tpu.memref_slice %arg8[%dma_wait3A_1139] : memref<2x!tpu.dma_semaphore, #tpu.memory_space<semaphore_mem>> -> memref<1x!tpu.dma_semaphore, #tpu.memory_space<semaphore_mem>>
    %dma_wait3A_1147 = tpu.memref_squeeze %dma_wait3A_1146 : memref<1x!tpu.dma_semaphore, #tpu.memory_space<semaphore_mem>> -> memref<!tpu.dma_semaphore, #tpu.memory_space<semaphore_mem>>
    %dma_wait3A_1148 = arith.constant 0 : i32
    %dma_wait3A_1149 = tpu.memref_slice %arg4[%add3A_1121, %dma_wait3A_1148] : memref<16384x2048xf32, #tpu.memory_space<hbm>> -> memref<16x2048xf32, #tpu.memory_space<hbm>>
    %dma_wait3A_1150 = arith.constant 0 : i32
    %dma_wait3A_1151 = arith.constant 0 : i32
    %dma_wait3A_1152 = tpu.memref_slice %arg6[%dma_wait3A_1138, %dma_wait3A_1150, %dma_wait3A_1151] : memref<2x16x2048xf32, #tpu.memory_space<vmem>> -> memref<1x16x2048xf32, #tpu.memory_space<vmem>>
    %dma_wait3A_1153 = tpu.memref_squeeze %dma_wait3A_1152 : memref<1x16x2048xf32, #tpu.memory_space<vmem>> -> memref<16x2048xf32, #tpu.memory_space<vmem>>
    tpu.wait_dma2 semaphore(%dma_wait3A_1147 : memref<!tpu.dma_semaphore, #tpu.memory_space<semaphore_mem>>) src(%dma_wait3A_1153 : memref<16x2048xf32, #tpu.memory_space<vmem>>) dst(%dma_wait3A_1149 : memref<16x2048xf32, #tpu.memory_space<hbm>>)
    %dma_start3A_1154 = arith.constant 0 : i32
    %dma_start3A_1155 = arith.constant 0 : i32
    %dma_start3A_1156 = arith.constant 0 : i32
    %dma_start3A_1157 = arith.constant 0 : i32
    %dma_start3A_1158 = tpu.memref_slice %arg6[%dma_start3A_1154, %dma_start3A_1156, %dma_start3A_1157] : memref<2x16x2048xf32, #tpu.memory_space<vmem>> -> memref<1x16x2048xf32, #tpu.memory_space<vmem>>
    %dma_start3A_1159 = tpu.memref_squeeze %dma_start3A_1158 : memref<1x16x2048xf32, #tpu.memory_space<vmem>> -> memref<16x2048xf32, #tpu.memory_space<vmem>>
    %dma_start3A_1160 = arith.constant 320 : i32
    %dma_start3A_1161 = tpu.memref_slice %arg5[%dma_start3A_1160] : memref<512xi32, #tpu.memory_space<vmem>> -> memref<16xi32, #tpu.memory_space<vmem>>
    %dma_start3A_1162 = arith.constant 0 : i32
    %dma_start3A_1163 = arith.constant 0 : i32
    %dma_start3A_1164 = tpu.memref_slice %arg3[%dma_start3A_1162, %dma_start3A_1163] : memref<512x2048xf32, #tpu.memory_space<hbm>> -> memref<512x2048xf32, #tpu.memory_space<hbm>>
    %dma_start3A_1165 = tpu.memref_slice %arg7[%dma_start3A_1155] : memref<2x!tpu.dma_semaphore, #tpu.memory_space<semaphore_mem>> -> memref<1x!tpu.dma_semaphore, #tpu.memory_space<semaphore_mem>>
    %dma_start3A_1166 = tpu.memref_squeeze %dma_start3A_1165 : memref<1x!tpu.dma_semaphore, #tpu.memory_space<semaphore_mem>> -> memref<!tpu.dma_semaphore, #tpu.memory_space<semaphore_mem>>
    tpu.enqueue_indirect_dma source(%dma_start3A_1164 : memref<512x2048xf32, #tpu.memory_space<hbm>>) target(%dma_start3A_1159 : memref<16x2048xf32, #tpu.memory_space<vmem>>) offsets(%dma_start3A_1161 : memref<16xi32, #tpu.memory_space<vmem>>) semaphore(%dma_start3A_1166 : memref<!tpu.dma_semaphore, #tpu.memory_space<semaphore_mem>>)
    %dma_wait3A_1167 = arith.constant 1 : i32
    %dma_wait3A_1168 = arith.constant 1 : i32
    %dma_wait3A_1169 = arith.constant 0 : i32
    %dma_wait3A_1170 = arith.constant 0 : i32
    %dma_wait3A_1171 = tpu.memref_slice %arg6[%dma_wait3A_1167, %dma_wait3A_1169, %dma_wait3A_1170] : memref<2x16x2048xf32, #tpu.memory_space<vmem>> -> memref<1x16x2048xf32, #tpu.memory_space<vmem>>
    %dma_wait3A_1172 = tpu.memref_squeeze %dma_wait3A_1171 : memref<1x16x2048xf32, #tpu.memory_space<vmem>> -> memref<16x2048xf32, #tpu.memory_space<vmem>>
    %dma_wait3A_1173 = arith.constant 304 : i32
    %dma_wait3A_1174 = tpu.memref_slice %arg5[%dma_wait3A_1173] : memref<512xi32, #tpu.memory_space<vmem>> -> memref<16xi32, #tpu.memory_space<vmem>>
    %dma_wait3A_1175 = arith.constant 0 : i32
    %dma_wait3A_1176 = arith.constant 0 : i32
    %dma_wait3A_1177 = tpu.memref_slice %arg3[%dma_wait3A_1175, %dma_wait3A_1176] : memref<512x2048xf32, #tpu.memory_space<hbm>> -> memref<512x2048xf32, #tpu.memory_space<hbm>>
    %dma_wait3A_1178 = tpu.memref_slice %arg7[%dma_wait3A_1168] : memref<2x!tpu.dma_semaphore, #tpu.memory_space<semaphore_mem>> -> memref<1x!tpu.dma_semaphore, #tpu.memory_space<semaphore_mem>>
    %dma_wait3A_1179 = tpu.memref_squeeze %dma_wait3A_1178 : memref<1x!tpu.dma_semaphore, #tpu.memory_space<semaphore_mem>> -> memref<!tpu.dma_semaphore, #tpu.memory_space<semaphore_mem>>
    tpu.wait_indirect_dma semaphore(%dma_wait3A_1179 : memref<!tpu.dma_semaphore, #tpu.memory_space<semaphore_mem>>) src(%dma_wait3A_1177 : memref<512x2048xf32, #tpu.memory_space<hbm>>) dst(%dma_wait3A_1172 : memref<16x2048xf32, #tpu.memory_space<vmem>>)
    %add3A_1180 = arith.constant 304 : i32
    %add3A_1181 = arith.addi %mul3A_2, %add3A_1180 : i32
    %dma_start3A_1182 = arith.constant 1 : i32
    %dma_start3A_1183 = arith.constant 1 : i32
    %dma_start3A_1184 = arith.constant 0 : i32
    %dma_start3A_1185 = arith.constant 0 : i32
    %dma_start3A_1186 = tpu.memref_slice %arg6[%dma_start3A_1182, %dma_start3A_1184, %dma_start3A_1185] : memref<2x16x2048xf32, #tpu.memory_space<vmem>> -> memref<1x16x2048xf32, #tpu.memory_space<vmem>>
    %dma_start3A_1187 = tpu.memref_squeeze %dma_start3A_1186 : memref<1x16x2048xf32, #tpu.memory_space<vmem>> -> memref<16x2048xf32, #tpu.memory_space<vmem>>
    %dma_start3A_1188 = arith.constant 0 : i32
    %dma_start3A_1189 = tpu.memref_slice %arg4[%add3A_1181, %dma_start3A_1188] : memref<16384x2048xf32, #tpu.memory_space<hbm>> -> memref<16x2048xf32, #tpu.memory_space<hbm>>
    %dma_start3A_1190 = tpu.memref_slice %arg8[%dma_start3A_1183] : memref<2x!tpu.dma_semaphore, #tpu.memory_space<semaphore_mem>> -> memref<1x!tpu.dma_semaphore, #tpu.memory_space<semaphore_mem>>
    %dma_start3A_1191 = tpu.memref_squeeze %dma_start3A_1190 : memref<1x!tpu.dma_semaphore, #tpu.memory_space<semaphore_mem>> -> memref<!tpu.dma_semaphore, #tpu.memory_space<semaphore_mem>>
    %dma_start3A_1192 = arith.constant 0 : i32
    %dma_start3A_1193 = tpu.memref_slice %arg4[%add3A_1181, %dma_start3A_1192] : memref<16384x2048xf32, #tpu.memory_space<hbm>> -> memref<16x2048xf32, #tpu.memory_space<hbm>>
    %dma_start3A_1194 = arith.constant 0 : i32
    %dma_start3A_1195 = arith.constant 0 : i32
    %dma_start3A_1196 = tpu.memref_slice %arg6[%dma_start3A_1182, %dma_start3A_1194, %dma_start3A_1195] : memref<2x16x2048xf32, #tpu.memory_space<vmem>> -> memref<1x16x2048xf32, #tpu.memory_space<vmem>>
    %dma_start3A_1197 = tpu.memref_squeeze %dma_start3A_1196 : memref<1x16x2048xf32, #tpu.memory_space<vmem>> -> memref<16x2048xf32, #tpu.memory_space<vmem>>
    tpu.enqueue_dma source(%dma_start3A_1197 : memref<16x2048xf32, #tpu.memory_space<vmem>>) target(%dma_start3A_1193 : memref<16x2048xf32, #tpu.memory_space<hbm>>) target_semaphore(%dma_start3A_1191 : memref<!tpu.dma_semaphore, #tpu.memory_space<semaphore_mem>>)
    %dma_wait3A_1198 = arith.constant 1 : i32
    %dma_wait3A_1199 = arith.constant 1 : i32
    %dma_wait3A_1200 = arith.constant 0 : i32
    %dma_wait3A_1201 = arith.constant 0 : i32
    %dma_wait3A_1202 = tpu.memref_slice %arg6[%dma_wait3A_1198, %dma_wait3A_1200, %dma_wait3A_1201] : memref<2x16x2048xf32, #tpu.memory_space<vmem>> -> memref<1x16x2048xf32, #tpu.memory_space<vmem>>
    %dma_wait3A_1203 = tpu.memref_squeeze %dma_wait3A_1202 : memref<1x16x2048xf32, #tpu.memory_space<vmem>> -> memref<16x2048xf32, #tpu.memory_space<vmem>>
    %dma_wait3A_1204 = arith.constant 0 : i32
    %dma_wait3A_1205 = tpu.memref_slice %arg4[%add3A_1181, %dma_wait3A_1204] : memref<16384x2048xf32, #tpu.memory_space<hbm>> -> memref<16x2048xf32, #tpu.memory_space<hbm>>
    %dma_wait3A_1206 = tpu.memref_slice %arg8[%dma_wait3A_1199] : memref<2x!tpu.dma_semaphore, #tpu.memory_space<semaphore_mem>> -> memref<1x!tpu.dma_semaphore, #tpu.memory_space<semaphore_mem>>
    %dma_wait3A_1207 = tpu.memref_squeeze %dma_wait3A_1206 : memref<1x!tpu.dma_semaphore, #tpu.memory_space<semaphore_mem>> -> memref<!tpu.dma_semaphore, #tpu.memory_space<semaphore_mem>>
    %dma_wait3A_1208 = arith.constant 0 : i32
    %dma_wait3A_1209 = tpu.memref_slice %arg4[%add3A_1181, %dma_wait3A_1208] : memref<16384x2048xf32, #tpu.memory_space<hbm>> -> memref<16x2048xf32, #tpu.memory_space<hbm>>
    %dma_wait3A_1210 = arith.constant 0 : i32
    %dma_wait3A_1211 = arith.constant 0 : i32
    %dma_wait3A_1212 = tpu.memref_slice %arg6[%dma_wait3A_1198, %dma_wait3A_1210, %dma_wait3A_1211] : memref<2x16x2048xf32, #tpu.memory_space<vmem>> -> memref<1x16x2048xf32, #tpu.memory_space<vmem>>
    %dma_wait3A_1213 = tpu.memref_squeeze %dma_wait3A_1212 : memref<1x16x2048xf32, #tpu.memory_space<vmem>> -> memref<16x2048xf32, #tpu.memory_space<vmem>>
    tpu.wait_dma2 semaphore(%dma_wait3A_1207 : memref<!tpu.dma_semaphore, #tpu.memory_space<semaphore_mem>>) src(%dma_wait3A_1213 : memref<16x2048xf32, #tpu.memory_space<vmem>>) dst(%dma_wait3A_1209 : memref<16x2048xf32, #tpu.memory_space<hbm>>)
    %dma_start3A_1214 = arith.constant 1 : i32
    %dma_start3A_1215 = arith.constant 1 : i32
    %dma_start3A_1216 = arith.constant 0 : i32
    %dma_start3A_1217 = arith.constant 0 : i32
    %dma_start3A_1218 = tpu.memref_slice %arg6[%dma_start3A_1214, %dma_start3A_1216, %dma_start3A_1217] : memref<2x16x2048xf32, #tpu.memory_space<vmem>> -> memref<1x16x2048xf32, #tpu.memory_space<vmem>>
    %dma_start3A_1219 = tpu.memref_squeeze %dma_start3A_1218 : memref<1x16x2048xf32, #tpu.memory_space<vmem>> -> memref<16x2048xf32, #tpu.memory_space<vmem>>
    %dma_start3A_1220 = arith.constant 336 : i32
    %dma_start3A_1221 = tpu.memref_slice %arg5[%dma_start3A_1220] : memref<512xi32, #tpu.memory_space<vmem>> -> memref<16xi32, #tpu.memory_space<vmem>>
    %dma_start3A_1222 = arith.constant 0 : i32
    %dma_start3A_1223 = arith.constant 0 : i32
    %dma_start3A_1224 = tpu.memref_slice %arg3[%dma_start3A_1222, %dma_start3A_1223] : memref<512x2048xf32, #tpu.memory_space<hbm>> -> memref<512x2048xf32, #tpu.memory_space<hbm>>
    %dma_start3A_1225 = tpu.memref_slice %arg7[%dma_start3A_1215] : memref<2x!tpu.dma_semaphore, #tpu.memory_space<semaphore_mem>> -> memref<1x!tpu.dma_semaphore, #tpu.memory_space<semaphore_mem>>
    %dma_start3A_1226 = tpu.memref_squeeze %dma_start3A_1225 : memref<1x!tpu.dma_semaphore, #tpu.memory_space<semaphore_mem>> -> memref<!tpu.dma_semaphore, #tpu.memory_space<semaphore_mem>>
    tpu.enqueue_indirect_dma source(%dma_start3A_1224 : memref<512x2048xf32, #tpu.memory_space<hbm>>) target(%dma_start3A_1219 : memref<16x2048xf32, #tpu.memory_space<vmem>>) offsets(%dma_start3A_1221 : memref<16xi32, #tpu.memory_space<vmem>>) semaphore(%dma_start3A_1226 : memref<!tpu.dma_semaphore, #tpu.memory_space<semaphore_mem>>)
    %dma_wait3A_1227 = arith.constant 0 : i32
    %dma_wait3A_1228 = arith.constant 0 : i32
    %dma_wait3A_1229 = arith.constant 0 : i32
    %dma_wait3A_1230 = arith.constant 0 : i32
    %dma_wait3A_1231 = tpu.memref_slice %arg6[%dma_wait3A_1227, %dma_wait3A_1229, %dma_wait3A_1230] : memref<2x16x2048xf32, #tpu.memory_space<vmem>> -> memref<1x16x2048xf32, #tpu.memory_space<vmem>>
    %dma_wait3A_1232 = tpu.memref_squeeze %dma_wait3A_1231 : memref<1x16x2048xf32, #tpu.memory_space<vmem>> -> memref<16x2048xf32, #tpu.memory_space<vmem>>
    %dma_wait3A_1233 = arith.constant 320 : i32
    %dma_wait3A_1234 = tpu.memref_slice %arg5[%dma_wait3A_1233] : memref<512xi32, #tpu.memory_space<vmem>> -> memref<16xi32, #tpu.memory_space<vmem>>
    %dma_wait3A_1235 = arith.constant 0 : i32
    %dma_wait3A_1236 = arith.constant 0 : i32
    %dma_wait3A_1237 = tpu.memref_slice %arg3[%dma_wait3A_1235, %dma_wait3A_1236] : memref<512x2048xf32, #tpu.memory_space<hbm>> -> memref<512x2048xf32, #tpu.memory_space<hbm>>
    %dma_wait3A_1238 = tpu.memref_slice %arg7[%dma_wait3A_1228] : memref<2x!tpu.dma_semaphore, #tpu.memory_space<semaphore_mem>> -> memref<1x!tpu.dma_semaphore, #tpu.memory_space<semaphore_mem>>
    %dma_wait3A_1239 = tpu.memref_squeeze %dma_wait3A_1238 : memref<1x!tpu.dma_semaphore, #tpu.memory_space<semaphore_mem>> -> memref<!tpu.dma_semaphore, #tpu.memory_space<semaphore_mem>>
    tpu.wait_indirect_dma semaphore(%dma_wait3A_1239 : memref<!tpu.dma_semaphore, #tpu.memory_space<semaphore_mem>>) src(%dma_wait3A_1237 : memref<512x2048xf32, #tpu.memory_space<hbm>>) dst(%dma_wait3A_1232 : memref<16x2048xf32, #tpu.memory_space<vmem>>)
    %add3A_1240 = arith.constant 320 : i32
    %add3A_1241 = arith.addi %mul3A_2, %add3A_1240 : i32
    %dma_start3A_1242 = arith.constant 0 : i32
    %dma_start3A_1243 = arith.constant 0 : i32
    %dma_start3A_1244 = arith.constant 0 : i32
    %dma_start3A_1245 = arith.constant 0 : i32
    %dma_start3A_1246 = tpu.memref_slice %arg6[%dma_start3A_1242, %dma_start3A_1244, %dma_start3A_1245] : memref<2x16x2048xf32, #tpu.memory_space<vmem>> -> memref<1x16x2048xf32, #tpu.memory_space<vmem>>
    %dma_start3A_1247 = tpu.memref_squeeze %dma_start3A_1246 : memref<1x16x2048xf32, #tpu.memory_space<vmem>> -> memref<16x2048xf32, #tpu.memory_space<vmem>>
    %dma_start3A_1248 = arith.constant 0 : i32
    %dma_start3A_1249 = tpu.memref_slice %arg4[%add3A_1241, %dma_start3A_1248] : memref<16384x2048xf32, #tpu.memory_space<hbm>> -> memref<16x2048xf32, #tpu.memory_space<hbm>>
    %dma_start3A_1250 = tpu.memref_slice %arg8[%dma_start3A_1243] : memref<2x!tpu.dma_semaphore, #tpu.memory_space<semaphore_mem>> -> memref<1x!tpu.dma_semaphore, #tpu.memory_space<semaphore_mem>>
    %dma_start3A_1251 = tpu.memref_squeeze %dma_start3A_1250 : memref<1x!tpu.dma_semaphore, #tpu.memory_space<semaphore_mem>> -> memref<!tpu.dma_semaphore, #tpu.memory_space<semaphore_mem>>
    %dma_start3A_1252 = arith.constant 0 : i32
    %dma_start3A_1253 = tpu.memref_slice %arg4[%add3A_1241, %dma_start3A_1252] : memref<16384x2048xf32, #tpu.memory_space<hbm>> -> memref<16x2048xf32, #tpu.memory_space<hbm>>
    %dma_start3A_1254 = arith.constant 0 : i32
    %dma_start3A_1255 = arith.constant 0 : i32
    %dma_start3A_1256 = tpu.memref_slice %arg6[%dma_start3A_1242, %dma_start3A_1254, %dma_start3A_1255] : memref<2x16x2048xf32, #tpu.memory_space<vmem>> -> memref<1x16x2048xf32, #tpu.memory_space<vmem>>
    %dma_start3A_1257 = tpu.memref_squeeze %dma_start3A_1256 : memref<1x16x2048xf32, #tpu.memory_space<vmem>> -> memref<16x2048xf32, #tpu.memory_space<vmem>>
    tpu.enqueue_dma source(%dma_start3A_1257 : memref<16x2048xf32, #tpu.memory_space<vmem>>) target(%dma_start3A_1253 : memref<16x2048xf32, #tpu.memory_space<hbm>>) target_semaphore(%dma_start3A_1251 : memref<!tpu.dma_semaphore, #tpu.memory_space<semaphore_mem>>)
    %dma_wait3A_1258 = arith.constant 0 : i32
    %dma_wait3A_1259 = arith.constant 0 : i32
    %dma_wait3A_1260 = arith.constant 0 : i32
    %dma_wait3A_1261 = arith.constant 0 : i32
    %dma_wait3A_1262 = tpu.memref_slice %arg6[%dma_wait3A_1258, %dma_wait3A_1260, %dma_wait3A_1261] : memref<2x16x2048xf32, #tpu.memory_space<vmem>> -> memref<1x16x2048xf32, #tpu.memory_space<vmem>>
    %dma_wait3A_1263 = tpu.memref_squeeze %dma_wait3A_1262 : memref<1x16x2048xf32, #tpu.memory_space<vmem>> -> memref<16x2048xf32, #tpu.memory_space<vmem>>
    %dma_wait3A_1264 = arith.constant 0 : i32
    %dma_wait3A_1265 = tpu.memref_slice %arg4[%add3A_1241, %dma_wait3A_1264] : memref<16384x2048xf32, #tpu.memory_space<hbm>> -> memref<16x2048xf32, #tpu.memory_space<hbm>>
    %dma_wait3A_1266 = tpu.memref_slice %arg8[%dma_wait3A_1259] : memref<2x!tpu.dma_semaphore, #tpu.memory_space<semaphore_mem>> -> memref<1x!tpu.dma_semaphore, #tpu.memory_space<semaphore_mem>>
    %dma_wait3A_1267 = tpu.memref_squeeze %dma_wait3A_1266 : memref<1x!tpu.dma_semaphore, #tpu.memory_space<semaphore_mem>> -> memref<!tpu.dma_semaphore, #tpu.memory_space<semaphore_mem>>
    %dma_wait3A_1268 = arith.constant 0 : i32
    %dma_wait3A_1269 = tpu.memref_slice %arg4[%add3A_1241, %dma_wait3A_1268] : memref<16384x2048xf32, #tpu.memory_space<hbm>> -> memref<16x2048xf32, #tpu.memory_space<hbm>>
    %dma_wait3A_1270 = arith.constant 0 : i32
    %dma_wait3A_1271 = arith.constant 0 : i32
    %dma_wait3A_1272 = tpu.memref_slice %arg6[%dma_wait3A_1258, %dma_wait3A_1270, %dma_wait3A_1271] : memref<2x16x2048xf32, #tpu.memory_space<vmem>> -> memref<1x16x2048xf32, #tpu.memory_space<vmem>>
    %dma_wait3A_1273 = tpu.memref_squeeze %dma_wait3A_1272 : memref<1x16x2048xf32, #tpu.memory_space<vmem>> -> memref<16x2048xf32, #tpu.memory_space<vmem>>
    tpu.wait_dma2 semaphore(%dma_wait3A_1267 : memref<!tpu.dma_semaphore, #tpu.memory_space<semaphore_mem>>) src(%dma_wait3A_1273 : memref<16x2048xf32, #tpu.memory_space<vmem>>) dst(%dma_wait3A_1269 : memref<16x2048xf32, #tpu.memory_space<hbm>>)
    %dma_start3A_1274 = arith.constant 0 : i32
    %dma_start3A_1275 = arith.constant 0 : i32
    %dma_start3A_1276 = arith.constant 0 : i32
    %dma_start3A_1277 = arith.constant 0 : i32
    %dma_start3A_1278 = tpu.memref_slice %arg6[%dma_start3A_1274, %dma_start3A_1276, %dma_start3A_1277] : memref<2x16x2048xf32, #tpu.memory_space<vmem>> -> memref<1x16x2048xf32, #tpu.memory_space<vmem>>
    %dma_start3A_1279 = tpu.memref_squeeze %dma_start3A_1278 : memref<1x16x2048xf32, #tpu.memory_space<vmem>> -> memref<16x2048xf32, #tpu.memory_space<vmem>>
    %dma_start3A_1280 = arith.constant 352 : i32
    %dma_start3A_1281 = tpu.memref_slice %arg5[%dma_start3A_1280] : memref<512xi32, #tpu.memory_space<vmem>> -> memref<16xi32, #tpu.memory_space<vmem>>
    %dma_start3A_1282 = arith.constant 0 : i32
    %dma_start3A_1283 = arith.constant 0 : i32
    %dma_start3A_1284 = tpu.memref_slice %arg3[%dma_start3A_1282, %dma_start3A_1283] : memref<512x2048xf32, #tpu.memory_space<hbm>> -> memref<512x2048xf32, #tpu.memory_space<hbm>>
    %dma_start3A_1285 = tpu.memref_slice %arg7[%dma_start3A_1275] : memref<2x!tpu.dma_semaphore, #tpu.memory_space<semaphore_mem>> -> memref<1x!tpu.dma_semaphore, #tpu.memory_space<semaphore_mem>>
    %dma_start3A_1286 = tpu.memref_squeeze %dma_start3A_1285 : memref<1x!tpu.dma_semaphore, #tpu.memory_space<semaphore_mem>> -> memref<!tpu.dma_semaphore, #tpu.memory_space<semaphore_mem>>
    tpu.enqueue_indirect_dma source(%dma_start3A_1284 : memref<512x2048xf32, #tpu.memory_space<hbm>>) target(%dma_start3A_1279 : memref<16x2048xf32, #tpu.memory_space<vmem>>) offsets(%dma_start3A_1281 : memref<16xi32, #tpu.memory_space<vmem>>) semaphore(%dma_start3A_1286 : memref<!tpu.dma_semaphore, #tpu.memory_space<semaphore_mem>>)
    %dma_wait3A_1287 = arith.constant 1 : i32
    %dma_wait3A_1288 = arith.constant 1 : i32
    %dma_wait3A_1289 = arith.constant 0 : i32
    %dma_wait3A_1290 = arith.constant 0 : i32
    %dma_wait3A_1291 = tpu.memref_slice %arg6[%dma_wait3A_1287, %dma_wait3A_1289, %dma_wait3A_1290] : memref<2x16x2048xf32, #tpu.memory_space<vmem>> -> memref<1x16x2048xf32, #tpu.memory_space<vmem>>
    %dma_wait3A_1292 = tpu.memref_squeeze %dma_wait3A_1291 : memref<1x16x2048xf32, #tpu.memory_space<vmem>> -> memref<16x2048xf32, #tpu.memory_space<vmem>>
    %dma_wait3A_1293 = arith.constant 336 : i32
    %dma_wait3A_1294 = tpu.memref_slice %arg5[%dma_wait3A_1293] : memref<512xi32, #tpu.memory_space<vmem>> -> memref<16xi32, #tpu.memory_space<vmem>>
    %dma_wait3A_1295 = arith.constant 0 : i32
    %dma_wait3A_1296 = arith.constant 0 : i32
    %dma_wait3A_1297 = tpu.memref_slice %arg3[%dma_wait3A_1295, %dma_wait3A_1296] : memref<512x2048xf32, #tpu.memory_space<hbm>> -> memref<512x2048xf32, #tpu.memory_space<hbm>>
    %dma_wait3A_1298 = tpu.memref_slice %arg7[%dma_wait3A_1288] : memref<2x!tpu.dma_semaphore, #tpu.memory_space<semaphore_mem>> -> memref<1x!tpu.dma_semaphore, #tpu.memory_space<semaphore_mem>>
    %dma_wait3A_1299 = tpu.memref_squeeze %dma_wait3A_1298 : memref<1x!tpu.dma_semaphore, #tpu.memory_space<semaphore_mem>> -> memref<!tpu.dma_semaphore, #tpu.memory_space<semaphore_mem>>
    tpu.wait_indirect_dma semaphore(%dma_wait3A_1299 : memref<!tpu.dma_semaphore, #tpu.memory_space<semaphore_mem>>) src(%dma_wait3A_1297 : memref<512x2048xf32, #tpu.memory_space<hbm>>) dst(%dma_wait3A_1292 : memref<16x2048xf32, #tpu.memory_space<vmem>>)
    %add3A_1300 = arith.constant 336 : i32
    %add3A_1301 = arith.addi %mul3A_2, %add3A_1300 : i32
    %dma_start3A_1302 = arith.constant 1 : i32
    %dma_start3A_1303 = arith.constant 1 : i32
    %dma_start3A_1304 = arith.constant 0 : i32
    %dma_start3A_1305 = arith.constant 0 : i32
    %dma_start3A_1306 = tpu.memref_slice %arg6[%dma_start3A_1302, %dma_start3A_1304, %dma_start3A_1305] : memref<2x16x2048xf32, #tpu.memory_space<vmem>> -> memref<1x16x2048xf32, #tpu.memory_space<vmem>>
    %dma_start3A_1307 = tpu.memref_squeeze %dma_start3A_1306 : memref<1x16x2048xf32, #tpu.memory_space<vmem>> -> memref<16x2048xf32, #tpu.memory_space<vmem>>
    %dma_start3A_1308 = arith.constant 0 : i32
    %dma_start3A_1309 = tpu.memref_slice %arg4[%add3A_1301, %dma_start3A_1308] : memref<16384x2048xf32, #tpu.memory_space<hbm>> -> memref<16x2048xf32, #tpu.memory_space<hbm>>
    %dma_start3A_1310 = tpu.memref_slice %arg8[%dma_start3A_1303] : memref<2x!tpu.dma_semaphore, #tpu.memory_space<semaphore_mem>> -> memref<1x!tpu.dma_semaphore, #tpu.memory_space<semaphore_mem>>
    %dma_start3A_1311 = tpu.memref_squeeze %dma_start3A_1310 : memref<1x!tpu.dma_semaphore, #tpu.memory_space<semaphore_mem>> -> memref<!tpu.dma_semaphore, #tpu.memory_space<semaphore_mem>>
    %dma_start3A_1312 = arith.constant 0 : i32
    %dma_start3A_1313 = tpu.memref_slice %arg4[%add3A_1301, %dma_start3A_1312] : memref<16384x2048xf32, #tpu.memory_space<hbm>> -> memref<16x2048xf32, #tpu.memory_space<hbm>>
    %dma_start3A_1314 = arith.constant 0 : i32
    %dma_start3A_1315 = arith.constant 0 : i32
    %dma_start3A_1316 = tpu.memref_slice %arg6[%dma_start3A_1302, %dma_start3A_1314, %dma_start3A_1315] : memref<2x16x2048xf32, #tpu.memory_space<vmem>> -> memref<1x16x2048xf32, #tpu.memory_space<vmem>>
    %dma_start3A_1317 = tpu.memref_squeeze %dma_start3A_1316 : memref<1x16x2048xf32, #tpu.memory_space<vmem>> -> memref<16x2048xf32, #tpu.memory_space<vmem>>
    tpu.enqueue_dma source(%dma_start3A_1317 : memref<16x2048xf32, #tpu.memory_space<vmem>>) target(%dma_start3A_1313 : memref<16x2048xf32, #tpu.memory_space<hbm>>) target_semaphore(%dma_start3A_1311 : memref<!tpu.dma_semaphore, #tpu.memory_space<semaphore_mem>>)
    %dma_wait3A_1318 = arith.constant 1 : i32
    %dma_wait3A_1319 = arith.constant 1 : i32
    %dma_wait3A_1320 = arith.constant 0 : i32
    %dma_wait3A_1321 = arith.constant 0 : i32
    %dma_wait3A_1322 = tpu.memref_slice %arg6[%dma_wait3A_1318, %dma_wait3A_1320, %dma_wait3A_1321] : memref<2x16x2048xf32, #tpu.memory_space<vmem>> -> memref<1x16x2048xf32, #tpu.memory_space<vmem>>
    %dma_wait3A_1323 = tpu.memref_squeeze %dma_wait3A_1322 : memref<1x16x2048xf32, #tpu.memory_space<vmem>> -> memref<16x2048xf32, #tpu.memory_space<vmem>>
    %dma_wait3A_1324 = arith.constant 0 : i32
    %dma_wait3A_1325 = tpu.memref_slice %arg4[%add3A_1301, %dma_wait3A_1324] : memref<16384x2048xf32, #tpu.memory_space<hbm>> -> memref<16x2048xf32, #tpu.memory_space<hbm>>
    %dma_wait3A_1326 = tpu.memref_slice %arg8[%dma_wait3A_1319] : memref<2x!tpu.dma_semaphore, #tpu.memory_space<semaphore_mem>> -> memref<1x!tpu.dma_semaphore, #tpu.memory_space<semaphore_mem>>
    %dma_wait3A_1327 = tpu.memref_squeeze %dma_wait3A_1326 : memref<1x!tpu.dma_semaphore, #tpu.memory_space<semaphore_mem>> -> memref<!tpu.dma_semaphore, #tpu.memory_space<semaphore_mem>>
    %dma_wait3A_1328 = arith.constant 0 : i32
    %dma_wait3A_1329 = tpu.memref_slice %arg4[%add3A_1301, %dma_wait3A_1328] : memref<16384x2048xf32, #tpu.memory_space<hbm>> -> memref<16x2048xf32, #tpu.memory_space<hbm>>
    %dma_wait3A_1330 = arith.constant 0 : i32
    %dma_wait3A_1331 = arith.constant 0 : i32
    %dma_wait3A_1332 = tpu.memref_slice %arg6[%dma_wait3A_1318, %dma_wait3A_1330, %dma_wait3A_1331] : memref<2x16x2048xf32, #tpu.memory_space<vmem>> -> memref<1x16x2048xf32, #tpu.memory_space<vmem>>
    %dma_wait3A_1333 = tpu.memref_squeeze %dma_wait3A_1332 : memref<1x16x2048xf32, #tpu.memory_space<vmem>> -> memref<16x2048xf32, #tpu.memory_space<vmem>>
    tpu.wait_dma2 semaphore(%dma_wait3A_1327 : memref<!tpu.dma_semaphore, #tpu.memory_space<semaphore_mem>>) src(%dma_wait3A_1333 : memref<16x2048xf32, #tpu.memory_space<vmem>>) dst(%dma_wait3A_1329 : memref<16x2048xf32, #tpu.memory_space<hbm>>)
    %dma_start3A_1334 = arith.constant 1 : i32
    %dma_start3A_1335 = arith.constant 1 : i32
    %dma_start3A_1336 = arith.constant 0 : i32
    %dma_start3A_1337 = arith.constant 0 : i32
    %dma_start3A_1338 = tpu.memref_slice %arg6[%dma_start3A_1334, %dma_start3A_1336, %dma_start3A_1337] : memref<2x16x2048xf32, #tpu.memory_space<vmem>> -> memref<1x16x2048xf32, #tpu.memory_space<vmem>>
    %dma_start3A_1339 = tpu.memref_squeeze %dma_start3A_1338 : memref<1x16x2048xf32, #tpu.memory_space<vmem>> -> memref<16x2048xf32, #tpu.memory_space<vmem>>
    %dma_start3A_1340 = arith.constant 368 : i32
    %dma_start3A_1341 = tpu.memref_slice %arg5[%dma_start3A_1340] : memref<512xi32, #tpu.memory_space<vmem>> -> memref<16xi32, #tpu.memory_space<vmem>>
    %dma_start3A_1342 = arith.constant 0 : i32
    %dma_start3A_1343 = arith.constant 0 : i32
    %dma_start3A_1344 = tpu.memref_slice %arg3[%dma_start3A_1342, %dma_start3A_1343] : memref<512x2048xf32, #tpu.memory_space<hbm>> -> memref<512x2048xf32, #tpu.memory_space<hbm>>
    %dma_start3A_1345 = tpu.memref_slice %arg7[%dma_start3A_1335] : memref<2x!tpu.dma_semaphore, #tpu.memory_space<semaphore_mem>> -> memref<1x!tpu.dma_semaphore, #tpu.memory_space<semaphore_mem>>
    %dma_start3A_1346 = tpu.memref_squeeze %dma_start3A_1345 : memref<1x!tpu.dma_semaphore, #tpu.memory_space<semaphore_mem>> -> memref<!tpu.dma_semaphore, #tpu.memory_space<semaphore_mem>>
    tpu.enqueue_indirect_dma source(%dma_start3A_1344 : memref<512x2048xf32, #tpu.memory_space<hbm>>) target(%dma_start3A_1339 : memref<16x2048xf32, #tpu.memory_space<vmem>>) offsets(%dma_start3A_1341 : memref<16xi32, #tpu.memory_space<vmem>>) semaphore(%dma_start3A_1346 : memref<!tpu.dma_semaphore, #tpu.memory_space<semaphore_mem>>)
    %dma_wait3A_1347 = arith.constant 0 : i32
    %dma_wait3A_1348 = arith.constant 0 : i32
    %dma_wait3A_1349 = arith.constant 0 : i32
    %dma_wait3A_1350 = arith.constant 0 : i32
    %dma_wait3A_1351 = tpu.memref_slice %arg6[%dma_wait3A_1347, %dma_wait3A_1349, %dma_wait3A_1350] : memref<2x16x2048xf32, #tpu.memory_space<vmem>> -> memref<1x16x2048xf32, #tpu.memory_space<vmem>>
    %dma_wait3A_1352 = tpu.memref_squeeze %dma_wait3A_1351 : memref<1x16x2048xf32, #tpu.memory_space<vmem>> -> memref<16x2048xf32, #tpu.memory_space<vmem>>
    %dma_wait3A_1353 = arith.constant 352 : i32
    %dma_wait3A_1354 = tpu.memref_slice %arg5[%dma_wait3A_1353] : memref<512xi32, #tpu.memory_space<vmem>> -> memref<16xi32, #tpu.memory_space<vmem>>
    %dma_wait3A_1355 = arith.constant 0 : i32
    %dma_wait3A_1356 = arith.constant 0 : i32
    %dma_wait3A_1357 = tpu.memref_slice %arg3[%dma_wait3A_1355, %dma_wait3A_1356] : memref<512x2048xf32, #tpu.memory_space<hbm>> -> memref<512x2048xf32, #tpu.memory_space<hbm>>
    %dma_wait3A_1358 = tpu.memref_slice %arg7[%dma_wait3A_1348] : memref<2x!tpu.dma_semaphore, #tpu.memory_space<semaphore_mem>> -> memref<1x!tpu.dma_semaphore, #tpu.memory_space<semaphore_mem>>
    %dma_wait3A_1359 = tpu.memref_squeeze %dma_wait3A_1358 : memref<1x!tpu.dma_semaphore, #tpu.memory_space<semaphore_mem>> -> memref<!tpu.dma_semaphore, #tpu.memory_space<semaphore_mem>>
    tpu.wait_indirect_dma semaphore(%dma_wait3A_1359 : memref<!tpu.dma_semaphore, #tpu.memory_space<semaphore_mem>>) src(%dma_wait3A_1357 : memref<512x2048xf32, #tpu.memory_space<hbm>>) dst(%dma_wait3A_1352 : memref<16x2048xf32, #tpu.memory_space<vmem>>)
    %add3A_1360 = arith.constant 352 : i32
    %add3A_1361 = arith.addi %mul3A_2, %add3A_1360 : i32
    %dma_start3A_1362 = arith.constant 0 : i32
    %dma_start3A_1363 = arith.constant 0 : i32
    %dma_start3A_1364 = arith.constant 0 : i32
    %dma_start3A_1365 = arith.constant 0 : i32
    %dma_start3A_1366 = tpu.memref_slice %arg6[%dma_start3A_1362, %dma_start3A_1364, %dma_start3A_1365] : memref<2x16x2048xf32, #tpu.memory_space<vmem>> -> memref<1x16x2048xf32, #tpu.memory_space<vmem>>
    %dma_start3A_1367 = tpu.memref_squeeze %dma_start3A_1366 : memref<1x16x2048xf32, #tpu.memory_space<vmem>> -> memref<16x2048xf32, #tpu.memory_space<vmem>>
    %dma_start3A_1368 = arith.constant 0 : i32
    %dma_start3A_1369 = tpu.memref_slice %arg4[%add3A_1361, %dma_start3A_1368] : memref<16384x2048xf32, #tpu.memory_space<hbm>> -> memref<16x2048xf32, #tpu.memory_space<hbm>>
    %dma_start3A_1370 = tpu.memref_slice %arg8[%dma_start3A_1363] : memref<2x!tpu.dma_semaphore, #tpu.memory_space<semaphore_mem>> -> memref<1x!tpu.dma_semaphore, #tpu.memory_space<semaphore_mem>>
    %dma_start3A_1371 = tpu.memref_squeeze %dma_start3A_1370 : memref<1x!tpu.dma_semaphore, #tpu.memory_space<semaphore_mem>> -> memref<!tpu.dma_semaphore, #tpu.memory_space<semaphore_mem>>
    %dma_start3A_1372 = arith.constant 0 : i32
    %dma_start3A_1373 = tpu.memref_slice %arg4[%add3A_1361, %dma_start3A_1372] : memref<16384x2048xf32, #tpu.memory_space<hbm>> -> memref<16x2048xf32, #tpu.memory_space<hbm>>
    %dma_start3A_1374 = arith.constant 0 : i32
    %dma_start3A_1375 = arith.constant 0 : i32
    %dma_start3A_1376 = tpu.memref_slice %arg6[%dma_start3A_1362, %dma_start3A_1374, %dma_start3A_1375] : memref<2x16x2048xf32, #tpu.memory_space<vmem>> -> memref<1x16x2048xf32, #tpu.memory_space<vmem>>
    %dma_start3A_1377 = tpu.memref_squeeze %dma_start3A_1376 : memref<1x16x2048xf32, #tpu.memory_space<vmem>> -> memref<16x2048xf32, #tpu.memory_space<vmem>>
    tpu.enqueue_dma source(%dma_start3A_1377 : memref<16x2048xf32, #tpu.memory_space<vmem>>) target(%dma_start3A_1373 : memref<16x2048xf32, #tpu.memory_space<hbm>>) target_semaphore(%dma_start3A_1371 : memref<!tpu.dma_semaphore, #tpu.memory_space<semaphore_mem>>)
    %dma_wait3A_1378 = arith.constant 0 : i32
    %dma_wait3A_1379 = arith.constant 0 : i32
    %dma_wait3A_1380 = arith.constant 0 : i32
    %dma_wait3A_1381 = arith.constant 0 : i32
    %dma_wait3A_1382 = tpu.memref_slice %arg6[%dma_wait3A_1378, %dma_wait3A_1380, %dma_wait3A_1381] : memref<2x16x2048xf32, #tpu.memory_space<vmem>> -> memref<1x16x2048xf32, #tpu.memory_space<vmem>>
    %dma_wait3A_1383 = tpu.memref_squeeze %dma_wait3A_1382 : memref<1x16x2048xf32, #tpu.memory_space<vmem>> -> memref<16x2048xf32, #tpu.memory_space<vmem>>
    %dma_wait3A_1384 = arith.constant 0 : i32
    %dma_wait3A_1385 = tpu.memref_slice %arg4[%add3A_1361, %dma_wait3A_1384] : memref<16384x2048xf32, #tpu.memory_space<hbm>> -> memref<16x2048xf32, #tpu.memory_space<hbm>>
    %dma_wait3A_1386 = tpu.memref_slice %arg8[%dma_wait3A_1379] : memref<2x!tpu.dma_semaphore, #tpu.memory_space<semaphore_mem>> -> memref<1x!tpu.dma_semaphore, #tpu.memory_space<semaphore_mem>>
    %dma_wait3A_1387 = tpu.memref_squeeze %dma_wait3A_1386 : memref<1x!tpu.dma_semaphore, #tpu.memory_space<semaphore_mem>> -> memref<!tpu.dma_semaphore, #tpu.memory_space<semaphore_mem>>
    %dma_wait3A_1388 = arith.constant 0 : i32
    %dma_wait3A_1389 = tpu.memref_slice %arg4[%add3A_1361, %dma_wait3A_1388] : memref<16384x2048xf32, #tpu.memory_space<hbm>> -> memref<16x2048xf32, #tpu.memory_space<hbm>>
    %dma_wait3A_1390 = arith.constant 0 : i32
    %dma_wait3A_1391 = arith.constant 0 : i32
    %dma_wait3A_1392 = tpu.memref_slice %arg6[%dma_wait3A_1378, %dma_wait3A_1390, %dma_wait3A_1391] : memref<2x16x2048xf32, #tpu.memory_space<vmem>> -> memref<1x16x2048xf32, #tpu.memory_space<vmem>>
    %dma_wait3A_1393 = tpu.memref_squeeze %dma_wait3A_1392 : memref<1x16x2048xf32, #tpu.memory_space<vmem>> -> memref<16x2048xf32, #tpu.memory_space<vmem>>
    tpu.wait_dma2 semaphore(%dma_wait3A_1387 : memref<!tpu.dma_semaphore, #tpu.memory_space<semaphore_mem>>) src(%dma_wait3A_1393 : memref<16x2048xf32, #tpu.memory_space<vmem>>) dst(%dma_wait3A_1389 : memref<16x2048xf32, #tpu.memory_space<hbm>>)
    %dma_start3A_1394 = arith.constant 0 : i32
    %dma_start3A_1395 = arith.constant 0 : i32
    %dma_start3A_1396 = arith.constant 0 : i32
    %dma_start3A_1397 = arith.constant 0 : i32
    %dma_start3A_1398 = tpu.memref_slice %arg6[%dma_start3A_1394, %dma_start3A_1396, %dma_start3A_1397] : memref<2x16x2048xf32, #tpu.memory_space<vmem>> -> memref<1x16x2048xf32, #tpu.memory_space<vmem>>
    %dma_start3A_1399 = tpu.memref_squeeze %dma_start3A_1398 : memref<1x16x2048xf32, #tpu.memory_space<vmem>> -> memref<16x2048xf32, #tpu.memory_space<vmem>>
    %dma_start3A_1400 = arith.constant 384 : i32
    %dma_start3A_1401 = tpu.memref_slice %arg5[%dma_start3A_1400] : memref<512xi32, #tpu.memory_space<vmem>> -> memref<16xi32, #tpu.memory_space<vmem>>
    %dma_start3A_1402 = arith.constant 0 : i32
    %dma_start3A_1403 = arith.constant 0 : i32
    %dma_start3A_1404 = tpu.memref_slice %arg3[%dma_start3A_1402, %dma_start3A_1403] : memref<512x2048xf32, #tpu.memory_space<hbm>> -> memref<512x2048xf32, #tpu.memory_space<hbm>>
    %dma_start3A_1405 = tpu.memref_slice %arg7[%dma_start3A_1395] : memref<2x!tpu.dma_semaphore, #tpu.memory_space<semaphore_mem>> -> memref<1x!tpu.dma_semaphore, #tpu.memory_space<semaphore_mem>>
    %dma_start3A_1406 = tpu.memref_squeeze %dma_start3A_1405 : memref<1x!tpu.dma_semaphore, #tpu.memory_space<semaphore_mem>> -> memref<!tpu.dma_semaphore, #tpu.memory_space<semaphore_mem>>
    tpu.enqueue_indirect_dma source(%dma_start3A_1404 : memref<512x2048xf32, #tpu.memory_space<hbm>>) target(%dma_start3A_1399 : memref<16x2048xf32, #tpu.memory_space<vmem>>) offsets(%dma_start3A_1401 : memref<16xi32, #tpu.memory_space<vmem>>) semaphore(%dma_start3A_1406 : memref<!tpu.dma_semaphore, #tpu.memory_space<semaphore_mem>>)
    %dma_wait3A_1407 = arith.constant 1 : i32
    %dma_wait3A_1408 = arith.constant 1 : i32
    %dma_wait3A_1409 = arith.constant 0 : i32
    %dma_wait3A_1410 = arith.constant 0 : i32
    %dma_wait3A_1411 = tpu.memref_slice %arg6[%dma_wait3A_1407, %dma_wait3A_1409, %dma_wait3A_1410] : memref<2x16x2048xf32, #tpu.memory_space<vmem>> -> memref<1x16x2048xf32, #tpu.memory_space<vmem>>
    %dma_wait3A_1412 = tpu.memref_squeeze %dma_wait3A_1411 : memref<1x16x2048xf32, #tpu.memory_space<vmem>> -> memref<16x2048xf32, #tpu.memory_space<vmem>>
    %dma_wait3A_1413 = arith.constant 368 : i32
    %dma_wait3A_1414 = tpu.memref_slice %arg5[%dma_wait3A_1413] : memref<512xi32, #tpu.memory_space<vmem>> -> memref<16xi32, #tpu.memory_space<vmem>>
    %dma_wait3A_1415 = arith.constant 0 : i32
    %dma_wait3A_1416 = arith.constant 0 : i32
    %dma_wait3A_1417 = tpu.memref_slice %arg3[%dma_wait3A_1415, %dma_wait3A_1416] : memref<512x2048xf32, #tpu.memory_space<hbm>> -> memref<512x2048xf32, #tpu.memory_space<hbm>>
    %dma_wait3A_1418 = tpu.memref_slice %arg7[%dma_wait3A_1408] : memref<2x!tpu.dma_semaphore, #tpu.memory_space<semaphore_mem>> -> memref<1x!tpu.dma_semaphore, #tpu.memory_space<semaphore_mem>>
    %dma_wait3A_1419 = tpu.memref_squeeze %dma_wait3A_1418 : memref<1x!tpu.dma_semaphore, #tpu.memory_space<semaphore_mem>> -> memref<!tpu.dma_semaphore, #tpu.memory_space<semaphore_mem>>
    tpu.wait_indirect_dma semaphore(%dma_wait3A_1419 : memref<!tpu.dma_semaphore, #tpu.memory_space<semaphore_mem>>) src(%dma_wait3A_1417 : memref<512x2048xf32, #tpu.memory_space<hbm>>) dst(%dma_wait3A_1412 : memref<16x2048xf32, #tpu.memory_space<vmem>>)
    %add3A_1420 = arith.constant 368 : i32
    %add3A_1421 = arith.addi %mul3A_2, %add3A_1420 : i32
    %dma_start3A_1422 = arith.constant 1 : i32
    %dma_start3A_1423 = arith.constant 1 : i32
    %dma_start3A_1424 = arith.constant 0 : i32
    %dma_start3A_1425 = arith.constant 0 : i32
    %dma_start3A_1426 = tpu.memref_slice %arg6[%dma_start3A_1422, %dma_start3A_1424, %dma_start3A_1425] : memref<2x16x2048xf32, #tpu.memory_space<vmem>> -> memref<1x16x2048xf32, #tpu.memory_space<vmem>>
    %dma_start3A_1427 = tpu.memref_squeeze %dma_start3A_1426 : memref<1x16x2048xf32, #tpu.memory_space<vmem>> -> memref<16x2048xf32, #tpu.memory_space<vmem>>
    %dma_start3A_1428 = arith.constant 0 : i32
    %dma_start3A_1429 = tpu.memref_slice %arg4[%add3A_1421, %dma_start3A_1428] : memref<16384x2048xf32, #tpu.memory_space<hbm>> -> memref<16x2048xf32, #tpu.memory_space<hbm>>
    %dma_start3A_1430 = tpu.memref_slice %arg8[%dma_start3A_1423] : memref<2x!tpu.dma_semaphore, #tpu.memory_space<semaphore_mem>> -> memref<1x!tpu.dma_semaphore, #tpu.memory_space<semaphore_mem>>
    %dma_start3A_1431 = tpu.memref_squeeze %dma_start3A_1430 : memref<1x!tpu.dma_semaphore, #tpu.memory_space<semaphore_mem>> -> memref<!tpu.dma_semaphore, #tpu.memory_space<semaphore_mem>>
    %dma_start3A_1432 = arith.constant 0 : i32
    %dma_start3A_1433 = tpu.memref_slice %arg4[%add3A_1421, %dma_start3A_1432] : memref<16384x2048xf32, #tpu.memory_space<hbm>> -> memref<16x2048xf32, #tpu.memory_space<hbm>>
    %dma_start3A_1434 = arith.constant 0 : i32
    %dma_start3A_1435 = arith.constant 0 : i32
    %dma_start3A_1436 = tpu.memref_slice %arg6[%dma_start3A_1422, %dma_start3A_1434, %dma_start3A_1435] : memref<2x16x2048xf32, #tpu.memory_space<vmem>> -> memref<1x16x2048xf32, #tpu.memory_space<vmem>>
    %dma_start3A_1437 = tpu.memref_squeeze %dma_start3A_1436 : memref<1x16x2048xf32, #tpu.memory_space<vmem>> -> memref<16x2048xf32, #tpu.memory_space<vmem>>
    tpu.enqueue_dma source(%dma_start3A_1437 : memref<16x2048xf32, #tpu.memory_space<vmem>>) target(%dma_start3A_1433 : memref<16x2048xf32, #tpu.memory_space<hbm>>) target_semaphore(%dma_start3A_1431 : memref<!tpu.dma_semaphore, #tpu.memory_space<semaphore_mem>>)
    %dma_wait3A_1438 = arith.constant 1 : i32
    %dma_wait3A_1439 = arith.constant 1 : i32
    %dma_wait3A_1440 = arith.constant 0 : i32
    %dma_wait3A_1441 = arith.constant 0 : i32
    %dma_wait3A_1442 = tpu.memref_slice %arg6[%dma_wait3A_1438, %dma_wait3A_1440, %dma_wait3A_1441] : memref<2x16x2048xf32, #tpu.memory_space<vmem>> -> memref<1x16x2048xf32, #tpu.memory_space<vmem>>
    %dma_wait3A_1443 = tpu.memref_squeeze %dma_wait3A_1442 : memref<1x16x2048xf32, #tpu.memory_space<vmem>> -> memref<16x2048xf32, #tpu.memory_space<vmem>>
    %dma_wait3A_1444 = arith.constant 0 : i32
    %dma_wait3A_1445 = tpu.memref_slice %arg4[%add3A_1421, %dma_wait3A_1444] : memref<16384x2048xf32, #tpu.memory_space<hbm>> -> memref<16x2048xf32, #tpu.memory_space<hbm>>
    %dma_wait3A_1446 = tpu.memref_slice %arg8[%dma_wait3A_1439] : memref<2x!tpu.dma_semaphore, #tpu.memory_space<semaphore_mem>> -> memref<1x!tpu.dma_semaphore, #tpu.memory_space<semaphore_mem>>
    %dma_wait3A_1447 = tpu.memref_squeeze %dma_wait3A_1446 : memref<1x!tpu.dma_semaphore, #tpu.memory_space<semaphore_mem>> -> memref<!tpu.dma_semaphore, #tpu.memory_space<semaphore_mem>>
    %dma_wait3A_1448 = arith.constant 0 : i32
    %dma_wait3A_1449 = tpu.memref_slice %arg4[%add3A_1421, %dma_wait3A_1448] : memref<16384x2048xf32, #tpu.memory_space<hbm>> -> memref<16x2048xf32, #tpu.memory_space<hbm>>
    %dma_wait3A_1450 = arith.constant 0 : i32
    %dma_wait3A_1451 = arith.constant 0 : i32
    %dma_wait3A_1452 = tpu.memref_slice %arg6[%dma_wait3A_1438, %dma_wait3A_1450, %dma_wait3A_1451] : memref<2x16x2048xf32, #tpu.memory_space<vmem>> -> memref<1x16x2048xf32, #tpu.memory_space<vmem>>
    %dma_wait3A_1453 = tpu.memref_squeeze %dma_wait3A_1452 : memref<1x16x2048xf32, #tpu.memory_space<vmem>> -> memref<16x2048xf32, #tpu.memory_space<vmem>>
    tpu.wait_dma2 semaphore(%dma_wait3A_1447 : memref<!tpu.dma_semaphore, #tpu.memory_space<semaphore_mem>>) src(%dma_wait3A_1453 : memref<16x2048xf32, #tpu.memory_space<vmem>>) dst(%dma_wait3A_1449 : memref<16x2048xf32, #tpu.memory_space<hbm>>)
    %dma_start3A_1454 = arith.constant 1 : i32
    %dma_start3A_1455 = arith.constant 1 : i32
    %dma_start3A_1456 = arith.constant 0 : i32
    %dma_start3A_1457 = arith.constant 0 : i32
    %dma_start3A_1458 = tpu.memref_slice %arg6[%dma_start3A_1454, %dma_start3A_1456, %dma_start3A_1457] : memref<2x16x2048xf32, #tpu.memory_space<vmem>> -> memref<1x16x2048xf32, #tpu.memory_space<vmem>>
    %dma_start3A_1459 = tpu.memref_squeeze %dma_start3A_1458 : memref<1x16x2048xf32, #tpu.memory_space<vmem>> -> memref<16x2048xf32, #tpu.memory_space<vmem>>
    %dma_start3A_1460 = arith.constant 400 : i32
    %dma_start3A_1461 = tpu.memref_slice %arg5[%dma_start3A_1460] : memref<512xi32, #tpu.memory_space<vmem>> -> memref<16xi32, #tpu.memory_space<vmem>>
    %dma_start3A_1462 = arith.constant 0 : i32
    %dma_start3A_1463 = arith.constant 0 : i32
    %dma_start3A_1464 = tpu.memref_slice %arg3[%dma_start3A_1462, %dma_start3A_1463] : memref<512x2048xf32, #tpu.memory_space<hbm>> -> memref<512x2048xf32, #tpu.memory_space<hbm>>
    %dma_start3A_1465 = tpu.memref_slice %arg7[%dma_start3A_1455] : memref<2x!tpu.dma_semaphore, #tpu.memory_space<semaphore_mem>> -> memref<1x!tpu.dma_semaphore, #tpu.memory_space<semaphore_mem>>
    %dma_start3A_1466 = tpu.memref_squeeze %dma_start3A_1465 : memref<1x!tpu.dma_semaphore, #tpu.memory_space<semaphore_mem>> -> memref<!tpu.dma_semaphore, #tpu.memory_space<semaphore_mem>>
    tpu.enqueue_indirect_dma source(%dma_start3A_1464 : memref<512x2048xf32, #tpu.memory_space<hbm>>) target(%dma_start3A_1459 : memref<16x2048xf32, #tpu.memory_space<vmem>>) offsets(%dma_start3A_1461 : memref<16xi32, #tpu.memory_space<vmem>>) semaphore(%dma_start3A_1466 : memref<!tpu.dma_semaphore, #tpu.memory_space<semaphore_mem>>)
    %dma_wait3A_1467 = arith.constant 0 : i32
    %dma_wait3A_1468 = arith.constant 0 : i32
    %dma_wait3A_1469 = arith.constant 0 : i32
    %dma_wait3A_1470 = arith.constant 0 : i32
    %dma_wait3A_1471 = tpu.memref_slice %arg6[%dma_wait3A_1467, %dma_wait3A_1469, %dma_wait3A_1470] : memref<2x16x2048xf32, #tpu.memory_space<vmem>> -> memref<1x16x2048xf32, #tpu.memory_space<vmem>>
    %dma_wait3A_1472 = tpu.memref_squeeze %dma_wait3A_1471 : memref<1x16x2048xf32, #tpu.memory_space<vmem>> -> memref<16x2048xf32, #tpu.memory_space<vmem>>
    %dma_wait3A_1473 = arith.constant 384 : i32
    %dma_wait3A_1474 = tpu.memref_slice %arg5[%dma_wait3A_1473] : memref<512xi32, #tpu.memory_space<vmem>> -> memref<16xi32, #tpu.memory_space<vmem>>
    %dma_wait3A_1475 = arith.constant 0 : i32
    %dma_wait3A_1476 = arith.constant 0 : i32
    %dma_wait3A_1477 = tpu.memref_slice %arg3[%dma_wait3A_1475, %dma_wait3A_1476] : memref<512x2048xf32, #tpu.memory_space<hbm>> -> memref<512x2048xf32, #tpu.memory_space<hbm>>
    %dma_wait3A_1478 = tpu.memref_slice %arg7[%dma_wait3A_1468] : memref<2x!tpu.dma_semaphore, #tpu.memory_space<semaphore_mem>> -> memref<1x!tpu.dma_semaphore, #tpu.memory_space<semaphore_mem>>
    %dma_wait3A_1479 = tpu.memref_squeeze %dma_wait3A_1478 : memref<1x!tpu.dma_semaphore, #tpu.memory_space<semaphore_mem>> -> memref<!tpu.dma_semaphore, #tpu.memory_space<semaphore_mem>>
    tpu.wait_indirect_dma semaphore(%dma_wait3A_1479 : memref<!tpu.dma_semaphore, #tpu.memory_space<semaphore_mem>>) src(%dma_wait3A_1477 : memref<512x2048xf32, #tpu.memory_space<hbm>>) dst(%dma_wait3A_1472 : memref<16x2048xf32, #tpu.memory_space<vmem>>)
    %add3A_1480 = arith.constant 384 : i32
    %add3A_1481 = arith.addi %mul3A_2, %add3A_1480 : i32
    %dma_start3A_1482 = arith.constant 0 : i32
    %dma_start3A_1483 = arith.constant 0 : i32
    %dma_start3A_1484 = arith.constant 0 : i32
    %dma_start3A_1485 = arith.constant 0 : i32
    %dma_start3A_1486 = tpu.memref_slice %arg6[%dma_start3A_1482, %dma_start3A_1484, %dma_start3A_1485] : memref<2x16x2048xf32, #tpu.memory_space<vmem>> -> memref<1x16x2048xf32, #tpu.memory_space<vmem>>
    %dma_start3A_1487 = tpu.memref_squeeze %dma_start3A_1486 : memref<1x16x2048xf32, #tpu.memory_space<vmem>> -> memref<16x2048xf32, #tpu.memory_space<vmem>>
    %dma_start3A_1488 = arith.constant 0 : i32
    %dma_start3A_1489 = tpu.memref_slice %arg4[%add3A_1481, %dma_start3A_1488] : memref<16384x2048xf32, #tpu.memory_space<hbm>> -> memref<16x2048xf32, #tpu.memory_space<hbm>>
    %dma_start3A_1490 = tpu.memref_slice %arg8[%dma_start3A_1483] : memref<2x!tpu.dma_semaphore, #tpu.memory_space<semaphore_mem>> -> memref<1x!tpu.dma_semaphore, #tpu.memory_space<semaphore_mem>>
    %dma_start3A_1491 = tpu.memref_squeeze %dma_start3A_1490 : memref<1x!tpu.dma_semaphore, #tpu.memory_space<semaphore_mem>> -> memref<!tpu.dma_semaphore, #tpu.memory_space<semaphore_mem>>
    %dma_start3A_1492 = arith.constant 0 : i32
    %dma_start3A_1493 = tpu.memref_slice %arg4[%add3A_1481, %dma_start3A_1492] : memref<16384x2048xf32, #tpu.memory_space<hbm>> -> memref<16x2048xf32, #tpu.memory_space<hbm>>
    %dma_start3A_1494 = arith.constant 0 : i32
    %dma_start3A_1495 = arith.constant 0 : i32
    %dma_start3A_1496 = tpu.memref_slice %arg6[%dma_start3A_1482, %dma_start3A_1494, %dma_start3A_1495] : memref<2x16x2048xf32, #tpu.memory_space<vmem>> -> memref<1x16x2048xf32, #tpu.memory_space<vmem>>
    %dma_start3A_1497 = tpu.memref_squeeze %dma_start3A_1496 : memref<1x16x2048xf32, #tpu.memory_space<vmem>> -> memref<16x2048xf32, #tpu.memory_space<vmem>>
    tpu.enqueue_dma source(%dma_start3A_1497 : memref<16x2048xf32, #tpu.memory_space<vmem>>) target(%dma_start3A_1493 : memref<16x2048xf32, #tpu.memory_space<hbm>>) target_semaphore(%dma_start3A_1491 : memref<!tpu.dma_semaphore, #tpu.memory_space<semaphore_mem>>)
    %dma_wait3A_1498 = arith.constant 0 : i32
    %dma_wait3A_1499 = arith.constant 0 : i32
    %dma_wait3A_1500 = arith.constant 0 : i32
    %dma_wait3A_1501 = arith.constant 0 : i32
    %dma_wait3A_1502 = tpu.memref_slice %arg6[%dma_wait3A_1498, %dma_wait3A_1500, %dma_wait3A_1501] : memref<2x16x2048xf32, #tpu.memory_space<vmem>> -> memref<1x16x2048xf32, #tpu.memory_space<vmem>>
    %dma_wait3A_1503 = tpu.memref_squeeze %dma_wait3A_1502 : memref<1x16x2048xf32, #tpu.memory_space<vmem>> -> memref<16x2048xf32, #tpu.memory_space<vmem>>
    %dma_wait3A_1504 = arith.constant 0 : i32
    %dma_wait3A_1505 = tpu.memref_slice %arg4[%add3A_1481, %dma_wait3A_1504] : memref<16384x2048xf32, #tpu.memory_space<hbm>> -> memref<16x2048xf32, #tpu.memory_space<hbm>>
    %dma_wait3A_1506 = tpu.memref_slice %arg8[%dma_wait3A_1499] : memref<2x!tpu.dma_semaphore, #tpu.memory_space<semaphore_mem>> -> memref<1x!tpu.dma_semaphore, #tpu.memory_space<semaphore_mem>>
    %dma_wait3A_1507 = tpu.memref_squeeze %dma_wait3A_1506 : memref<1x!tpu.dma_semaphore, #tpu.memory_space<semaphore_mem>> -> memref<!tpu.dma_semaphore, #tpu.memory_space<semaphore_mem>>
    %dma_wait3A_1508 = arith.constant 0 : i32
    %dma_wait3A_1509 = tpu.memref_slice %arg4[%add3A_1481, %dma_wait3A_1508] : memref<16384x2048xf32, #tpu.memory_space<hbm>> -> memref<16x2048xf32, #tpu.memory_space<hbm>>
    %dma_wait3A_1510 = arith.constant 0 : i32
    %dma_wait3A_1511 = arith.constant 0 : i32
    %dma_wait3A_1512 = tpu.memref_slice %arg6[%dma_wait3A_1498, %dma_wait3A_1510, %dma_wait3A_1511] : memref<2x16x2048xf32, #tpu.memory_space<vmem>> -> memref<1x16x2048xf32, #tpu.memory_space<vmem>>
    %dma_wait3A_1513 = tpu.memref_squeeze %dma_wait3A_1512 : memref<1x16x2048xf32, #tpu.memory_space<vmem>> -> memref<16x2048xf32, #tpu.memory_space<vmem>>
    tpu.wait_dma2 semaphore(%dma_wait3A_1507 : memref<!tpu.dma_semaphore, #tpu.memory_space<semaphore_mem>>) src(%dma_wait3A_1513 : memref<16x2048xf32, #tpu.memory_space<vmem>>) dst(%dma_wait3A_1509 : memref<16x2048xf32, #tpu.memory_space<hbm>>)
    %dma_start3A_1514 = arith.constant 0 : i32
    %dma_start3A_1515 = arith.constant 0 : i32
    %dma_start3A_1516 = arith.constant 0 : i32
    %dma_start3A_1517 = arith.constant 0 : i32
    %dma_start3A_1518 = tpu.memref_slice %arg6[%dma_start3A_1514, %dma_start3A_1516, %dma_start3A_1517] : memref<2x16x2048xf32, #tpu.memory_space<vmem>> -> memref<1x16x2048xf32, #tpu.memory_space<vmem>>
    %dma_start3A_1519 = tpu.memref_squeeze %dma_start3A_1518 : memref<1x16x2048xf32, #tpu.memory_space<vmem>> -> memref<16x2048xf32, #tpu.memory_space<vmem>>
    %dma_start3A_1520 = arith.constant 416 : i32
    %dma_start3A_1521 = tpu.memref_slice %arg5[%dma_start3A_1520] : memref<512xi32, #tpu.memory_space<vmem>> -> memref<16xi32, #tpu.memory_space<vmem>>
    %dma_start3A_1522 = arith.constant 0 : i32
    %dma_start3A_1523 = arith.constant 0 : i32
    %dma_start3A_1524 = tpu.memref_slice %arg3[%dma_start3A_1522, %dma_start3A_1523] : memref<512x2048xf32, #tpu.memory_space<hbm>> -> memref<512x2048xf32, #tpu.memory_space<hbm>>
    %dma_start3A_1525 = tpu.memref_slice %arg7[%dma_start3A_1515] : memref<2x!tpu.dma_semaphore, #tpu.memory_space<semaphore_mem>> -> memref<1x!tpu.dma_semaphore, #tpu.memory_space<semaphore_mem>>
    %dma_start3A_1526 = tpu.memref_squeeze %dma_start3A_1525 : memref<1x!tpu.dma_semaphore, #tpu.memory_space<semaphore_mem>> -> memref<!tpu.dma_semaphore, #tpu.memory_space<semaphore_mem>>
    tpu.enqueue_indirect_dma source(%dma_start3A_1524 : memref<512x2048xf32, #tpu.memory_space<hbm>>) target(%dma_start3A_1519 : memref<16x2048xf32, #tpu.memory_space<vmem>>) offsets(%dma_start3A_1521 : memref<16xi32, #tpu.memory_space<vmem>>) semaphore(%dma_start3A_1526 : memref<!tpu.dma_semaphore, #tpu.memory_space<semaphore_mem>>)
    %dma_wait3A_1527 = arith.constant 1 : i32
    %dma_wait3A_1528 = arith.constant 1 : i32
    %dma_wait3A_1529 = arith.constant 0 : i32
    %dma_wait3A_1530 = arith.constant 0 : i32
    %dma_wait3A_1531 = tpu.memref_slice %arg6[%dma_wait3A_1527, %dma_wait3A_1529, %dma_wait3A_1530] : memref<2x16x2048xf32, #tpu.memory_space<vmem>> -> memref<1x16x2048xf32, #tpu.memory_space<vmem>>
    %dma_wait3A_1532 = tpu.memref_squeeze %dma_wait3A_1531 : memref<1x16x2048xf32, #tpu.memory_space<vmem>> -> memref<16x2048xf32, #tpu.memory_space<vmem>>
    %dma_wait3A_1533 = arith.constant 400 : i32
    %dma_wait3A_1534 = tpu.memref_slice %arg5[%dma_wait3A_1533] : memref<512xi32, #tpu.memory_space<vmem>> -> memref<16xi32, #tpu.memory_space<vmem>>
    %dma_wait3A_1535 = arith.constant 0 : i32
    %dma_wait3A_1536 = arith.constant 0 : i32
    %dma_wait3A_1537 = tpu.memref_slice %arg3[%dma_wait3A_1535, %dma_wait3A_1536] : memref<512x2048xf32, #tpu.memory_space<hbm>> -> memref<512x2048xf32, #tpu.memory_space<hbm>>
    %dma_wait3A_1538 = tpu.memref_slice %arg7[%dma_wait3A_1528] : memref<2x!tpu.dma_semaphore, #tpu.memory_space<semaphore_mem>> -> memref<1x!tpu.dma_semaphore, #tpu.memory_space<semaphore_mem>>
    %dma_wait3A_1539 = tpu.memref_squeeze %dma_wait3A_1538 : memref<1x!tpu.dma_semaphore, #tpu.memory_space<semaphore_mem>> -> memref<!tpu.dma_semaphore, #tpu.memory_space<semaphore_mem>>
    tpu.wait_indirect_dma semaphore(%dma_wait3A_1539 : memref<!tpu.dma_semaphore, #tpu.memory_space<semaphore_mem>>) src(%dma_wait3A_1537 : memref<512x2048xf32, #tpu.memory_space<hbm>>) dst(%dma_wait3A_1532 : memref<16x2048xf32, #tpu.memory_space<vmem>>)
    %add3A_1540 = arith.constant 400 : i32
    %add3A_1541 = arith.addi %mul3A_2, %add3A_1540 : i32
    %dma_start3A_1542 = arith.constant 1 : i32
    %dma_start3A_1543 = arith.constant 1 : i32
    %dma_start3A_1544 = arith.constant 0 : i32
    %dma_start3A_1545 = arith.constant 0 : i32
    %dma_start3A_1546 = tpu.memref_slice %arg6[%dma_start3A_1542, %dma_start3A_1544, %dma_start3A_1545] : memref<2x16x2048xf32, #tpu.memory_space<vmem>> -> memref<1x16x2048xf32, #tpu.memory_space<vmem>>
    %dma_start3A_1547 = tpu.memref_squeeze %dma_start3A_1546 : memref<1x16x2048xf32, #tpu.memory_space<vmem>> -> memref<16x2048xf32, #tpu.memory_space<vmem>>
    %dma_start3A_1548 = arith.constant 0 : i32
    %dma_start3A_1549 = tpu.memref_slice %arg4[%add3A_1541, %dma_start3A_1548] : memref<16384x2048xf32, #tpu.memory_space<hbm>> -> memref<16x2048xf32, #tpu.memory_space<hbm>>
    %dma_start3A_1550 = tpu.memref_slice %arg8[%dma_start3A_1543] : memref<2x!tpu.dma_semaphore, #tpu.memory_space<semaphore_mem>> -> memref<1x!tpu.dma_semaphore, #tpu.memory_space<semaphore_mem>>
    %dma_start3A_1551 = tpu.memref_squeeze %dma_start3A_1550 : memref<1x!tpu.dma_semaphore, #tpu.memory_space<semaphore_mem>> -> memref<!tpu.dma_semaphore, #tpu.memory_space<semaphore_mem>>
    %dma_start3A_1552 = arith.constant 0 : i32
    %dma_start3A_1553 = tpu.memref_slice %arg4[%add3A_1541, %dma_start3A_1552] : memref<16384x2048xf32, #tpu.memory_space<hbm>> -> memref<16x2048xf32, #tpu.memory_space<hbm>>
    %dma_start3A_1554 = arith.constant 0 : i32
    %dma_start3A_1555 = arith.constant 0 : i32
    %dma_start3A_1556 = tpu.memref_slice %arg6[%dma_start3A_1542, %dma_start3A_1554, %dma_start3A_1555] : memref<2x16x2048xf32, #tpu.memory_space<vmem>> -> memref<1x16x2048xf32, #tpu.memory_space<vmem>>
    %dma_start3A_1557 = tpu.memref_squeeze %dma_start3A_1556 : memref<1x16x2048xf32, #tpu.memory_space<vmem>> -> memref<16x2048xf32, #tpu.memory_space<vmem>>
    tpu.enqueue_dma source(%dma_start3A_1557 : memref<16x2048xf32, #tpu.memory_space<vmem>>) target(%dma_start3A_1553 : memref<16x2048xf32, #tpu.memory_space<hbm>>) target_semaphore(%dma_start3A_1551 : memref<!tpu.dma_semaphore, #tpu.memory_space<semaphore_mem>>)
    %dma_wait3A_1558 = arith.constant 1 : i32
    %dma_wait3A_1559 = arith.constant 1 : i32
    %dma_wait3A_1560 = arith.constant 0 : i32
    %dma_wait3A_1561 = arith.constant 0 : i32
    %dma_wait3A_1562 = tpu.memref_slice %arg6[%dma_wait3A_1558, %dma_wait3A_1560, %dma_wait3A_1561] : memref<2x16x2048xf32, #tpu.memory_space<vmem>> -> memref<1x16x2048xf32, #tpu.memory_space<vmem>>
    %dma_wait3A_1563 = tpu.memref_squeeze %dma_wait3A_1562 : memref<1x16x2048xf32, #tpu.memory_space<vmem>> -> memref<16x2048xf32, #tpu.memory_space<vmem>>
    %dma_wait3A_1564 = arith.constant 0 : i32
    %dma_wait3A_1565 = tpu.memref_slice %arg4[%add3A_1541, %dma_wait3A_1564] : memref<16384x2048xf32, #tpu.memory_space<hbm>> -> memref<16x2048xf32, #tpu.memory_space<hbm>>
    %dma_wait3A_1566 = tpu.memref_slice %arg8[%dma_wait3A_1559] : memref<2x!tpu.dma_semaphore, #tpu.memory_space<semaphore_mem>> -> memref<1x!tpu.dma_semaphore, #tpu.memory_space<semaphore_mem>>
    %dma_wait3A_1567 = tpu.memref_squeeze %dma_wait3A_1566 : memref<1x!tpu.dma_semaphore, #tpu.memory_space<semaphore_mem>> -> memref<!tpu.dma_semaphore, #tpu.memory_space<semaphore_mem>>
    %dma_wait3A_1568 = arith.constant 0 : i32
    %dma_wait3A_1569 = tpu.memref_slice %arg4[%add3A_1541, %dma_wait3A_1568] : memref<16384x2048xf32, #tpu.memory_space<hbm>> -> memref<16x2048xf32, #tpu.memory_space<hbm>>
    %dma_wait3A_1570 = arith.constant 0 : i32
    %dma_wait3A_1571 = arith.constant 0 : i32
    %dma_wait3A_1572 = tpu.memref_slice %arg6[%dma_wait3A_1558, %dma_wait3A_1570, %dma_wait3A_1571] : memref<2x16x2048xf32, #tpu.memory_space<vmem>> -> memref<1x16x2048xf32, #tpu.memory_space<vmem>>
    %dma_wait3A_1573 = tpu.memref_squeeze %dma_wait3A_1572 : memref<1x16x2048xf32, #tpu.memory_space<vmem>> -> memref<16x2048xf32, #tpu.memory_space<vmem>>
    tpu.wait_dma2 semaphore(%dma_wait3A_1567 : memref<!tpu.dma_semaphore, #tpu.memory_space<semaphore_mem>>) src(%dma_wait3A_1573 : memref<16x2048xf32, #tpu.memory_space<vmem>>) dst(%dma_wait3A_1569 : memref<16x2048xf32, #tpu.memory_space<hbm>>)
    %dma_start3A_1574 = arith.constant 1 : i32
    %dma_start3A_1575 = arith.constant 1 : i32
    %dma_start3A_1576 = arith.constant 0 : i32
    %dma_start3A_1577 = arith.constant 0 : i32
    %dma_start3A_1578 = tpu.memref_slice %arg6[%dma_start3A_1574, %dma_start3A_1576, %dma_start3A_1577] : memref<2x16x2048xf32, #tpu.memory_space<vmem>> -> memref<1x16x2048xf32, #tpu.memory_space<vmem>>
    %dma_start3A_1579 = tpu.memref_squeeze %dma_start3A_1578 : memref<1x16x2048xf32, #tpu.memory_space<vmem>> -> memref<16x2048xf32, #tpu.memory_space<vmem>>
    %dma_start3A_1580 = arith.constant 432 : i32
    %dma_start3A_1581 = tpu.memref_slice %arg5[%dma_start3A_1580] : memref<512xi32, #tpu.memory_space<vmem>> -> memref<16xi32, #tpu.memory_space<vmem>>
    %dma_start3A_1582 = arith.constant 0 : i32
    %dma_start3A_1583 = arith.constant 0 : i32
    %dma_start3A_1584 = tpu.memref_slice %arg3[%dma_start3A_1582, %dma_start3A_1583] : memref<512x2048xf32, #tpu.memory_space<hbm>> -> memref<512x2048xf32, #tpu.memory_space<hbm>>
    %dma_start3A_1585 = tpu.memref_slice %arg7[%dma_start3A_1575] : memref<2x!tpu.dma_semaphore, #tpu.memory_space<semaphore_mem>> -> memref<1x!tpu.dma_semaphore, #tpu.memory_space<semaphore_mem>>
    %dma_start3A_1586 = tpu.memref_squeeze %dma_start3A_1585 : memref<1x!tpu.dma_semaphore, #tpu.memory_space<semaphore_mem>> -> memref<!tpu.dma_semaphore, #tpu.memory_space<semaphore_mem>>
    tpu.enqueue_indirect_dma source(%dma_start3A_1584 : memref<512x2048xf32, #tpu.memory_space<hbm>>) target(%dma_start3A_1579 : memref<16x2048xf32, #tpu.memory_space<vmem>>) offsets(%dma_start3A_1581 : memref<16xi32, #tpu.memory_space<vmem>>) semaphore(%dma_start3A_1586 : memref<!tpu.dma_semaphore, #tpu.memory_space<semaphore_mem>>)
    %dma_wait3A_1587 = arith.constant 0 : i32
    %dma_wait3A_1588 = arith.constant 0 : i32
    %dma_wait3A_1589 = arith.constant 0 : i32
    %dma_wait3A_1590 = arith.constant 0 : i32
    %dma_wait3A_1591 = tpu.memref_slice %arg6[%dma_wait3A_1587, %dma_wait3A_1589, %dma_wait3A_1590] : memref<2x16x2048xf32, #tpu.memory_space<vmem>> -> memref<1x16x2048xf32, #tpu.memory_space<vmem>>
    %dma_wait3A_1592 = tpu.memref_squeeze %dma_wait3A_1591 : memref<1x16x2048xf32, #tpu.memory_space<vmem>> -> memref<16x2048xf32, #tpu.memory_space<vmem>>
    %dma_wait3A_1593 = arith.constant 416 : i32
    %dma_wait3A_1594 = tpu.memref_slice %arg5[%dma_wait3A_1593] : memref<512xi32, #tpu.memory_space<vmem>> -> memref<16xi32, #tpu.memory_space<vmem>>
    %dma_wait3A_1595 = arith.constant 0 : i32
    %dma_wait3A_1596 = arith.constant 0 : i32
    %dma_wait3A_1597 = tpu.memref_slice %arg3[%dma_wait3A_1595, %dma_wait3A_1596] : memref<512x2048xf32, #tpu.memory_space<hbm>> -> memref<512x2048xf32, #tpu.memory_space<hbm>>
    %dma_wait3A_1598 = tpu.memref_slice %arg7[%dma_wait3A_1588] : memref<2x!tpu.dma_semaphore, #tpu.memory_space<semaphore_mem>> -> memref<1x!tpu.dma_semaphore, #tpu.memory_space<semaphore_mem>>
    %dma_wait3A_1599 = tpu.memref_squeeze %dma_wait3A_1598 : memref<1x!tpu.dma_semaphore, #tpu.memory_space<semaphore_mem>> -> memref<!tpu.dma_semaphore, #tpu.memory_space<semaphore_mem>>
    tpu.wait_indirect_dma semaphore(%dma_wait3A_1599 : memref<!tpu.dma_semaphore, #tpu.memory_space<semaphore_mem>>) src(%dma_wait3A_1597 : memref<512x2048xf32, #tpu.memory_space<hbm>>) dst(%dma_wait3A_1592 : memref<16x2048xf32, #tpu.memory_space<vmem>>)
    %add3A_1600 = arith.constant 416 : i32
    %add3A_1601 = arith.addi %mul3A_2, %add3A_1600 : i32
    %dma_start3A_1602 = arith.constant 0 : i32
    %dma_start3A_1603 = arith.constant 0 : i32
    %dma_start3A_1604 = arith.constant 0 : i32
    %dma_start3A_1605 = arith.constant 0 : i32
    %dma_start3A_1606 = tpu.memref_slice %arg6[%dma_start3A_1602, %dma_start3A_1604, %dma_start3A_1605] : memref<2x16x2048xf32, #tpu.memory_space<vmem>> -> memref<1x16x2048xf32, #tpu.memory_space<vmem>>
    %dma_start3A_1607 = tpu.memref_squeeze %dma_start3A_1606 : memref<1x16x2048xf32, #tpu.memory_space<vmem>> -> memref<16x2048xf32, #tpu.memory_space<vmem>>
    %dma_start3A_1608 = arith.constant 0 : i32
    %dma_start3A_1609 = tpu.memref_slice %arg4[%add3A_1601, %dma_start3A_1608] : memref<16384x2048xf32, #tpu.memory_space<hbm>> -> memref<16x2048xf32, #tpu.memory_space<hbm>>
    %dma_start3A_1610 = tpu.memref_slice %arg8[%dma_start3A_1603] : memref<2x!tpu.dma_semaphore, #tpu.memory_space<semaphore_mem>> -> memref<1x!tpu.dma_semaphore, #tpu.memory_space<semaphore_mem>>
    %dma_start3A_1611 = tpu.memref_squeeze %dma_start3A_1610 : memref<1x!tpu.dma_semaphore, #tpu.memory_space<semaphore_mem>> -> memref<!tpu.dma_semaphore, #tpu.memory_space<semaphore_mem>>
    %dma_start3A_1612 = arith.constant 0 : i32
    %dma_start3A_1613 = tpu.memref_slice %arg4[%add3A_1601, %dma_start3A_1612] : memref<16384x2048xf32, #tpu.memory_space<hbm>> -> memref<16x2048xf32, #tpu.memory_space<hbm>>
    %dma_start3A_1614 = arith.constant 0 : i32
    %dma_start3A_1615 = arith.constant 0 : i32
    %dma_start3A_1616 = tpu.memref_slice %arg6[%dma_start3A_1602, %dma_start3A_1614, %dma_start3A_1615] : memref<2x16x2048xf32, #tpu.memory_space<vmem>> -> memref<1x16x2048xf32, #tpu.memory_space<vmem>>
    %dma_start3A_1617 = tpu.memref_squeeze %dma_start3A_1616 : memref<1x16x2048xf32, #tpu.memory_space<vmem>> -> memref<16x2048xf32, #tpu.memory_space<vmem>>
    tpu.enqueue_dma source(%dma_start3A_1617 : memref<16x2048xf32, #tpu.memory_space<vmem>>) target(%dma_start3A_1613 : memref<16x2048xf32, #tpu.memory_space<hbm>>) target_semaphore(%dma_start3A_1611 : memref<!tpu.dma_semaphore, #tpu.memory_space<semaphore_mem>>)
    %dma_wait3A_1618 = arith.constant 0 : i32
    %dma_wait3A_1619 = arith.constant 0 : i32
    %dma_wait3A_1620 = arith.constant 0 : i32
    %dma_wait3A_1621 = arith.constant 0 : i32
    %dma_wait3A_1622 = tpu.memref_slice %arg6[%dma_wait3A_1618, %dma_wait3A_1620, %dma_wait3A_1621] : memref<2x16x2048xf32, #tpu.memory_space<vmem>> -> memref<1x16x2048xf32, #tpu.memory_space<vmem>>
    %dma_wait3A_1623 = tpu.memref_squeeze %dma_wait3A_1622 : memref<1x16x2048xf32, #tpu.memory_space<vmem>> -> memref<16x2048xf32, #tpu.memory_space<vmem>>
    %dma_wait3A_1624 = arith.constant 0 : i32
    %dma_wait3A_1625 = tpu.memref_slice %arg4[%add3A_1601, %dma_wait3A_1624] : memref<16384x2048xf32, #tpu.memory_space<hbm>> -> memref<16x2048xf32, #tpu.memory_space<hbm>>
    %dma_wait3A_1626 = tpu.memref_slice %arg8[%dma_wait3A_1619] : memref<2x!tpu.dma_semaphore, #tpu.memory_space<semaphore_mem>> -> memref<1x!tpu.dma_semaphore, #tpu.memory_space<semaphore_mem>>
    %dma_wait3A_1627 = tpu.memref_squeeze %dma_wait3A_1626 : memref<1x!tpu.dma_semaphore, #tpu.memory_space<semaphore_mem>> -> memref<!tpu.dma_semaphore, #tpu.memory_space<semaphore_mem>>
    %dma_wait3A_1628 = arith.constant 0 : i32
    %dma_wait3A_1629 = tpu.memref_slice %arg4[%add3A_1601, %dma_wait3A_1628] : memref<16384x2048xf32, #tpu.memory_space<hbm>> -> memref<16x2048xf32, #tpu.memory_space<hbm>>
    %dma_wait3A_1630 = arith.constant 0 : i32
    %dma_wait3A_1631 = arith.constant 0 : i32
    %dma_wait3A_1632 = tpu.memref_slice %arg6[%dma_wait3A_1618, %dma_wait3A_1630, %dma_wait3A_1631] : memref<2x16x2048xf32, #tpu.memory_space<vmem>> -> memref<1x16x2048xf32, #tpu.memory_space<vmem>>
    %dma_wait3A_1633 = tpu.memref_squeeze %dma_wait3A_1632 : memref<1x16x2048xf32, #tpu.memory_space<vmem>> -> memref<16x2048xf32, #tpu.memory_space<vmem>>
    tpu.wait_dma2 semaphore(%dma_wait3A_1627 : memref<!tpu.dma_semaphore, #tpu.memory_space<semaphore_mem>>) src(%dma_wait3A_1633 : memref<16x2048xf32, #tpu.memory_space<vmem>>) dst(%dma_wait3A_1629 : memref<16x2048xf32, #tpu.memory_space<hbm>>)
    %dma_start3A_1634 = arith.constant 0 : i32
    %dma_start3A_1635 = arith.constant 0 : i32
    %dma_start3A_1636 = arith.constant 0 : i32
    %dma_start3A_1637 = arith.constant 0 : i32
    %dma_start3A_1638 = tpu.memref_slice %arg6[%dma_start3A_1634, %dma_start3A_1636, %dma_start3A_1637] : memref<2x16x2048xf32, #tpu.memory_space<vmem>> -> memref<1x16x2048xf32, #tpu.memory_space<vmem>>
    %dma_start3A_1639 = tpu.memref_squeeze %dma_start3A_1638 : memref<1x16x2048xf32, #tpu.memory_space<vmem>> -> memref<16x2048xf32, #tpu.memory_space<vmem>>
    %dma_start3A_1640 = arith.constant 448 : i32
    %dma_start3A_1641 = tpu.memref_slice %arg5[%dma_start3A_1640] : memref<512xi32, #tpu.memory_space<vmem>> -> memref<16xi32, #tpu.memory_space<vmem>>
    %dma_start3A_1642 = arith.constant 0 : i32
    %dma_start3A_1643 = arith.constant 0 : i32
    %dma_start3A_1644 = tpu.memref_slice %arg3[%dma_start3A_1642, %dma_start3A_1643] : memref<512x2048xf32, #tpu.memory_space<hbm>> -> memref<512x2048xf32, #tpu.memory_space<hbm>>
    %dma_start3A_1645 = tpu.memref_slice %arg7[%dma_start3A_1635] : memref<2x!tpu.dma_semaphore, #tpu.memory_space<semaphore_mem>> -> memref<1x!tpu.dma_semaphore, #tpu.memory_space<semaphore_mem>>
    %dma_start3A_1646 = tpu.memref_squeeze %dma_start3A_1645 : memref<1x!tpu.dma_semaphore, #tpu.memory_space<semaphore_mem>> -> memref<!tpu.dma_semaphore, #tpu.memory_space<semaphore_mem>>
    tpu.enqueue_indirect_dma source(%dma_start3A_1644 : memref<512x2048xf32, #tpu.memory_space<hbm>>) target(%dma_start3A_1639 : memref<16x2048xf32, #tpu.memory_space<vmem>>) offsets(%dma_start3A_1641 : memref<16xi32, #tpu.memory_space<vmem>>) semaphore(%dma_start3A_1646 : memref<!tpu.dma_semaphore, #tpu.memory_space<semaphore_mem>>)
    %dma_wait3A_1647 = arith.constant 1 : i32
    %dma_wait3A_1648 = arith.constant 1 : i32
    %dma_wait3A_1649 = arith.constant 0 : i32
    %dma_wait3A_1650 = arith.constant 0 : i32
    %dma_wait3A_1651 = tpu.memref_slice %arg6[%dma_wait3A_1647, %dma_wait3A_1649, %dma_wait3A_1650] : memref<2x16x2048xf32, #tpu.memory_space<vmem>> -> memref<1x16x2048xf32, #tpu.memory_space<vmem>>
    %dma_wait3A_1652 = tpu.memref_squeeze %dma_wait3A_1651 : memref<1x16x2048xf32, #tpu.memory_space<vmem>> -> memref<16x2048xf32, #tpu.memory_space<vmem>>
    %dma_wait3A_1653 = arith.constant 432 : i32
    %dma_wait3A_1654 = tpu.memref_slice %arg5[%dma_wait3A_1653] : memref<512xi32, #tpu.memory_space<vmem>> -> memref<16xi32, #tpu.memory_space<vmem>>
    %dma_wait3A_1655 = arith.constant 0 : i32
    %dma_wait3A_1656 = arith.constant 0 : i32
    %dma_wait3A_1657 = tpu.memref_slice %arg3[%dma_wait3A_1655, %dma_wait3A_1656] : memref<512x2048xf32, #tpu.memory_space<hbm>> -> memref<512x2048xf32, #tpu.memory_space<hbm>>
    %dma_wait3A_1658 = tpu.memref_slice %arg7[%dma_wait3A_1648] : memref<2x!tpu.dma_semaphore, #tpu.memory_space<semaphore_mem>> -> memref<1x!tpu.dma_semaphore, #tpu.memory_space<semaphore_mem>>
    %dma_wait3A_1659 = tpu.memref_squeeze %dma_wait3A_1658 : memref<1x!tpu.dma_semaphore, #tpu.memory_space<semaphore_mem>> -> memref<!tpu.dma_semaphore, #tpu.memory_space<semaphore_mem>>
    tpu.wait_indirect_dma semaphore(%dma_wait3A_1659 : memref<!tpu.dma_semaphore, #tpu.memory_space<semaphore_mem>>) src(%dma_wait3A_1657 : memref<512x2048xf32, #tpu.memory_space<hbm>>) dst(%dma_wait3A_1652 : memref<16x2048xf32, #tpu.memory_space<vmem>>)
    %add3A_1660 = arith.constant 432 : i32
    %add3A_1661 = arith.addi %mul3A_2, %add3A_1660 : i32
    %dma_start3A_1662 = arith.constant 1 : i32
    %dma_start3A_1663 = arith.constant 1 : i32
    %dma_start3A_1664 = arith.constant 0 : i32
    %dma_start3A_1665 = arith.constant 0 : i32
    %dma_start3A_1666 = tpu.memref_slice %arg6[%dma_start3A_1662, %dma_start3A_1664, %dma_start3A_1665] : memref<2x16x2048xf32, #tpu.memory_space<vmem>> -> memref<1x16x2048xf32, #tpu.memory_space<vmem>>
    %dma_start3A_1667 = tpu.memref_squeeze %dma_start3A_1666 : memref<1x16x2048xf32, #tpu.memory_space<vmem>> -> memref<16x2048xf32, #tpu.memory_space<vmem>>
    %dma_start3A_1668 = arith.constant 0 : i32
    %dma_start3A_1669 = tpu.memref_slice %arg4[%add3A_1661, %dma_start3A_1668] : memref<16384x2048xf32, #tpu.memory_space<hbm>> -> memref<16x2048xf32, #tpu.memory_space<hbm>>
    %dma_start3A_1670 = tpu.memref_slice %arg8[%dma_start3A_1663] : memref<2x!tpu.dma_semaphore, #tpu.memory_space<semaphore_mem>> -> memref<1x!tpu.dma_semaphore, #tpu.memory_space<semaphore_mem>>
    %dma_start3A_1671 = tpu.memref_squeeze %dma_start3A_1670 : memref<1x!tpu.dma_semaphore, #tpu.memory_space<semaphore_mem>> -> memref<!tpu.dma_semaphore, #tpu.memory_space<semaphore_mem>>
    %dma_start3A_1672 = arith.constant 0 : i32
    %dma_start3A_1673 = tpu.memref_slice %arg4[%add3A_1661, %dma_start3A_1672] : memref<16384x2048xf32, #tpu.memory_space<hbm>> -> memref<16x2048xf32, #tpu.memory_space<hbm>>
    %dma_start3A_1674 = arith.constant 0 : i32
    %dma_start3A_1675 = arith.constant 0 : i32
    %dma_start3A_1676 = tpu.memref_slice %arg6[%dma_start3A_1662, %dma_start3A_1674, %dma_start3A_1675] : memref<2x16x2048xf32, #tpu.memory_space<vmem>> -> memref<1x16x2048xf32, #tpu.memory_space<vmem>>
    %dma_start3A_1677 = tpu.memref_squeeze %dma_start3A_1676 : memref<1x16x2048xf32, #tpu.memory_space<vmem>> -> memref<16x2048xf32, #tpu.memory_space<vmem>>
    tpu.enqueue_dma source(%dma_start3A_1677 : memref<16x2048xf32, #tpu.memory_space<vmem>>) target(%dma_start3A_1673 : memref<16x2048xf32, #tpu.memory_space<hbm>>) target_semaphore(%dma_start3A_1671 : memref<!tpu.dma_semaphore, #tpu.memory_space<semaphore_mem>>)
    %dma_wait3A_1678 = arith.constant 1 : i32
    %dma_wait3A_1679 = arith.constant 1 : i32
    %dma_wait3A_1680 = arith.constant 0 : i32
    %dma_wait3A_1681 = arith.constant 0 : i32
    %dma_wait3A_1682 = tpu.memref_slice %arg6[%dma_wait3A_1678, %dma_wait3A_1680, %dma_wait3A_1681] : memref<2x16x2048xf32, #tpu.memory_space<vmem>> -> memref<1x16x2048xf32, #tpu.memory_space<vmem>>
    %dma_wait3A_1683 = tpu.memref_squeeze %dma_wait3A_1682 : memref<1x16x2048xf32, #tpu.memory_space<vmem>> -> memref<16x2048xf32, #tpu.memory_space<vmem>>
    %dma_wait3A_1684 = arith.constant 0 : i32
    %dma_wait3A_1685 = tpu.memref_slice %arg4[%add3A_1661, %dma_wait3A_1684] : memref<16384x2048xf32, #tpu.memory_space<hbm>> -> memref<16x2048xf32, #tpu.memory_space<hbm>>
    %dma_wait3A_1686 = tpu.memref_slice %arg8[%dma_wait3A_1679] : memref<2x!tpu.dma_semaphore, #tpu.memory_space<semaphore_mem>> -> memref<1x!tpu.dma_semaphore, #tpu.memory_space<semaphore_mem>>
    %dma_wait3A_1687 = tpu.memref_squeeze %dma_wait3A_1686 : memref<1x!tpu.dma_semaphore, #tpu.memory_space<semaphore_mem>> -> memref<!tpu.dma_semaphore, #tpu.memory_space<semaphore_mem>>
    %dma_wait3A_1688 = arith.constant 0 : i32
    %dma_wait3A_1689 = tpu.memref_slice %arg4[%add3A_1661, %dma_wait3A_1688] : memref<16384x2048xf32, #tpu.memory_space<hbm>> -> memref<16x2048xf32, #tpu.memory_space<hbm>>
    %dma_wait3A_1690 = arith.constant 0 : i32
    %dma_wait3A_1691 = arith.constant 0 : i32
    %dma_wait3A_1692 = tpu.memref_slice %arg6[%dma_wait3A_1678, %dma_wait3A_1690, %dma_wait3A_1691] : memref<2x16x2048xf32, #tpu.memory_space<vmem>> -> memref<1x16x2048xf32, #tpu.memory_space<vmem>>
    %dma_wait3A_1693 = tpu.memref_squeeze %dma_wait3A_1692 : memref<1x16x2048xf32, #tpu.memory_space<vmem>> -> memref<16x2048xf32, #tpu.memory_space<vmem>>
    tpu.wait_dma2 semaphore(%dma_wait3A_1687 : memref<!tpu.dma_semaphore, #tpu.memory_space<semaphore_mem>>) src(%dma_wait3A_1693 : memref<16x2048xf32, #tpu.memory_space<vmem>>) dst(%dma_wait3A_1689 : memref<16x2048xf32, #tpu.memory_space<hbm>>)
    %dma_start3A_1694 = arith.constant 1 : i32
    %dma_start3A_1695 = arith.constant 1 : i32
    %dma_start3A_1696 = arith.constant 0 : i32
    %dma_start3A_1697 = arith.constant 0 : i32
    %dma_start3A_1698 = tpu.memref_slice %arg6[%dma_start3A_1694, %dma_start3A_1696, %dma_start3A_1697] : memref<2x16x2048xf32, #tpu.memory_space<vmem>> -> memref<1x16x2048xf32, #tpu.memory_space<vmem>>
    %dma_start3A_1699 = tpu.memref_squeeze %dma_start3A_1698 : memref<1x16x2048xf32, #tpu.memory_space<vmem>> -> memref<16x2048xf32, #tpu.memory_space<vmem>>
    %dma_start3A_1700 = arith.constant 464 : i32
    %dma_start3A_1701 = tpu.memref_slice %arg5[%dma_start3A_1700] : memref<512xi32, #tpu.memory_space<vmem>> -> memref<16xi32, #tpu.memory_space<vmem>>
    %dma_start3A_1702 = arith.constant 0 : i32
    %dma_start3A_1703 = arith.constant 0 : i32
    %dma_start3A_1704 = tpu.memref_slice %arg3[%dma_start3A_1702, %dma_start3A_1703] : memref<512x2048xf32, #tpu.memory_space<hbm>> -> memref<512x2048xf32, #tpu.memory_space<hbm>>
    %dma_start3A_1705 = tpu.memref_slice %arg7[%dma_start3A_1695] : memref<2x!tpu.dma_semaphore, #tpu.memory_space<semaphore_mem>> -> memref<1x!tpu.dma_semaphore, #tpu.memory_space<semaphore_mem>>
    %dma_start3A_1706 = tpu.memref_squeeze %dma_start3A_1705 : memref<1x!tpu.dma_semaphore, #tpu.memory_space<semaphore_mem>> -> memref<!tpu.dma_semaphore, #tpu.memory_space<semaphore_mem>>
    tpu.enqueue_indirect_dma source(%dma_start3A_1704 : memref<512x2048xf32, #tpu.memory_space<hbm>>) target(%dma_start3A_1699 : memref<16x2048xf32, #tpu.memory_space<vmem>>) offsets(%dma_start3A_1701 : memref<16xi32, #tpu.memory_space<vmem>>) semaphore(%dma_start3A_1706 : memref<!tpu.dma_semaphore, #tpu.memory_space<semaphore_mem>>)
    %dma_wait3A_1707 = arith.constant 0 : i32
    %dma_wait3A_1708 = arith.constant 0 : i32
    %dma_wait3A_1709 = arith.constant 0 : i32
    %dma_wait3A_1710 = arith.constant 0 : i32
    %dma_wait3A_1711 = tpu.memref_slice %arg6[%dma_wait3A_1707, %dma_wait3A_1709, %dma_wait3A_1710] : memref<2x16x2048xf32, #tpu.memory_space<vmem>> -> memref<1x16x2048xf32, #tpu.memory_space<vmem>>
    %dma_wait3A_1712 = tpu.memref_squeeze %dma_wait3A_1711 : memref<1x16x2048xf32, #tpu.memory_space<vmem>> -> memref<16x2048xf32, #tpu.memory_space<vmem>>
    %dma_wait3A_1713 = arith.constant 448 : i32
    %dma_wait3A_1714 = tpu.memref_slice %arg5[%dma_wait3A_1713] : memref<512xi32, #tpu.memory_space<vmem>> -> memref<16xi32, #tpu.memory_space<vmem>>
    %dma_wait3A_1715 = arith.constant 0 : i32
    %dma_wait3A_1716 = arith.constant 0 : i32
    %dma_wait3A_1717 = tpu.memref_slice %arg3[%dma_wait3A_1715, %dma_wait3A_1716] : memref<512x2048xf32, #tpu.memory_space<hbm>> -> memref<512x2048xf32, #tpu.memory_space<hbm>>
    %dma_wait3A_1718 = tpu.memref_slice %arg7[%dma_wait3A_1708] : memref<2x!tpu.dma_semaphore, #tpu.memory_space<semaphore_mem>> -> memref<1x!tpu.dma_semaphore, #tpu.memory_space<semaphore_mem>>
    %dma_wait3A_1719 = tpu.memref_squeeze %dma_wait3A_1718 : memref<1x!tpu.dma_semaphore, #tpu.memory_space<semaphore_mem>> -> memref<!tpu.dma_semaphore, #tpu.memory_space<semaphore_mem>>
    tpu.wait_indirect_dma semaphore(%dma_wait3A_1719 : memref<!tpu.dma_semaphore, #tpu.memory_space<semaphore_mem>>) src(%dma_wait3A_1717 : memref<512x2048xf32, #tpu.memory_space<hbm>>) dst(%dma_wait3A_1712 : memref<16x2048xf32, #tpu.memory_space<vmem>>)
    %add3A_1720 = arith.constant 448 : i32
    %add3A_1721 = arith.addi %mul3A_2, %add3A_1720 : i32
    %dma_start3A_1722 = arith.constant 0 : i32
    %dma_start3A_1723 = arith.constant 0 : i32
    %dma_start3A_1724 = arith.constant 0 : i32
    %dma_start3A_1725 = arith.constant 0 : i32
    %dma_start3A_1726 = tpu.memref_slice %arg6[%dma_start3A_1722, %dma_start3A_1724, %dma_start3A_1725] : memref<2x16x2048xf32, #tpu.memory_space<vmem>> -> memref<1x16x2048xf32, #tpu.memory_space<vmem>>
    %dma_start3A_1727 = tpu.memref_squeeze %dma_start3A_1726 : memref<1x16x2048xf32, #tpu.memory_space<vmem>> -> memref<16x2048xf32, #tpu.memory_space<vmem>>
    %dma_start3A_1728 = arith.constant 0 : i32
    %dma_start3A_1729 = tpu.memref_slice %arg4[%add3A_1721, %dma_start3A_1728] : memref<16384x2048xf32, #tpu.memory_space<hbm>> -> memref<16x2048xf32, #tpu.memory_space<hbm>>
    %dma_start3A_1730 = tpu.memref_slice %arg8[%dma_start3A_1723] : memref<2x!tpu.dma_semaphore, #tpu.memory_space<semaphore_mem>> -> memref<1x!tpu.dma_semaphore, #tpu.memory_space<semaphore_mem>>
    %dma_start3A_1731 = tpu.memref_squeeze %dma_start3A_1730 : memref<1x!tpu.dma_semaphore, #tpu.memory_space<semaphore_mem>> -> memref<!tpu.dma_semaphore, #tpu.memory_space<semaphore_mem>>
    %dma_start3A_1732 = arith.constant 0 : i32
    %dma_start3A_1733 = tpu.memref_slice %arg4[%add3A_1721, %dma_start3A_1732] : memref<16384x2048xf32, #tpu.memory_space<hbm>> -> memref<16x2048xf32, #tpu.memory_space<hbm>>
    %dma_start3A_1734 = arith.constant 0 : i32
    %dma_start3A_1735 = arith.constant 0 : i32
    %dma_start3A_1736 = tpu.memref_slice %arg6[%dma_start3A_1722, %dma_start3A_1734, %dma_start3A_1735] : memref<2x16x2048xf32, #tpu.memory_space<vmem>> -> memref<1x16x2048xf32, #tpu.memory_space<vmem>>
    %dma_start3A_1737 = tpu.memref_squeeze %dma_start3A_1736 : memref<1x16x2048xf32, #tpu.memory_space<vmem>> -> memref<16x2048xf32, #tpu.memory_space<vmem>>
    tpu.enqueue_dma source(%dma_start3A_1737 : memref<16x2048xf32, #tpu.memory_space<vmem>>) target(%dma_start3A_1733 : memref<16x2048xf32, #tpu.memory_space<hbm>>) target_semaphore(%dma_start3A_1731 : memref<!tpu.dma_semaphore, #tpu.memory_space<semaphore_mem>>)
    %dma_wait3A_1738 = arith.constant 0 : i32
    %dma_wait3A_1739 = arith.constant 0 : i32
    %dma_wait3A_1740 = arith.constant 0 : i32
    %dma_wait3A_1741 = arith.constant 0 : i32
    %dma_wait3A_1742 = tpu.memref_slice %arg6[%dma_wait3A_1738, %dma_wait3A_1740, %dma_wait3A_1741] : memref<2x16x2048xf32, #tpu.memory_space<vmem>> -> memref<1x16x2048xf32, #tpu.memory_space<vmem>>
    %dma_wait3A_1743 = tpu.memref_squeeze %dma_wait3A_1742 : memref<1x16x2048xf32, #tpu.memory_space<vmem>> -> memref<16x2048xf32, #tpu.memory_space<vmem>>
    %dma_wait3A_1744 = arith.constant 0 : i32
    %dma_wait3A_1745 = tpu.memref_slice %arg4[%add3A_1721, %dma_wait3A_1744] : memref<16384x2048xf32, #tpu.memory_space<hbm>> -> memref<16x2048xf32, #tpu.memory_space<hbm>>
    %dma_wait3A_1746 = tpu.memref_slice %arg8[%dma_wait3A_1739] : memref<2x!tpu.dma_semaphore, #tpu.memory_space<semaphore_mem>> -> memref<1x!tpu.dma_semaphore, #tpu.memory_space<semaphore_mem>>
    %dma_wait3A_1747 = tpu.memref_squeeze %dma_wait3A_1746 : memref<1x!tpu.dma_semaphore, #tpu.memory_space<semaphore_mem>> -> memref<!tpu.dma_semaphore, #tpu.memory_space<semaphore_mem>>
    %dma_wait3A_1748 = arith.constant 0 : i32
    %dma_wait3A_1749 = tpu.memref_slice %arg4[%add3A_1721, %dma_wait3A_1748] : memref<16384x2048xf32, #tpu.memory_space<hbm>> -> memref<16x2048xf32, #tpu.memory_space<hbm>>
    %dma_wait3A_1750 = arith.constant 0 : i32
    %dma_wait3A_1751 = arith.constant 0 : i32
    %dma_wait3A_1752 = tpu.memref_slice %arg6[%dma_wait3A_1738, %dma_wait3A_1750, %dma_wait3A_1751] : memref<2x16x2048xf32, #tpu.memory_space<vmem>> -> memref<1x16x2048xf32, #tpu.memory_space<vmem>>
    %dma_wait3A_1753 = tpu.memref_squeeze %dma_wait3A_1752 : memref<1x16x2048xf32, #tpu.memory_space<vmem>> -> memref<16x2048xf32, #tpu.memory_space<vmem>>
    tpu.wait_dma2 semaphore(%dma_wait3A_1747 : memref<!tpu.dma_semaphore, #tpu.memory_space<semaphore_mem>>) src(%dma_wait3A_1753 : memref<16x2048xf32, #tpu.memory_space<vmem>>) dst(%dma_wait3A_1749 : memref<16x2048xf32, #tpu.memory_space<hbm>>)
    %dma_start3A_1754 = arith.constant 0 : i32
    %dma_start3A_1755 = arith.constant 0 : i32
    %dma_start3A_1756 = arith.constant 0 : i32
    %dma_start3A_1757 = arith.constant 0 : i32
    %dma_start3A_1758 = tpu.memref_slice %arg6[%dma_start3A_1754, %dma_start3A_1756, %dma_start3A_1757] : memref<2x16x2048xf32, #tpu.memory_space<vmem>> -> memref<1x16x2048xf32, #tpu.memory_space<vmem>>
    %dma_start3A_1759 = tpu.memref_squeeze %dma_start3A_1758 : memref<1x16x2048xf32, #tpu.memory_space<vmem>> -> memref<16x2048xf32, #tpu.memory_space<vmem>>
    %dma_start3A_1760 = arith.constant 480 : i32
    %dma_start3A_1761 = tpu.memref_slice %arg5[%dma_start3A_1760] : memref<512xi32, #tpu.memory_space<vmem>> -> memref<16xi32, #tpu.memory_space<vmem>>
    %dma_start3A_1762 = arith.constant 0 : i32
    %dma_start3A_1763 = arith.constant 0 : i32
    %dma_start3A_1764 = tpu.memref_slice %arg3[%dma_start3A_1762, %dma_start3A_1763] : memref<512x2048xf32, #tpu.memory_space<hbm>> -> memref<512x2048xf32, #tpu.memory_space<hbm>>
    %dma_start3A_1765 = tpu.memref_slice %arg7[%dma_start3A_1755] : memref<2x!tpu.dma_semaphore, #tpu.memory_space<semaphore_mem>> -> memref<1x!tpu.dma_semaphore, #tpu.memory_space<semaphore_mem>>
    %dma_start3A_1766 = tpu.memref_squeeze %dma_start3A_1765 : memref<1x!tpu.dma_semaphore, #tpu.memory_space<semaphore_mem>> -> memref<!tpu.dma_semaphore, #tpu.memory_space<semaphore_mem>>
    tpu.enqueue_indirect_dma source(%dma_start3A_1764 : memref<512x2048xf32, #tpu.memory_space<hbm>>) target(%dma_start3A_1759 : memref<16x2048xf32, #tpu.memory_space<vmem>>) offsets(%dma_start3A_1761 : memref<16xi32, #tpu.memory_space<vmem>>) semaphore(%dma_start3A_1766 : memref<!tpu.dma_semaphore, #tpu.memory_space<semaphore_mem>>)
    %dma_wait3A_1767 = arith.constant 1 : i32
    %dma_wait3A_1768 = arith.constant 1 : i32
    %dma_wait3A_1769 = arith.constant 0 : i32
    %dma_wait3A_1770 = arith.constant 0 : i32
    %dma_wait3A_1771 = tpu.memref_slice %arg6[%dma_wait3A_1767, %dma_wait3A_1769, %dma_wait3A_1770] : memref<2x16x2048xf32, #tpu.memory_space<vmem>> -> memref<1x16x2048xf32, #tpu.memory_space<vmem>>
    %dma_wait3A_1772 = tpu.memref_squeeze %dma_wait3A_1771 : memref<1x16x2048xf32, #tpu.memory_space<vmem>> -> memref<16x2048xf32, #tpu.memory_space<vmem>>
    %dma_wait3A_1773 = arith.constant 464 : i32
    %dma_wait3A_1774 = tpu.memref_slice %arg5[%dma_wait3A_1773] : memref<512xi32, #tpu.memory_space<vmem>> -> memref<16xi32, #tpu.memory_space<vmem>>
    %dma_wait3A_1775 = arith.constant 0 : i32
    %dma_wait3A_1776 = arith.constant 0 : i32
    %dma_wait3A_1777 = tpu.memref_slice %arg3[%dma_wait3A_1775, %dma_wait3A_1776] : memref<512x2048xf32, #tpu.memory_space<hbm>> -> memref<512x2048xf32, #tpu.memory_space<hbm>>
    %dma_wait3A_1778 = tpu.memref_slice %arg7[%dma_wait3A_1768] : memref<2x!tpu.dma_semaphore, #tpu.memory_space<semaphore_mem>> -> memref<1x!tpu.dma_semaphore, #tpu.memory_space<semaphore_mem>>
    %dma_wait3A_1779 = tpu.memref_squeeze %dma_wait3A_1778 : memref<1x!tpu.dma_semaphore, #tpu.memory_space<semaphore_mem>> -> memref<!tpu.dma_semaphore, #tpu.memory_space<semaphore_mem>>
    tpu.wait_indirect_dma semaphore(%dma_wait3A_1779 : memref<!tpu.dma_semaphore, #tpu.memory_space<semaphore_mem>>) src(%dma_wait3A_1777 : memref<512x2048xf32, #tpu.memory_space<hbm>>) dst(%dma_wait3A_1772 : memref<16x2048xf32, #tpu.memory_space<vmem>>)
    %add3A_1780 = arith.constant 464 : i32
    %add3A_1781 = arith.addi %mul3A_2, %add3A_1780 : i32
    %dma_start3A_1782 = arith.constant 1 : i32
    %dma_start3A_1783 = arith.constant 1 : i32
    %dma_start3A_1784 = arith.constant 0 : i32
    %dma_start3A_1785 = arith.constant 0 : i32
    %dma_start3A_1786 = tpu.memref_slice %arg6[%dma_start3A_1782, %dma_start3A_1784, %dma_start3A_1785] : memref<2x16x2048xf32, #tpu.memory_space<vmem>> -> memref<1x16x2048xf32, #tpu.memory_space<vmem>>
    %dma_start3A_1787 = tpu.memref_squeeze %dma_start3A_1786 : memref<1x16x2048xf32, #tpu.memory_space<vmem>> -> memref<16x2048xf32, #tpu.memory_space<vmem>>
    %dma_start3A_1788 = arith.constant 0 : i32
    %dma_start3A_1789 = tpu.memref_slice %arg4[%add3A_1781, %dma_start3A_1788] : memref<16384x2048xf32, #tpu.memory_space<hbm>> -> memref<16x2048xf32, #tpu.memory_space<hbm>>
    %dma_start3A_1790 = tpu.memref_slice %arg8[%dma_start3A_1783] : memref<2x!tpu.dma_semaphore, #tpu.memory_space<semaphore_mem>> -> memref<1x!tpu.dma_semaphore, #tpu.memory_space<semaphore_mem>>
    %dma_start3A_1791 = tpu.memref_squeeze %dma_start3A_1790 : memref<1x!tpu.dma_semaphore, #tpu.memory_space<semaphore_mem>> -> memref<!tpu.dma_semaphore, #tpu.memory_space<semaphore_mem>>
    %dma_start3A_1792 = arith.constant 0 : i32
    %dma_start3A_1793 = tpu.memref_slice %arg4[%add3A_1781, %dma_start3A_1792] : memref<16384x2048xf32, #tpu.memory_space<hbm>> -> memref<16x2048xf32, #tpu.memory_space<hbm>>
    %dma_start3A_1794 = arith.constant 0 : i32
    %dma_start3A_1795 = arith.constant 0 : i32
    %dma_start3A_1796 = tpu.memref_slice %arg6[%dma_start3A_1782, %dma_start3A_1794, %dma_start3A_1795] : memref<2x16x2048xf32, #tpu.memory_space<vmem>> -> memref<1x16x2048xf32, #tpu.memory_space<vmem>>
    %dma_start3A_1797 = tpu.memref_squeeze %dma_start3A_1796 : memref<1x16x2048xf32, #tpu.memory_space<vmem>> -> memref<16x2048xf32, #tpu.memory_space<vmem>>
    tpu.enqueue_dma source(%dma_start3A_1797 : memref<16x2048xf32, #tpu.memory_space<vmem>>) target(%dma_start3A_1793 : memref<16x2048xf32, #tpu.memory_space<hbm>>) target_semaphore(%dma_start3A_1791 : memref<!tpu.dma_semaphore, #tpu.memory_space<semaphore_mem>>)
    %dma_wait3A_1798 = arith.constant 1 : i32
    %dma_wait3A_1799 = arith.constant 1 : i32
    %dma_wait3A_1800 = arith.constant 0 : i32
    %dma_wait3A_1801 = arith.constant 0 : i32
    %dma_wait3A_1802 = tpu.memref_slice %arg6[%dma_wait3A_1798, %dma_wait3A_1800, %dma_wait3A_1801] : memref<2x16x2048xf32, #tpu.memory_space<vmem>> -> memref<1x16x2048xf32, #tpu.memory_space<vmem>>
    %dma_wait3A_1803 = tpu.memref_squeeze %dma_wait3A_1802 : memref<1x16x2048xf32, #tpu.memory_space<vmem>> -> memref<16x2048xf32, #tpu.memory_space<vmem>>
    %dma_wait3A_1804 = arith.constant 0 : i32
    %dma_wait3A_1805 = tpu.memref_slice %arg4[%add3A_1781, %dma_wait3A_1804] : memref<16384x2048xf32, #tpu.memory_space<hbm>> -> memref<16x2048xf32, #tpu.memory_space<hbm>>
    %dma_wait3A_1806 = tpu.memref_slice %arg8[%dma_wait3A_1799] : memref<2x!tpu.dma_semaphore, #tpu.memory_space<semaphore_mem>> -> memref<1x!tpu.dma_semaphore, #tpu.memory_space<semaphore_mem>>
    %dma_wait3A_1807 = tpu.memref_squeeze %dma_wait3A_1806 : memref<1x!tpu.dma_semaphore, #tpu.memory_space<semaphore_mem>> -> memref<!tpu.dma_semaphore, #tpu.memory_space<semaphore_mem>>
    %dma_wait3A_1808 = arith.constant 0 : i32
    %dma_wait3A_1809 = tpu.memref_slice %arg4[%add3A_1781, %dma_wait3A_1808] : memref<16384x2048xf32, #tpu.memory_space<hbm>> -> memref<16x2048xf32, #tpu.memory_space<hbm>>
    %dma_wait3A_1810 = arith.constant 0 : i32
    %dma_wait3A_1811 = arith.constant 0 : i32
    %dma_wait3A_1812 = tpu.memref_slice %arg6[%dma_wait3A_1798, %dma_wait3A_1810, %dma_wait3A_1811] : memref<2x16x2048xf32, #tpu.memory_space<vmem>> -> memref<1x16x2048xf32, #tpu.memory_space<vmem>>
    %dma_wait3A_1813 = tpu.memref_squeeze %dma_wait3A_1812 : memref<1x16x2048xf32, #tpu.memory_space<vmem>> -> memref<16x2048xf32, #tpu.memory_space<vmem>>
    tpu.wait_dma2 semaphore(%dma_wait3A_1807 : memref<!tpu.dma_semaphore, #tpu.memory_space<semaphore_mem>>) src(%dma_wait3A_1813 : memref<16x2048xf32, #tpu.memory_space<vmem>>) dst(%dma_wait3A_1809 : memref<16x2048xf32, #tpu.memory_space<hbm>>)
    %dma_start3A_1814 = arith.constant 1 : i32
    %dma_start3A_1815 = arith.constant 1 : i32
    %dma_start3A_1816 = arith.constant 0 : i32
    %dma_start3A_1817 = arith.constant 0 : i32
    %dma_start3A_1818 = tpu.memref_slice %arg6[%dma_start3A_1814, %dma_start3A_1816, %dma_start3A_1817] : memref<2x16x2048xf32, #tpu.memory_space<vmem>> -> memref<1x16x2048xf32, #tpu.memory_space<vmem>>
    %dma_start3A_1819 = tpu.memref_squeeze %dma_start3A_1818 : memref<1x16x2048xf32, #tpu.memory_space<vmem>> -> memref<16x2048xf32, #tpu.memory_space<vmem>>
    %dma_start3A_1820 = arith.constant 496 : i32
    %dma_start3A_1821 = tpu.memref_slice %arg5[%dma_start3A_1820] : memref<512xi32, #tpu.memory_space<vmem>> -> memref<16xi32, #tpu.memory_space<vmem>>
    %dma_start3A_1822 = arith.constant 0 : i32
    %dma_start3A_1823 = arith.constant 0 : i32
    %dma_start3A_1824 = tpu.memref_slice %arg3[%dma_start3A_1822, %dma_start3A_1823] : memref<512x2048xf32, #tpu.memory_space<hbm>> -> memref<512x2048xf32, #tpu.memory_space<hbm>>
    %dma_start3A_1825 = tpu.memref_slice %arg7[%dma_start3A_1815] : memref<2x!tpu.dma_semaphore, #tpu.memory_space<semaphore_mem>> -> memref<1x!tpu.dma_semaphore, #tpu.memory_space<semaphore_mem>>
    %dma_start3A_1826 = tpu.memref_squeeze %dma_start3A_1825 : memref<1x!tpu.dma_semaphore, #tpu.memory_space<semaphore_mem>> -> memref<!tpu.dma_semaphore, #tpu.memory_space<semaphore_mem>>
    tpu.enqueue_indirect_dma source(%dma_start3A_1824 : memref<512x2048xf32, #tpu.memory_space<hbm>>) target(%dma_start3A_1819 : memref<16x2048xf32, #tpu.memory_space<vmem>>) offsets(%dma_start3A_1821 : memref<16xi32, #tpu.memory_space<vmem>>) semaphore(%dma_start3A_1826 : memref<!tpu.dma_semaphore, #tpu.memory_space<semaphore_mem>>)
    %dma_wait3A_1827 = arith.constant 0 : i32
    %dma_wait3A_1828 = arith.constant 0 : i32
    %dma_wait3A_1829 = arith.constant 0 : i32
    %dma_wait3A_1830 = arith.constant 0 : i32
    %dma_wait3A_1831 = tpu.memref_slice %arg6[%dma_wait3A_1827, %dma_wait3A_1829, %dma_wait3A_1830] : memref<2x16x2048xf32, #tpu.memory_space<vmem>> -> memref<1x16x2048xf32, #tpu.memory_space<vmem>>
    %dma_wait3A_1832 = tpu.memref_squeeze %dma_wait3A_1831 : memref<1x16x2048xf32, #tpu.memory_space<vmem>> -> memref<16x2048xf32, #tpu.memory_space<vmem>>
    %dma_wait3A_1833 = arith.constant 480 : i32
    %dma_wait3A_1834 = tpu.memref_slice %arg5[%dma_wait3A_1833] : memref<512xi32, #tpu.memory_space<vmem>> -> memref<16xi32, #tpu.memory_space<vmem>>
    %dma_wait3A_1835 = arith.constant 0 : i32
    %dma_wait3A_1836 = arith.constant 0 : i32
    %dma_wait3A_1837 = tpu.memref_slice %arg3[%dma_wait3A_1835, %dma_wait3A_1836] : memref<512x2048xf32, #tpu.memory_space<hbm>> -> memref<512x2048xf32, #tpu.memory_space<hbm>>
    %dma_wait3A_1838 = tpu.memref_slice %arg7[%dma_wait3A_1828] : memref<2x!tpu.dma_semaphore, #tpu.memory_space<semaphore_mem>> -> memref<1x!tpu.dma_semaphore, #tpu.memory_space<semaphore_mem>>
    %dma_wait3A_1839 = tpu.memref_squeeze %dma_wait3A_1838 : memref<1x!tpu.dma_semaphore, #tpu.memory_space<semaphore_mem>> -> memref<!tpu.dma_semaphore, #tpu.memory_space<semaphore_mem>>
    tpu.wait_indirect_dma semaphore(%dma_wait3A_1839 : memref<!tpu.dma_semaphore, #tpu.memory_space<semaphore_mem>>) src(%dma_wait3A_1837 : memref<512x2048xf32, #tpu.memory_space<hbm>>) dst(%dma_wait3A_1832 : memref<16x2048xf32, #tpu.memory_space<vmem>>)
    %add3A_1840 = arith.constant 480 : i32
    %add3A_1841 = arith.addi %mul3A_2, %add3A_1840 : i32
    %dma_start3A_1842 = arith.constant 0 : i32
    %dma_start3A_1843 = arith.constant 0 : i32
    %dma_start3A_1844 = arith.constant 0 : i32
    %dma_start3A_1845 = arith.constant 0 : i32
    %dma_start3A_1846 = tpu.memref_slice %arg6[%dma_start3A_1842, %dma_start3A_1844, %dma_start3A_1845] : memref<2x16x2048xf32, #tpu.memory_space<vmem>> -> memref<1x16x2048xf32, #tpu.memory_space<vmem>>
    %dma_start3A_1847 = tpu.memref_squeeze %dma_start3A_1846 : memref<1x16x2048xf32, #tpu.memory_space<vmem>> -> memref<16x2048xf32, #tpu.memory_space<vmem>>
    %dma_start3A_1848 = arith.constant 0 : i32
    %dma_start3A_1849 = tpu.memref_slice %arg4[%add3A_1841, %dma_start3A_1848] : memref<16384x2048xf32, #tpu.memory_space<hbm>> -> memref<16x2048xf32, #tpu.memory_space<hbm>>
    %dma_start3A_1850 = tpu.memref_slice %arg8[%dma_start3A_1843] : memref<2x!tpu.dma_semaphore, #tpu.memory_space<semaphore_mem>> -> memref<1x!tpu.dma_semaphore, #tpu.memory_space<semaphore_mem>>
    %dma_start3A_1851 = tpu.memref_squeeze %dma_start3A_1850 : memref<1x!tpu.dma_semaphore, #tpu.memory_space<semaphore_mem>> -> memref<!tpu.dma_semaphore, #tpu.memory_space<semaphore_mem>>
    %dma_start3A_1852 = arith.constant 0 : i32
    %dma_start3A_1853 = tpu.memref_slice %arg4[%add3A_1841, %dma_start3A_1852] : memref<16384x2048xf32, #tpu.memory_space<hbm>> -> memref<16x2048xf32, #tpu.memory_space<hbm>>
    %dma_start3A_1854 = arith.constant 0 : i32
    %dma_start3A_1855 = arith.constant 0 : i32
    %dma_start3A_1856 = tpu.memref_slice %arg6[%dma_start3A_1842, %dma_start3A_1854, %dma_start3A_1855] : memref<2x16x2048xf32, #tpu.memory_space<vmem>> -> memref<1x16x2048xf32, #tpu.memory_space<vmem>>
    %dma_start3A_1857 = tpu.memref_squeeze %dma_start3A_1856 : memref<1x16x2048xf32, #tpu.memory_space<vmem>> -> memref<16x2048xf32, #tpu.memory_space<vmem>>
    tpu.enqueue_dma source(%dma_start3A_1857 : memref<16x2048xf32, #tpu.memory_space<vmem>>) target(%dma_start3A_1853 : memref<16x2048xf32, #tpu.memory_space<hbm>>) target_semaphore(%dma_start3A_1851 : memref<!tpu.dma_semaphore, #tpu.memory_space<semaphore_mem>>)
    %dma_wait3A_1858 = arith.constant 1 : i32
    %dma_wait3A_1859 = arith.constant 1 : i32
    %dma_wait3A_1860 = arith.constant 0 : i32
    %dma_wait3A_1861 = arith.constant 0 : i32
    %dma_wait3A_1862 = tpu.memref_slice %arg6[%dma_wait3A_1858, %dma_wait3A_1860, %dma_wait3A_1861] : memref<2x16x2048xf32, #tpu.memory_space<vmem>> -> memref<1x16x2048xf32, #tpu.memory_space<vmem>>
    %dma_wait3A_1863 = tpu.memref_squeeze %dma_wait3A_1862 : memref<1x16x2048xf32, #tpu.memory_space<vmem>> -> memref<16x2048xf32, #tpu.memory_space<vmem>>
    %dma_wait3A_1864 = arith.constant 496 : i32
    %dma_wait3A_1865 = tpu.memref_slice %arg5[%dma_wait3A_1864] : memref<512xi32, #tpu.memory_space<vmem>> -> memref<16xi32, #tpu.memory_space<vmem>>
    %dma_wait3A_1866 = arith.constant 0 : i32
    %dma_wait3A_1867 = arith.constant 0 : i32
    %dma_wait3A_1868 = tpu.memref_slice %arg3[%dma_wait3A_1866, %dma_wait3A_1867] : memref<512x2048xf32, #tpu.memory_space<hbm>> -> memref<512x2048xf32, #tpu.memory_space<hbm>>
    %dma_wait3A_1869 = tpu.memref_slice %arg7[%dma_wait3A_1859] : memref<2x!tpu.dma_semaphore, #tpu.memory_space<semaphore_mem>> -> memref<1x!tpu.dma_semaphore, #tpu.memory_space<semaphore_mem>>
    %dma_wait3A_1870 = tpu.memref_squeeze %dma_wait3A_1869 : memref<1x!tpu.dma_semaphore, #tpu.memory_space<semaphore_mem>> -> memref<!tpu.dma_semaphore, #tpu.memory_space<semaphore_mem>>
    tpu.wait_indirect_dma semaphore(%dma_wait3A_1870 : memref<!tpu.dma_semaphore, #tpu.memory_space<semaphore_mem>>) src(%dma_wait3A_1868 : memref<512x2048xf32, #tpu.memory_space<hbm>>) dst(%dma_wait3A_1863 : memref<16x2048xf32, #tpu.memory_space<vmem>>)
    %add3A_1871 = arith.constant 496 : i32
    %add3A_1872 = arith.addi %mul3A_2, %add3A_1871 : i32
    %dma_start3A_1873 = arith.constant 1 : i32
    %dma_start3A_1874 = arith.constant 1 : i32
    %dma_start3A_1875 = arith.constant 0 : i32
    %dma_start3A_1876 = arith.constant 0 : i32
    %dma_start3A_1877 = tpu.memref_slice %arg6[%dma_start3A_1873, %dma_start3A_1875, %dma_start3A_1876] : memref<2x16x2048xf32, #tpu.memory_space<vmem>> -> memref<1x16x2048xf32, #tpu.memory_space<vmem>>
    %dma_start3A_1878 = tpu.memref_squeeze %dma_start3A_1877 : memref<1x16x2048xf32, #tpu.memory_space<vmem>> -> memref<16x2048xf32, #tpu.memory_space<vmem>>
    %dma_start3A_1879 = arith.constant 0 : i32
    %dma_start3A_1880 = tpu.memref_slice %arg4[%add3A_1872, %dma_start3A_1879] : memref<16384x2048xf32, #tpu.memory_space<hbm>> -> memref<16x2048xf32, #tpu.memory_space<hbm>>
    %dma_start3A_1881 = tpu.memref_slice %arg8[%dma_start3A_1874] : memref<2x!tpu.dma_semaphore, #tpu.memory_space<semaphore_mem>> -> memref<1x!tpu.dma_semaphore, #tpu.memory_space<semaphore_mem>>
    %dma_start3A_1882 = tpu.memref_squeeze %dma_start3A_1881 : memref<1x!tpu.dma_semaphore, #tpu.memory_space<semaphore_mem>> -> memref<!tpu.dma_semaphore, #tpu.memory_space<semaphore_mem>>
    %dma_start3A_1883 = arith.constant 0 : i32
    %dma_start3A_1884 = tpu.memref_slice %arg4[%add3A_1872, %dma_start3A_1883] : memref<16384x2048xf32, #tpu.memory_space<hbm>> -> memref<16x2048xf32, #tpu.memory_space<hbm>>
    %dma_start3A_1885 = arith.constant 0 : i32
    %dma_start3A_1886 = arith.constant 0 : i32
    %dma_start3A_1887 = tpu.memref_slice %arg6[%dma_start3A_1873, %dma_start3A_1885, %dma_start3A_1886] : memref<2x16x2048xf32, #tpu.memory_space<vmem>> -> memref<1x16x2048xf32, #tpu.memory_space<vmem>>
    %dma_start3A_1888 = tpu.memref_squeeze %dma_start3A_1887 : memref<1x16x2048xf32, #tpu.memory_space<vmem>> -> memref<16x2048xf32, #tpu.memory_space<vmem>>
    tpu.enqueue_dma source(%dma_start3A_1888 : memref<16x2048xf32, #tpu.memory_space<vmem>>) target(%dma_start3A_1884 : memref<16x2048xf32, #tpu.memory_space<hbm>>) target_semaphore(%dma_start3A_1882 : memref<!tpu.dma_semaphore, #tpu.memory_space<semaphore_mem>>)
    %dma_wait3A_1889 = arith.constant 0 : i32
    %dma_wait3A_1890 = arith.constant 0 : i32
    %dma_wait3A_1891 = arith.constant 0 : i32
    %dma_wait3A_1892 = arith.constant 0 : i32
    %dma_wait3A_1893 = tpu.memref_slice %arg6[%dma_wait3A_1889, %dma_wait3A_1891, %dma_wait3A_1892] : memref<2x16x2048xf32, #tpu.memory_space<vmem>> -> memref<1x16x2048xf32, #tpu.memory_space<vmem>>
    %dma_wait3A_1894 = tpu.memref_squeeze %dma_wait3A_1893 : memref<1x16x2048xf32, #tpu.memory_space<vmem>> -> memref<16x2048xf32, #tpu.memory_space<vmem>>
    %dma_wait3A_1895 = arith.constant 0 : i32
    %dma_wait3A_1896 = tpu.memref_slice %arg4[%add3A_1841, %dma_wait3A_1895] : memref<16384x2048xf32, #tpu.memory_space<hbm>> -> memref<16x2048xf32, #tpu.memory_space<hbm>>
    %dma_wait3A_1897 = tpu.memref_slice %arg8[%dma_wait3A_1890] : memref<2x!tpu.dma_semaphore, #tpu.memory_space<semaphore_mem>> -> memref<1x!tpu.dma_semaphore, #tpu.memory_space<semaphore_mem>>
    %dma_wait3A_1898 = tpu.memref_squeeze %dma_wait3A_1897 : memref<1x!tpu.dma_semaphore, #tpu.memory_space<semaphore_mem>> -> memref<!tpu.dma_semaphore, #tpu.memory_space<semaphore_mem>>
    %dma_wait3A_1899 = arith.constant 0 : i32
    %dma_wait3A_1900 = tpu.memref_slice %arg4[%add3A_1841, %dma_wait3A_1899] : memref<16384x2048xf32, #tpu.memory_space<hbm>> -> memref<16x2048xf32, #tpu.memory_space<hbm>>
    %dma_wait3A_1901 = arith.constant 0 : i32
    %dma_wait3A_1902 = arith.constant 0 : i32
    %dma_wait3A_1903 = tpu.memref_slice %arg6[%dma_wait3A_1889, %dma_wait3A_1901, %dma_wait3A_1902] : memref<2x16x2048xf32, #tpu.memory_space<vmem>> -> memref<1x16x2048xf32, #tpu.memory_space<vmem>>
    %dma_wait3A_1904 = tpu.memref_squeeze %dma_wait3A_1903 : memref<1x16x2048xf32, #tpu.memory_space<vmem>> -> memref<16x2048xf32, #tpu.memory_space<vmem>>
    tpu.wait_dma2 semaphore(%dma_wait3A_1898 : memref<!tpu.dma_semaphore, #tpu.memory_space<semaphore_mem>>) src(%dma_wait3A_1904 : memref<16x2048xf32, #tpu.memory_space<vmem>>) dst(%dma_wait3A_1900 : memref<16x2048xf32, #tpu.memory_space<hbm>>)
    %dma_wait3A_1905 = arith.constant 1 : i32
    %dma_wait3A_1906 = arith.constant 1 : i32
    %dma_wait3A_1907 = arith.constant 0 : i32
    %dma_wait3A_1908 = arith.constant 0 : i32
    %dma_wait3A_1909 = tpu.memref_slice %arg6[%dma_wait3A_1905, %dma_wait3A_1907, %dma_wait3A_1908] : memref<2x16x2048xf32, #tpu.memory_space<vmem>> -> memref<1x16x2048xf32, #tpu.memory_space<vmem>>
    %dma_wait3A_1910 = tpu.memref_squeeze %dma_wait3A_1909 : memref<1x16x2048xf32, #tpu.memory_space<vmem>> -> memref<16x2048xf32, #tpu.memory_space<vmem>>
    %dma_wait3A_1911 = arith.constant 0 : i32
    %dma_wait3A_1912 = tpu.memref_slice %arg4[%add3A_1872, %dma_wait3A_1911] : memref<16384x2048xf32, #tpu.memory_space<hbm>> -> memref<16x2048xf32, #tpu.memory_space<hbm>>
    %dma_wait3A_1913 = tpu.memref_slice %arg8[%dma_wait3A_1906] : memref<2x!tpu.dma_semaphore, #tpu.memory_space<semaphore_mem>> -> memref<1x!tpu.dma_semaphore, #tpu.memory_space<semaphore_mem>>
    %dma_wait3A_1914 = tpu.memref_squeeze %dma_wait3A_1913 : memref<1x!tpu.dma_semaphore, #tpu.memory_space<semaphore_mem>> -> memref<!tpu.dma_semaphore, #tpu.memory_space<semaphore_mem>>
    %dma_wait3A_1915 = arith.constant 0 : i32
    %dma_wait3A_1916 = tpu.memref_slice %arg4[%add3A_1872, %dma_wait3A_1915] : memref<16384x2048xf32, #tpu.memory_space<hbm>> -> memref<16x2048xf32, #tpu.memory_space<hbm>>
    %dma_wait3A_1917 = arith.constant 0 : i32
    %dma_wait3A_1918 = arith.constant 0 : i32
    %dma_wait3A_1919 = tpu.memref_slice %arg6[%dma_wait3A_1905, %dma_wait3A_1917, %dma_wait3A_1918] : memref<2x16x2048xf32, #tpu.memory_space<vmem>> -> memref<1x16x2048xf32, #tpu.memory_space<vmem>>
    %dma_wait3A_1920 = tpu.memref_squeeze %dma_wait3A_1919 : memref<1x16x2048xf32, #tpu.memory_space<vmem>> -> memref<16x2048xf32, #tpu.memory_space<vmem>>
    tpu.wait_dma2 semaphore(%dma_wait3A_1914 : memref<!tpu.dma_semaphore, #tpu.memory_space<semaphore_mem>>) src(%dma_wait3A_1920 : memref<16x2048xf32, #tpu.memory_space<vmem>>) dst(%dma_wait3A_1916 : memref<16x2048xf32, #tpu.memory_space<hbm>>)
    return
  }
}

</mosaic_0001>

<sc_bundles>
// kernel: kernel.3.cloned.1.call-start
scs
__scs_entry_jumppad:
0x0: {  	(pc) =	sbr.rel $0x88, $3  }
0x1: {  	(tag) =	ssettag $0x0;
	lr =	simm.s32 $0x1  }
0x2: {  	[smem:$0x3F9F] =	sst lr;
	_ =	strace $0xD0000000  }
0x3: {  	_ = 	snop  }
0x4: {  	_ = 	snop  }
0x5: {  	_ = 	snop  }
0x6: {  	_ = 	snop  }
0x7: {  	_ = 	snop  }
__scs_overlays_trampoline_lowered:
0x8: {  	[smem:$0x3FAE] =	sst s0  }
0x9: {  	[smem:$0x3FAF] =	sst s1  }
0xa: {  	[smem:$0x3FB0] =	sst s2  }
0xb: {  	[smem:$0x3FB1] =	sst s3  }
0xc: {  	[smem:$0x3FB2] =	sst s4  }
0xd: {  	[smem:$0x3FB3] =	sst s5  }
0xe: {  	[smem:$0x3FB4] =	sst s6  }
0xf: {  	[smem:$0x3FB5] =	sst s7  }
0x10: {  	[smem:$0x3FB6] =	sst s8  }
0x11: {  	[smem:$0x3FB7] =	sst s9;
	s0 =	simm.s32 @!p0 $0x0  }
0x12: {  	s1 =	sld [smem:$0x3F9D];
	s0 =	simm.s32 @p0 $0x1  }
0x13: {  	[smem:$0x3FB8] =	sst s0;
	s0 =	simm.s32 @!p1 $0x0  }
0x14: {  	s2 =	sld [smem:$0x3F9C];
	s0 =	simm.s32 @p1 $0x1  }
0x15: {  	[smem:$0x3FB9] =	sst s0;
	s0 =	simm.s32 @!p2 $0x0  }
0x16: {  	s3 =	sld [smem:$0x3FDB];
	s0 =	simm.s32 @p2 $0x1  }
0x17: {  	s4 =	simm.s32 $0x1BF5;
	[smem:$0x3FBB] =	sst s0  }
0x18: {  	s0 =	sld [smem:$0x3F9E];
	_ =	swait.ge [sflag:s4], $0x0  }
0x19: {  	s7 =	sld [smem:$0x3F9F]  }
0x1a: {  	s8 =	sadd.s32 $0xFFFFE003, lr  }
0x1b: {  	s9 =	sadd.s32 $0xFFFFFEF7, lr;
	s5 =	simm.s32 $0xFFFFFFFF;
	p2 =	slt.u32 s8, $0xFFFFF086  }
0x1c: {  	p1 =	slt.u32 s9, $0xF7A;
	s5 =	simm.s32 @!p2 $0x0  }
0x1d: {  	s5 =	simm.s32 @p1 $0x1;
	p0 =	seq.s32 s7, s2  }
0x1e: {  	s7 =	smul.u32 @!p0 $0xF7A, s2;
	p2 =	seq.s32 @!p0 s5, $0x0  }
0x1f: {  	s9 =	smul.u32 $0xF7A, s1;
	s8 =	simm.s32 @!p0 $0x1BF5;
	p2 =	por !p2, p0  }
0x20: {  	[sflag:s8] =	ssyncset.s32 @!p0 $0xFFFFF086;
	s6 =	sadd.s32 @!p0 s3, s7;
	s7 =	simm.s32 @!p0 $0x108  }
0x21: {  	s3 =	sadd.s32 s3, s9;
	s6 =	sadd.s32 @!p0 $0x88, s6;
	s7 =	simm.s32 @p2 $0x1082  }
0x22: {  	[simem:s7], [sflag:s8] =	dma.local @!p0 [hbm:s6], $0xF7A  }
0x23: {  	s9 =	sor.u32 $0xD0000000, s2;
	s6 =	simm.s32 $0x108;
	_ =	swait.ge @!p0 [sflag:s8], $0x0  }
0x24: {  	s3 =	sadd.s32 $0x88, s3;
	s6 =	simm.s32 @!p1 $0x1082;
	[sflag:s4] =	ssyncset.s32 $0xFFFFF086  }
0x25: {  	[simem:s6], [sflag:s4] =	dma.local [hbm:s3], $0xF7A  }
0x26: {  	[smem:$0x3F9F] =	sst s1;
	(tag) =	ssettag s2;
	_ =	strace s9  }
0x27: {  	s1 =	sld [smem:$0x3FAF]  }
0x28: {  	s2 =	sld [smem:$0x3FB0]  }
0x29: {  	s4 =	sld [smem:$0x3FB2]  }
0x2a: {  	p0 =	seq.s32 s5, $0x0;
	s5 =	sld [smem:$0x3FB3]  }
0x2b: {  	s6 =	sld [smem:$0x3FB4]  }
0x2c: {  	s7 =	sld [smem:$0x3FB5]  }
0x2d: {  	s3 =	simm.s32 $0x108;
	s8 =	sld [smem:$0x3FB6]  }
0x2e: {  	s3 =	simm.s32 @!p0 $0x1082;
	s9 =	sld [smem:$0x3FB7]  }
0x2f: {  	lr =	sadd.s32 s0, s3;
	s0 =	sld [smem:$0x3FAE]  }
0x30: {  	s3 =	sld [smem:$0x3FB1]  }
0x31: {  	[smem:$0x3FBA] =	sst s10  }
0x32: {  	s10 =	sld [smem:$0x3FB8];
	_ =	sdelay $0x3  }
0x33: {  	p0 =	seq.s32 s10, $0x1;
	s10 =	sld [smem:$0x3FBA];
	_ =	sdelay $0x3  }
0x34: {  	[smem:$0x3FBA] =	sst s10  }
0x35: {  	s10 =	sld [smem:$0x3FB9];
	_ =	sdelay $0x3  }
0x36: {  	p1 =	seq.s32 s10, $0x1;
	s10 =	sld [smem:$0x3FBA];
	_ =	sdelay $0x3  }
0x37: {  	[smem:$0x3FBA] =	sst s10  }
0x38: {  	s10 =	sld [smem:$0x3FBB]  }
0x39: {  	_ = 	snop;
	(pc) =	sbr.ind lr, $3  }
0x3a: {  	_ = 	snop  }
0x3b: {  	_ = 	snop  }
0x3c: {  	p2 =	seq.s32 s10, $0x1;
	s10 =	sld [smem:$0x3FBA]  }
0x3d: {  	_ =	shalt  }
0x3e: {  	_ =	shalt  }
0x3f: {  	_ =	shalt  }
0x40: {  	_ =	shalt  }
0x41: {  	_ =	shalt  }
0x42: {  	_ =	shalt  }
0x43: {  	_ =	shalt  }
0x44: {  	_ =	shalt  }
0x45: {  	_ =	shalt  }
0x46: {  	_ =	shalt  }
0x47: {  	_ =	shalt  }
0x48: {  	_ =	shalt  }
0x49: {  	_ =	shalt  }
0x4a: {  	_ =	shalt  }
0x4b: {  	_ =	shalt  }
0x4c: {  	_ =	shalt  }
0x4d: {  	_ =	shalt  }
0x4e: {  	_ =	shalt  }
0x4f: {  	_ =	shalt  }
0x50: {  	_ =	shalt  }
0x51: {  	_ =	shalt  }
0x52: {  	_ =	shalt  }
0x53: {  	_ =	shalt  }
0x54: {  	_ =	shalt  }
0x55: {  	_ =	shalt  }
0x56: {  	_ =	shalt  }
0x57: {  	_ =	shalt  }
0x58: {  	_ =	shalt  }
0x59: {  	_ =	shalt  }
0x5a: {  	_ =	shalt  }
0x5b: {  	_ =	shalt  }
0x5c: {  	_ =	shalt  }
0x5d: {  	_ =	shalt  }
0x5e: {  	_ =	shalt  }
0x5f: {  	_ =	shalt  }
0x60: {  	_ =	shalt  }
0x61: {  	_ =	shalt  }
0x62: {  	_ =	shalt  }
0x63: {  	_ =	shalt  }
0x64: {  	_ =	shalt  }
0x65: {  	_ =	shalt  }
0x66: {  	_ =	shalt  }
0x67: {  	_ =	shalt  }
0x68: {  	_ =	shalt  }
0x69: {  	_ =	shalt  }
0x6a: {  	_ =	shalt  }
0x6b: {  	_ =	shalt  }
0x6c: {  	_ =	shalt  }
0x6d: {  	_ =	shalt  }
0x6e: {  	_ =	shalt  }
0x6f: {  	_ =	shalt  }
0x70: {  	_ =	shalt  }
0x71: {  	_ =	shalt  }
0x72: {  	_ =	shalt  }
0x73: {  	_ =	shalt  }
0x74: {  	_ =	shalt  }
0x75: {  	_ =	shalt  }
0x76: {  	_ =	shalt  }
0x77: {  	_ =	shalt  }
0x78: {  	_ =	shalt  }
0x79: {  	_ =	shalt  }
0x7a: {  	_ =	shalt  }
0x7b: {  	_ =	shalt  }
0x7c: {  	_ =	shalt  }
0x7d: {  	_ =	shalt  }
0x7e: {  	_ =	shalt  }
0x7f: {  	_ =	shalt  }
0x80: {  	_ =	shalt  }
0x81: {  	_ =	shalt  }
0x82: {  	_ =	shalt  }
0x83: {  	_ =	shalt  }
0x84: {  	_ =	shalt  }
0x85: {  	_ =	shalt  }
0x86: {  	_ =	shalt  }
0x87: {  	_ =	shalt  }
.Lfunc_end0:
.L_simem_size_0:
called_computation_lowered:
.L_overlay_start_0:
0x88: {  	s2 =	sld [smem:$0x3FD9]  }
0x89: {  	s3 =	sld [smem:$0x3FFE];
	_ =	sdelay $0x1  }
0x8a: {  	s1 =	srdreg.scid  }
0x8b: {  	s0 =	sand.u32 $0x1, s1  }
0x8c: {  	s17 =	sshll.u32 s0, $0xA;
	s2 =	sadd.s32 s3, s2  }
0x8d: {  	s2 =	sadd.s32 s2, s17  }
0x8e: {  	[smem:$0x3FC6] =	sst s2  }
0x8f: {  	_ = 	snop  }
0x90: {  	s2 =	sld [smem:$0x3FC8]  }
0x91: {  	s18 =	sld [smem:$0x3FD0];
	(tm) =	ssettm $0x1  }
0x92: {  	s4 =	sld [smem:$0x3FFB];
	_ =	sdelay $0x3  }
0x93: {  	_ =	strace s4  }
0x94: {  	s4 =	sld [smem:$0x3FFC];
	_ =	sdelay $0x3  }
0x95: {  	_ =	strace s4  }
0x96: {  	s4 =	sld [smem:$0x3FFD];
	_ =	sdelay $0x3  }
0x97: {  	_ =	strace s4  }
0x98: {  	_ =	strace $0x8FFFFFFF  }
0x99: {  	s19 =	sld [smem:$0x3FDB];
	_ =	sdelay $0x1  }
0x9a: {  	s5 =	simm.s32 $_scs_section_size  }
0x9b: {  	s6 =	simm.s32 $_size__tile_overlayer_lowered;
	s7 =	simm.s32 $_tile_overlayer_lowered  }
0x9c: {  	s22 =	simm.s32 $0x1BFF;
	s21 =	sshll.u32 s7, $0x1;
	s4 =	sadd.s32 s5, s19  }
0x9d: {  	s8 =	simm.s32 $0x0;
	s20 =	sshll.u32 s6, $0x1;
	s6 =	sadd.s32 s21, s4  }
0x9e: {  	[timem:s8], [sflag:s22] =	dma.local [hbm:s6], s20  }
0x9f: {  	_ =	swait.ge [sflag:s22], s20  }
0xa0: {  	s5 =	ssub.s32 $0x0, s20;
	[sflag:s22] =	ssyncset.done $0x0  }
0xa1: {  	[sflag:s22] =	ssyncadd.s32 s5;
	_ =	sdelay $0x1  }
0xa2: {  	s23 =	simm.s32 $0x1B8B  }
0xa3: {  	_ =	swait.ge [sflag:s23], $0x1  }
0xa4: {  	[sflag:s23] =	ssyncset.done $0x0  }
0xa5: {  	s25 =	simm.s32 $0x1B8E;
	s24 =	sld [smem:$0x3FFE];
	[sflag:s23] =	ssyncadd.s32 $0xFFFFFFFF  }
0xa6: {  	s26 =	simm.s32 $execute0_lowered;
	[smem:$0x3FD2] =	sst s25  }
0xa7: {  	s6 =	sshll.u32 s26, $0x1;
	_ =	strace $0x80000046;
	[dreg:$0x1] =	wrdreg $0xFFFFFFFF  }
0xa8: {  	s28 =	simm.s32 $_size_execute0_lowered;
	s4 =	sadd.s32 s4, s6;
	[dreg:$0x0] =	wrdreg $0x0  }
0xa9: {  	s6 =	sshll.u32 s28, $0x1;
	[dreg:$0x2] =	wrdreg s4  }
0xaa: {  	[dreg:$0x3] =	wrdreg s6  }
0xab: {  	[dreg:$0x4] =	wrdreg $0xC0  }
0xac: {  	_ =	task [dreg:s8], $0x5FFFF  }
0xad: {  	[dreg:$0x1] =	wrdreg $0xFFFFFFFF  }
0xae: {  	[dreg:$0x0] =	wrdreg $0x60  }
0xaf: {  	[dreg:$0x2] =	wrdreg s24  }
0xb0: {  	[dreg:$0x3] =	wrdreg s2  }
0xb1: {  	[dreg:$0x4] =	wrdreg s18  }
0xb2: {  	[dreg:$0x5] =	wrdreg $0x9  }
0xb3: {  	_ =	task.clear_ibuf [dreg:s8], $0x6FFFF;
	_ =	strace $0x90000046  }
0xb4: {  	s29 =	simm.s32 $0x9;
	_ =	strace $0x80000048  }
0xb5: {  	_ =	swait.ge [sflag:s29], $0x1  }
0xb6: {  	[sflag:s29] =	ssyncadd.s32 $0xFFFFFFFF  }
0xb7: {  	_ =	strace $0x90000048  }
0xb8: {  	_ =	sfence  }
0xb9: {  	s30 =	sld [smem:$0x0];
	_ =	sdelay $0x2  }
0xba: {  	s31 =	sshll.u32 s1, $0xD;
	s1 =	sshrl.u32 s1, $0x2  }
0xbb: {  	s3 =	sand.u32 $0x4000, s31;
	s1 =	sadd.s32 s1, s30  }
0xbc: {  	s0 =	sor.u32 s3, s0;
	s1 =	sshll.u32 s1, $0x11  }
0xbd: {  	s0 =	sor.u32 s1, s0  }
0xbe: {  	s0 =	sadd.s32 $0x8F2B, s0  }
0xbf: {  	[sflag:s0] =	ssyncadd.remote.s32 $0x1  }
0xc0: {  	_ =	sfence.sel $0xFFFF  }
0xc1: {  	[dreg:$0x0] =	wrdreg $0xFFFFFFFF;
	(pc) =	sbr.abs _section_cstart, $3  }
0xc2: {  	[dreg:$0x1] =	wrdreg $0xFFFFFFFF  }
0xc3: {  	_ =	task.clear_ibuf [dreg:s8], $0x2FFFF;
	_ =	strace $0x9FFFFFFF  }
0xc4: {  	(tm) =	ssettm $0x7FFFFFFF  }
0xc5: {  	_ =	shalt  }
tec
execute0_lowered:
.L_overlay_start_1:
0x0: {  	(tag) =	ssettag $0x1  }
0x1: {  	s5 =	stileid.u32;
	s0 =	srdreg.scid  }
0x2: {  	s1 =	rddreg [dreg:$0x0];
	s0 =	sand.u32 $0x1, s0;
	s3 =	sshll.u32 s5, $0x1  }
0x3: {  	s2 =	rddreg [dreg:$0x1];
	s6 =	sor.u32 s0, s3  }
0x4: {  	s4 =	rddreg [dreg:$0x2];
	s3 =	simm.s32 $0x0;
	s16 =	sshll.u32 s6, $0x11  }
0x5: {  	[smem:$0x7FF] =	sst s3;
	s10 =	sadd.s32 s4, s16  }
0x6: {  	_ =	strace $0x80000047;
	s17 =	sadd.s32 $0x1000, s10;
	[smem:$0x7FA] =	sst s10  }
0x7: {  	s18 =	sadd.s32 $0x2000, s10;
	[dreg:$0x5] =	wrdreg s17  }
0x8: {  	s19 =	sadd.s32 $0x3000, s10;
	[dreg:$0x6] =	wrdreg s18  }
0x9: {  	s20 =	sadd.s32 $0x4000, s10;
	[dreg:$0x7] =	wrdreg s19  }
0xa: {  	s21 =	sadd.s32 $0x5000, s10;
	[dreg:$0x8] =	wrdreg s20  }
0xb: {  	s22 =	sadd.s32 $0x6000, s10;
	[dreg:$0x9] =	wrdreg s21  }
0xc: {  	s23 =	sadd.s32 $0x7000, s10;
	[dreg:$0xa] =	wrdreg s22  }
0xd: {  	s24 =	sadd.s32 $0x8000, s10;
	[dreg:$0xb] =	wrdreg s23  }
0xe: {  	s25 =	sadd.s32 $0x9000, s10;
	[dreg:$0xc] =	wrdreg s24  }
0xf: {  	s26 =	sadd.s32 $0xA000, s10;
	[dreg:$0xd] =	wrdreg s25  }
0x10: {  	s5 =	sshll.u32 s5, $0x7;
	s30 =	sadd.s32 $0xB000, s10;
	[dreg:$0xe] =	wrdreg s26  }
0x11: {  	s5 =	sand.u32 $0x600, s5;
	s4 =	sadd.s32 $0xC000, s10;
	[dreg:$0xf] =	wrdreg s30  }
0x12: {  	s1 =	sadd.s32 s5, s1;
	s5 =	sadd.s32 $0xD000, s10;
	[dreg:$0x10] =	wrdreg s4  }
0x13: {  	s7 =	sshll.u32 s6, $0x4;
	s6 =	sadd.s32 $0xE000, s10;
	[dreg:$0x11] =	wrdreg s5  }
0x14: {  	s15 =	sand.u32 $0x70, s7;
	s7 =	sadd.s32 $0xF000, s10;
	[dreg:$0x12] =	wrdreg s6  }
0x15: {  	s8 =	sadd.s32 $0x10000, s10;
	[dreg:$0x13] =	wrdreg s7  }
0x16: {  	s9 =	sadd.s32 $0x11000, s10;
	[dreg:$0x14] =	wrdreg s8  }
0x17: {  	s11 =	sadd.s32 $0x12000, s10;
	[dreg:$0x15] =	wrdreg s9  }
0x18: {  	s12 =	sadd.s32 $0x13000, s10;
	[dreg:$0x16] =	wrdreg s11  }
0x19: {  	s13 =	sadd.s32 $0x14000, s10;
	[dreg:$0x17] =	wrdreg s12  }
0x1a: {  	s14 =	sadd.s32 $0x15000, s10;
	[dreg:$0x18] =	wrdreg s13  }
0x1b: {  	s1 =	sadd.s32 s15, s1;
	s15 =	sadd.s32 $0x16000, s10;
	[dreg:$0x19] =	wrdreg s14  }
0x1c: {  	s31 =	simm.s32 $0x8200;
	s16 =	sadd.s32 $0x17000, s10;
	[dreg:$0x1a] =	wrdreg s15  }
0x1d: {  	s28 =	simm.s32 $0x2;
	s1 =	sadd.s32 $0x400, s1;
	[dreg:$0x1b] =	wrdreg s16  }
0x1e: {  	s29 =	simm.s32 $0x4;
	s17 =	sadd.s32 $0x18000, s10;
	[dreg:$0x4] =	wrdreg s1  }
0x1f: {  	s0 =	ssub.s32 $0x2, s0;
	s19 =	sadd.s32 $0x19000, s10;
	[dreg:$0x1c] =	wrdreg s17  }
0x20: {  	s18 =	sshrl.u32 s0, $0x1;
	s20 =	sadd.s32 $0x1A000, s10;
	[dreg:$0x1d] =	wrdreg s19  }
0x21: {  	s5 =	sadd.s32 $0x100, s2;
	s21 =	sadd.s32 $0x1B000, s10;
	[dreg:$0x1e] =	wrdreg s20  }
0x22: {  	s6 =	sadd.s32 $0x200, s2;
	s22 =	sadd.s32 $0x1C000, s10;
	[dreg:$0x1f] =	wrdreg s21  }
0x23: {  	s7 =	sadd.s32 $0x300, s2;
	s23 =	sadd.s32 $0x1D000, s10;
	[smem:$0x7F7] =	sst s22  }
0x24: {  	s8 =	sadd.s32 $0x400, s2;
	s24 =	sadd.s32 $0x1E000, s10;
	[smem:$0x7F8] =	sst s23  }
0x25: {  	s9 =	sadd.s32 $0x500, s2;
	s25 =	sadd.s32 $0x1F000, s10;
	[smem:$0x7F9] =	sst s24  }
0x26: {  	s10 =	sadd.s32 $0x600, s2;
	s26 =	simm.s32 $0x80;
	[smem:$0x7FB] =	sst s25  }
0x27: {  	v2 =	vlaneseq.u32;
	s11 =	sadd.s32 $0x700, s2;
	s30 =	simm.s32 $0x400;
	[smem:$0x7FC] =	sst s26  }
0x28: {  	vm0 =	vmmov $0xffff;
	v1 =	vshrl.u32 v2, $0x3;
	s14 =	simm.s32 $0x200;
	s0 =	ssub.s32 s0, s18;
	[smem:$0x7FD] =	sst s30  }
0x29: {  	v0 =	vand.u32 $0x7, v2;
	v2 =	vor.u32 $0x8, v2;
	v1 =	vmul.u32 $0x8, v1;
	s25 =	simm.s32 $0x1;
	s26 =	simm.s32 $0x3;
	s0 =	smax.u32 s0, $0x1  }
.LBB2_1:
0x2a: {  	s1 =	sld [smem:$0x7FC]  }
0x2b: {  	s22 =	sld [smem:$0x7FD]  }
0x2c: {  	[smem:$0x7F6] =	sst s0  }
0x2d: {  	s30 =	rddreg [dreg:$0x4];
	s23 =	simm.s32 $0x5  }
0x2e: {  	[tilespmem:s3], [sflag:$0x5] =	stream.strided.gather [hbm4b:s30+s1], $0x200, s22, s1, $0x38;
	[tilespmem:$0x10200] =	vst v63  }
0x2f: {  	_ =	swait.ge [sflag:s23], $0x200  }
0x30: {  	[sflag:s23] =	ssyncset.done $0x0  }
0x31: {  	[sflag:s23] =	ssyncadd.s32 $0xFFFFFE00  }
0x32: {  	v3 =	vld [tilespmem:$0x0];
	_ =	sdelay $0x4  }
0x33: {  	v4 =	vshll.u32 v3, $0x4  }
0x34: {  	v3 =	vand.u32 $0x7, v3;
	v4 =	vand.u32 $0xFFFFFF80, v4  }
0x35: {  	v3 =	vor.u32 v3, v4  }
0x36: {  	v4 =	vperm.xlane v3, v0;
	_ =	sdelay $0x1  }
0x37: {  	v4 =	vadd.s32 v1, v4;
	_ =	sdelay $0x4  }
0x38: {  	[tilespmem:s14], [sflag:$0x1] =	stream.indirect_vreg.gather [hbm4b:s2+s3], $0x80, v4, vm0, $0xb8;
	[tilespmem:$0x10200] =	vst v63  }
0x39: {  	s24 =	simm.s32 $0xA00  }
0x3a: {  	[tilespmem:s24], [sflag:$0x1] =	stream.indirect_vreg.gather [hbm4b:s5+s3], $0x80, v4, vm0, $0xb8;
	[tilespmem:$0x10200] =	vst v63  }
0x3b: {  	s30 =	simm.s32 $0x1200  }
0x3c: {  	[tilespmem:s30], [sflag:$0x1] =	stream.indirect_vreg.gather [hbm4b:s6+s3], $0x80, v4, vm0, $0xb8;
	[tilespmem:$0x10200] =	vst v63  }
0x3d: {  	s1 =	simm.s32 $0x1A00  }
0x3e: {  	[tilespmem:s1], [sflag:$0x1] =	stream.indirect_vreg.gather [hbm4b:s7+s3], $0x80, v4, vm0, $0xb8;
	[tilespmem:$0x10200] =	vst v63  }
0x3f: {  	s4 =	simm.s32 $0x2200  }
0x40: {  	[tilespmem:s4], [sflag:$0x1] =	stream.indirect_vreg.gather [hbm4b:s8+s3], $0x80, v4, vm0, $0xb8;
	[tilespmem:$0x10200] =	vst v63  }
0x41: {  	s12 =	simm.s32 $0x2A00;
	v3 =	vperm.xlane v3, v2  }
0x42: {  	[tilespmem:s12], [sflag:$0x1] =	stream.indirect_vreg.gather [hbm4b:s9+s3], $0x80, v4, vm0, $0xb8;
	[tilespmem:$0x10200] =	vst v63  }
0x43: {  	s13 =	simm.s32 $0x3200;
	v3 =	vadd.s32 v1, v3  }
0x44: {  	[tilespmem:s13], [sflag:$0x1] =	stream.indirect_vreg.gather [hbm4b:s10+s3], $0x80, v4, vm0, $0xb8;
	[tilespmem:$0x10200] =	vst v63  }
0x45: {  	s15 =	simm.s32 $0x3A00  }
0x46: {  	[tilespmem:s15], [sflag:$0x1] =	stream.indirect_vreg.gather [hbm4b:s11+s3], $0x80, v4, vm0, $0xb8;
	[tilespmem:$0x10200] =	vst v63  }
0x47: {  	s16 =	simm.s32 $0x4200  }
0x48: {  	[tilespmem:s16], [sflag:$0x1] =	stream.indirect_vreg.gather [hbm4b:s2+s3], $0x80, v3, vm0, $0xb8;
	[tilespmem:$0x10200] =	vst v63  }
0x49: {  	s17 =	simm.s32 $0x4A00  }
0x4a: {  	[tilespmem:s17], [sflag:$0x1] =	stream.indirect_vreg.gather [hbm4b:s5+s3], $0x80, v3, vm0, $0xb8;
	[tilespmem:$0x10200] =	vst v63  }
0x4b: {  	s18 =	simm.s32 $0x5200  }
0x4c: {  	[tilespmem:s18], [sflag:$0x1] =	stream.indirect_vreg.gather [hbm4b:s6+s3], $0x80, v3, vm0, $0xb8;
	[tilespmem:$0x10200] =	vst v63  }
0x4d: {  	s19 =	simm.s32 $0x5A00  }
0x4e: {  	[tilespmem:s19], [sflag:$0x1] =	stream.indirect_vreg.gather [hbm4b:s7+s3], $0x80, v3, vm0, $0xb8;
	[tilespmem:$0x10200] =	vst v63  }
0x4f: {  	s20 =	simm.s32 $0x6200  }
0x50: {  	[tilespmem:s20], [sflag:$0x1] =	stream.indirect_vreg.gather [hbm4b:s8+s3], $0x80, v3, vm0, $0xb8;
	[tilespmem:$0x10200] =	vst v63  }
0x51: {  	s21 =	simm.s32 $0x6A00  }
0x52: {  	[tilespmem:s21], [sflag:$0x1] =	stream.indirect_vreg.gather [hbm4b:s9+s3], $0x80, v3, vm0, $0xb8;
	[tilespmem:$0x10200] =	vst v63  }
0x53: {  	s22 =	simm.s32 $0x7200  }
0x54: {  	[tilespmem:s22], [sflag:$0x1] =	stream.indirect_vreg.gather [hbm4b:s10+s3], $0x80, v3, vm0, $0xb8;
	[tilespmem:$0x10200] =	vst v63  }
0x55: {  	s12 =	simm.s32 $0x7A00  }
0x56: {  	[tilespmem:s12], [sflag:$0x1] =	stream.indirect_vreg.gather [hbm4b:s11+s3], $0x80, v3, vm0, $0xb8;
	[tilespmem:$0x10200] =	vst v63  }
0x57: {  	v3 =	vld [tilespmem:$0x10];
	_ =	sdelay $0x4  }
0x58: {  	v33 =	vshll.u32 v3, $0x4  }
0x59: {  	v3 =	vand.u32 $0x7, v3;
	v4 =	vand.u32 $0xFFFFFF80, v33  }
0x5a: {  	v3 =	vor.u32 v3, v4  }
0x5b: {  	v4 =	vperm.xlane v3, v0;
	_ =	sdelay $0x1  }
0x5c: {  	v4 =	vadd.s32 v1, v4;
	_ =	sdelay $0x4  }
0x5d: {  	[tilespmem:s31], [sflag:$0x2] =	stream.indirect_vreg.gather [hbm4b:s2+s3], $0x80, v4, vm0, $0xb8;
	[tilespmem:$0x10200] =	vst v63  }
0x5e: {  	s0 =	simm.s32 $0x8A00  }
0x5f: {  	[tilespmem:s0], [sflag:$0x2] =	stream.indirect_vreg.gather [hbm4b:s5+s3], $0x80, v4, vm0, $0xb8;
	[tilespmem:$0x10200] =	vst v63  }
0x60: {  	s0 =	simm.s32 $0x9200  }
0x61: {  	[tilespmem:s0], [sflag:$0x2] =	stream.indirect_vreg.gather [hbm4b:s6+s3], $0x80, v4, vm0, $0xb8;
	[tilespmem:$0x10200] =	vst v63  }
0x62: {  	s0 =	simm.s32 $0x9A00  }
0x63: {  	[tilespmem:s0], [sflag:$0x2] =	stream.indirect_vreg.gather [hbm4b:s7+s3], $0x80, v4, vm0, $0xb8;
	[tilespmem:$0x10200] =	vst v63  }
0x64: {  	s0 =	simm.s32 $0xA200  }
0x65: {  	[tilespmem:s0], [sflag:$0x2] =	stream.indirect_vreg.gather [hbm4b:s8+s3], $0x80, v4, vm0, $0xb8;
	[tilespmem:$0x10200] =	vst v63  }
0x66: {  	v3 =	vperm.xlane v3, v2;
	s0 =	simm.s32 $0xAA00  }
0x67: {  	[tilespmem:s0], [sflag:$0x2] =	stream.indirect_vreg.gather [hbm4b:s9+s3], $0x80, v4, vm0, $0xb8;
	[tilespmem:$0x10200] =	vst v63  }
0x68: {  	v3 =	vadd.s32 v1, v3;
	s0 =	simm.s32 $0xB200  }
0x69: {  	[tilespmem:s0], [sflag:$0x2] =	stream.indirect_vreg.gather [hbm4b:s10+s3], $0x80, v4, vm0, $0xb8;
	[tilespmem:$0x10200] =	vst v63  }
0x6a: {  	s0 =	simm.s32 $0xBA00  }
0x6b: {  	[tilespmem:s0], [sflag:$0x2] =	stream.indirect_vreg.gather [hbm4b:s11+s3], $0x80, v4, vm0, $0xb8;
	[tilespmem:$0x10200] =	vst v63  }
0x6c: {  	s0 =	simm.s32 $0xC200  }
0x6d: {  	[tilespmem:s0], [sflag:$0x2] =	stream.indirect_vreg.gather [hbm4b:s2+s3], $0x80, v3, vm0, $0xb8;
	[tilespmem:$0x10200] =	vst v63  }
0x6e: {  	s0 =	simm.s32 $0xCA00  }
0x6f: {  	[tilespmem:s0], [sflag:$0x2] =	stream.indirect_vreg.gather [hbm4b:s5+s3], $0x80, v3, vm0, $0xb8;
	[tilespmem:$0x10200] =	vst v63  }
0x70: {  	s0 =	simm.s32 $0xD200  }
0x71: {  	[tilespmem:s0], [sflag:$0x2] =	stream.indirect_vreg.gather [hbm4b:s6+s3], $0x80, v3, vm0, $0xb8;
	[tilespmem:$0x10200] =	vst v63  }
0x72: {  	s0 =	simm.s32 $0xDA00  }
0x73: {  	[tilespmem:s0], [sflag:$0x2] =	stream.indirect_vreg.gather [hbm4b:s7+s3], $0x80, v3, vm0, $0xb8;
	[tilespmem:$0x10200] =	vst v63  }
0x74: {  	s0 =	simm.s32 $0xE200  }
0x75: {  	[tilespmem:s0], [sflag:$0x2] =	stream.indirect_vreg.gather [hbm4b:s8+s3], $0x80, v3, vm0, $0xb8;
	[tilespmem:$0x10200] =	vst v63  }
0x76: {  	s0 =	simm.s32 $0xEA00  }
0x77: {  	[tilespmem:s0], [sflag:$0x2] =	stream.indirect_vreg.gather [hbm4b:s9+s3], $0x80, v3, vm0, $0xb8;
	[tilespmem:$0x10200] =	vst v63  }
0x78: {  	s0 =	simm.s32 $0xF200  }
0x79: {  	[tilespmem:s0], [sflag:$0x2] =	stream.indirect_vreg.gather [hbm4b:s10+s3], $0x80, v3, vm0, $0xb8;
	[tilespmem:$0x10200] =	vst v63  }
0x7a: {  	s0 =	simm.s32 $0xFA00  }
0x7b: {  	[tilespmem:s0], [sflag:$0x2] =	stream.indirect_vreg.gather [hbm4b:s11+s3], $0x80, v3, vm0, $0xb8;
	[tilespmem:$0x10200] =	vst v63  }
0x7c: {  	_ =	swait.ge [sflag:s25], $0x8000  }
0x7d: {  	s0 =	sld [smem:$0x7FA]  }
0x7e: {  	[sflag:s25] =	ssyncset.done $0x0  }
0x7f: {  	[sflag:s25] =	ssyncadd.s32 $0xFFFF8000  }
0x80: {  	[hbm4b:s0+s3] =	stream.linear.scatter [tilespmem:s14], [sflag:$0x3], $0x8000, $0x38;
	[tilespmem:$0x10200] =	vst v63  }
0x81: {  	_ =	swait.ge [sflag:s26], $0x8000  }
0x82: {  	[sflag:s26] =	ssyncset.done $0x0  }
0x83: {  	[sflag:s26] =	ssyncadd.s32 $0xFFFF8000  }
0x84: {  	v3 =	vld [tilespmem:$0x20];
	_ =	sdelay $0x4  }
0x85: {  	v34 =	vshll.u32 v3, $0x4  }
0x86: {  	v3 =	vand.u32 $0x7, v3;
	v4 =	vand.u32 $0xFFFFFF80, v34  }
0x87: {  	v3 =	vor.u32 v3, v4  }
0x88: {  	v4 =	vperm.xlane v3, v0;
	_ =	sdelay $0x1  }
0x89: {  	v4 =	vadd.s32 v1, v4;
	_ =	sdelay $0x4  }
0x8a: {  	[tilespmem:s14], [sflag:$0x1] =	stream.indirect_vreg.gather [hbm4b:s2+s3], $0x80, v4, vm0, $0xb8;
	[tilespmem:$0x10200] =	vst v63  }
0x8b: {  	s23 =	simm.s32 $0xA00  }
0x8c: {  	[tilespmem:s23], [sflag:$0x1] =	stream.indirect_vreg.gather [hbm4b:s5+s3], $0x80, v4, vm0, $0xb8;
	[tilespmem:$0x10200] =	vst v63  }
0x8d: {  	s24 =	simm.s32 $0x1200  }
0x8e: {  	[tilespmem:s24], [sflag:$0x1] =	stream.indirect_vreg.gather [hbm4b:s6+s3], $0x80, v4, vm0, $0xb8;
	[tilespmem:$0x10200] =	vst v63  }
0x8f: {  	s30 =	simm.s32 $0x1A00  }
0x90: {  	[tilespmem:s30], [sflag:$0x1] =	stream.indirect_vreg.gather [hbm4b:s7+s3], $0x80, v4, vm0, $0xb8;
	[tilespmem:$0x10200] =	vst v63  }
0x91: {  	s1 =	simm.s32 $0x2200  }
0x92: {  	[tilespmem:s1], [sflag:$0x1] =	stream.indirect_vreg.gather [hbm4b:s8+s3], $0x80, v4, vm0, $0xb8;
	[tilespmem:$0x10200] =	vst v63  }
0x93: {  	s4 =	simm.s32 $0x2A00;
	v3 =	vperm.xlane v3, v2  }
0x94: {  	[tilespmem:s4], [sflag:$0x1] =	stream.indirect_vreg.gather [hbm4b:s9+s3], $0x80, v4, vm0, $0xb8;
	[tilespmem:$0x10200] =	vst v63  }
0x95: {  	s13 =	simm.s32 $0x3200;
	v3 =	vadd.s32 v1, v3  }
0x96: {  	[tilespmem:s13], [sflag:$0x1] =	stream.indirect_vreg.gather [hbm4b:s10+s3], $0x80, v4, vm0, $0xb8;
	[tilespmem:$0x10200] =	vst v63  }
0x97: {  	s15 =	simm.s32 $0x3A00  }
0x98: {  	[tilespmem:s15], [sflag:$0x1] =	stream.indirect_vreg.gather [hbm4b:s11+s3], $0x80, v4, vm0, $0xb8;
	[tilespmem:$0x10200] =	vst v63  }
0x99: {  	s16 =	simm.s32 $0x4200  }
0x9a: {  	[tilespmem:s16], [sflag:$0x1] =	stream.indirect_vreg.gather [hbm4b:s2+s3], $0x80, v3, vm0, $0xb8;
	[tilespmem:$0x10200] =	vst v63  }
0x9b: {  	s17 =	simm.s32 $0x4A00  }
0x9c: {  	[tilespmem:s17], [sflag:$0x1] =	stream.indirect_vreg.gather [hbm4b:s5+s3], $0x80, v3, vm0, $0xb8;
	[tilespmem:$0x10200] =	vst v63  }
0x9d: {  	s18 =	simm.s32 $0x5200  }
0x9e: {  	[tilespmem:s18], [sflag:$0x1] =	stream.indirect_vreg.gather [hbm4b:s6+s3], $0x80, v3, vm0, $0xb8;
	[tilespmem:$0x10200] =	vst v63  }
0x9f: {  	s19 =	simm.s32 $0x5A00  }
0xa0: {  	[tilespmem:s19], [sflag:$0x1] =	stream.indirect_vreg.gather [hbm4b:s7+s3], $0x80, v3, vm0, $0xb8;
	[tilespmem:$0x10200] =	vst v63  }
0xa1: {  	s20 =	simm.s32 $0x6200  }
0xa2: {  	[tilespmem:s20], [sflag:$0x1] =	stream.indirect_vreg.gather [hbm4b:s8+s3], $0x80, v3, vm0, $0xb8;
	[tilespmem:$0x10200] =	vst v63  }
0xa3: {  	s21 =	simm.s32 $0x6A00  }
0xa4: {  	[tilespmem:s21], [sflag:$0x1] =	stream.indirect_vreg.gather [hbm4b:s9+s3], $0x80, v3, vm0, $0xb8;
	[tilespmem:$0x10200] =	vst v63  }
0xa5: {  	s22 =	simm.s32 $0x7200  }
0xa6: {  	[tilespmem:s22], [sflag:$0x1] =	stream.indirect_vreg.gather [hbm4b:s10+s3], $0x80, v3, vm0, $0xb8;
	[tilespmem:$0x10200] =	vst v63  }
0xa7: {  	s12 =	simm.s32 $0x7A00  }
0xa8: {  	[tilespmem:s12], [sflag:$0x1] =	stream.indirect_vreg.gather [hbm4b:s11+s3], $0x80, v3, vm0, $0xb8;
	[tilespmem:$0x10200] =	vst v63  }
0xa9: {  	_ =	swait.ge [sflag:s28], $0x8000  }
0xaa: {  	[sflag:s28] =	ssyncset.done $0x0  }
0xab: {  	s21 =	rddreg [dreg:$0x5];
	[sflag:s28] =	ssyncadd.s32 $0xFFFF8000  }
0xac: {  	[hbm4b:s21+s3] =	stream.linear.scatter [tilespmem:s31], [sflag:$0x4], $0x8000, $0x38;
	[tilespmem:$0x10200] =	vst v63  }
0xad: {  	_ =	swait.ge [sflag:s29], $0x8000  }
0xae: {  	[sflag:s29] =	ssyncset.done $0x0  }
0xaf: {  	[sflag:s29] =	ssyncadd.s32 $0xFFFF8000  }
0xb0: {  	v3 =	vld [tilespmem:$0x30];
	_ =	sdelay $0x4  }
0xb1: {  	v35 =	vshll.u32 v3, $0x4  }
0xb2: {  	v3 =	vand.u32 $0x7, v3;
	v4 =	vand.u32 $0xFFFFFF80, v35  }
0xb3: {  	v3 =	vor.u32 v3, v4  }
0xb4: {  	v4 =	vperm.xlane v3, v0;
	_ =	sdelay $0x1  }
0xb5: {  	v4 =	vadd.s32 v1, v4;
	_ =	sdelay $0x4  }
0xb6: {  	[tilespmem:s31], [sflag:$0x2] =	stream.indirect_vreg.gather [hbm4b:s2+s3], $0x80, v4, vm0, $0xb8;
	[tilespmem:$0x10200] =	vst v63  }
0xb7: {  	s22 =	simm.s32 $0x8A00  }
0xb8: {  	[tilespmem:s22], [sflag:$0x2] =	stream.indirect_vreg.gather [hbm4b:s5+s3], $0x80, v4, vm0, $0xb8;
	[tilespmem:$0x10200] =	vst v63  }
0xb9: {  	s23 =	simm.s32 $0x9200  }
0xba: {  	[tilespmem:s23], [sflag:$0x2] =	stream.indirect_vreg.gather [hbm4b:s6+s3], $0x80, v4, vm0, $0xb8;
	[tilespmem:$0x10200] =	vst v63  }
0xbb: {  	s30 =	simm.s32 $0x9A00  }
0xbc: {  	[tilespmem:s30], [sflag:$0x2] =	stream.indirect_vreg.gather [hbm4b:s7+s3], $0x80, v4, vm0, $0xb8;
	[tilespmem:$0x10200] =	vst v63  }
0xbd: {  	s4 =	simm.s32 $0xA200  }
0xbe: {  	[tilespmem:s4], [sflag:$0x2] =	stream.indirect_vreg.gather [hbm4b:s8+s3], $0x80, v4, vm0, $0xb8;
	[tilespmem:$0x10200] =	vst v63  }
0xbf: {  	s12 =	simm.s32 $0xAA00;
	v3 =	vperm.xlane v3, v2  }
0xc0: {  	[tilespmem:s12], [sflag:$0x2] =	stream.indirect_vreg.gather [hbm4b:s9+s3], $0x80, v4, vm0, $0xb8;
	[tilespmem:$0x10200] =	vst v63  }
0xc1: {  	s13 =	simm.s32 $0xB200;
	v3 =	vadd.s32 v1, v3  }
0xc2: {  	[tilespmem:s13], [sflag:$0x2] =	stream.indirect_vreg.gather [hbm4b:s10+s3], $0x80, v4, vm0, $0xb8;
	[tilespmem:$0x10200] =	vst v63  }
0xc3: {  	s15 =	simm.s32 $0xBA00  }
0xc4: {  	[tilespmem:s15], [sflag:$0x2] =	stream.indirect_vreg.gather [hbm4b:s11+s3], $0x80, v4, vm0, $0xb8;
	[tilespmem:$0x10200] =	vst v63  }
0xc5: {  	s16 =	simm.s32 $0xC200  }
0xc6: {  	[tilespmem:s16], [sflag:$0x2] =	stream.indirect_vreg.gather [hbm4b:s2+s3], $0x80, v3, vm0, $0xb8;
	[tilespmem:$0x10200] =	vst v63  }
0xc7: {  	s17 =	simm.s32 $0xCA00  }
0xc8: {  	[tilespmem:s17], [sflag:$0x2] =	stream.indirect_vreg.gather [hbm4b:s5+s3], $0x80, v3, vm0, $0xb8;
	[tilespmem:$0x10200] =	vst v63  }
0xc9: {  	s18 =	simm.s32 $0xD200  }
0xca: {  	[tilespmem:s18], [sflag:$0x2] =	stream.indirect_vreg.gather [hbm4b:s6+s3], $0x80, v3, vm0, $0xb8;
	[tilespmem:$0x10200] =	vst v63  }
0xcb: {  	s19 =	simm.s32 $0xDA00  }
0xcc: {  	[tilespmem:s19], [sflag:$0x2] =	stream.indirect_vreg.gather [hbm4b:s7+s3], $0x80, v3, vm0, $0xb8;
	[tilespmem:$0x10200] =	vst v63  }
0xcd: {  	s20 =	simm.s32 $0xE200  }
0xce: {  	[tilespmem:s20], [sflag:$0x2] =	stream.indirect_vreg.gather [hbm4b:s8+s3], $0x80, v3, vm0, $0xb8;
	[tilespmem:$0x10200] =	vst v63  }
0xcf: {  	s21 =	simm.s32 $0xEA00  }
0xd0: {  	[tilespmem:s21], [sflag:$0x2] =	stream.indirect_vreg.gather [hbm4b:s9+s3], $0x80, v3, vm0, $0xb8;
	[tilespmem:$0x10200] =	vst v63  }
0xd1: {  	s22 =	simm.s32 $0xF200  }
0xd2: {  	[tilespmem:s22], [sflag:$0x2] =	stream.indirect_vreg.gather [hbm4b:s10+s3], $0x80, v3, vm0, $0xb8;
	[tilespmem:$0x10200] =	vst v63  }
0xd3: {  	s20 =	simm.s32 $0xFA00  }
0xd4: {  	[tilespmem:s20], [sflag:$0x2] =	stream.indirect_vreg.gather [hbm4b:s11+s3], $0x80, v3, vm0, $0xb8;
	[tilespmem:$0x10200] =	vst v63  }
0xd5: {  	_ =	swait.ge [sflag:s25], $0x8000  }
0xd6: {  	[sflag:s25] =	ssyncset.done $0x0  }
0xd7: {  	s0 =	rddreg [dreg:$0x6];
	[sflag:s25] =	ssyncadd.s32 $0xFFFF8000  }
0xd8: {  	[hbm4b:s0+s3] =	stream.linear.scatter [tilespmem:s14], [sflag:$0x3], $0x8000, $0x38;
	[tilespmem:$0x10200] =	vst v63  }
0xd9: {  	_ =	swait.ge [sflag:s26], $0x8000  }
0xda: {  	[sflag:s26] =	ssyncset.done $0x0  }
0xdb: {  	[sflag:s26] =	ssyncadd.s32 $0xFFFF8000  }
0xdc: {  	v3 =	vld [tilespmem:$0x40];
	_ =	sdelay $0x4  }
0xdd: {  	v36 =	vshll.u32 v3, $0x4  }
0xde: {  	v3 =	vand.u32 $0x7, v3;
	v4 =	vand.u32 $0xFFFFFF80, v36  }
0xdf: {  	v3 =	vor.u32 v3, v4  }
0xe0: {  	v4 =	vperm.xlane v3, v0;
	_ =	sdelay $0x1  }
0xe1: {  	v4 =	vadd.s32 v1, v4;
	_ =	sdelay $0x4  }
0xe2: {  	[tilespmem:s14], [sflag:$0x1] =	stream.indirect_vreg.gather [hbm4b:s2+s3], $0x80, v4, vm0, $0xb8;
	[tilespmem:$0x10200] =	vst v63  }
0xe3: {  	s0 =	simm.s32 $0xA00  }
0xe4: {  	[tilespmem:s0], [sflag:$0x1] =	stream.indirect_vreg.gather [hbm4b:s5+s3], $0x80, v4, vm0, $0xb8;
	[tilespmem:$0x10200] =	vst v63  }
0xe5: {  	s0 =	simm.s32 $0x1200  }
0xe6: {  	[tilespmem:s0], [sflag:$0x1] =	stream.indirect_vreg.gather [hbm4b:s6+s3], $0x80, v4, vm0, $0xb8;
	[tilespmem:$0x10200] =	vst v63  }
0xe7: {  	s0 =	simm.s32 $0x1A00  }
0xe8: {  	[tilespmem:s0], [sflag:$0x1] =	stream.indirect_vreg.gather [hbm4b:s7+s3], $0x80, v4, vm0, $0xb8;
	[tilespmem:$0x10200] =	vst v63  }
0xe9: {  	s0 =	simm.s32 $0x2200  }
0xea: {  	[tilespmem:s0], [sflag:$0x1] =	stream.indirect_vreg.gather [hbm4b:s8+s3], $0x80, v4, vm0, $0xb8;
	[tilespmem:$0x10200] =	vst v63  }
0xeb: {  	v3 =	vperm.xlane v3, v2;
	s0 =	simm.s32 $0x2A00  }
0xec: {  	[tilespmem:s0], [sflag:$0x1] =	stream.indirect_vreg.gather [hbm4b:s9+s3], $0x80, v4, vm0, $0xb8;
	[tilespmem:$0x10200] =	vst v63  }
0xed: {  	v3 =	vadd.s32 v1, v3;
	s0 =	simm.s32 $0x3200  }
0xee: {  	[tilespmem:s0], [sflag:$0x1] =	stream.indirect_vreg.gather [hbm4b:s10+s3], $0x80, v4, vm0, $0xb8;
	[tilespmem:$0x10200] =	vst v63  }
0xef: {  	s0 =	simm.s32 $0x3A00  }
0xf0: {  	[tilespmem:s0], [sflag:$0x1] =	stream.indirect_vreg.gather [hbm4b:s11+s3], $0x80, v4, vm0, $0xb8;
	[tilespmem:$0x10200] =	vst v63  }
0xf1: {  	s0 =	simm.s32 $0x4200  }
0xf2: {  	[tilespmem:s0], [sflag:$0x1] =	stream.indirect_vreg.gather [hbm4b:s2+s3], $0x80, v3, vm0, $0xb8;
	[tilespmem:$0x10200] =	vst v63  }
0xf3: {  	s0 =	simm.s32 $0x4A00  }
0xf4: {  	[tilespmem:s0], [sflag:$0x1] =	stream.indirect_vreg.gather [hbm4b:s5+s3], $0x80, v3, vm0, $0xb8;
	[tilespmem:$0x10200] =	vst v63  }
0xf5: {  	s0 =	simm.s32 $0x5200  }
0xf6: {  	[tilespmem:s0], [sflag:$0x1] =	stream.indirect_vreg.gather [hbm4b:s6+s3], $0x80, v3, vm0, $0xb8;
	[tilespmem:$0x10200] =	vst v63  }
0xf7: {  	s0 =	simm.s32 $0x5A00  }
0xf8: {  	[tilespmem:s0], [sflag:$0x1] =	stream.indirect_vreg.gather [hbm4b:s7+s3], $0x80, v3, vm0, $0xb8;
	[tilespmem:$0x10200] =	vst v63  }
0xf9: {  	s0 =	simm.s32 $0x6200  }
0xfa: {  	[tilespmem:s0], [sflag:$0x1] =	stream.indirect_vreg.gather [hbm4b:s8+s3], $0x80, v3, vm0, $0xb8;
	[tilespmem:$0x10200] =	vst v63  }
0xfb: {  	s0 =	simm.s32 $0x6A00  }
0xfc: {  	[tilespmem:s0], [sflag:$0x1] =	stream.indirect_vreg.gather [hbm4b:s9+s3], $0x80, v3, vm0, $0xb8;
	[tilespmem:$0x10200] =	vst v63  }
0xfd: {  	s0 =	simm.s32 $0x7200  }
0xfe: {  	[tilespmem:s0], [sflag:$0x1] =	stream.indirect_vreg.gather [hbm4b:s10+s3], $0x80, v3, vm0, $0xb8;
	[tilespmem:$0x10200] =	vst v63  }
0xff: {  	s0 =	simm.s32 $0x7A00  }
0x100: {  	[tilespmem:s0], [sflag:$0x1] =	stream.indirect_vreg.gather [hbm4b:s11+s3], $0x80, v3, vm0, $0xb8;
	[tilespmem:$0x10200] =	vst v63  }
0x101: {  	_ =	swait.ge [sflag:s28], $0x8000  }
0x102: {  	[sflag:s28] =	ssyncset.done $0x0  }
0x103: {  	s0 =	rddreg [dreg:$0x7];
	[sflag:s28] =	ssyncadd.s32 $0xFFFF8000  }
0x104: {  	[hbm4b:s0+s3] =	stream.linear.scatter [tilespmem:s31], [sflag:$0x4], $0x8000, $0x38;
	[tilespmem:$0x10200] =	vst v63  }
0x105: {  	_ =	swait.ge [sflag:s29], $0x8000  }
0x106: {  	[sflag:s29] =	ssyncset.done $0x0  }
0x107: {  	[sflag:s29] =	ssyncadd.s32 $0xFFFF8000  }
0x108: {  	v3 =	vld [tilespmem:$0x50];
	_ =	sdelay $0x4  }
0x109: {  	v37 =	vshll.u32 v3, $0x4  }
0x10a: {  	v3 =	vand.u32 $0x7, v3;
	v4 =	vand.u32 $0xFFFFFF80, v37  }
0x10b: {  	v3 =	vor.u32 v3, v4  }
0x10c: {  	v4 =	vperm.xlane v3, v0;
	_ =	sdelay $0x1  }
0x10d: {  	v4 =	vadd.s32 v1, v4;
	_ =	sdelay $0x4  }
0x10e: {  	[tilespmem:s31], [sflag:$0x2] =	stream.indirect_vreg.gather [hbm4b:s2+s3], $0x80, v4, vm0, $0xb8;
	[tilespmem:$0x10200] =	vst v63  }
0x10f: {  	s24 =	simm.s32 $0x8A00  }
0x110: {  	[tilespmem:s24], [sflag:$0x2] =	stream.indirect_vreg.gather [hbm4b:s5+s3], $0x80, v4, vm0, $0xb8;
	[tilespmem:$0x10200] =	vst v63  }
0x111: {  	s1 =	simm.s32 $0x9200  }
0x112: {  	[tilespmem:s1], [sflag:$0x2] =	stream.indirect_vreg.gather [hbm4b:s6+s3], $0x80, v4, vm0, $0xb8;
	[tilespmem:$0x10200] =	vst v63  }
0x113: {  	s23 =	simm.s32 $0x9A00  }
0x114: {  	[tilespmem:s23], [sflag:$0x2] =	stream.indirect_vreg.gather [hbm4b:s7+s3], $0x80, v4, vm0, $0xb8;
	[tilespmem:$0x10200] =	vst v63  }
0x115: {  	s4 =	simm.s32 $0xA200  }
0x116: {  	[tilespmem:s4], [sflag:$0x2] =	stream.indirect_vreg.gather [hbm4b:s8+s3], $0x80, v4, vm0, $0xb8;
	[tilespmem:$0x10200] =	vst v63  }
0x117: {  	s12 =	simm.s32 $0xAA00;
	v3 =	vperm.xlane v3, v2  }
0x118: {  	[tilespmem:s12], [sflag:$0x2] =	stream.indirect_vreg.gather [hbm4b:s9+s3], $0x80, v4, vm0, $0xb8;
	[tilespmem:$0x10200] =	vst v63  }
0x119: {  	s30 =	simm.s32 $0xB200;
	v3 =	vadd.s32 v1, v3  }
0x11a: {  	[tilespmem:s30], [sflag:$0x2] =	stream.indirect_vreg.gather [hbm4b:s10+s3], $0x80, v4, vm0, $0xb8;
	[tilespmem:$0x10200] =	vst v63  }
0x11b: {  	s15 =	simm.s32 $0xBA00  }
0x11c: {  	[tilespmem:s15], [sflag:$0x2] =	stream.indirect_vreg.gather [hbm4b:s11+s3], $0x80, v4, vm0, $0xb8;
	[tilespmem:$0x10200] =	vst v63  }
0x11d: {  	s16 =	simm.s32 $0xC200  }
0x11e: {  	[tilespmem:s16], [sflag:$0x2] =	stream.indirect_vreg.gather [hbm4b:s2+s3], $0x80, v3, vm0, $0xb8;
	[tilespmem:$0x10200] =	vst v63  }
0x11f: {  	s13 =	simm.s32 $0xCA00  }
0x120: {  	[tilespmem:s13], [sflag:$0x2] =	stream.indirect_vreg.gather [hbm4b:s5+s3], $0x80, v3, vm0, $0xb8;
	[tilespmem:$0x10200] =	vst v63  }
0x121: {  	s18 =	simm.s32 $0xD200  }
0x122: {  	[tilespmem:s18], [sflag:$0x2] =	stream.indirect_vreg.gather [hbm4b:s6+s3], $0x80, v3, vm0, $0xb8;
	[tilespmem:$0x10200] =	vst v63  }
0x123: {  	s19 =	simm.s32 $0xDA00  }
0x124: {  	[tilespmem:s19], [sflag:$0x2] =	stream.indirect_vreg.gather [hbm4b:s7+s3], $0x80, v3, vm0, $0xb8;
	[tilespmem:$0x10200] =	vst v63  }
0x125: {  	s17 =	simm.s32 $0xE200  }
0x126: {  	[tilespmem:s17], [sflag:$0x2] =	stream.indirect_vreg.gather [hbm4b:s8+s3], $0x80, v3, vm0, $0xb8;
	[tilespmem:$0x10200] =	vst v63  }
0x127: {  	s21 =	simm.s32 $0xEA00  }
0x128: {  	[tilespmem:s21], [sflag:$0x2] =	stream.indirect_vreg.gather [hbm4b:s9+s3], $0x80, v3, vm0, $0xb8;
	[tilespmem:$0x10200] =	vst v63  }
0x129: {  	s22 =	simm.s32 $0xF200  }
0x12a: {  	[tilespmem:s22], [sflag:$0x2] =	stream.indirect_vreg.gather [hbm4b:s10+s3], $0x80, v3, vm0, $0xb8;
	[tilespmem:$0x10200] =	vst v63  }
0x12b: {  	s20 =	simm.s32 $0xFA00  }
0x12c: {  	[tilespmem:s20], [sflag:$0x2] =	stream.indirect_vreg.gather [hbm4b:s11+s3], $0x80, v3, vm0, $0xb8;
	[tilespmem:$0x10200] =	vst v63  }
0x12d: {  	_ =	swait.ge [sflag:s25], $0x8000  }
0x12e: {  	[sflag:s25] =	ssyncset.done $0x0  }
0x12f: {  	s0 =	rddreg [dreg:$0x8];
	[sflag:s25] =	ssyncadd.s32 $0xFFFF8000  }
0x130: {  	[hbm4b:s0+s3] =	stream.linear.scatter [tilespmem:s14], [sflag:$0x3], $0x8000, $0x38;
	[tilespmem:$0x10200] =	vst v63  }
0x131: {  	_ =	swait.ge [sflag:s26], $0x8000  }
0x132: {  	[sflag:s26] =	ssyncset.done $0x0  }
0x133: {  	[sflag:s26] =	ssyncadd.s32 $0xFFFF8000  }
0x134: {  	v3 =	vld [tilespmem:$0x60];
	_ =	sdelay $0x4  }
0x135: {  	v38 =	vshll.u32 v3, $0x4  }
0x136: {  	v3 =	vand.u32 $0x7, v3;
	v4 =	vand.u32 $0xFFFFFF80, v38  }
0x137: {  	v3 =	vor.u32 v3, v4  }
0x138: {  	v4 =	vperm.xlane v3, v0;
	_ =	sdelay $0x1  }
0x139: {  	v4 =	vadd.s32 v1, v4;
	_ =	sdelay $0x4  }
0x13a: {  	[tilespmem:s14], [sflag:$0x1] =	stream.indirect_vreg.gather [hbm4b:s2+s3], $0x80, v4, vm0, $0xb8;
	[tilespmem:$0x10200] =	vst v63  }
0x13b: {  	s0 =	simm.s32 $0xA00  }
0x13c: {  	[tilespmem:s0], [sflag:$0x1] =	stream.indirect_vreg.gather [hbm4b:s5+s3], $0x80, v4, vm0, $0xb8;
	[tilespmem:$0x10200] =	vst v63  }
0x13d: {  	s0 =	simm.s32 $0x1200  }
0x13e: {  	[tilespmem:s0], [sflag:$0x1] =	stream.indirect_vreg.gather [hbm4b:s6+s3], $0x80, v4, vm0, $0xb8;
	[tilespmem:$0x10200] =	vst v63  }
0x13f: {  	s0 =	simm.s32 $0x1A00  }
0x140: {  	[tilespmem:s0], [sflag:$0x1] =	stream.indirect_vreg.gather [hbm4b:s7+s3], $0x80, v4, vm0, $0xb8;
	[tilespmem:$0x10200] =	vst v63  }
0x141: {  	s0 =	simm.s32 $0x2200  }
0x142: {  	[tilespmem:s0], [sflag:$0x1] =	stream.indirect_vreg.gather [hbm4b:s8+s3], $0x80, v4, vm0, $0xb8;
	[tilespmem:$0x10200] =	vst v63  }
0x143: {  	v3 =	vperm.xlane v3, v2;
	s0 =	simm.s32 $0x2A00  }
0x144: {  	[tilespmem:s0], [sflag:$0x1] =	stream.indirect_vreg.gather [hbm4b:s9+s3], $0x80, v4, vm0, $0xb8;
	[tilespmem:$0x10200] =	vst v63  }
0x145: {  	v3 =	vadd.s32 v1, v3;
	s0 =	simm.s32 $0x3200  }
0x146: {  	[tilespmem:s0], [sflag:$0x1] =	stream.indirect_vreg.gather [hbm4b:s10+s3], $0x80, v4, vm0, $0xb8;
	[tilespmem:$0x10200] =	vst v63  }
0x147: {  	s0 =	simm.s32 $0x3A00  }
0x148: {  	[tilespmem:s0], [sflag:$0x1] =	stream.indirect_vreg.gather [hbm4b:s11+s3], $0x80, v4, vm0, $0xb8;
	[tilespmem:$0x10200] =	vst v63  }
0x149: {  	s0 =	simm.s32 $0x4200  }
0x14a: {  	[tilespmem:s0], [sflag:$0x1] =	stream.indirect_vreg.gather [hbm4b:s2+s3], $0x80, v3, vm0, $0xb8;
	[tilespmem:$0x10200] =	vst v63  }
0x14b: {  	s0 =	simm.s32 $0x4A00  }
0x14c: {  	[tilespmem:s0], [sflag:$0x1] =	stream.indirect_vreg.gather [hbm4b:s5+s3], $0x80, v3, vm0, $0xb8;
	[tilespmem:$0x10200] =	vst v63  }
0x14d: {  	s0 =	simm.s32 $0x5200  }
0x14e: {  	[tilespmem:s0], [sflag:$0x1] =	stream.indirect_vreg.gather [hbm4b:s6+s3], $0x80, v3, vm0, $0xb8;
	[tilespmem:$0x10200] =	vst v63  }
0x14f: {  	s0 =	simm.s32 $0x5A00  }
0x150: {  	[tilespmem:s0], [sflag:$0x1] =	stream.indirect_vreg.gather [hbm4b:s7+s3], $0x80, v3, vm0, $0xb8;
	[tilespmem:$0x10200] =	vst v63  }
0x151: {  	s0 =	simm.s32 $0x6200  }
0x152: {  	[tilespmem:s0], [sflag:$0x1] =	stream.indirect_vreg.gather [hbm4b:s8+s3], $0x80, v3, vm0, $0xb8;
	[tilespmem:$0x10200] =	vst v63  }
0x153: {  	s0 =	simm.s32 $0x6A00  }
0x154: {  	[tilespmem:s0], [sflag:$0x1] =	stream.indirect_vreg.gather [hbm4b:s9+s3], $0x80, v3, vm0, $0xb8;
	[tilespmem:$0x10200] =	vst v63  }
0x155: {  	s0 =	simm.s32 $0x7200  }
0x156: {  	[tilespmem:s0], [sflag:$0x1] =	stream.indirect_vreg.gather [hbm4b:s10+s3], $0x80, v3, vm0, $0xb8;
	[tilespmem:$0x10200] =	vst v63  }
0x157: {  	s0 =	simm.s32 $0x7A00  }
0x158: {  	[tilespmem:s0], [sflag:$0x1] =	stream.indirect_vreg.gather [hbm4b:s11+s3], $0x80, v3, vm0, $0xb8;
	[tilespmem:$0x10200] =	vst v63  }
0x159: {  	_ =	swait.ge [sflag:s28], $0x8000  }
0x15a: {  	[sflag:s28] =	ssyncset.done $0x0  }
0x15b: {  	s0 =	rddreg [dreg:$0x9];
	[sflag:s28] =	ssyncadd.s32 $0xFFFF8000  }
0x15c: {  	[hbm4b:s0+s3] =	stream.linear.scatter [tilespmem:s31], [sflag:$0x4], $0x8000, $0x38;
	[tilespmem:$0x10200] =	vst v63  }
0x15d: {  	_ =	swait.ge [sflag:s29], $0x8000  }
0x15e: {  	[sflag:s29] =	ssyncset.done $0x0  }
0x15f: {  	[sflag:s29] =	ssyncadd.s32 $0xFFFF8000  }
0x160: {  	v3 =	vld [tilespmem:$0x70];
	_ =	sdelay $0x4  }
0x161: {  	v39 =	vshll.u32 v3, $0x4  }
0x162: {  	v3 =	vand.u32 $0x7, v3;
	v4 =	vand.u32 $0xFFFFFF80, v39  }
0x163: {  	v3 =	vor.u32 v3, v4  }
0x164: {  	v4 =	vperm.xlane v3, v0;
	_ =	sdelay $0x1  }
0x165: {  	v4 =	vadd.s32 v1, v4;
	_ =	sdelay $0x4  }
0x166: {  	[tilespmem:s31], [sflag:$0x2] =	stream.indirect_vreg.gather [hbm4b:s2+s3], $0x80, v4, vm0, $0xb8;
	[tilespmem:$0x10200] =	vst v63  }
0x167: {  	s24 =	simm.s32 $0x8A00  }
0x168: {  	[tilespmem:s24], [sflag:$0x2] =	stream.indirect_vreg.gather [hbm4b:s5+s3], $0x80, v4, vm0, $0xb8;
	[tilespmem:$0x10200] =	vst v63  }
0x169: {  	s1 =	simm.s32 $0x9200  }
0x16a: {  	[tilespmem:s1], [sflag:$0x2] =	stream.indirect_vreg.gather [hbm4b:s6+s3], $0x80, v4, vm0, $0xb8;
	[tilespmem:$0x10200] =	vst v63  }
0x16b: {  	s23 =	simm.s32 $0x9A00  }
0x16c: {  	[tilespmem:s23], [sflag:$0x2] =	stream.indirect_vreg.gather [hbm4b:s7+s3], $0x80, v4, vm0, $0xb8;
	[tilespmem:$0x10200] =	vst v63  }
0x16d: {  	s4 =	simm.s32 $0xA200  }
0x16e: {  	[tilespmem:s4], [sflag:$0x2] =	stream.indirect_vreg.gather [hbm4b:s8+s3], $0x80, v4, vm0, $0xb8;
	[tilespmem:$0x10200] =	vst v63  }
0x16f: {  	s12 =	simm.s32 $0xAA00;
	v3 =	vperm.xlane v3, v2  }
0x170: {  	[tilespmem:s12], [sflag:$0x2] =	stream.indirect_vreg.gather [hbm4b:s9+s3], $0x80, v4, vm0, $0xb8;
	[tilespmem:$0x10200] =	vst v63  }
0x171: {  	s30 =	simm.s32 $0xB200;
	v3 =	vadd.s32 v1, v3  }
0x172: {  	[tilespmem:s30], [sflag:$0x2] =	stream.indirect_vreg.gather [hbm4b:s10+s3], $0x80, v4, vm0, $0xb8;
	[tilespmem:$0x10200] =	vst v63  }
0x173: {  	s15 =	simm.s32 $0xBA00  }
0x174: {  	[tilespmem:s15], [sflag:$0x2] =	stream.indirect_vreg.gather [hbm4b:s11+s3], $0x80, v4, vm0, $0xb8;
	[tilespmem:$0x10200] =	vst v63  }
0x175: {  	s16 =	simm.s32 $0xC200  }
0x176: {  	[tilespmem:s16], [sflag:$0x2] =	stream.indirect_vreg.gather [hbm4b:s2+s3], $0x80, v3, vm0, $0xb8;
	[tilespmem:$0x10200] =	vst v63  }
0x177: {  	s13 =	simm.s32 $0xCA00  }
0x178: {  	[tilespmem:s13], [sflag:$0x2] =	stream.indirect_vreg.gather [hbm4b:s5+s3], $0x80, v3, vm0, $0xb8;
	[tilespmem:$0x10200] =	vst v63  }
0x179: {  	s18 =	simm.s32 $0xD200  }
0x17a: {  	[tilespmem:s18], [sflag:$0x2] =	stream.indirect_vreg.gather [hbm4b:s6+s3], $0x80, v3, vm0, $0xb8;
	[tilespmem:$0x10200] =	vst v63  }
0x17b: {  	s19 =	simm.s32 $0xDA00  }
0x17c: {  	[tilespmem:s19], [sflag:$0x2] =	stream.indirect_vreg.gather [hbm4b:s7+s3], $0x80, v3, vm0, $0xb8;
	[tilespmem:$0x10200] =	vst v63  }
0x17d: {  	s17 =	simm.s32 $0xE200  }
0x17e: {  	[tilespmem:s17], [sflag:$0x2] =	stream.indirect_vreg.gather [hbm4b:s8+s3], $0x80, v3, vm0, $0xb8;
	[tilespmem:$0x10200] =	vst v63  }
0x17f: {  	s21 =	simm.s32 $0xEA00  }
0x180: {  	[tilespmem:s21], [sflag:$0x2] =	stream.indirect_vreg.gather [hbm4b:s9+s3], $0x80, v3, vm0, $0xb8;
	[tilespmem:$0x10200] =	vst v63  }
0x181: {  	s22 =	simm.s32 $0xF200  }
0x182: {  	[tilespmem:s22], [sflag:$0x2] =	stream.indirect_vreg.gather [hbm4b:s10+s3], $0x80, v3, vm0, $0xb8;
	[tilespmem:$0x10200] =	vst v63  }
0x183: {  	s20 =	simm.s32 $0xFA00  }
0x184: {  	[tilespmem:s20], [sflag:$0x2] =	stream.indirect_vreg.gather [hbm4b:s11+s3], $0x80, v3, vm0, $0xb8;
	[tilespmem:$0x10200] =	vst v63  }
0x185: {  	_ =	swait.ge [sflag:s25], $0x8000  }
0x186: {  	[sflag:s25] =	ssyncset.done $0x0  }
0x187: {  	s20 =	rddreg [dreg:$0xa];
	[sflag:s25] =	ssyncadd.s32 $0xFFFF8000  }
0x188: {  	[hbm4b:s20+s3] =	stream.linear.scatter [tilespmem:s14], [sflag:$0x3], $0x8000, $0x38;
	[tilespmem:$0x10200] =	vst v63  }
0x189: {  	_ =	swait.ge [sflag:s26], $0x8000  }
0x18a: {  	[sflag:s26] =	ssyncset.done $0x0  }
0x18b: {  	[sflag:s26] =	ssyncadd.s32 $0xFFFF8000  }
0x18c: {  	v3 =	vld [tilespmem:$0x80];
	_ =	sdelay $0x4  }
0x18d: {  	v40 =	vshll.u32 v3, $0x4  }
0x18e: {  	v3 =	vand.u32 $0x7, v3;
	v4 =	vand.u32 $0xFFFFFF80, v40  }
0x18f: {  	v3 =	vor.u32 v3, v4  }
0x190: {  	v4 =	vperm.xlane v3, v0;
	_ =	sdelay $0x1  }
0x191: {  	v4 =	vadd.s32 v1, v4;
	_ =	sdelay $0x4  }
0x192: {  	[tilespmem:s14], [sflag:$0x1] =	stream.indirect_vreg.gather [hbm4b:s2+s3], $0x80, v4, vm0, $0xb8;
	[tilespmem:$0x10200] =	vst v63  }
0x193: {  	s20 =	simm.s32 $0xA00  }
0x194: {  	[tilespmem:s20], [sflag:$0x1] =	stream.indirect_vreg.gather [hbm4b:s5+s3], $0x80, v4, vm0, $0xb8;
	[tilespmem:$0x10200] =	vst v63  }
0x195: {  	s20 =	simm.s32 $0x1200  }
0x196: {  	[tilespmem:s20], [sflag:$0x1] =	stream.indirect_vreg.gather [hbm4b:s6+s3], $0x80, v4, vm0, $0xb8;
	[tilespmem:$0x10200] =	vst v63  }
0x197: {  	s20 =	simm.s32 $0x1A00  }
0x198: {  	[tilespmem:s20], [sflag:$0x1] =	stream.indirect_vreg.gather [hbm4b:s7+s3], $0x80, v4, vm0, $0xb8;
	[tilespmem:$0x10200] =	vst v63  }
0x199: {  	s20 =	simm.s32 $0x2200  }
0x19a: {  	[tilespmem:s20], [sflag:$0x1] =	stream.indirect_vreg.gather [hbm4b:s8+s3], $0x80, v4, vm0, $0xb8;
	[tilespmem:$0x10200] =	vst v63  }
0x19b: {  	v3 =	vperm.xlane v3, v2;
	s20 =	simm.s32 $0x2A00  }
0x19c: {  	[tilespmem:s20], [sflag:$0x1] =	stream.indirect_vreg.gather [hbm4b:s9+s3], $0x80, v4, vm0, $0xb8;
	[tilespmem:$0x10200] =	vst v63  }
0x19d: {  	v3 =	vadd.s32 v1, v3;
	s20 =	simm.s32 $0x3200  }
0x19e: {  	[tilespmem:s20], [sflag:$0x1] =	stream.indirect_vreg.gather [hbm4b:s10+s3], $0x80, v4, vm0, $0xb8;
	[tilespmem:$0x10200] =	vst v63  }
0x19f: {  	s20 =	simm.s32 $0x3A00  }
0x1a0: {  	[tilespmem:s20], [sflag:$0x1] =	stream.indirect_vreg.gather [hbm4b:s11+s3], $0x80, v4, vm0, $0xb8;
	[tilespmem:$0x10200] =	vst v63  }
0x1a1: {  	s20 =	simm.s32 $0x4200  }
0x1a2: {  	[tilespmem:s20], [sflag:$0x1] =	stream.indirect_vreg.gather [hbm4b:s2+s3], $0x80, v3, vm0, $0xb8;
	[tilespmem:$0x10200] =	vst v63  }
0x1a3: {  	s20 =	simm.s32 $0x4A00  }
0x1a4: {  	[tilespmem:s20], [sflag:$0x1] =	stream.indirect_vreg.gather [hbm4b:s5+s3], $0x80, v3, vm0, $0xb8;
	[tilespmem:$0x10200] =	vst v63  }
0x1a5: {  	s20 =	simm.s32 $0x5200  }
0x1a6: {  	[tilespmem:s20], [sflag:$0x1] =	stream.indirect_vreg.gather [hbm4b:s6+s3], $0x80, v3, vm0, $0xb8;
	[tilespmem:$0x10200] =	vst v63  }
0x1a7: {  	s20 =	simm.s32 $0x5A00  }
0x1a8: {  	[tilespmem:s20], [sflag:$0x1] =	stream.indirect_vreg.gather [hbm4b:s7+s3], $0x80, v3, vm0, $0xb8;
	[tilespmem:$0x10200] =	vst v63  }
0x1a9: {  	s20 =	simm.s32 $0x6200  }
0x1aa: {  	[tilespmem:s20], [sflag:$0x1] =	stream.indirect_vreg.gather [hbm4b:s8+s3], $0x80, v3, vm0, $0xb8;
	[tilespmem:$0x10200] =	vst v63  }
0x1ab: {  	s20 =	simm.s32 $0x6A00  }
0x1ac: {  	[tilespmem:s20], [sflag:$0x1] =	stream.indirect_vreg.gather [hbm4b:s9+s3], $0x80, v3, vm0, $0xb8;
	[tilespmem:$0x10200] =	vst v63  }
0x1ad: {  	s20 =	simm.s32 $0x7200  }
0x1ae: {  	[tilespmem:s20], [sflag:$0x1] =	stream.indirect_vreg.gather [hbm4b:s10+s3], $0x80, v3, vm0, $0xb8;
	[tilespmem:$0x10200] =	vst v63  }
0x1af: {  	s20 =	simm.s32 $0x7A00  }
0x1b0: {  	[tilespmem:s20], [sflag:$0x1] =	stream.indirect_vreg.gather [hbm4b:s11+s3], $0x80, v3, vm0, $0xb8;
	[tilespmem:$0x10200] =	vst v63  }
0x1b1: {  	_ =	swait.ge [sflag:s28], $0x8000  }
0x1b2: {  	[sflag:s28] =	ssyncset.done $0x0  }
0x1b3: {  	s20 =	rddreg [dreg:$0xb];
	[sflag:s28] =	ssyncadd.s32 $0xFFFF8000  }
0x1b4: {  	[hbm4b:s20+s3] =	stream.linear.scatter [tilespmem:s31], [sflag:$0x4], $0x8000, $0x38;
	[tilespmem:$0x10200] =	vst v63  }
0x1b5: {  	_ =	swait.ge [sflag:s29], $0x8000  }
0x1b6: {  	[sflag:s29] =	ssyncset.done $0x0  }
0x1b7: {  	[sflag:s29] =	ssyncadd.s32 $0xFFFF8000  }
0x1b8: {  	v3 =	vld [tilespmem:$0x90];
	_ =	sdelay $0x4  }
0x1b9: {  	v41 =	vshll.u32 v3, $0x4  }
0x1ba: {  	v3 =	vand.u32 $0x7, v3;
	v4 =	vand.u32 $0xFFFFFF80, v41  }
0x1bb: {  	v3 =	vor.u32 v3, v4  }
0x1bc: {  	v4 =	vperm.xlane v3, v0;
	_ =	sdelay $0x1  }
0x1bd: {  	v4 =	vadd.s32 v1, v4;
	_ =	sdelay $0x4  }
0x1be: {  	[tilespmem:s31], [sflag:$0x2] =	stream.indirect_vreg.gather [hbm4b:s2+s3], $0x80, v4, vm0, $0xb8;
	[tilespmem:$0x10200] =	vst v63  }
0x1bf: {  	s24 =	simm.s32 $0x8A00  }
0x1c0: {  	[tilespmem:s24], [sflag:$0x2] =	stream.indirect_vreg.gather [hbm4b:s5+s3], $0x80, v4, vm0, $0xb8;
	[tilespmem:$0x10200] =	vst v63  }
0x1c1: {  	s1 =	simm.s32 $0x9200  }
0x1c2: {  	[tilespmem:s1], [sflag:$0x2] =	stream.indirect_vreg.gather [hbm4b:s6+s3], $0x80, v4, vm0, $0xb8;
	[tilespmem:$0x10200] =	vst v63  }
0x1c3: {  	s23 =	simm.s32 $0x9A00  }
0x1c4: {  	[tilespmem:s23], [sflag:$0x2] =	stream.indirect_vreg.gather [hbm4b:s7+s3], $0x80, v4, vm0, $0xb8;
	[tilespmem:$0x10200] =	vst v63  }
0x1c5: {  	s4 =	simm.s32 $0xA200  }
0x1c6: {  	[tilespmem:s4], [sflag:$0x2] =	stream.indirect_vreg.gather [hbm4b:s8+s3], $0x80, v4, vm0, $0xb8;
	[tilespmem:$0x10200] =	vst v63  }
0x1c7: {  	s12 =	simm.s32 $0xAA00;
	v3 =	vperm.xlane v3, v2  }
0x1c8: {  	[tilespmem:s12], [sflag:$0x2] =	stream.indirect_vreg.gather [hbm4b:s9+s3], $0x80, v4, vm0, $0xb8;
	[tilespmem:$0x10200] =	vst v63  }
0x1c9: {  	v3 =	vadd.s32 v1, v3;
	s1 =	simm.s32 $0xB200  }
0x1ca: {  	[tilespmem:s1], [sflag:$0x2] =	stream.indirect_vreg.gather [hbm4b:s10+s3], $0x80, v4, vm0, $0xb8;
	[tilespmem:$0x10200] =	vst v63  }
0x1cb: {  	s15 =	simm.s32 $0xBA00  }
0x1cc: {  	[tilespmem:s15], [sflag:$0x2] =	stream.indirect_vreg.gather [hbm4b:s11+s3], $0x80, v4, vm0, $0xb8;
	[tilespmem:$0x10200] =	vst v63  }
0x1cd: {  	s16 =	simm.s32 $0xC200  }
0x1ce: {  	[tilespmem:s16], [sflag:$0x2] =	stream.indirect_vreg.gather [hbm4b:s2+s3], $0x80, v3, vm0, $0xb8;
	[tilespmem:$0x10200] =	vst v63  }
0x1cf: {  	s30 =	simm.s32 $0xCA00  }
0x1d0: {  	[tilespmem:s30], [sflag:$0x2] =	stream.indirect_vreg.gather [hbm4b:s5+s3], $0x80, v3, vm0, $0xb8;
	[tilespmem:$0x10200] =	vst v63  }
0x1d1: {  	s18 =	simm.s32 $0xD200  }
0x1d2: {  	[tilespmem:s18], [sflag:$0x2] =	stream.indirect_vreg.gather [hbm4b:s6+s3], $0x80, v3, vm0, $0xb8;
	[tilespmem:$0x10200] =	vst v63  }
0x1d3: {  	s19 =	simm.s32 $0xDA00  }
0x1d4: {  	[tilespmem:s19], [sflag:$0x2] =	stream.indirect_vreg.gather [hbm4b:s7+s3], $0x80, v3, vm0, $0xb8;
	[tilespmem:$0x10200] =	vst v63  }
0x1d5: {  	s13 =	simm.s32 $0xE200  }
0x1d6: {  	[tilespmem:s13], [sflag:$0x2] =	stream.indirect_vreg.gather [hbm4b:s8+s3], $0x80, v3, vm0, $0xb8;
	[tilespmem:$0x10200] =	vst v63  }
0x1d7: {  	s21 =	simm.s32 $0xEA00  }
0x1d8: {  	[tilespmem:s21], [sflag:$0x2] =	stream.indirect_vreg.gather [hbm4b:s9+s3], $0x80, v3, vm0, $0xb8;
	[tilespmem:$0x10200] =	vst v63  }
0x1d9: {  	s22 =	simm.s32 $0xF200  }
0x1da: {  	[tilespmem:s22], [sflag:$0x2] =	stream.indirect_vreg.gather [hbm4b:s10+s3], $0x80, v3, vm0, $0xb8;
	[tilespmem:$0x10200] =	vst v63  }
0x1db: {  	s17 =	simm.s32 $0xFA00  }
0x1dc: {  	[tilespmem:s17], [sflag:$0x2] =	stream.indirect_vreg.gather [hbm4b:s11+s3], $0x80, v3, vm0, $0xb8;
	[tilespmem:$0x10200] =	vst v63  }
0x1dd: {  	_ =	swait.ge [sflag:s25], $0x8000  }
0x1de: {  	[sflag:s25] =	ssyncset.done $0x0  }
0x1df: {  	s22 =	rddreg [dreg:$0xc];
	[sflag:s25] =	ssyncadd.s32 $0xFFFF8000  }
0x1e0: {  	[hbm4b:s22+s3] =	stream.linear.scatter [tilespmem:s14], [sflag:$0x3], $0x8000, $0x38;
	[tilespmem:$0x10200] =	vst v63  }
0x1e1: {  	_ =	swait.ge [sflag:s26], $0x8000  }
0x1e2: {  	[sflag:s26] =	ssyncset.done $0x0  }
0x1e3: {  	[sflag:s26] =	ssyncadd.s32 $0xFFFF8000  }
0x1e4: {  	v3 =	vld [tilespmem:$0xA0];
	_ =	sdelay $0x4  }
0x1e5: {  	v42 =	vshll.u32 v3, $0x4  }
0x1e6: {  	v3 =	vand.u32 $0x7, v3;
	v4 =	vand.u32 $0xFFFFFF80, v42  }
0x1e7: {  	v3 =	vor.u32 v3, v4  }
0x1e8: {  	v4 =	vperm.xlane v3, v0;
	_ =	sdelay $0x1  }
0x1e9: {  	v4 =	vadd.s32 v1, v4;
	_ =	sdelay $0x4  }
0x1ea: {  	[tilespmem:s14], [sflag:$0x1] =	stream.indirect_vreg.gather [hbm4b:s2+s3], $0x80, v4, vm0, $0xb8;
	[tilespmem:$0x10200] =	vst v63  }
0x1eb: {  	s22 =	simm.s32 $0xA00  }
0x1ec: {  	[tilespmem:s22], [sflag:$0x1] =	stream.indirect_vreg.gather [hbm4b:s5+s3], $0x80, v4, vm0, $0xb8;
	[tilespmem:$0x10200] =	vst v63  }
0x1ed: {  	s22 =	simm.s32 $0x1200  }
0x1ee: {  	[tilespmem:s22], [sflag:$0x1] =	stream.indirect_vreg.gather [hbm4b:s6+s3], $0x80, v4, vm0, $0xb8;
	[tilespmem:$0x10200] =	vst v63  }
0x1ef: {  	s22 =	simm.s32 $0x1A00  }
0x1f0: {  	[tilespmem:s22], [sflag:$0x1] =	stream.indirect_vreg.gather [hbm4b:s7+s3], $0x80, v4, vm0, $0xb8;
	[tilespmem:$0x10200] =	vst v63  }
0x1f1: {  	s22 =	simm.s32 $0x2200  }
0x1f2: {  	[tilespmem:s22], [sflag:$0x1] =	stream.indirect_vreg.gather [hbm4b:s8+s3], $0x80, v4, vm0, $0xb8;
	[tilespmem:$0x10200] =	vst v63  }
0x1f3: {  	v3 =	vperm.xlane v3, v2;
	s22 =	simm.s32 $0x2A00  }
0x1f4: {  	[tilespmem:s22], [sflag:$0x1] =	stream.indirect_vreg.gather [hbm4b:s9+s3], $0x80, v4, vm0, $0xb8;
	[tilespmem:$0x10200] =	vst v63  }
0x1f5: {  	v3 =	vadd.s32 v1, v3;
	s22 =	simm.s32 $0x3200  }
0x1f6: {  	[tilespmem:s22], [sflag:$0x1] =	stream.indirect_vreg.gather [hbm4b:s10+s3], $0x80, v4, vm0, $0xb8;
	[tilespmem:$0x10200] =	vst v63  }
0x1f7: {  	s22 =	simm.s32 $0x3A00  }
0x1f8: {  	[tilespmem:s22], [sflag:$0x1] =	stream.indirect_vreg.gather [hbm4b:s11+s3], $0x80, v4, vm0, $0xb8;
	[tilespmem:$0x10200] =	vst v63  }
0x1f9: {  	s22 =	simm.s32 $0x4200  }
0x1fa: {  	[tilespmem:s22], [sflag:$0x1] =	stream.indirect_vreg.gather [hbm4b:s2+s3], $0x80, v3, vm0, $0xb8;
	[tilespmem:$0x10200] =	vst v63  }
0x1fb: {  	s22 =	simm.s32 $0x4A00  }
0x1fc: {  	[tilespmem:s22], [sflag:$0x1] =	stream.indirect_vreg.gather [hbm4b:s5+s3], $0x80, v3, vm0, $0xb8;
	[tilespmem:$0x10200] =	vst v63  }
0x1fd: {  	s22 =	simm.s32 $0x5200  }
0x1fe: {  	[tilespmem:s22], [sflag:$0x1] =	stream.indirect_vreg.gather [hbm4b:s6+s3], $0x80, v3, vm0, $0xb8;
	[tilespmem:$0x10200] =	vst v63  }
0x1ff: {  	s22 =	simm.s32 $0x5A00  }
0x200: {  	[tilespmem:s22], [sflag:$0x1] =	stream.indirect_vreg.gather [hbm4b:s7+s3], $0x80, v3, vm0, $0xb8;
	[tilespmem:$0x10200] =	vst v63  }
0x201: {  	s22 =	simm.s32 $0x6200  }
0x202: {  	[tilespmem:s22], [sflag:$0x1] =	stream.indirect_vreg.gather [hbm4b:s8+s3], $0x80, v3, vm0, $0xb8;
	[tilespmem:$0x10200] =	vst v63  }
0x203: {  	s22 =	simm.s32 $0x6A00  }
0x204: {  	[tilespmem:s22], [sflag:$0x1] =	stream.indirect_vreg.gather [hbm4b:s9+s3], $0x80, v3, vm0, $0xb8;
	[tilespmem:$0x10200] =	vst v63  }
0x205: {  	s22 =	simm.s32 $0x7200  }
0x206: {  	[tilespmem:s22], [sflag:$0x1] =	stream.indirect_vreg.gather [hbm4b:s10+s3], $0x80, v3, vm0, $0xb8;
	[tilespmem:$0x10200] =	vst v63  }
0x207: {  	s22 =	simm.s32 $0x7A00  }
0x208: {  	[tilespmem:s22], [sflag:$0x1] =	stream.indirect_vreg.gather [hbm4b:s11+s3], $0x80, v3, vm0, $0xb8;
	[tilespmem:$0x10200] =	vst v63  }
0x209: {  	_ =	swait.ge [sflag:s28], $0x8000  }
0x20a: {  	[sflag:s28] =	ssyncset.done $0x0  }
0x20b: {  	s22 =	rddreg [dreg:$0xd];
	[sflag:s28] =	ssyncadd.s32 $0xFFFF8000  }
0x20c: {  	[hbm4b:s22+s3] =	stream.linear.scatter [tilespmem:s31], [sflag:$0x4], $0x8000, $0x38;
	[tilespmem:$0x10200] =	vst v63  }
0x20d: {  	_ =	swait.ge [sflag:s29], $0x8000  }
0x20e: {  	[sflag:s29] =	ssyncset.done $0x0  }
0x20f: {  	[sflag:s29] =	ssyncadd.s32 $0xFFFF8000  }
0x210: {  	v3 =	vld [tilespmem:$0xB0];
	_ =	sdelay $0x4  }
0x211: {  	v43 =	vshll.u32 v3, $0x4  }
0x212: {  	v3 =	vand.u32 $0x7, v3;
	v4 =	vand.u32 $0xFFFFFF80, v43  }
0x213: {  	v3 =	vor.u32 v3, v4  }
0x214: {  	v4 =	vperm.xlane v3, v0;
	_ =	sdelay $0x1  }
0x215: {  	v4 =	vadd.s32 v1, v4;
	_ =	sdelay $0x4  }
0x216: {  	[tilespmem:s31], [sflag:$0x2] =	stream.indirect_vreg.gather [hbm4b:s2+s3], $0x80, v4, vm0, $0xb8;
	[tilespmem:$0x10200] =	vst v63  }
0x217: {  	s20 =	simm.s32 $0x8A00  }
0x218: {  	[tilespmem:s20], [sflag:$0x2] =	stream.indirect_vreg.gather [hbm4b:s5+s3], $0x80, v4, vm0, $0xb8;
	[tilespmem:$0x10200] =	vst v63  }
0x219: {  	s24 =	simm.s32 $0x9200  }
0x21a: {  	[tilespmem:s24], [sflag:$0x2] =	stream.indirect_vreg.gather [hbm4b:s6+s3], $0x80, v4, vm0, $0xb8;
	[tilespmem:$0x10200] =	vst v63  }
0x21b: {  	s23 =	simm.s32 $0x9A00  }
0x21c: {  	[tilespmem:s23], [sflag:$0x2] =	stream.indirect_vreg.gather [hbm4b:s7+s3], $0x80, v4, vm0, $0xb8;
	[tilespmem:$0x10200] =	vst v63  }
0x21d: {  	s4 =	simm.s32 $0xA200  }
0x21e: {  	[tilespmem:s4], [sflag:$0x2] =	stream.indirect_vreg.gather [hbm4b:s8+s3], $0x80, v4, vm0, $0xb8;
	[tilespmem:$0x10200] =	vst v63  }
0x21f: {  	s12 =	simm.s32 $0xAA00;
	v3 =	vperm.xlane v3, v2  }
0x220: {  	[tilespmem:s12], [sflag:$0x2] =	stream.indirect_vreg.gather [hbm4b:s9+s3], $0x80, v4, vm0, $0xb8;
	[tilespmem:$0x10200] =	vst v63  }
0x221: {  	v3 =	vadd.s32 v1, v3;
	s24 =	simm.s32 $0xB200  }
0x222: {  	[tilespmem:s24], [sflag:$0x2] =	stream.indirect_vreg.gather [hbm4b:s10+s3], $0x80, v4, vm0, $0xb8;
	[tilespmem:$0x10200] =	vst v63  }
0x223: {  	s15 =	simm.s32 $0xBA00  }
0x224: {  	[tilespmem:s15], [sflag:$0x2] =	stream.indirect_vreg.gather [hbm4b:s11+s3], $0x80, v4, vm0, $0xb8;
	[tilespmem:$0x10200] =	vst v63  }
0x225: {  	s16 =	simm.s32 $0xC200  }
0x226: {  	[tilespmem:s16], [sflag:$0x2] =	stream.indirect_vreg.gather [hbm4b:s2+s3], $0x80, v3, vm0, $0xb8;
	[tilespmem:$0x10200] =	vst v63  }
0x227: {  	s1 =	simm.s32 $0xCA00  }
0x228: {  	[tilespmem:s1], [sflag:$0x2] =	stream.indirect_vreg.gather [hbm4b:s5+s3], $0x80, v3, vm0, $0xb8;
	[tilespmem:$0x10200] =	vst v63  }
0x229: {  	s30 =	simm.s32 $0xD200  }
0x22a: {  	[tilespmem:s30], [sflag:$0x2] =	stream.indirect_vreg.gather [hbm4b:s6+s3], $0x80, v3, vm0, $0xb8;
	[tilespmem:$0x10200] =	vst v63  }
0x22b: {  	s18 =	simm.s32 $0xDA00  }
0x22c: {  	[tilespmem:s18], [sflag:$0x2] =	stream.indirect_vreg.gather [hbm4b:s7+s3], $0x80, v3, vm0, $0xb8;
	[tilespmem:$0x10200] =	vst v63  }
0x22d: {  	s13 =	simm.s32 $0xE200  }
0x22e: {  	[tilespmem:s13], [sflag:$0x2] =	stream.indirect_vreg.gather [hbm4b:s8+s3], $0x80, v3, vm0, $0xb8;
	[tilespmem:$0x10200] =	vst v63  }
0x22f: {  	s19 =	simm.s32 $0xEA00  }
0x230: {  	[tilespmem:s19], [sflag:$0x2] =	stream.indirect_vreg.gather [hbm4b:s9+s3], $0x80, v3, vm0, $0xb8;
	[tilespmem:$0x10200] =	vst v63  }
0x231: {  	s21 =	simm.s32 $0xF200  }
0x232: {  	[tilespmem:s21], [sflag:$0x2] =	stream.indirect_vreg.gather [hbm4b:s10+s3], $0x80, v3, vm0, $0xb8;
	[tilespmem:$0x10200] =	vst v63  }
0x233: {  	s17 =	simm.s32 $0xFA00  }
0x234: {  	[tilespmem:s17], [sflag:$0x2] =	stream.indirect_vreg.gather [hbm4b:s11+s3], $0x80, v3, vm0, $0xb8;
	[tilespmem:$0x10200] =	vst v63  }
0x235: {  	_ =	swait.ge [sflag:s25], $0x8000  }
0x236: {  	[sflag:s25] =	ssyncset.done $0x0  }
0x237: {  	s21 =	rddreg [dreg:$0xe];
	[sflag:s25] =	ssyncadd.s32 $0xFFFF8000  }
0x238: {  	[hbm4b:s21+s3] =	stream.linear.scatter [tilespmem:s14], [sflag:$0x3], $0x8000, $0x38;
	[tilespmem:$0x10200] =	vst v63  }
0x239: {  	_ =	swait.ge [sflag:s26], $0x8000  }
0x23a: {  	[sflag:s26] =	ssyncset.done $0x0  }
0x23b: {  	[sflag:s26] =	ssyncadd.s32 $0xFFFF8000  }
0x23c: {  	v3 =	vld [tilespmem:$0xC0];
	_ =	sdelay $0x4  }
0x23d: {  	v44 =	vshll.u32 v3, $0x4  }
0x23e: {  	v3 =	vand.u32 $0x7, v3;
	v4 =	vand.u32 $0xFFFFFF80, v44  }
0x23f: {  	v3 =	vor.u32 v3, v4  }
0x240: {  	v4 =	vperm.xlane v3, v0;
	_ =	sdelay $0x1  }
0x241: {  	v4 =	vadd.s32 v1, v4;
	_ =	sdelay $0x4  }
0x242: {  	[tilespmem:s14], [sflag:$0x1] =	stream.indirect_vreg.gather [hbm4b:s2+s3], $0x80, v4, vm0, $0xb8;
	[tilespmem:$0x10200] =	vst v63  }
0x243: {  	s17 =	simm.s32 $0xA00  }
0x244: {  	[tilespmem:s17], [sflag:$0x1] =	stream.indirect_vreg.gather [hbm4b:s5+s3], $0x80, v4, vm0, $0xb8;
	[tilespmem:$0x10200] =	vst v63  }
0x245: {  	s21 =	simm.s32 $0x1200  }
0x246: {  	[tilespmem:s21], [sflag:$0x1] =	stream.indirect_vreg.gather [hbm4b:s6+s3], $0x80, v4, vm0, $0xb8;
	[tilespmem:$0x10200] =	vst v63  }
0x247: {  	s21 =	simm.s32 $0x1A00  }
0x248: {  	[tilespmem:s21], [sflag:$0x1] =	stream.indirect_vreg.gather [hbm4b:s7+s3], $0x80, v4, vm0, $0xb8;
	[tilespmem:$0x10200] =	vst v63  }
0x249: {  	s21 =	simm.s32 $0x2200  }
0x24a: {  	[tilespmem:s21], [sflag:$0x1] =	stream.indirect_vreg.gather [hbm4b:s8+s3], $0x80, v4, vm0, $0xb8;
	[tilespmem:$0x10200] =	vst v63  }
0x24b: {  	v3 =	vperm.xlane v3, v2;
	s21 =	simm.s32 $0x2A00  }
0x24c: {  	[tilespmem:s21], [sflag:$0x1] =	stream.indirect_vreg.gather [hbm4b:s9+s3], $0x80, v4, vm0, $0xb8;
	[tilespmem:$0x10200] =	vst v63  }
0x24d: {  	v3 =	vadd.s32 v1, v3;
	s21 =	simm.s32 $0x3200  }
0x24e: {  	[tilespmem:s21], [sflag:$0x1] =	stream.indirect_vreg.gather [hbm4b:s10+s3], $0x80, v4, vm0, $0xb8;
	[tilespmem:$0x10200] =	vst v63  }
0x24f: {  	s21 =	simm.s32 $0x3A00  }
0x250: {  	[tilespmem:s21], [sflag:$0x1] =	stream.indirect_vreg.gather [hbm4b:s11+s3], $0x80, v4, vm0, $0xb8;
	[tilespmem:$0x10200] =	vst v63  }
0x251: {  	s21 =	simm.s32 $0x4200  }
0x252: {  	[tilespmem:s21], [sflag:$0x1] =	stream.indirect_vreg.gather [hbm4b:s2+s3], $0x80, v3, vm0, $0xb8;
	[tilespmem:$0x10200] =	vst v63  }
0x253: {  	s21 =	simm.s32 $0x4A00  }
0x254: {  	[tilespmem:s21], [sflag:$0x1] =	stream.indirect_vreg.gather [hbm4b:s5+s3], $0x80, v3, vm0, $0xb8;
	[tilespmem:$0x10200] =	vst v63  }
0x255: {  	s21 =	simm.s32 $0x5200  }
0x256: {  	[tilespmem:s21], [sflag:$0x1] =	stream.indirect_vreg.gather [hbm4b:s6+s3], $0x80, v3, vm0, $0xb8;
	[tilespmem:$0x10200] =	vst v63  }
0x257: {  	s21 =	simm.s32 $0x5A00  }
0x258: {  	[tilespmem:s21], [sflag:$0x1] =	stream.indirect_vreg.gather [hbm4b:s7+s3], $0x80, v3, vm0, $0xb8;
	[tilespmem:$0x10200] =	vst v63  }
0x259: {  	s21 =	simm.s32 $0x6200  }
0x25a: {  	[tilespmem:s21], [sflag:$0x1] =	stream.indirect_vreg.gather [hbm4b:s8+s3], $0x80, v3, vm0, $0xb8;
	[tilespmem:$0x10200] =	vst v63  }
0x25b: {  	s21 =	simm.s32 $0x6A00  }
0x25c: {  	[tilespmem:s21], [sflag:$0x1] =	stream.indirect_vreg.gather [hbm4b:s9+s3], $0x80, v3, vm0, $0xb8;
	[tilespmem:$0x10200] =	vst v63  }
0x25d: {  	s21 =	simm.s32 $0x7200  }
0x25e: {  	[tilespmem:s21], [sflag:$0x1] =	stream.indirect_vreg.gather [hbm4b:s10+s3], $0x80, v3, vm0, $0xb8;
	[tilespmem:$0x10200] =	vst v63  }
0x25f: {  	s21 =	simm.s32 $0x7A00  }
0x260: {  	[tilespmem:s21], [sflag:$0x1] =	stream.indirect_vreg.gather [hbm4b:s11+s3], $0x80, v3, vm0, $0xb8;
	[tilespmem:$0x10200] =	vst v63  }
0x261: {  	_ =	swait.ge [sflag:s28], $0x8000  }
0x262: {  	[sflag:s28] =	ssyncset.done $0x0  }
0x263: {  	s21 =	rddreg [dreg:$0xf];
	[sflag:s28] =	ssyncadd.s32 $0xFFFF8000  }
0x264: {  	[hbm4b:s21+s3] =	stream.linear.scatter [tilespmem:s31], [sflag:$0x4], $0x8000, $0x38;
	[tilespmem:$0x10200] =	vst v63  }
0x265: {  	_ =	swait.ge [sflag:s29], $0x8000  }
0x266: {  	[sflag:s29] =	ssyncset.done $0x0  }
0x267: {  	[sflag:s29] =	ssyncadd.s32 $0xFFFF8000  }
0x268: {  	v3 =	vld [tilespmem:$0xD0];
	_ =	sdelay $0x4  }
0x269: {  	v45 =	vshll.u32 v3, $0x4  }
0x26a: {  	v3 =	vand.u32 $0x7, v3;
	v4 =	vand.u32 $0xFFFFFF80, v45  }
0x26b: {  	v3 =	vor.u32 v3, v4  }
0x26c: {  	v4 =	vperm.xlane v3, v0;
	_ =	sdelay $0x1  }
0x26d: {  	v4 =	vadd.s32 v1, v4;
	_ =	sdelay $0x4  }
0x26e: {  	[tilespmem:s31], [sflag:$0x2] =	stream.indirect_vreg.gather [hbm4b:s2+s3], $0x80, v4, vm0, $0xb8;
	[tilespmem:$0x10200] =	vst v63  }
0x26f: {  	s20 =	simm.s32 $0x8A00  }
0x270: {  	[tilespmem:s20], [sflag:$0x2] =	stream.indirect_vreg.gather [hbm4b:s5+s3], $0x80, v4, vm0, $0xb8;
	[tilespmem:$0x10200] =	vst v63  }
0x271: {  	s22 =	simm.s32 $0x9200  }
0x272: {  	[tilespmem:s22], [sflag:$0x2] =	stream.indirect_vreg.gather [hbm4b:s6+s3], $0x80, v4, vm0, $0xb8;
	[tilespmem:$0x10200] =	vst v63  }
0x273: {  	s21 =	simm.s32 $0x9A00  }
0x274: {  	[tilespmem:s21], [sflag:$0x2] =	stream.indirect_vreg.gather [hbm4b:s7+s3], $0x80, v4, vm0, $0xb8;
	[tilespmem:$0x10200] =	vst v63  }
0x275: {  	s4 =	simm.s32 $0xA200  }
0x276: {  	[tilespmem:s4], [sflag:$0x2] =	stream.indirect_vreg.gather [hbm4b:s8+s3], $0x80, v4, vm0, $0xb8;
	[tilespmem:$0x10200] =	vst v63  }
0x277: {  	s12 =	simm.s32 $0xAA00;
	v3 =	vperm.xlane v3, v2  }
0x278: {  	[tilespmem:s12], [sflag:$0x2] =	stream.indirect_vreg.gather [hbm4b:s9+s3], $0x80, v4, vm0, $0xb8;
	[tilespmem:$0x10200] =	vst v63  }
0x279: {  	s0 =	simm.s32 $0xB200;
	v3 =	vadd.s32 v1, v3  }
0x27a: {  	[tilespmem:s0], [sflag:$0x2] =	stream.indirect_vreg.gather [hbm4b:s10+s3], $0x80, v4, vm0, $0xb8;
	[tilespmem:$0x10200] =	vst v63  }
0x27b: {  	s24 =	simm.s32 $0xBA00  }
0x27c: {  	[tilespmem:s24], [sflag:$0x2] =	stream.indirect_vreg.gather [hbm4b:s11+s3], $0x80, v4, vm0, $0xb8;
	[tilespmem:$0x10200] =	vst v63  }
0x27d: {  	s15 =	simm.s32 $0xC200  }
0x27e: {  	[tilespmem:s15], [sflag:$0x2] =	stream.indirect_vreg.gather [hbm4b:s2+s3], $0x80, v3, vm0, $0xb8;
	[tilespmem:$0x10200] =	vst v63  }
0x27f: {  	s1 =	simm.s32 $0xCA00  }
0x280: {  	[tilespmem:s1], [sflag:$0x2] =	stream.indirect_vreg.gather [hbm4b:s5+s3], $0x80, v3, vm0, $0xb8;
	[tilespmem:$0x10200] =	vst v63  }
0x281: {  	s23 =	simm.s32 $0xD200  }
0x282: {  	[tilespmem:s23], [sflag:$0x2] =	stream.indirect_vreg.gather [hbm4b:s6+s3], $0x80, v3, vm0, $0xb8;
	[tilespmem:$0x10200] =	vst v63  }
0x283: {  	s16 =	simm.s32 $0xDA00  }
0x284: {  	[tilespmem:s16], [sflag:$0x2] =	stream.indirect_vreg.gather [hbm4b:s7+s3], $0x80, v3, vm0, $0xb8;
	[tilespmem:$0x10200] =	vst v63  }
0x285: {  	s30 =	simm.s32 $0xE200  }
0x286: {  	[tilespmem:s30], [sflag:$0x2] =	stream.indirect_vreg.gather [hbm4b:s8+s3], $0x80, v3, vm0, $0xb8;
	[tilespmem:$0x10200] =	vst v63  }
0x287: {  	s18 =	simm.s32 $0xEA00  }
0x288: {  	[tilespmem:s18], [sflag:$0x2] =	stream.indirect_vreg.gather [hbm4b:s9+s3], $0x80, v3, vm0, $0xb8;
	[tilespmem:$0x10200] =	vst v63  }
0x289: {  	s19 =	simm.s32 $0xF200  }
0x28a: {  	[tilespmem:s19], [sflag:$0x2] =	stream.indirect_vreg.gather [hbm4b:s10+s3], $0x80, v3, vm0, $0xb8;
	[tilespmem:$0x10200] =	vst v63  }
0x28b: {  	s13 =	simm.s32 $0xFA00  }
0x28c: {  	[tilespmem:s13], [sflag:$0x2] =	stream.indirect_vreg.gather [hbm4b:s11+s3], $0x80, v3, vm0, $0xb8;
	[tilespmem:$0x10200] =	vst v63  }
0x28d: {  	_ =	swait.ge [sflag:s25], $0x8000  }
0x28e: {  	[sflag:s25] =	ssyncset.done $0x0  }
0x28f: {  	s30 =	rddreg [dreg:$0x10];
	[sflag:s25] =	ssyncadd.s32 $0xFFFF8000  }
0x290: {  	[hbm4b:s30+s3] =	stream.linear.scatter [tilespmem:s14], [sflag:$0x3], $0x8000, $0x38;
	[tilespmem:$0x10200] =	vst v63  }
0x291: {  	_ =	swait.ge [sflag:s26], $0x8000  }
0x292: {  	[sflag:s26] =	ssyncset.done $0x0  }
0x293: {  	[sflag:s26] =	ssyncadd.s32 $0xFFFF8000  }
0x294: {  	v3 =	vld [tilespmem:$0xE0];
	_ =	sdelay $0x4  }
0x295: {  	v46 =	vshll.u32 v3, $0x4  }
0x296: {  	v3 =	vand.u32 $0x7, v3;
	v4 =	vand.u32 $0xFFFFFF80, v46  }
0x297: {  	v3 =	vor.u32 v3, v4  }
0x298: {  	v4 =	vperm.xlane v3, v0;
	_ =	sdelay $0x1  }
0x299: {  	v4 =	vadd.s32 v1, v4;
	_ =	sdelay $0x4  }
0x29a: {  	[tilespmem:s14], [sflag:$0x1] =	stream.indirect_vreg.gather [hbm4b:s2+s3], $0x80, v4, vm0, $0xb8;
	[tilespmem:$0x10200] =	vst v63  }
0x29b: {  	s17 =	simm.s32 $0xA00  }
0x29c: {  	[tilespmem:s17], [sflag:$0x1] =	stream.indirect_vreg.gather [hbm4b:s5+s3], $0x80, v4, vm0, $0xb8;
	[tilespmem:$0x10200] =	vst v63  }
0x29d: {  	s30 =	simm.s32 $0x1200  }
0x29e: {  	[tilespmem:s30], [sflag:$0x1] =	stream.indirect_vreg.gather [hbm4b:s6+s3], $0x80, v4, vm0, $0xb8;
	[tilespmem:$0x10200] =	vst v63  }
0x29f: {  	s30 =	simm.s32 $0x1A00  }
0x2a0: {  	[tilespmem:s30], [sflag:$0x1] =	stream.indirect_vreg.gather [hbm4b:s7+s3], $0x80, v4, vm0, $0xb8;
	[tilespmem:$0x10200] =	vst v63  }
0x2a1: {  	s30 =	simm.s32 $0x2200  }
0x2a2: {  	[tilespmem:s30], [sflag:$0x1] =	stream.indirect_vreg.gather [hbm4b:s8+s3], $0x80, v4, vm0, $0xb8;
	[tilespmem:$0x10200] =	vst v63  }
0x2a3: {  	v3 =	vperm.xlane v3, v2;
	s30 =	simm.s32 $0x2A00  }
0x2a4: {  	[tilespmem:s30], [sflag:$0x1] =	stream.indirect_vreg.gather [hbm4b:s9+s3], $0x80, v4, vm0, $0xb8;
	[tilespmem:$0x10200] =	vst v63  }
0x2a5: {  	v3 =	vadd.s32 v1, v3;
	s30 =	simm.s32 $0x3200  }
0x2a6: {  	[tilespmem:s30], [sflag:$0x1] =	stream.indirect_vreg.gather [hbm4b:s10+s3], $0x80, v4, vm0, $0xb8;
	[tilespmem:$0x10200] =	vst v63  }
0x2a7: {  	s30 =	simm.s32 $0x3A00  }
0x2a8: {  	[tilespmem:s30], [sflag:$0x1] =	stream.indirect_vreg.gather [hbm4b:s11+s3], $0x80, v4, vm0, $0xb8;
	[tilespmem:$0x10200] =	vst v63  }
0x2a9: {  	s30 =	simm.s32 $0x4200  }
0x2aa: {  	[tilespmem:s30], [sflag:$0x1] =	stream.indirect_vreg.gather [hbm4b:s2+s3], $0x80, v3, vm0, $0xb8;
	[tilespmem:$0x10200] =	vst v63  }
0x2ab: {  	s30 =	simm.s32 $0x4A00  }
0x2ac: {  	[tilespmem:s30], [sflag:$0x1] =	stream.indirect_vreg.gather [hbm4b:s5+s3], $0x80, v3, vm0, $0xb8;
	[tilespmem:$0x10200] =	vst v63  }
0x2ad: {  	s30 =	simm.s32 $0x5200  }
0x2ae: {  	[tilespmem:s30], [sflag:$0x1] =	stream.indirect_vreg.gather [hbm4b:s6+s3], $0x80, v3, vm0, $0xb8;
	[tilespmem:$0x10200] =	vst v63  }
0x2af: {  	s30 =	simm.s32 $0x5A00  }
0x2b0: {  	[tilespmem:s30], [sflag:$0x1] =	stream.indirect_vreg.gather [hbm4b:s7+s3], $0x80, v3, vm0, $0xb8;
	[tilespmem:$0x10200] =	vst v63  }
0x2b1: {  	s30 =	simm.s32 $0x6200  }
0x2b2: {  	[tilespmem:s30], [sflag:$0x1] =	stream.indirect_vreg.gather [hbm4b:s8+s3], $0x80, v3, vm0, $0xb8;
	[tilespmem:$0x10200] =	vst v63  }
0x2b3: {  	s30 =	simm.s32 $0x6A00  }
0x2b4: {  	[tilespmem:s30], [sflag:$0x1] =	stream.indirect_vreg.gather [hbm4b:s9+s3], $0x80, v3, vm0, $0xb8;
	[tilespmem:$0x10200] =	vst v63  }
0x2b5: {  	s30 =	simm.s32 $0x7200  }
0x2b6: {  	[tilespmem:s30], [sflag:$0x1] =	stream.indirect_vreg.gather [hbm4b:s10+s3], $0x80, v3, vm0, $0xb8;
	[tilespmem:$0x10200] =	vst v63  }
0x2b7: {  	s30 =	simm.s32 $0x7A00  }
0x2b8: {  	[tilespmem:s30], [sflag:$0x1] =	stream.indirect_vreg.gather [hbm4b:s11+s3], $0x80, v3, vm0, $0xb8;
	[tilespmem:$0x10200] =	vst v63  }
0x2b9: {  	_ =	swait.ge [sflag:s28], $0x8000  }
0x2ba: {  	[sflag:s28] =	ssyncset.done $0x0  }
0x2bb: {  	s30 =	rddreg [dreg:$0x11];
	[sflag:s28] =	ssyncadd.s32 $0xFFFF8000  }
0x2bc: {  	[hbm4b:s30+s3] =	stream.linear.scatter [tilespmem:s31], [sflag:$0x4], $0x8000, $0x38;
	[tilespmem:$0x10200] =	vst v63  }
0x2bd: {  	_ =	swait.ge [sflag:s29], $0x8000  }
0x2be: {  	[sflag:s29] =	ssyncset.done $0x0  }
0x2bf: {  	[sflag:s29] =	ssyncadd.s32 $0xFFFF8000  }
0x2c0: {  	v3 =	vld [tilespmem:$0xF0];
	_ =	sdelay $0x4  }
0x2c1: {  	v47 =	vshll.u32 v3, $0x4  }
0x2c2: {  	v3 =	vand.u32 $0x7, v3;
	v4 =	vand.u32 $0xFFFFFF80, v47  }
0x2c3: {  	v3 =	vor.u32 v3, v4  }
0x2c4: {  	v4 =	vperm.xlane v3, v0;
	_ =	sdelay $0x1  }
0x2c5: {  	v4 =	vadd.s32 v1, v4;
	_ =	sdelay $0x4  }
0x2c6: {  	[tilespmem:s31], [sflag:$0x2] =	stream.indirect_vreg.gather [hbm4b:s2+s3], $0x80, v4, vm0, $0xb8;
	[tilespmem:$0x10200] =	vst v63  }
0x2c7: {  	s20 =	simm.s32 $0x8A00  }
0x2c8: {  	[tilespmem:s20], [sflag:$0x2] =	stream.indirect_vreg.gather [hbm4b:s5+s3], $0x80, v4, vm0, $0xb8;
	[tilespmem:$0x10200] =	vst v63  }
0x2c9: {  	s22 =	simm.s32 $0x9200  }
0x2ca: {  	[tilespmem:s22], [sflag:$0x2] =	stream.indirect_vreg.gather [hbm4b:s6+s3], $0x80, v4, vm0, $0xb8;
	[tilespmem:$0x10200] =	vst v63  }
0x2cb: {  	s21 =	simm.s32 $0x9A00  }
0x2cc: {  	[tilespmem:s21], [sflag:$0x2] =	stream.indirect_vreg.gather [hbm4b:s7+s3], $0x80, v4, vm0, $0xb8;
	[tilespmem:$0x10200] =	vst v63  }
0x2cd: {  	s4 =	simm.s32 $0xA200  }
0x2ce: {  	[tilespmem:s4], [sflag:$0x2] =	stream.indirect_vreg.gather [hbm4b:s8+s3], $0x80, v4, vm0, $0xb8;
	[tilespmem:$0x10200] =	vst v63  }
0x2cf: {  	s12 =	simm.s32 $0xAA00;
	v3 =	vperm.xlane v3, v2  }
0x2d0: {  	[tilespmem:s12], [sflag:$0x2] =	stream.indirect_vreg.gather [hbm4b:s9+s3], $0x80, v4, vm0, $0xb8;
	[tilespmem:$0x10200] =	vst v63  }
0x2d1: {  	v3 =	vadd.s32 v1, v3;
	s22 =	simm.s32 $0xB200  }
0x2d2: {  	[tilespmem:s22], [sflag:$0x2] =	stream.indirect_vreg.gather [hbm4b:s10+s3], $0x80, v4, vm0, $0xb8;
	[tilespmem:$0x10200] =	vst v63  }
0x2d3: {  	s22 =	simm.s32 $0xBA00  }
0x2d4: {  	[tilespmem:s22], [sflag:$0x2] =	stream.indirect_vreg.gather [hbm4b:s11+s3], $0x80, v4, vm0, $0xb8;
	[tilespmem:$0x10200] =	vst v63  }
0x2d5: {  	s15 =	simm.s32 $0xC200  }
0x2d6: {  	[tilespmem:s15], [sflag:$0x2] =	stream.indirect_vreg.gather [hbm4b:s2+s3], $0x80, v3, vm0, $0xb8;
	[tilespmem:$0x10200] =	vst v63  }
0x2d7: {  	s1 =	simm.s32 $0xCA00  }
0x2d8: {  	[tilespmem:s1], [sflag:$0x2] =	stream.indirect_vreg.gather [hbm4b:s5+s3], $0x80, v3, vm0, $0xb8;
	[tilespmem:$0x10200] =	vst v63  }
0x2d9: {  	s24 =	simm.s32 $0xD200  }
0x2da: {  	[tilespmem:s24], [sflag:$0x2] =	stream.indirect_vreg.gather [hbm4b:s6+s3], $0x80, v3, vm0, $0xb8;
	[tilespmem:$0x10200] =	vst v63  }
0x2db: {  	s16 =	simm.s32 $0xDA00  }
0x2dc: {  	[tilespmem:s16], [sflag:$0x2] =	stream.indirect_vreg.gather [hbm4b:s7+s3], $0x80, v3, vm0, $0xb8;
	[tilespmem:$0x10200] =	vst v63  }
0x2dd: {  	s23 =	simm.s32 $0xE200  }
0x2de: {  	[tilespmem:s23], [sflag:$0x2] =	stream.indirect_vreg.gather [hbm4b:s8+s3], $0x80, v3, vm0, $0xb8;
	[tilespmem:$0x10200] =	vst v63  }
0x2df: {  	s18 =	simm.s32 $0xEA00  }
0x2e0: {  	[tilespmem:s18], [sflag:$0x2] =	stream.indirect_vreg.gather [hbm4b:s9+s3], $0x80, v3, vm0, $0xb8;
	[tilespmem:$0x10200] =	vst v63  }
0x2e1: {  	s19 =	simm.s32 $0xF200  }
0x2e2: {  	[tilespmem:s19], [sflag:$0x2] =	stream.indirect_vreg.gather [hbm4b:s10+s3], $0x80, v3, vm0, $0xb8;
	[tilespmem:$0x10200] =	vst v63  }
0x2e3: {  	s13 =	simm.s32 $0xFA00  }
0x2e4: {  	[tilespmem:s13], [sflag:$0x2] =	stream.indirect_vreg.gather [hbm4b:s11+s3], $0x80, v3, vm0, $0xb8;
	[tilespmem:$0x10200] =	vst v63  }
0x2e5: {  	_ =	swait.ge [sflag:s25], $0x8000  }
0x2e6: {  	[sflag:s25] =	ssyncset.done $0x0  }
0x2e7: {  	s23 =	rddreg [dreg:$0x12];
	[sflag:s25] =	ssyncadd.s32 $0xFFFF8000  }
0x2e8: {  	[hbm4b:s23+s3] =	stream.linear.scatter [tilespmem:s14], [sflag:$0x3], $0x8000, $0x38;
	[tilespmem:$0x10200] =	vst v63  }
0x2e9: {  	_ =	swait.ge [sflag:s26], $0x8000  }
0x2ea: {  	[sflag:s26] =	ssyncset.done $0x0  }
0x2eb: {  	[sflag:s26] =	ssyncadd.s32 $0xFFFF8000  }
0x2ec: {  	v3 =	vld [tilespmem:$0x100];
	_ =	sdelay $0x4  }
0x2ed: {  	v48 =	vshll.u32 v3, $0x4  }
0x2ee: {  	v3 =	vand.u32 $0x7, v3;
	v4 =	vand.u32 $0xFFFFFF80, v48  }
0x2ef: {  	v3 =	vor.u32 v3, v4  }
0x2f0: {  	v4 =	vperm.xlane v3, v0;
	_ =	sdelay $0x1  }
0x2f1: {  	v4 =	vadd.s32 v1, v4;
	_ =	sdelay $0x4  }
0x2f2: {  	[tilespmem:s14], [sflag:$0x1] =	stream.indirect_vreg.gather [hbm4b:s2+s3], $0x80, v4, vm0, $0xb8;
	[tilespmem:$0x10200] =	vst v63  }
0x2f3: {  	s17 =	simm.s32 $0xA00  }
0x2f4: {  	[tilespmem:s17], [sflag:$0x1] =	stream.indirect_vreg.gather [hbm4b:s5+s3], $0x80, v4, vm0, $0xb8;
	[tilespmem:$0x10200] =	vst v63  }
0x2f5: {  	s23 =	simm.s32 $0x1200  }
0x2f6: {  	[tilespmem:s23], [sflag:$0x1] =	stream.indirect_vreg.gather [hbm4b:s6+s3], $0x80, v4, vm0, $0xb8;
	[tilespmem:$0x10200] =	vst v63  }
0x2f7: {  	s23 =	simm.s32 $0x1A00  }
0x2f8: {  	[tilespmem:s23], [sflag:$0x1] =	stream.indirect_vreg.gather [hbm4b:s7+s3], $0x80, v4, vm0, $0xb8;
	[tilespmem:$0x10200] =	vst v63  }
0x2f9: {  	s23 =	simm.s32 $0x2200  }
0x2fa: {  	[tilespmem:s23], [sflag:$0x1] =	stream.indirect_vreg.gather [hbm4b:s8+s3], $0x80, v4, vm0, $0xb8;
	[tilespmem:$0x10200] =	vst v63  }
0x2fb: {  	v3 =	vperm.xlane v3, v2;
	s23 =	simm.s32 $0x2A00  }
0x2fc: {  	[tilespmem:s23], [sflag:$0x1] =	stream.indirect_vreg.gather [hbm4b:s9+s3], $0x80, v4, vm0, $0xb8;
	[tilespmem:$0x10200] =	vst v63  }
0x2fd: {  	v3 =	vadd.s32 v1, v3;
	s23 =	simm.s32 $0x3200  }
0x2fe: {  	[tilespmem:s23], [sflag:$0x1] =	stream.indirect_vreg.gather [hbm4b:s10+s3], $0x80, v4, vm0, $0xb8;
	[tilespmem:$0x10200] =	vst v63  }
0x2ff: {  	s23 =	simm.s32 $0x3A00  }
0x300: {  	[tilespmem:s23], [sflag:$0x1] =	stream.indirect_vreg.gather [hbm4b:s11+s3], $0x80, v4, vm0, $0xb8;
	[tilespmem:$0x10200] =	vst v63  }
0x301: {  	s23 =	simm.s32 $0x4200  }
0x302: {  	[tilespmem:s23], [sflag:$0x1] =	stream.indirect_vreg.gather [hbm4b:s2+s3], $0x80, v3, vm0, $0xb8;
	[tilespmem:$0x10200] =	vst v63  }
0x303: {  	s23 =	simm.s32 $0x4A00  }
0x304: {  	[tilespmem:s23], [sflag:$0x1] =	stream.indirect_vreg.gather [hbm4b:s5+s3], $0x80, v3, vm0, $0xb8;
	[tilespmem:$0x10200] =	vst v63  }
0x305: {  	s23 =	simm.s32 $0x5200  }
0x306: {  	[tilespmem:s23], [sflag:$0x1] =	stream.indirect_vreg.gather [hbm4b:s6+s3], $0x80, v3, vm0, $0xb8;
	[tilespmem:$0x10200] =	vst v63  }
0x307: {  	s23 =	simm.s32 $0x5A00  }
0x308: {  	[tilespmem:s23], [sflag:$0x1] =	stream.indirect_vreg.gather [hbm4b:s7+s3], $0x80, v3, vm0, $0xb8;
	[tilespmem:$0x10200] =	vst v63  }
0x309: {  	s23 =	simm.s32 $0x6200  }
0x30a: {  	[tilespmem:s23], [sflag:$0x1] =	stream.indirect_vreg.gather [hbm4b:s8+s3], $0x80, v3, vm0, $0xb8;
	[tilespmem:$0x10200] =	vst v63  }
0x30b: {  	s23 =	simm.s32 $0x6A00  }
0x30c: {  	[tilespmem:s23], [sflag:$0x1] =	stream.indirect_vreg.gather [hbm4b:s9+s3], $0x80, v3, vm0, $0xb8;
	[tilespmem:$0x10200] =	vst v63  }
0x30d: {  	s23 =	simm.s32 $0x7200  }
0x30e: {  	[tilespmem:s23], [sflag:$0x1] =	stream.indirect_vreg.gather [hbm4b:s10+s3], $0x80, v3, vm0, $0xb8;
	[tilespmem:$0x10200] =	vst v63  }
0x30f: {  	s23 =	simm.s32 $0x7A00  }
0x310: {  	[tilespmem:s23], [sflag:$0x1] =	stream.indirect_vreg.gather [hbm4b:s11+s3], $0x80, v3, vm0, $0xb8;
	[tilespmem:$0x10200] =	vst v63  }
0x311: {  	_ =	swait.ge [sflag:s28], $0x8000  }
0x312: {  	[sflag:s28] =	ssyncset.done $0x0  }
0x313: {  	s23 =	rddreg [dreg:$0x13];
	[sflag:s28] =	ssyncadd.s32 $0xFFFF8000  }
0x314: {  	[hbm4b:s23+s3] =	stream.linear.scatter [tilespmem:s31], [sflag:$0x4], $0x8000, $0x38;
	[tilespmem:$0x10200] =	vst v63  }
0x315: {  	_ =	swait.ge [sflag:s29], $0x8000  }
0x316: {  	[sflag:s29] =	ssyncset.done $0x0  }
0x317: {  	[sflag:s29] =	ssyncadd.s32 $0xFFFF8000  }
0x318: {  	v3 =	vld [tilespmem:$0x110];
	_ =	sdelay $0x4  }
0x319: {  	v49 =	vshll.u32 v3, $0x4  }
0x31a: {  	v3 =	vand.u32 $0x7, v3;
	v4 =	vand.u32 $0xFFFFFF80, v49  }
0x31b: {  	v3 =	vor.u32 v3, v4  }
0x31c: {  	v4 =	vperm.xlane v3, v0;
	_ =	sdelay $0x1  }
0x31d: {  	v4 =	vadd.s32 v1, v4;
	_ =	sdelay $0x4  }
0x31e: {  	[tilespmem:s31], [sflag:$0x2] =	stream.indirect_vreg.gather [hbm4b:s2+s3], $0x80, v4, vm0, $0xb8;
	[tilespmem:$0x10200] =	vst v63  }
0x31f: {  	s20 =	simm.s32 $0x8A00  }
0x320: {  	[tilespmem:s20], [sflag:$0x2] =	stream.indirect_vreg.gather [hbm4b:s5+s3], $0x80, v4, vm0, $0xb8;
	[tilespmem:$0x10200] =	vst v63  }
0x321: {  	s30 =	simm.s32 $0x9200  }
0x322: {  	[tilespmem:s30], [sflag:$0x2] =	stream.indirect_vreg.gather [hbm4b:s6+s3], $0x80, v4, vm0, $0xb8;
	[tilespmem:$0x10200] =	vst v63  }
0x323: {  	s21 =	simm.s32 $0x9A00  }
0x324: {  	[tilespmem:s21], [sflag:$0x2] =	stream.indirect_vreg.gather [hbm4b:s7+s3], $0x80, v4, vm0, $0xb8;
	[tilespmem:$0x10200] =	vst v63  }
0x325: {  	s4 =	simm.s32 $0xA200  }
0x326: {  	[tilespmem:s4], [sflag:$0x2] =	stream.indirect_vreg.gather [hbm4b:s8+s3], $0x80, v4, vm0, $0xb8;
	[tilespmem:$0x10200] =	vst v63  }
0x327: {  	s12 =	simm.s32 $0xAA00;
	v3 =	vperm.xlane v3, v2  }
0x328: {  	[tilespmem:s12], [sflag:$0x2] =	stream.indirect_vreg.gather [hbm4b:s9+s3], $0x80, v4, vm0, $0xb8;
	[tilespmem:$0x10200] =	vst v63  }
0x329: {  	s23 =	simm.s32 $0xB200;
	v3 =	vadd.s32 v1, v3  }
0x32a: {  	[tilespmem:s23], [sflag:$0x2] =	stream.indirect_vreg.gather [hbm4b:s10+s3], $0x80, v4, vm0, $0xb8;
	[tilespmem:$0x10200] =	vst v63  }
0x32b: {  	s23 =	simm.s32 $0xBA00  }
0x32c: {  	[tilespmem:s23], [sflag:$0x2] =	stream.indirect_vreg.gather [hbm4b:s11+s3], $0x80, v4, vm0, $0xb8;
	[tilespmem:$0x10200] =	vst v63  }
0x32d: {  	s15 =	simm.s32 $0xC200  }
0x32e: {  	[tilespmem:s15], [sflag:$0x2] =	stream.indirect_vreg.gather [hbm4b:s2+s3], $0x80, v3, vm0, $0xb8;
	[tilespmem:$0x10200] =	vst v63  }
0x32f: {  	s1 =	simm.s32 $0xCA00  }
0x330: {  	[tilespmem:s1], [sflag:$0x2] =	stream.indirect_vreg.gather [hbm4b:s5+s3], $0x80, v3, vm0, $0xb8;
	[tilespmem:$0x10200] =	vst v63  }
0x331: {  	s24 =	simm.s32 $0xD200  }
0x332: {  	[tilespmem:s24], [sflag:$0x2] =	stream.indirect_vreg.gather [hbm4b:s6+s3], $0x80, v3, vm0, $0xb8;
	[tilespmem:$0x10200] =	vst v63  }
0x333: {  	s16 =	simm.s32 $0xDA00  }
0x334: {  	[tilespmem:s16], [sflag:$0x2] =	stream.indirect_vreg.gather [hbm4b:s7+s3], $0x80, v3, vm0, $0xb8;
	[tilespmem:$0x10200] =	vst v63  }
0x335: {  	s22 =	simm.s32 $0xE200  }
0x336: {  	[tilespmem:s22], [sflag:$0x2] =	stream.indirect_vreg.gather [hbm4b:s8+s3], $0x80, v3, vm0, $0xb8;
	[tilespmem:$0x10200] =	vst v63  }
0x337: {  	s18 =	simm.s32 $0xEA00  }
0x338: {  	[tilespmem:s18], [sflag:$0x2] =	stream.indirect_vreg.gather [hbm4b:s9+s3], $0x80, v3, vm0, $0xb8;
	[tilespmem:$0x10200] =	vst v63  }
0x339: {  	s19 =	simm.s32 $0xF200  }
0x33a: {  	[tilespmem:s19], [sflag:$0x2] =	stream.indirect_vreg.gather [hbm4b:s10+s3], $0x80, v3, vm0, $0xb8;
	[tilespmem:$0x10200] =	vst v63  }
0x33b: {  	s13 =	simm.s32 $0xFA00  }
0x33c: {  	[tilespmem:s13], [sflag:$0x2] =	stream.indirect_vreg.gather [hbm4b:s11+s3], $0x80, v3, vm0, $0xb8;
	[tilespmem:$0x10200] =	vst v63  }
0x33d: {  	_ =	swait.ge [sflag:s25], $0x8000  }
0x33e: {  	[sflag:s25] =	ssyncset.done $0x0  }
0x33f: {  	s19 =	rddreg [dreg:$0x14];
	[sflag:s25] =	ssyncadd.s32 $0xFFFF8000  }
0x340: {  	[hbm4b:s19+s3] =	stream.linear.scatter [tilespmem:s14], [sflag:$0x3], $0x8000, $0x38;
	[tilespmem:$0x10200] =	vst v63  }
0x341: {  	_ =	swait.ge [sflag:s26], $0x8000  }
0x342: {  	[sflag:s26] =	ssyncset.done $0x0  }
0x343: {  	[sflag:s26] =	ssyncadd.s32 $0xFFFF8000  }
0x344: {  	v3 =	vld [tilespmem:$0x120];
	_ =	sdelay $0x4  }
0x345: {  	v50 =	vshll.u32 v3, $0x4  }
0x346: {  	v3 =	vand.u32 $0x7, v3;
	v4 =	vand.u32 $0xFFFFFF80, v50  }
0x347: {  	v3 =	vor.u32 v3, v4  }
0x348: {  	v4 =	vperm.xlane v3, v0;
	_ =	sdelay $0x1  }
0x349: {  	v4 =	vadd.s32 v1, v4;
	_ =	sdelay $0x4  }
0x34a: {  	[tilespmem:s14], [sflag:$0x1] =	stream.indirect_vreg.gather [hbm4b:s2+s3], $0x80, v4, vm0, $0xb8;
	[tilespmem:$0x10200] =	vst v63  }
0x34b: {  	s17 =	simm.s32 $0xA00  }
0x34c: {  	[tilespmem:s17], [sflag:$0x1] =	stream.indirect_vreg.gather [hbm4b:s5+s3], $0x80, v4, vm0, $0xb8;
	[tilespmem:$0x10200] =	vst v63  }
0x34d: {  	s19 =	simm.s32 $0x1200  }
0x34e: {  	[tilespmem:s19], [sflag:$0x1] =	stream.indirect_vreg.gather [hbm4b:s6+s3], $0x80, v4, vm0, $0xb8;
	[tilespmem:$0x10200] =	vst v63  }
0x34f: {  	s19 =	simm.s32 $0x1A00  }
0x350: {  	[tilespmem:s19], [sflag:$0x1] =	stream.indirect_vreg.gather [hbm4b:s7+s3], $0x80, v4, vm0, $0xb8;
	[tilespmem:$0x10200] =	vst v63  }
0x351: {  	s19 =	simm.s32 $0x2200  }
0x352: {  	[tilespmem:s19], [sflag:$0x1] =	stream.indirect_vreg.gather [hbm4b:s8+s3], $0x80, v4, vm0, $0xb8;
	[tilespmem:$0x10200] =	vst v63  }
0x353: {  	v3 =	vperm.xlane v3, v2;
	s19 =	simm.s32 $0x2A00  }
0x354: {  	[tilespmem:s19], [sflag:$0x1] =	stream.indirect_vreg.gather [hbm4b:s9+s3], $0x80, v4, vm0, $0xb8;
	[tilespmem:$0x10200] =	vst v63  }
0x355: {  	v3 =	vadd.s32 v1, v3;
	s19 =	simm.s32 $0x3200  }
0x356: {  	[tilespmem:s19], [sflag:$0x1] =	stream.indirect_vreg.gather [hbm4b:s10+s3], $0x80, v4, vm0, $0xb8;
	[tilespmem:$0x10200] =	vst v63  }
0x357: {  	s19 =	simm.s32 $0x3A00  }
0x358: {  	[tilespmem:s19], [sflag:$0x1] =	stream.indirect_vreg.gather [hbm4b:s11+s3], $0x80, v4, vm0, $0xb8;
	[tilespmem:$0x10200] =	vst v63  }
0x359: {  	s19 =	simm.s32 $0x4200  }
0x35a: {  	[tilespmem:s19], [sflag:$0x1] =	stream.indirect_vreg.gather [hbm4b:s2+s3], $0x80, v3, vm0, $0xb8;
	[tilespmem:$0x10200] =	vst v63  }
0x35b: {  	s19 =	simm.s32 $0x4A00  }
0x35c: {  	[tilespmem:s19], [sflag:$0x1] =	stream.indirect_vreg.gather [hbm4b:s5+s3], $0x80, v3, vm0, $0xb8;
	[tilespmem:$0x10200] =	vst v63  }
0x35d: {  	s19 =	simm.s32 $0x5200  }
0x35e: {  	[tilespmem:s19], [sflag:$0x1] =	stream.indirect_vreg.gather [hbm4b:s6+s3], $0x80, v3, vm0, $0xb8;
	[tilespmem:$0x10200] =	vst v63  }
0x35f: {  	s19 =	simm.s32 $0x5A00  }
0x360: {  	[tilespmem:s19], [sflag:$0x1] =	stream.indirect_vreg.gather [hbm4b:s7+s3], $0x80, v3, vm0, $0xb8;
	[tilespmem:$0x10200] =	vst v63  }
0x361: {  	s19 =	simm.s32 $0x6200  }
0x362: {  	[tilespmem:s19], [sflag:$0x1] =	stream.indirect_vreg.gather [hbm4b:s8+s3], $0x80, v3, vm0, $0xb8;
	[tilespmem:$0x10200] =	vst v63  }
0x363: {  	s19 =	simm.s32 $0x6A00  }
0x364: {  	[tilespmem:s19], [sflag:$0x1] =	stream.indirect_vreg.gather [hbm4b:s9+s3], $0x80, v3, vm0, $0xb8;
	[tilespmem:$0x10200] =	vst v63  }
0x365: {  	s19 =	simm.s32 $0x7200  }
0x366: {  	[tilespmem:s19], [sflag:$0x1] =	stream.indirect_vreg.gather [hbm4b:s10+s3], $0x80, v3, vm0, $0xb8;
	[tilespmem:$0x10200] =	vst v63  }
0x367: {  	s19 =	simm.s32 $0x7A00  }
0x368: {  	[tilespmem:s19], [sflag:$0x1] =	stream.indirect_vreg.gather [hbm4b:s11+s3], $0x80, v3, vm0, $0xb8;
	[tilespmem:$0x10200] =	vst v63  }
0x369: {  	_ =	swait.ge [sflag:s28], $0x8000  }
0x36a: {  	[sflag:s28] =	ssyncset.done $0x0  }
0x36b: {  	s19 =	rddreg [dreg:$0x15];
	[sflag:s28] =	ssyncadd.s32 $0xFFFF8000  }
0x36c: {  	[hbm4b:s19+s3] =	stream.linear.scatter [tilespmem:s31], [sflag:$0x4], $0x8000, $0x38;
	[tilespmem:$0x10200] =	vst v63  }
0x36d: {  	_ =	swait.ge [sflag:s29], $0x8000  }
0x36e: {  	[sflag:s29] =	ssyncset.done $0x0  }
0x36f: {  	[sflag:s29] =	ssyncadd.s32 $0xFFFF8000  }
0x370: {  	v3 =	vld [tilespmem:$0x130];
	_ =	sdelay $0x4  }
0x371: {  	v51 =	vshll.u32 v3, $0x4  }
0x372: {  	v3 =	vand.u32 $0x7, v3;
	v4 =	vand.u32 $0xFFFFFF80, v51  }
0x373: {  	v3 =	vor.u32 v3, v4  }
0x374: {  	v4 =	vperm.xlane v3, v0;
	_ =	sdelay $0x1  }
0x375: {  	v4 =	vadd.s32 v1, v4;
	_ =	sdelay $0x4  }
0x376: {  	[tilespmem:s31], [sflag:$0x2] =	stream.indirect_vreg.gather [hbm4b:s2+s3], $0x80, v4, vm0, $0xb8;
	[tilespmem:$0x10200] =	vst v63  }
0x377: {  	s20 =	simm.s32 $0x8A00  }
0x378: {  	[tilespmem:s20], [sflag:$0x2] =	stream.indirect_vreg.gather [hbm4b:s5+s3], $0x80, v4, vm0, $0xb8;
	[tilespmem:$0x10200] =	vst v63  }
0x379: {  	s30 =	simm.s32 $0x9200  }
0x37a: {  	[tilespmem:s30], [sflag:$0x2] =	stream.indirect_vreg.gather [hbm4b:s6+s3], $0x80, v4, vm0, $0xb8;
	[tilespmem:$0x10200] =	vst v63  }
0x37b: {  	s21 =	simm.s32 $0x9A00  }
0x37c: {  	[tilespmem:s21], [sflag:$0x2] =	stream.indirect_vreg.gather [hbm4b:s7+s3], $0x80, v4, vm0, $0xb8;
	[tilespmem:$0x10200] =	vst v63  }
0x37d: {  	s4 =	simm.s32 $0xA200  }
0x37e: {  	[tilespmem:s4], [sflag:$0x2] =	stream.indirect_vreg.gather [hbm4b:s8+s3], $0x80, v4, vm0, $0xb8;
	[tilespmem:$0x10200] =	vst v63  }
0x37f: {  	s12 =	simm.s32 $0xAA00;
	v3 =	vperm.xlane v3, v2  }
0x380: {  	[tilespmem:s12], [sflag:$0x2] =	stream.indirect_vreg.gather [hbm4b:s9+s3], $0x80, v4, vm0, $0xb8;
	[tilespmem:$0x10200] =	vst v63  }
0x381: {  	v3 =	vadd.s32 v1, v3;
	s4 =	simm.s32 $0xB200  }
0x382: {  	[tilespmem:s4], [sflag:$0x2] =	stream.indirect_vreg.gather [hbm4b:s10+s3], $0x80, v4, vm0, $0xb8;
	[tilespmem:$0x10200] =	vst v63  }
0x383: {  	s20 =	simm.s32 $0xBA00  }
0x384: {  	[tilespmem:s20], [sflag:$0x2] =	stream.indirect_vreg.gather [hbm4b:s11+s3], $0x80, v4, vm0, $0xb8;
	[tilespmem:$0x10200] =	vst v63  }
0x385: {  	s15 =	simm.s32 $0xC200  }
0x386: {  	[tilespmem:s15], [sflag:$0x2] =	stream.indirect_vreg.gather [hbm4b:s2+s3], $0x80, v3, vm0, $0xb8;
	[tilespmem:$0x10200] =	vst v63  }
0x387: {  	s1 =	simm.s32 $0xCA00  }
0x388: {  	[tilespmem:s1], [sflag:$0x2] =	stream.indirect_vreg.gather [hbm4b:s5+s3], $0x80, v3, vm0, $0xb8;
	[tilespmem:$0x10200] =	vst v63  }
0x389: {  	s23 =	simm.s32 $0xD200  }
0x38a: {  	[tilespmem:s23], [sflag:$0x2] =	stream.indirect_vreg.gather [hbm4b:s6+s3], $0x80, v3, vm0, $0xb8;
	[tilespmem:$0x10200] =	vst v63  }
0x38b: {  	s24 =	simm.s32 $0xDA00  }
0x38c: {  	[tilespmem:s24], [sflag:$0x2] =	stream.indirect_vreg.gather [hbm4b:s7+s3], $0x80, v3, vm0, $0xb8;
	[tilespmem:$0x10200] =	vst v63  }
0x38d: {  	s22 =	simm.s32 $0xE200  }
0x38e: {  	[tilespmem:s22], [sflag:$0x2] =	stream.indirect_vreg.gather [hbm4b:s8+s3], $0x80, v3, vm0, $0xb8;
	[tilespmem:$0x10200] =	vst v63  }
0x38f: {  	s16 =	simm.s32 $0xEA00  }
0x390: {  	[tilespmem:s16], [sflag:$0x2] =	stream.indirect_vreg.gather [hbm4b:s9+s3], $0x80, v3, vm0, $0xb8;
	[tilespmem:$0x10200] =	vst v63  }
0x391: {  	s18 =	simm.s32 $0xF200  }
0x392: {  	[tilespmem:s18], [sflag:$0x2] =	stream.indirect_vreg.gather [hbm4b:s10+s3], $0x80, v3, vm0, $0xb8;
	[tilespmem:$0x10200] =	vst v63  }
0x393: {  	s13 =	simm.s32 $0xFA00  }
0x394: {  	[tilespmem:s13], [sflag:$0x2] =	stream.indirect_vreg.gather [hbm4b:s11+s3], $0x80, v3, vm0, $0xb8;
	[tilespmem:$0x10200] =	vst v63  }
0x395: {  	_ =	swait.ge [sflag:s25], $0x8000  }
0x396: {  	[sflag:s25] =	ssyncset.done $0x0  }
0x397: {  	s22 =	rddreg [dreg:$0x16];
	[sflag:s25] =	ssyncadd.s32 $0xFFFF8000  }
0x398: {  	[hbm4b:s22+s3] =	stream.linear.scatter [tilespmem:s14], [sflag:$0x3], $0x8000, $0x38;
	[tilespmem:$0x10200] =	vst v63  }
0x399: {  	_ =	swait.ge [sflag:s26], $0x8000  }
0x39a: {  	[sflag:s26] =	ssyncset.done $0x0  }
0x39b: {  	[sflag:s26] =	ssyncadd.s32 $0xFFFF8000  }
0x39c: {  	v3 =	vld [tilespmem:$0x140];
	_ =	sdelay $0x4  }
0x39d: {  	v52 =	vshll.u32 v3, $0x4  }
0x39e: {  	v3 =	vand.u32 $0x7, v3;
	v4 =	vand.u32 $0xFFFFFF80, v52  }
0x39f: {  	v3 =	vor.u32 v3, v4  }
0x3a0: {  	v4 =	vperm.xlane v3, v0;
	_ =	sdelay $0x1  }
0x3a1: {  	v4 =	vadd.s32 v1, v4;
	_ =	sdelay $0x4  }
0x3a2: {  	[tilespmem:s14], [sflag:$0x1] =	stream.indirect_vreg.gather [hbm4b:s2+s3], $0x80, v4, vm0, $0xb8;
	[tilespmem:$0x10200] =	vst v63  }
0x3a3: {  	s17 =	simm.s32 $0xA00  }
0x3a4: {  	[tilespmem:s17], [sflag:$0x1] =	stream.indirect_vreg.gather [hbm4b:s5+s3], $0x80, v4, vm0, $0xb8;
	[tilespmem:$0x10200] =	vst v63  }
0x3a5: {  	s23 =	simm.s32 $0x1200  }
0x3a6: {  	[tilespmem:s23], [sflag:$0x1] =	stream.indirect_vreg.gather [hbm4b:s6+s3], $0x80, v4, vm0, $0xb8;
	[tilespmem:$0x10200] =	vst v63  }
0x3a7: {  	s17 =	simm.s32 $0x1A00  }
0x3a8: {  	[tilespmem:s17], [sflag:$0x1] =	stream.indirect_vreg.gather [hbm4b:s7+s3], $0x80, v4, vm0, $0xb8;
	[tilespmem:$0x10200] =	vst v63  }
0x3a9: {  	s22 =	simm.s32 $0x2200  }
0x3aa: {  	[tilespmem:s22], [sflag:$0x1] =	stream.indirect_vreg.gather [hbm4b:s8+s3], $0x80, v4, vm0, $0xb8;
	[tilespmem:$0x10200] =	vst v63  }
0x3ab: {  	v3 =	vperm.xlane v3, v2;
	s23 =	simm.s32 $0x2A00  }
0x3ac: {  	[tilespmem:s23], [sflag:$0x1] =	stream.indirect_vreg.gather [hbm4b:s9+s3], $0x80, v4, vm0, $0xb8;
	[tilespmem:$0x10200] =	vst v63  }
0x3ad: {  	v3 =	vadd.s32 v1, v3;
	s17 =	simm.s32 $0x3200  }
0x3ae: {  	[tilespmem:s17], [sflag:$0x1] =	stream.indirect_vreg.gather [hbm4b:s10+s3], $0x80, v4, vm0, $0xb8;
	[tilespmem:$0x10200] =	vst v63  }
0x3af: {  	s22 =	simm.s32 $0x3A00  }
0x3b0: {  	[tilespmem:s22], [sflag:$0x1] =	stream.indirect_vreg.gather [hbm4b:s11+s3], $0x80, v4, vm0, $0xb8;
	[tilespmem:$0x10200] =	vst v63  }
0x3b1: {  	s23 =	simm.s32 $0x4200  }
0x3b2: {  	[tilespmem:s23], [sflag:$0x1] =	stream.indirect_vreg.gather [hbm4b:s2+s3], $0x80, v3, vm0, $0xb8;
	[tilespmem:$0x10200] =	vst v63  }
0x3b3: {  	s17 =	simm.s32 $0x4A00  }
0x3b4: {  	[tilespmem:s17], [sflag:$0x1] =	stream.indirect_vreg.gather [hbm4b:s5+s3], $0x80, v3, vm0, $0xb8;
	[tilespmem:$0x10200] =	vst v63  }
0x3b5: {  	s22 =	simm.s32 $0x5200  }
0x3b6: {  	[tilespmem:s22], [sflag:$0x1] =	stream.indirect_vreg.gather [hbm4b:s6+s3], $0x80, v3, vm0, $0xb8;
	[tilespmem:$0x10200] =	vst v63  }
0x3b7: {  	s23 =	simm.s32 $0x5A00  }
0x3b8: {  	[tilespmem:s23], [sflag:$0x1] =	stream.indirect_vreg.gather [hbm4b:s7+s3], $0x80, v3, vm0, $0xb8;
	[tilespmem:$0x10200] =	vst v63  }
0x3b9: {  	s17 =	simm.s32 $0x6200  }
0x3ba: {  	[tilespmem:s17], [sflag:$0x1] =	stream.indirect_vreg.gather [hbm4b:s8+s3], $0x80, v3, vm0, $0xb8;
	[tilespmem:$0x10200] =	vst v63  }
0x3bb: {  	s22 =	simm.s32 $0x6A00  }
0x3bc: {  	[tilespmem:s22], [sflag:$0x1] =	stream.indirect_vreg.gather [hbm4b:s9+s3], $0x80, v3, vm0, $0xb8;
	[tilespmem:$0x10200] =	vst v63  }
0x3bd: {  	s23 =	simm.s32 $0x7200  }
0x3be: {  	[tilespmem:s23], [sflag:$0x1] =	stream.indirect_vreg.gather [hbm4b:s10+s3], $0x80, v3, vm0, $0xb8;
	[tilespmem:$0x10200] =	vst v63  }
0x3bf: {  	s17 =	simm.s32 $0x7A00  }
0x3c0: {  	[tilespmem:s17], [sflag:$0x1] =	stream.indirect_vreg.gather [hbm4b:s11+s3], $0x80, v3, vm0, $0xb8;
	[tilespmem:$0x10200] =	vst v63  }
0x3c1: {  	_ =	swait.ge [sflag:s28], $0x8000  }
0x3c2: {  	[sflag:s28] =	ssyncset.done $0x0  }
0x3c3: {  	s22 =	rddreg [dreg:$0x17];
	[sflag:s28] =	ssyncadd.s32 $0xFFFF8000  }
0x3c4: {  	[hbm4b:s22+s3] =	stream.linear.scatter [tilespmem:s31], [sflag:$0x4], $0x8000, $0x38;
	[tilespmem:$0x10200] =	vst v63  }
0x3c5: {  	_ =	swait.ge [sflag:s29], $0x8000  }
0x3c6: {  	[sflag:s29] =	ssyncset.done $0x0  }
0x3c7: {  	[sflag:s29] =	ssyncadd.s32 $0xFFFF8000  }
0x3c8: {  	v3 =	vld [tilespmem:$0x150];
	_ =	sdelay $0x4  }
0x3c9: {  	v53 =	vshll.u32 v3, $0x4  }
0x3ca: {  	v3 =	vand.u32 $0x7, v3;
	v4 =	vand.u32 $0xFFFFFF80, v53  }
0x3cb: {  	v3 =	vor.u32 v3, v4  }
0x3cc: {  	v4 =	vperm.xlane v3, v0;
	_ =	sdelay $0x1  }
0x3cd: {  	v4 =	vadd.s32 v1, v4;
	_ =	sdelay $0x4  }
0x3ce: {  	[tilespmem:s31], [sflag:$0x2] =	stream.indirect_vreg.gather [hbm4b:s2+s3], $0x80, v4, vm0, $0xb8;
	[tilespmem:$0x10200] =	vst v63  }
0x3cf: {  	s19 =	simm.s32 $0x8A00  }
0x3d0: {  	[tilespmem:s19], [sflag:$0x2] =	stream.indirect_vreg.gather [hbm4b:s5+s3], $0x80, v4, vm0, $0xb8;
	[tilespmem:$0x10200] =	vst v63  }
0x3d1: {  	s23 =	simm.s32 $0x9200  }
0x3d2: {  	[tilespmem:s23], [sflag:$0x2] =	stream.indirect_vreg.gather [hbm4b:s6+s3], $0x80, v4, vm0, $0xb8;
	[tilespmem:$0x10200] =	vst v63  }
0x3d3: {  	s21 =	simm.s32 $0x9A00  }
0x3d4: {  	[tilespmem:s21], [sflag:$0x2] =	stream.indirect_vreg.gather [hbm4b:s7+s3], $0x80, v4, vm0, $0xb8;
	[tilespmem:$0x10200] =	vst v63  }
0x3d5: {  	s30 =	simm.s32 $0xA200  }
0x3d6: {  	[tilespmem:s30], [sflag:$0x2] =	stream.indirect_vreg.gather [hbm4b:s8+s3], $0x80, v4, vm0, $0xb8;
	[tilespmem:$0x10200] =	vst v63  }
0x3d7: {  	s12 =	simm.s32 $0xAA00;
	v3 =	vperm.xlane v3, v2  }
0x3d8: {  	[tilespmem:s12], [sflag:$0x2] =	stream.indirect_vreg.gather [hbm4b:s9+s3], $0x80, v4, vm0, $0xb8;
	[tilespmem:$0x10200] =	vst v63  }
0x3d9: {  	v3 =	vadd.s32 v1, v3;
	s30 =	simm.s32 $0xB200  }
0x3da: {  	[tilespmem:s30], [sflag:$0x2] =	stream.indirect_vreg.gather [hbm4b:s10+s3], $0x80, v4, vm0, $0xb8;
	[tilespmem:$0x10200] =	vst v63  }
0x3db: {  	s12 =	simm.s32 $0xBA00  }
0x3dc: {  	[tilespmem:s12], [sflag:$0x2] =	stream.indirect_vreg.gather [hbm4b:s11+s3], $0x80, v4, vm0, $0xb8;
	[tilespmem:$0x10200] =	vst v63  }
0x3dd: {  	s15 =	simm.s32 $0xC200  }
0x3de: {  	[tilespmem:s15], [sflag:$0x2] =	stream.indirect_vreg.gather [hbm4b:s2+s3], $0x80, v3, vm0, $0xb8;
	[tilespmem:$0x10200] =	vst v63  }
0x3df: {  	s1 =	simm.s32 $0xCA00  }
0x3e0: {  	[tilespmem:s1], [sflag:$0x2] =	stream.indirect_vreg.gather [hbm4b:s5+s3], $0x80, v3, vm0, $0xb8;
	[tilespmem:$0x10200] =	vst v63  }
0x3e1: {  	s4 =	simm.s32 $0xD200  }
0x3e2: {  	[tilespmem:s4], [sflag:$0x2] =	stream.indirect_vreg.gather [hbm4b:s6+s3], $0x80, v3, vm0, $0xb8;
	[tilespmem:$0x10200] =	vst v63  }
0x3e3: {  	s24 =	simm.s32 $0xDA00  }
0x3e4: {  	[tilespmem:s24], [sflag:$0x2] =	stream.indirect_vreg.gather [hbm4b:s7+s3], $0x80, v3, vm0, $0xb8;
	[tilespmem:$0x10200] =	vst v63  }
0x3e5: {  	s20 =	simm.s32 $0xE200  }
0x3e6: {  	[tilespmem:s20], [sflag:$0x2] =	stream.indirect_vreg.gather [hbm4b:s8+s3], $0x80, v3, vm0, $0xb8;
	[tilespmem:$0x10200] =	vst v63  }
0x3e7: {  	s16 =	simm.s32 $0xEA00  }
0x3e8: {  	[tilespmem:s16], [sflag:$0x2] =	stream.indirect_vreg.gather [hbm4b:s9+s3], $0x80, v3, vm0, $0xb8;
	[tilespmem:$0x10200] =	vst v63  }
0x3e9: {  	s18 =	simm.s32 $0xF200  }
0x3ea: {  	[tilespmem:s18], [sflag:$0x2] =	stream.indirect_vreg.gather [hbm4b:s10+s3], $0x80, v3, vm0, $0xb8;
	[tilespmem:$0x10200] =	vst v63  }
0x3eb: {  	s13 =	simm.s32 $0xFA00  }
0x3ec: {  	[tilespmem:s13], [sflag:$0x2] =	stream.indirect_vreg.gather [hbm4b:s11+s3], $0x80, v3, vm0, $0xb8;
	[tilespmem:$0x10200] =	vst v63  }
0x3ed: {  	_ =	swait.ge [sflag:s25], $0x8000  }
0x3ee: {  	[sflag:s25] =	ssyncset.done $0x0  }
0x3ef: {  	s20 =	rddreg [dreg:$0x18];
	[sflag:s25] =	ssyncadd.s32 $0xFFFF8000  }
0x3f0: {  	[hbm4b:s20+s3] =	stream.linear.scatter [tilespmem:s14], [sflag:$0x3], $0x8000, $0x38;
	[tilespmem:$0x10200] =	vst v63  }
0x3f1: {  	_ =	swait.ge [sflag:s26], $0x8000  }
0x3f2: {  	[sflag:s26] =	ssyncset.done $0x0  }
0x3f3: {  	[sflag:s26] =	ssyncadd.s32 $0xFFFF8000  }
0x3f4: {  	v3 =	vld [tilespmem:$0x160];
	_ =	sdelay $0x4  }
0x3f5: {  	v54 =	vshll.u32 v3, $0x4  }
0x3f6: {  	v3 =	vand.u32 $0x7, v3;
	v4 =	vand.u32 $0xFFFFFF80, v54  }
0x3f7: {  	v3 =	vor.u32 v3, v4  }
0x3f8: {  	v4 =	vperm.xlane v3, v0;
	_ =	sdelay $0x1  }
0x3f9: {  	v4 =	vadd.s32 v1, v4;
	_ =	sdelay $0x4  }
0x3fa: {  	[tilespmem:s14], [sflag:$0x1] =	stream.indirect_vreg.gather [hbm4b:s2+s3], $0x80, v4, vm0, $0xb8;
	[tilespmem:$0x10200] =	vst v63  }
0x3fb: {  	s20 =	simm.s32 $0xA00  }
0x3fc: {  	[tilespmem:s20], [sflag:$0x1] =	stream.indirect_vreg.gather [hbm4b:s5+s3], $0x80, v4, vm0, $0xb8;
	[tilespmem:$0x10200] =	vst v63  }
0x3fd: {  	s20 =	simm.s32 $0x1200  }
0x3fe: {  	[tilespmem:s20], [sflag:$0x1] =	stream.indirect_vreg.gather [hbm4b:s6+s3], $0x80, v4, vm0, $0xb8;
	[tilespmem:$0x10200] =	vst v63  }
0x3ff: {  	s20 =	simm.s32 $0x1A00  }
0x400: {  	[tilespmem:s20], [sflag:$0x1] =	stream.indirect_vreg.gather [hbm4b:s7+s3], $0x80, v4, vm0, $0xb8;
	[tilespmem:$0x10200] =	vst v63  }
0x401: {  	s20 =	simm.s32 $0x2200  }
0x402: {  	[tilespmem:s20], [sflag:$0x1] =	stream.indirect_vreg.gather [hbm4b:s8+s3], $0x80, v4, vm0, $0xb8;
	[tilespmem:$0x10200] =	vst v63  }
0x403: {  	v3 =	vperm.xlane v3, v2;
	s20 =	simm.s32 $0x2A00  }
0x404: {  	[tilespmem:s20], [sflag:$0x1] =	stream.indirect_vreg.gather [hbm4b:s9+s3], $0x80, v4, vm0, $0xb8;
	[tilespmem:$0x10200] =	vst v63  }
0x405: {  	v3 =	vadd.s32 v1, v3;
	s20 =	simm.s32 $0x3200  }
0x406: {  	[tilespmem:s20], [sflag:$0x1] =	stream.indirect_vreg.gather [hbm4b:s10+s3], $0x80, v4, vm0, $0xb8;
	[tilespmem:$0x10200] =	vst v63  }
0x407: {  	s20 =	simm.s32 $0x3A00  }
0x408: {  	[tilespmem:s20], [sflag:$0x1] =	stream.indirect_vreg.gather [hbm4b:s11+s3], $0x80, v4, vm0, $0xb8;
	[tilespmem:$0x10200] =	vst v63  }
0x409: {  	s20 =	simm.s32 $0x4200  }
0x40a: {  	[tilespmem:s20], [sflag:$0x1] =	stream.indirect_vreg.gather [hbm4b:s2+s3], $0x80, v3, vm0, $0xb8;
	[tilespmem:$0x10200] =	vst v63  }
0x40b: {  	s20 =	simm.s32 $0x4A00  }
0x40c: {  	[tilespmem:s20], [sflag:$0x1] =	stream.indirect_vreg.gather [hbm4b:s5+s3], $0x80, v3, vm0, $0xb8;
	[tilespmem:$0x10200] =	vst v63  }
0x40d: {  	s20 =	simm.s32 $0x5200  }
0x40e: {  	[tilespmem:s20], [sflag:$0x1] =	stream.indirect_vreg.gather [hbm4b:s6+s3], $0x80, v3, vm0, $0xb8;
	[tilespmem:$0x10200] =	vst v63  }
0x40f: {  	s20 =	simm.s32 $0x5A00  }
0x410: {  	[tilespmem:s20], [sflag:$0x1] =	stream.indirect_vreg.gather [hbm4b:s7+s3], $0x80, v3, vm0, $0xb8;
	[tilespmem:$0x10200] =	vst v63  }
0x411: {  	s20 =	simm.s32 $0x6200  }
0x412: {  	[tilespmem:s20], [sflag:$0x1] =	stream.indirect_vreg.gather [hbm4b:s8+s3], $0x80, v3, vm0, $0xb8;
	[tilespmem:$0x10200] =	vst v63  }
0x413: {  	s20 =	simm.s32 $0x6A00  }
0x414: {  	[tilespmem:s20], [sflag:$0x1] =	stream.indirect_vreg.gather [hbm4b:s9+s3], $0x80, v3, vm0, $0xb8;
	[tilespmem:$0x10200] =	vst v63  }
0x415: {  	s20 =	simm.s32 $0x7200  }
0x416: {  	[tilespmem:s20], [sflag:$0x1] =	stream.indirect_vreg.gather [hbm4b:s10+s3], $0x80, v3, vm0, $0xb8;
	[tilespmem:$0x10200] =	vst v63  }
0x417: {  	s20 =	simm.s32 $0x7A00  }
0x418: {  	[tilespmem:s20], [sflag:$0x1] =	stream.indirect_vreg.gather [hbm4b:s11+s3], $0x80, v3, vm0, $0xb8;
	[tilespmem:$0x10200] =	vst v63  }
0x419: {  	_ =	swait.ge [sflag:s28], $0x8000  }
0x41a: {  	[sflag:s28] =	ssyncset.done $0x0  }
0x41b: {  	s20 =	rddreg [dreg:$0x19];
	[sflag:s28] =	ssyncadd.s32 $0xFFFF8000  }
0x41c: {  	[hbm4b:s20+s3] =	stream.linear.scatter [tilespmem:s31], [sflag:$0x4], $0x8000, $0x38;
	[tilespmem:$0x10200] =	vst v63  }
0x41d: {  	_ =	swait.ge [sflag:s29], $0x8000  }
0x41e: {  	[sflag:s29] =	ssyncset.done $0x0  }
0x41f: {  	[sflag:s29] =	ssyncadd.s32 $0xFFFF8000  }
0x420: {  	v3 =	vld [tilespmem:$0x170];
	_ =	sdelay $0x4  }
0x421: {  	v55 =	vshll.u32 v3, $0x4  }
0x422: {  	v3 =	vand.u32 $0x7, v3;
	v4 =	vand.u32 $0xFFFFFF80, v55  }
0x423: {  	v3 =	vor.u32 v3, v4  }
0x424: {  	v4 =	vperm.xlane v3, v0;
	_ =	sdelay $0x1  }
0x425: {  	v4 =	vadd.s32 v1, v4;
	_ =	sdelay $0x4  }
0x426: {  	[tilespmem:s31], [sflag:$0x2] =	stream.indirect_vreg.gather [hbm4b:s2+s3], $0x80, v4, vm0, $0xb8;
	[tilespmem:$0x10200] =	vst v63  }
0x427: {  	s19 =	simm.s32 $0x8A00  }
0x428: {  	[tilespmem:s19], [sflag:$0x2] =	stream.indirect_vreg.gather [hbm4b:s5+s3], $0x80, v4, vm0, $0xb8;
	[tilespmem:$0x10200] =	vst v63  }
0x429: {  	s23 =	simm.s32 $0x9200  }
0x42a: {  	[tilespmem:s23], [sflag:$0x2] =	stream.indirect_vreg.gather [hbm4b:s6+s3], $0x80, v4, vm0, $0xb8;
	[tilespmem:$0x10200] =	vst v63  }
0x42b: {  	s17 =	simm.s32 $0x9A00  }
0x42c: {  	[tilespmem:s17], [sflag:$0x2] =	stream.indirect_vreg.gather [hbm4b:s7+s3], $0x80, v4, vm0, $0xb8;
	[tilespmem:$0x10200] =	vst v63  }
0x42d: {  	s22 =	simm.s32 $0xA200  }
0x42e: {  	[tilespmem:s22], [sflag:$0x2] =	stream.indirect_vreg.gather [hbm4b:s8+s3], $0x80, v4, vm0, $0xb8;
	[tilespmem:$0x10200] =	vst v63  }
0x42f: {  	s21 =	simm.s32 $0xAA00;
	v3 =	vperm.xlane v3, v2  }
0x430: {  	[tilespmem:s21], [sflag:$0x2] =	stream.indirect_vreg.gather [hbm4b:s9+s3], $0x80, v4, vm0, $0xb8;
	[tilespmem:$0x10200] =	vst v63  }
0x431: {  	v3 =	vadd.s32 v1, v3;
	s23 =	simm.s32 $0xB200  }
0x432: {  	[tilespmem:s23], [sflag:$0x2] =	stream.indirect_vreg.gather [hbm4b:s10+s3], $0x80, v4, vm0, $0xb8;
	[tilespmem:$0x10200] =	vst v63  }
0x433: {  	s30 =	simm.s32 $0xBA00  }
0x434: {  	[tilespmem:s30], [sflag:$0x2] =	stream.indirect_vreg.gather [hbm4b:s11+s3], $0x80, v4, vm0, $0xb8;
	[tilespmem:$0x10200] =	vst v63  }
0x435: {  	s15 =	simm.s32 $0xC200  }
0x436: {  	[tilespmem:s15], [sflag:$0x2] =	stream.indirect_vreg.gather [hbm4b:s2+s3], $0x80, v3, vm0, $0xb8;
	[tilespmem:$0x10200] =	vst v63  }
0x437: {  	s1 =	simm.s32 $0xCA00  }
0x438: {  	[tilespmem:s1], [sflag:$0x2] =	stream.indirect_vreg.gather [hbm4b:s5+s3], $0x80, v3, vm0, $0xb8;
	[tilespmem:$0x10200] =	vst v63  }
0x439: {  	s4 =	simm.s32 $0xD200  }
0x43a: {  	[tilespmem:s4], [sflag:$0x2] =	stream.indirect_vreg.gather [hbm4b:s6+s3], $0x80, v3, vm0, $0xb8;
	[tilespmem:$0x10200] =	vst v63  }
0x43b: {  	s24 =	simm.s32 $0xDA00  }
0x43c: {  	[tilespmem:s24], [sflag:$0x2] =	stream.indirect_vreg.gather [hbm4b:s7+s3], $0x80, v3, vm0, $0xb8;
	[tilespmem:$0x10200] =	vst v63  }
0x43d: {  	s12 =	simm.s32 $0xE200  }
0x43e: {  	[tilespmem:s12], [sflag:$0x2] =	stream.indirect_vreg.gather [hbm4b:s8+s3], $0x80, v3, vm0, $0xb8;
	[tilespmem:$0x10200] =	vst v63  }
0x43f: {  	s16 =	simm.s32 $0xEA00  }
0x440: {  	[tilespmem:s16], [sflag:$0x2] =	stream.indirect_vreg.gather [hbm4b:s9+s3], $0x80, v3, vm0, $0xb8;
	[tilespmem:$0x10200] =	vst v63  }
0x441: {  	s18 =	simm.s32 $0xF200  }
0x442: {  	[tilespmem:s18], [sflag:$0x2] =	stream.indirect_vreg.gather [hbm4b:s10+s3], $0x80, v3, vm0, $0xb8;
	[tilespmem:$0x10200] =	vst v63  }
0x443: {  	s13 =	simm.s32 $0xFA00  }
0x444: {  	[tilespmem:s13], [sflag:$0x2] =	stream.indirect_vreg.gather [hbm4b:s11+s3], $0x80, v3, vm0, $0xb8;
	[tilespmem:$0x10200] =	vst v63  }
0x445: {  	_ =	swait.ge [sflag:s25], $0x8000  }
0x446: {  	[sflag:s25] =	ssyncset.done $0x0  }
0x447: {  	s13 =	rddreg [dreg:$0x1a];
	[sflag:s25] =	ssyncadd.s32 $0xFFFF8000  }
0x448: {  	[hbm4b:s13+s3] =	stream.linear.scatter [tilespmem:s14], [sflag:$0x3], $0x8000, $0x38;
	[tilespmem:$0x10200] =	vst v63  }
0x449: {  	_ =	swait.ge [sflag:s26], $0x8000  }
0x44a: {  	[sflag:s26] =	ssyncset.done $0x0  }
0x44b: {  	[sflag:s26] =	ssyncadd.s32 $0xFFFF8000  }
0x44c: {  	v3 =	vld [tilespmem:$0x180];
	_ =	sdelay $0x4  }
0x44d: {  	v56 =	vshll.u32 v3, $0x4  }
0x44e: {  	v3 =	vand.u32 $0x7, v3;
	v4 =	vand.u32 $0xFFFFFF80, v56  }
0x44f: {  	v3 =	vor.u32 v3, v4  }
0x450: {  	v4 =	vperm.xlane v3, v0;
	_ =	sdelay $0x1  }
0x451: {  	v4 =	vadd.s32 v1, v4;
	_ =	sdelay $0x4  }
0x452: {  	[tilespmem:s14], [sflag:$0x1] =	stream.indirect_vreg.gather [hbm4b:s2+s3], $0x80, v4, vm0, $0xb8;
	[tilespmem:$0x10200] =	vst v63  }
0x453: {  	s24 =	simm.s32 $0xA00  }
0x454: {  	[tilespmem:s24], [sflag:$0x1] =	stream.indirect_vreg.gather [hbm4b:s5+s3], $0x80, v4, vm0, $0xb8;
	[tilespmem:$0x10200] =	vst v63  }
0x455: {  	s13 =	simm.s32 $0x1200  }
0x456: {  	[tilespmem:s13], [sflag:$0x1] =	stream.indirect_vreg.gather [hbm4b:s6+s3], $0x80, v4, vm0, $0xb8;
	[tilespmem:$0x10200] =	vst v63  }
0x457: {  	s13 =	simm.s32 $0x1A00  }
0x458: {  	[tilespmem:s13], [sflag:$0x1] =	stream.indirect_vreg.gather [hbm4b:s7+s3], $0x80, v4, vm0, $0xb8;
	[tilespmem:$0x10200] =	vst v63  }
0x459: {  	s13 =	simm.s32 $0x2200  }
0x45a: {  	[tilespmem:s13], [sflag:$0x1] =	stream.indirect_vreg.gather [hbm4b:s8+s3], $0x80, v4, vm0, $0xb8;
	[tilespmem:$0x10200] =	vst v63  }
0x45b: {  	v3 =	vperm.xlane v3, v2;
	s13 =	simm.s32 $0x2A00  }
0x45c: {  	[tilespmem:s13], [sflag:$0x1] =	stream.indirect_vreg.gather [hbm4b:s9+s3], $0x80, v4, vm0, $0xb8;
	[tilespmem:$0x10200] =	vst v63  }
0x45d: {  	v3 =	vadd.s32 v1, v3;
	s13 =	simm.s32 $0x3200  }
0x45e: {  	[tilespmem:s13], [sflag:$0x1] =	stream.indirect_vreg.gather [hbm4b:s10+s3], $0x80, v4, vm0, $0xb8;
	[tilespmem:$0x10200] =	vst v63  }
0x45f: {  	s13 =	simm.s32 $0x3A00  }
0x460: {  	[tilespmem:s13], [sflag:$0x1] =	stream.indirect_vreg.gather [hbm4b:s11+s3], $0x80, v4, vm0, $0xb8;
	[tilespmem:$0x10200] =	vst v63  }
0x461: {  	s13 =	simm.s32 $0x4200  }
0x462: {  	[tilespmem:s13], [sflag:$0x1] =	stream.indirect_vreg.gather [hbm4b:s2+s3], $0x80, v3, vm0, $0xb8;
	[tilespmem:$0x10200] =	vst v63  }
0x463: {  	s13 =	simm.s32 $0x4A00  }
0x464: {  	[tilespmem:s13], [sflag:$0x1] =	stream.indirect_vreg.gather [hbm4b:s5+s3], $0x80, v3, vm0, $0xb8;
	[tilespmem:$0x10200] =	vst v63  }
0x465: {  	s13 =	simm.s32 $0x5200  }
0x466: {  	[tilespmem:s13], [sflag:$0x1] =	stream.indirect_vreg.gather [hbm4b:s6+s3], $0x80, v3, vm0, $0xb8;
	[tilespmem:$0x10200] =	vst v63  }
0x467: {  	s13 =	simm.s32 $0x5A00  }
0x468: {  	[tilespmem:s13], [sflag:$0x1] =	stream.indirect_vreg.gather [hbm4b:s7+s3], $0x80, v3, vm0, $0xb8;
	[tilespmem:$0x10200] =	vst v63  }
0x469: {  	s13 =	simm.s32 $0x6200  }
0x46a: {  	[tilespmem:s13], [sflag:$0x1] =	stream.indirect_vreg.gather [hbm4b:s8+s3], $0x80, v3, vm0, $0xb8;
	[tilespmem:$0x10200] =	vst v63  }
0x46b: {  	s13 =	simm.s32 $0x6A00  }
0x46c: {  	[tilespmem:s13], [sflag:$0x1] =	stream.indirect_vreg.gather [hbm4b:s9+s3], $0x80, v3, vm0, $0xb8;
	[tilespmem:$0x10200] =	vst v63  }
0x46d: {  	s13 =	simm.s32 $0x7200  }
0x46e: {  	[tilespmem:s13], [sflag:$0x1] =	stream.indirect_vreg.gather [hbm4b:s10+s3], $0x80, v3, vm0, $0xb8;
	[tilespmem:$0x10200] =	vst v63  }
0x46f: {  	s13 =	simm.s32 $0x7A00  }
0x470: {  	[tilespmem:s13], [sflag:$0x1] =	stream.indirect_vreg.gather [hbm4b:s11+s3], $0x80, v3, vm0, $0xb8;
	[tilespmem:$0x10200] =	vst v63  }
0x471: {  	_ =	swait.ge [sflag:s28], $0x8000  }
0x472: {  	[sflag:s28] =	ssyncset.done $0x0  }
0x473: {  	s13 =	rddreg [dreg:$0x1b];
	[sflag:s28] =	ssyncadd.s32 $0xFFFF8000  }
0x474: {  	[hbm4b:s13+s3] =	stream.linear.scatter [tilespmem:s31], [sflag:$0x4], $0x8000, $0x38;
	[tilespmem:$0x10200] =	vst v63  }
0x475: {  	_ =	swait.ge [sflag:s29], $0x8000  }
0x476: {  	[sflag:s29] =	ssyncset.done $0x0  }
0x477: {  	[sflag:s29] =	ssyncadd.s32 $0xFFFF8000  }
0x478: {  	v3 =	vld [tilespmem:$0x190];
	_ =	sdelay $0x4  }
0x479: {  	v57 =	vshll.u32 v3, $0x4  }
0x47a: {  	v3 =	vand.u32 $0x7, v3;
	v4 =	vand.u32 $0xFFFFFF80, v57  }
0x47b: {  	v3 =	vor.u32 v3, v4  }
0x47c: {  	v4 =	vperm.xlane v3, v0;
	_ =	sdelay $0x1  }
0x47d: {  	v4 =	vadd.s32 v1, v4;
	_ =	sdelay $0x4  }
0x47e: {  	[tilespmem:s31], [sflag:$0x2] =	stream.indirect_vreg.gather [hbm4b:s2+s3], $0x80, v4, vm0, $0xb8;
	[tilespmem:$0x10200] =	vst v63  }
0x47f: {  	s20 =	simm.s32 $0x8A00  }
0x480: {  	[tilespmem:s20], [sflag:$0x2] =	stream.indirect_vreg.gather [hbm4b:s5+s3], $0x80, v4, vm0, $0xb8;
	[tilespmem:$0x10200] =	vst v63  }
0x481: {  	s20 =	simm.s32 $0x9200  }
0x482: {  	[tilespmem:s20], [sflag:$0x2] =	stream.indirect_vreg.gather [hbm4b:s6+s3], $0x80, v4, vm0, $0xb8;
	[tilespmem:$0x10200] =	vst v63  }
0x483: {  	s17 =	simm.s32 $0x9A00  }
0x484: {  	[tilespmem:s17], [sflag:$0x2] =	stream.indirect_vreg.gather [hbm4b:s7+s3], $0x80, v4, vm0, $0xb8;
	[tilespmem:$0x10200] =	vst v63  }
0x485: {  	s22 =	simm.s32 $0xA200  }
0x486: {  	[tilespmem:s22], [sflag:$0x2] =	stream.indirect_vreg.gather [hbm4b:s8+s3], $0x80, v4, vm0, $0xb8;
	[tilespmem:$0x10200] =	vst v63  }
0x487: {  	s19 =	simm.s32 $0xAA00;
	v3 =	vperm.xlane v3, v2  }
0x488: {  	[tilespmem:s19], [sflag:$0x2] =	stream.indirect_vreg.gather [hbm4b:s9+s3], $0x80, v4, vm0, $0xb8;
	[tilespmem:$0x10200] =	vst v63  }
0x489: {  	s0 =	simm.s32 $0xB200;
	v3 =	vadd.s32 v1, v3  }
0x48a: {  	[tilespmem:s0], [sflag:$0x2] =	stream.indirect_vreg.gather [hbm4b:s10+s3], $0x80, v4, vm0, $0xb8;
	[tilespmem:$0x10200] =	vst v63  }
0x48b: {  	s21 =	simm.s32 $0xBA00  }
0x48c: {  	[tilespmem:s21], [sflag:$0x2] =	stream.indirect_vreg.gather [hbm4b:s11+s3], $0x80, v4, vm0, $0xb8;
	[tilespmem:$0x10200] =	vst v63  }
0x48d: {  	s30 =	simm.s32 $0xC200  }
0x48e: {  	[tilespmem:s30], [sflag:$0x2] =	stream.indirect_vreg.gather [hbm4b:s2+s3], $0x80, v3, vm0, $0xb8;
	[tilespmem:$0x10200] =	vst v63  }
0x48f: {  	s15 =	simm.s32 $0xCA00  }
0x490: {  	[tilespmem:s15], [sflag:$0x2] =	stream.indirect_vreg.gather [hbm4b:s5+s3], $0x80, v3, vm0, $0xb8;
	[tilespmem:$0x10200] =	vst v63  }
0x491: {  	s1 =	simm.s32 $0xD200  }
0x492: {  	[tilespmem:s1], [sflag:$0x2] =	stream.indirect_vreg.gather [hbm4b:s6+s3], $0x80, v3, vm0, $0xb8;
	[tilespmem:$0x10200] =	vst v63  }
0x493: {  	s23 =	simm.s32 $0xDA00  }
0x494: {  	[tilespmem:s23], [sflag:$0x2] =	stream.indirect_vreg.gather [hbm4b:s7+s3], $0x80, v3, vm0, $0xb8;
	[tilespmem:$0x10200] =	vst v63  }
0x495: {  	s4 =	simm.s32 $0xE200  }
0x496: {  	[tilespmem:s4], [sflag:$0x2] =	stream.indirect_vreg.gather [hbm4b:s8+s3], $0x80, v3, vm0, $0xb8;
	[tilespmem:$0x10200] =	vst v63  }
0x497: {  	s16 =	simm.s32 $0xEA00  }
0x498: {  	[tilespmem:s16], [sflag:$0x2] =	stream.indirect_vreg.gather [hbm4b:s9+s3], $0x80, v3, vm0, $0xb8;
	[tilespmem:$0x10200] =	vst v63  }
0x499: {  	s18 =	simm.s32 $0xF200  }
0x49a: {  	[tilespmem:s18], [sflag:$0x2] =	stream.indirect_vreg.gather [hbm4b:s10+s3], $0x80, v3, vm0, $0xb8;
	[tilespmem:$0x10200] =	vst v63  }
0x49b: {  	s12 =	simm.s32 $0xFA00  }
0x49c: {  	[tilespmem:s12], [sflag:$0x2] =	stream.indirect_vreg.gather [hbm4b:s11+s3], $0x80, v3, vm0, $0xb8;
	[tilespmem:$0x10200] =	vst v63  }
0x49d: {  	_ =	swait.ge [sflag:s25], $0x8000  }
0x49e: {  	[sflag:s25] =	ssyncset.done $0x0  }
0x49f: {  	s23 =	rddreg [dreg:$0x1c];
	[sflag:s25] =	ssyncadd.s32 $0xFFFF8000  }
0x4a0: {  	[hbm4b:s23+s3] =	stream.linear.scatter [tilespmem:s14], [sflag:$0x3], $0x8000, $0x38;
	[tilespmem:$0x10200] =	vst v63  }
0x4a1: {  	_ =	swait.ge [sflag:s26], $0x8000  }
0x4a2: {  	[sflag:s26] =	ssyncset.done $0x0  }
0x4a3: {  	[sflag:s26] =	ssyncadd.s32 $0xFFFF8000  }
0x4a4: {  	v3 =	vld [tilespmem:$0x1A0];
	_ =	sdelay $0x4  }
0x4a5: {  	v58 =	vshll.u32 v3, $0x4  }
0x4a6: {  	v3 =	vand.u32 $0x7, v3;
	v4 =	vand.u32 $0xFFFFFF80, v58  }
0x4a7: {  	v3 =	vor.u32 v3, v4  }
0x4a8: {  	v4 =	vperm.xlane v3, v0;
	_ =	sdelay $0x1  }
0x4a9: {  	v4 =	vadd.s32 v1, v4;
	_ =	sdelay $0x4  }
0x4aa: {  	[tilespmem:s14], [sflag:$0x1] =	stream.indirect_vreg.gather [hbm4b:s2+s3], $0x80, v4, vm0, $0xb8;
	[tilespmem:$0x10200] =	vst v63  }
0x4ab: {  	s24 =	simm.s32 $0xA00  }
0x4ac: {  	[tilespmem:s24], [sflag:$0x1] =	stream.indirect_vreg.gather [hbm4b:s5+s3], $0x80, v4, vm0, $0xb8;
	[tilespmem:$0x10200] =	vst v63  }
0x4ad: {  	s24 =	simm.s32 $0x1200  }
0x4ae: {  	[tilespmem:s24], [sflag:$0x1] =	stream.indirect_vreg.gather [hbm4b:s6+s3], $0x80, v4, vm0, $0xb8;
	[tilespmem:$0x10200] =	vst v63  }
0x4af: {  	s24 =	simm.s32 $0x1A00  }
0x4b0: {  	[tilespmem:s24], [sflag:$0x1] =	stream.indirect_vreg.gather [hbm4b:s7+s3], $0x80, v4, vm0, $0xb8;
	[tilespmem:$0x10200] =	vst v63  }
0x4b1: {  	s24 =	simm.s32 $0x2200  }
0x4b2: {  	[tilespmem:s24], [sflag:$0x1] =	stream.indirect_vreg.gather [hbm4b:s8+s3], $0x80, v4, vm0, $0xb8;
	[tilespmem:$0x10200] =	vst v63  }
0x4b3: {  	v3 =	vperm.xlane v3, v2;
	s24 =	simm.s32 $0x2A00  }
0x4b4: {  	[tilespmem:s24], [sflag:$0x1] =	stream.indirect_vreg.gather [hbm4b:s9+s3], $0x80, v4, vm0, $0xb8;
	[tilespmem:$0x10200] =	vst v63  }
0x4b5: {  	v3 =	vadd.s32 v1, v3;
	s24 =	simm.s32 $0x3200  }
0x4b6: {  	[tilespmem:s24], [sflag:$0x1] =	stream.indirect_vreg.gather [hbm4b:s10+s3], $0x80, v4, vm0, $0xb8;
	[tilespmem:$0x10200] =	vst v63  }
0x4b7: {  	s24 =	simm.s32 $0x3A00  }
0x4b8: {  	[tilespmem:s24], [sflag:$0x1] =	stream.indirect_vreg.gather [hbm4b:s11+s3], $0x80, v4, vm0, $0xb8;
	[tilespmem:$0x10200] =	vst v63  }
0x4b9: {  	s24 =	simm.s32 $0x4200  }
0x4ba: {  	[tilespmem:s24], [sflag:$0x1] =	stream.indirect_vreg.gather [hbm4b:s2+s3], $0x80, v3, vm0, $0xb8;
	[tilespmem:$0x10200] =	vst v63  }
0x4bb: {  	s24 =	simm.s32 $0x4A00  }
0x4bc: {  	[tilespmem:s24], [sflag:$0x1] =	stream.indirect_vreg.gather [hbm4b:s5+s3], $0x80, v3, vm0, $0xb8;
	[tilespmem:$0x10200] =	vst v63  }
0x4bd: {  	s24 =	simm.s32 $0x5200  }
0x4be: {  	[tilespmem:s24], [sflag:$0x1] =	stream.indirect_vreg.gather [hbm4b:s6+s3], $0x80, v3, vm0, $0xb8;
	[tilespmem:$0x10200] =	vst v63  }
0x4bf: {  	s24 =	simm.s32 $0x5A00  }
0x4c0: {  	[tilespmem:s24], [sflag:$0x1] =	stream.indirect_vreg.gather [hbm4b:s7+s3], $0x80, v3, vm0, $0xb8;
	[tilespmem:$0x10200] =	vst v63  }
0x4c1: {  	s24 =	simm.s32 $0x6200  }
0x4c2: {  	[tilespmem:s24], [sflag:$0x1] =	stream.indirect_vreg.gather [hbm4b:s8+s3], $0x80, v3, vm0, $0xb8;
	[tilespmem:$0x10200] =	vst v63  }
0x4c3: {  	s24 =	simm.s32 $0x6A00  }
0x4c4: {  	[tilespmem:s24], [sflag:$0x1] =	stream.indirect_vreg.gather [hbm4b:s9+s3], $0x80, v3, vm0, $0xb8;
	[tilespmem:$0x10200] =	vst v63  }
0x4c5: {  	s24 =	simm.s32 $0x7200  }
0x4c6: {  	[tilespmem:s24], [sflag:$0x1] =	stream.indirect_vreg.gather [hbm4b:s10+s3], $0x80, v3, vm0, $0xb8;
	[tilespmem:$0x10200] =	vst v63  }
0x4c7: {  	s24 =	simm.s32 $0x7A00  }
0x4c8: {  	[tilespmem:s24], [sflag:$0x1] =	stream.indirect_vreg.gather [hbm4b:s11+s3], $0x80, v3, vm0, $0xb8;
	[tilespmem:$0x10200] =	vst v63  }
0x4c9: {  	_ =	swait.ge [sflag:s28], $0x8000  }
0x4ca: {  	[sflag:s28] =	ssyncset.done $0x0  }
0x4cb: {  	s24 =	rddreg [dreg:$0x1d];
	[sflag:s28] =	ssyncadd.s32 $0xFFFF8000  }
0x4cc: {  	[hbm4b:s24+s3] =	stream.linear.scatter [tilespmem:s31], [sflag:$0x4], $0x8000, $0x38;
	[tilespmem:$0x10200] =	vst v63  }
0x4cd: {  	_ =	swait.ge [sflag:s29], $0x8000  }
0x4ce: {  	[sflag:s29] =	ssyncset.done $0x0  }
0x4cf: {  	[sflag:s29] =	ssyncadd.s32 $0xFFFF8000  }
0x4d0: {  	v3 =	vld [tilespmem:$0x1B0];
	_ =	sdelay $0x4  }
0x4d1: {  	v59 =	vshll.u32 v3, $0x4  }
0x4d2: {  	v3 =	vand.u32 $0x7, v3;
	v4 =	vand.u32 $0xFFFFFF80, v59  }
0x4d3: {  	v3 =	vor.u32 v3, v4  }
0x4d4: {  	v4 =	vperm.xlane v3, v0;
	_ =	sdelay $0x1  }
0x4d5: {  	v4 =	vadd.s32 v1, v4;
	_ =	sdelay $0x4  }
0x4d6: {  	[tilespmem:s31], [sflag:$0x2] =	stream.indirect_vreg.gather [hbm4b:s2+s3], $0x80, v4, vm0, $0xb8;
	[tilespmem:$0x10200] =	vst v63  }
0x4d7: {  	s13 =	simm.s32 $0x8A00  }
0x4d8: {  	[tilespmem:s13], [sflag:$0x2] =	stream.indirect_vreg.gather [hbm4b:s5+s3], $0x80, v4, vm0, $0xb8;
	[tilespmem:$0x10200] =	vst v63  }
0x4d9: {  	s20 =	simm.s32 $0x9200  }
0x4da: {  	[tilespmem:s20], [sflag:$0x2] =	stream.indirect_vreg.gather [hbm4b:s6+s3], $0x80, v4, vm0, $0xb8;
	[tilespmem:$0x10200] =	vst v63  }
0x4db: {  	s17 =	simm.s32 $0x9A00  }
0x4dc: {  	[tilespmem:s17], [sflag:$0x2] =	stream.indirect_vreg.gather [hbm4b:s7+s3], $0x80, v4, vm0, $0xb8;
	[tilespmem:$0x10200] =	vst v63  }
0x4dd: {  	s22 =	simm.s32 $0xA200  }
0x4de: {  	[tilespmem:s22], [sflag:$0x2] =	stream.indirect_vreg.gather [hbm4b:s8+s3], $0x80, v4, vm0, $0xb8;
	[tilespmem:$0x10200] =	vst v63  }
0x4df: {  	s19 =	simm.s32 $0xAA00;
	v3 =	vperm.xlane v3, v2  }
0x4e0: {  	[tilespmem:s19], [sflag:$0x2] =	stream.indirect_vreg.gather [hbm4b:s9+s3], $0x80, v4, vm0, $0xb8;
	[tilespmem:$0x10200] =	vst v63  }
0x4e1: {  	v3 =	vadd.s32 v1, v3;
	s20 =	simm.s32 $0xB200  }
0x4e2: {  	[tilespmem:s20], [sflag:$0x2] =	stream.indirect_vreg.gather [hbm4b:s10+s3], $0x80, v4, vm0, $0xb8;
	[tilespmem:$0x10200] =	vst v63  }
0x4e3: {  	s24 =	simm.s32 $0xBA00  }
0x4e4: {  	[tilespmem:s24], [sflag:$0x2] =	stream.indirect_vreg.gather [hbm4b:s11+s3], $0x80, v4, vm0, $0xb8;
	[tilespmem:$0x10200] =	vst v63  }
0x4e5: {  	s21 =	simm.s32 $0xC200  }
0x4e6: {  	[tilespmem:s21], [sflag:$0x2] =	stream.indirect_vreg.gather [hbm4b:s2+s3], $0x80, v3, vm0, $0xb8;
	[tilespmem:$0x10200] =	vst v63  }
0x4e7: {  	s15 =	simm.s32 $0xCA00  }
0x4e8: {  	[tilespmem:s15], [sflag:$0x2] =	stream.indirect_vreg.gather [hbm4b:s5+s3], $0x80, v3, vm0, $0xb8;
	[tilespmem:$0x10200] =	vst v63  }
0x4e9: {  	s30 =	simm.s32 $0xD200  }
0x4ea: {  	[tilespmem:s30], [sflag:$0x2] =	stream.indirect_vreg.gather [hbm4b:s6+s3], $0x80, v3, vm0, $0xb8;
	[tilespmem:$0x10200] =	vst v63  }
0x4eb: {  	s1 =	simm.s32 $0xDA00  }
0x4ec: {  	[tilespmem:s1], [sflag:$0x2] =	stream.indirect_vreg.gather [hbm4b:s7+s3], $0x80, v3, vm0, $0xb8;
	[tilespmem:$0x10200] =	vst v63  }
0x4ed: {  	s4 =	simm.s32 $0xE200  }
0x4ee: {  	[tilespmem:s4], [sflag:$0x2] =	stream.indirect_vreg.gather [hbm4b:s8+s3], $0x80, v3, vm0, $0xb8;
	[tilespmem:$0x10200] =	vst v63  }
0x4ef: {  	s16 =	simm.s32 $0xEA00  }
0x4f0: {  	[tilespmem:s16], [sflag:$0x2] =	stream.indirect_vreg.gather [hbm4b:s9+s3], $0x80, v3, vm0, $0xb8;
	[tilespmem:$0x10200] =	vst v63  }
0x4f1: {  	s18 =	simm.s32 $0xF200  }
0x4f2: {  	[tilespmem:s18], [sflag:$0x2] =	stream.indirect_vreg.gather [hbm4b:s10+s3], $0x80, v3, vm0, $0xb8;
	[tilespmem:$0x10200] =	vst v63  }
0x4f3: {  	s12 =	simm.s32 $0xFA00  }
0x4f4: {  	[tilespmem:s12], [sflag:$0x2] =	stream.indirect_vreg.gather [hbm4b:s11+s3], $0x80, v3, vm0, $0xb8;
	[tilespmem:$0x10200] =	vst v63  }
0x4f5: {  	_ =	swait.ge [sflag:s25], $0x8000  }
0x4f6: {  	[sflag:s25] =	ssyncset.done $0x0  }
0x4f7: {  	s18 =	rddreg [dreg:$0x1e];
	[sflag:s25] =	ssyncadd.s32 $0xFFFF8000  }
0x4f8: {  	[hbm4b:s18+s3] =	stream.linear.scatter [tilespmem:s14], [sflag:$0x3], $0x8000, $0x38;
	[tilespmem:$0x10200] =	vst v63  }
0x4f9: {  	_ =	swait.ge [sflag:s26], $0x8000  }
0x4fa: {  	[sflag:s26] =	ssyncset.done $0x0  }
0x4fb: {  	[sflag:s26] =	ssyncadd.s32 $0xFFFF8000  }
0x4fc: {  	v3 =	vld [tilespmem:$0x1C0];
	_ =	sdelay $0x4  }
0x4fd: {  	v60 =	vshll.u32 v3, $0x4  }
0x4fe: {  	v3 =	vand.u32 $0x7, v3;
	v4 =	vand.u32 $0xFFFFFF80, v60  }
0x4ff: {  	v3 =	vor.u32 v3, v4  }
0x500: {  	v4 =	vperm.xlane v3, v0;
	_ =	sdelay $0x1  }
0x501: {  	v4 =	vadd.s32 v1, v4;
	_ =	sdelay $0x4  }
0x502: {  	[tilespmem:s14], [sflag:$0x1] =	stream.indirect_vreg.gather [hbm4b:s2+s3], $0x80, v4, vm0, $0xb8;
	[tilespmem:$0x10200] =	vst v63  }
0x503: {  	s23 =	simm.s32 $0xA00  }
0x504: {  	[tilespmem:s23], [sflag:$0x1] =	stream.indirect_vreg.gather [hbm4b:s5+s3], $0x80, v4, vm0, $0xb8;
	[tilespmem:$0x10200] =	vst v63  }
0x505: {  	s30 =	simm.s32 $0x1200  }
0x506: {  	[tilespmem:s30], [sflag:$0x1] =	stream.indirect_vreg.gather [hbm4b:s6+s3], $0x80, v4, vm0, $0xb8;
	[tilespmem:$0x10200] =	vst v63  }
0x507: {  	s1 =	simm.s32 $0x1A00  }
0x508: {  	[tilespmem:s1], [sflag:$0x1] =	stream.indirect_vreg.gather [hbm4b:s7+s3], $0x80, v4, vm0, $0xb8;
	[tilespmem:$0x10200] =	vst v63  }
0x509: {  	s12 =	simm.s32 $0x2200  }
0x50a: {  	[tilespmem:s12], [sflag:$0x1] =	stream.indirect_vreg.gather [hbm4b:s8+s3], $0x80, v4, vm0, $0xb8;
	[tilespmem:$0x10200] =	vst v63  }
0x50b: {  	v3 =	vperm.xlane v3, v2;
	s23 =	simm.s32 $0x2A00  }
0x50c: {  	[tilespmem:s23], [sflag:$0x1] =	stream.indirect_vreg.gather [hbm4b:s9+s3], $0x80, v4, vm0, $0xb8;
	[tilespmem:$0x10200] =	vst v63  }
0x50d: {  	v3 =	vadd.s32 v1, v3;
	s30 =	simm.s32 $0x3200  }
0x50e: {  	[tilespmem:s30], [sflag:$0x1] =	stream.indirect_vreg.gather [hbm4b:s10+s3], $0x80, v4, vm0, $0xb8;
	[tilespmem:$0x10200] =	vst v63  }
0x50f: {  	s1 =	simm.s32 $0x3A00  }
0x510: {  	[tilespmem:s1], [sflag:$0x1] =	stream.indirect_vreg.gather [hbm4b:s11+s3], $0x80, v4, vm0, $0xb8;
	[tilespmem:$0x10200] =	vst v63  }
0x511: {  	s12 =	simm.s32 $0x4200  }
0x512: {  	[tilespmem:s12], [sflag:$0x1] =	stream.indirect_vreg.gather [hbm4b:s2+s3], $0x80, v3, vm0, $0xb8;
	[tilespmem:$0x10200] =	vst v63  }
0x513: {  	s23 =	simm.s32 $0x4A00  }
0x514: {  	[tilespmem:s23], [sflag:$0x1] =	stream.indirect_vreg.gather [hbm4b:s5+s3], $0x80, v3, vm0, $0xb8;
	[tilespmem:$0x10200] =	vst v63  }
0x515: {  	s30 =	simm.s32 $0x5200  }
0x516: {  	[tilespmem:s30], [sflag:$0x1] =	stream.indirect_vreg.gather [hbm4b:s6+s3], $0x80, v3, vm0, $0xb8;
	[tilespmem:$0x10200] =	vst v63  }
0x517: {  	s1 =	simm.s32 $0x5A00  }
0x518: {  	[tilespmem:s1], [sflag:$0x1] =	stream.indirect_vreg.gather [hbm4b:s7+s3], $0x80, v3, vm0, $0xb8;
	[tilespmem:$0x10200] =	vst v63  }
0x519: {  	s12 =	simm.s32 $0x6200  }
0x51a: {  	[tilespmem:s12], [sflag:$0x1] =	stream.indirect_vreg.gather [hbm4b:s8+s3], $0x80, v3, vm0, $0xb8;
	[tilespmem:$0x10200] =	vst v63  }
0x51b: {  	s23 =	simm.s32 $0x6A00  }
0x51c: {  	[tilespmem:s23], [sflag:$0x1] =	stream.indirect_vreg.gather [hbm4b:s9+s3], $0x80, v3, vm0, $0xb8;
	[tilespmem:$0x10200] =	vst v63  }
0x51d: {  	s30 =	simm.s32 $0x7200  }
0x51e: {  	[tilespmem:s30], [sflag:$0x1] =	stream.indirect_vreg.gather [hbm4b:s10+s3], $0x80, v3, vm0, $0xb8;
	[tilespmem:$0x10200] =	vst v63  }
0x51f: {  	s1 =	simm.s32 $0x7A00  }
0x520: {  	[tilespmem:s1], [sflag:$0x1] =	stream.indirect_vreg.gather [hbm4b:s11+s3], $0x80, v3, vm0, $0xb8;
	[tilespmem:$0x10200] =	vst v63  }
0x521: {  	_ =	swait.ge [sflag:s28], $0x8000  }
0x522: {  	[sflag:s28] =	ssyncset.done $0x0  }
0x523: {  	s12 =	rddreg [dreg:$0x1f];
	[sflag:s28] =	ssyncadd.s32 $0xFFFF8000  }
0x524: {  	[hbm4b:s12+s3] =	stream.linear.scatter [tilespmem:s31], [sflag:$0x4], $0x8000, $0x38;
	[tilespmem:$0x10200] =	vst v63  }
0x525: {  	_ =	swait.ge [sflag:s29], $0x8000  }
0x526: {  	[sflag:s29] =	ssyncset.done $0x0  }
0x527: {  	[sflag:s29] =	ssyncadd.s32 $0xFFFF8000  }
0x528: {  	v3 =	vld [tilespmem:$0x1D0];
	_ =	sdelay $0x4  }
0x529: {  	v61 =	vshll.u32 v3, $0x4  }
0x52a: {  	v3 =	vand.u32 $0x7, v3;
	v4 =	vand.u32 $0xFFFFFF80, v61  }
0x52b: {  	v3 =	vor.u32 v3, v4  }
0x52c: {  	v4 =	vperm.xlane v3, v0;
	_ =	sdelay $0x1  }
0x52d: {  	v4 =	vadd.s32 v1, v4;
	_ =	sdelay $0x4  }
0x52e: {  	[tilespmem:s31], [sflag:$0x2] =	stream.indirect_vreg.gather [hbm4b:s2+s3], $0x80, v4, vm0, $0xb8;
	[tilespmem:$0x10200] =	vst v63  }
0x52f: {  	s13 =	simm.s32 $0x8A00  }
0x530: {  	[tilespmem:s13], [sflag:$0x2] =	stream.indirect_vreg.gather [hbm4b:s5+s3], $0x80, v4, vm0, $0xb8;
	[tilespmem:$0x10200] =	vst v63  }
0x531: {  	s13 =	simm.s32 $0x9200  }
0x532: {  	[tilespmem:s13], [sflag:$0x2] =	stream.indirect_vreg.gather [hbm4b:s6+s3], $0x80, v4, vm0, $0xb8;
	[tilespmem:$0x10200] =	vst v63  }
0x533: {  	s17 =	simm.s32 $0x9A00  }
0x534: {  	[tilespmem:s17], [sflag:$0x2] =	stream.indirect_vreg.gather [hbm4b:s7+s3], $0x80, v4, vm0, $0xb8;
	[tilespmem:$0x10200] =	vst v63  }
0x535: {  	s22 =	simm.s32 $0xA200  }
0x536: {  	[tilespmem:s22], [sflag:$0x2] =	stream.indirect_vreg.gather [hbm4b:s8+s3], $0x80, v4, vm0, $0xb8;
	[tilespmem:$0x10200] =	vst v63  }
0x537: {  	s19 =	simm.s32 $0xAA00;
	v3 =	vperm.xlane v3, v2  }
0x538: {  	[tilespmem:s19], [sflag:$0x2] =	stream.indirect_vreg.gather [hbm4b:s9+s3], $0x80, v4, vm0, $0xb8;
	[tilespmem:$0x10200] =	vst v63  }
0x539: {  	v3 =	vadd.s32 v1, v3;
	s19 =	simm.s32 $0xB200  }
0x53a: {  	[tilespmem:s19], [sflag:$0x2] =	stream.indirect_vreg.gather [hbm4b:s10+s3], $0x80, v4, vm0, $0xb8;
	[tilespmem:$0x10200] =	vst v63  }
0x53b: {  	s20 =	simm.s32 $0xBA00  }
0x53c: {  	[tilespmem:s20], [sflag:$0x2] =	stream.indirect_vreg.gather [hbm4b:s11+s3], $0x80, v4, vm0, $0xb8;
	[tilespmem:$0x10200] =	vst v63  }
0x53d: {  	s21 =	simm.s32 $0xC200  }
0x53e: {  	[tilespmem:s21], [sflag:$0x2] =	stream.indirect_vreg.gather [hbm4b:s2+s3], $0x80, v3, vm0, $0xb8;
	[tilespmem:$0x10200] =	vst v63  }
0x53f: {  	s15 =	simm.s32 $0xCA00  }
0x540: {  	[tilespmem:s15], [sflag:$0x2] =	stream.indirect_vreg.gather [hbm4b:s5+s3], $0x80, v3, vm0, $0xb8;
	[tilespmem:$0x10200] =	vst v63  }
0x541: {  	s21 =	simm.s32 $0xD200  }
0x542: {  	[tilespmem:s21], [sflag:$0x2] =	stream.indirect_vreg.gather [hbm4b:s6+s3], $0x80, v3, vm0, $0xb8;
	[tilespmem:$0x10200] =	vst v63  }
0x543: {  	s22 =	simm.s32 $0xDA00  }
0x544: {  	[tilespmem:s22], [sflag:$0x2] =	stream.indirect_vreg.gather [hbm4b:s7+s3], $0x80, v3, vm0, $0xb8;
	[tilespmem:$0x10200] =	vst v63  }
0x545: {  	s4 =	simm.s32 $0xE200  }
0x546: {  	[tilespmem:s4], [sflag:$0x2] =	stream.indirect_vreg.gather [hbm4b:s8+s3], $0x80, v3, vm0, $0xb8;
	[tilespmem:$0x10200] =	vst v63  }
0x547: {  	s24 =	simm.s32 $0xEA00  }
0x548: {  	[tilespmem:s24], [sflag:$0x2] =	stream.indirect_vreg.gather [hbm4b:s9+s3], $0x80, v3, vm0, $0xb8;
	[tilespmem:$0x10200] =	vst v63  }
0x549: {  	s4 =	simm.s32 $0xF200  }
0x54a: {  	[tilespmem:s4], [sflag:$0x2] =	stream.indirect_vreg.gather [hbm4b:s10+s3], $0x80, v3, vm0, $0xb8;
	[tilespmem:$0x10200] =	vst v63  }
0x54b: {  	s16 =	simm.s32 $0xFA00  }
0x54c: {  	[tilespmem:s16], [sflag:$0x2] =	stream.indirect_vreg.gather [hbm4b:s11+s3], $0x80, v3, vm0, $0xb8;
	[tilespmem:$0x10200] =	vst v63  }
0x54d: {  	_ =	swait.ge [sflag:s25], $0x8000  }
0x54e: {  	s16 =	sld [smem:$0x7F7]  }
0x54f: {  	[sflag:s25] =	ssyncset.done $0x0  }
0x550: {  	[sflag:s25] =	ssyncadd.s32 $0xFFFF8000  }
0x551: {  	[hbm4b:s16+s3] =	stream.linear.scatter [tilespmem:s14], [sflag:$0x3], $0x8000, $0x38;
	[tilespmem:$0x10200] =	vst v63  }
0x552: {  	_ =	swait.ge [sflag:s26], $0x8000  }
0x553: {  	[sflag:s26] =	ssyncset.done $0x0  }
0x554: {  	[sflag:s26] =	ssyncadd.s32 $0xFFFF8000  }
0x555: {  	v3 =	vld [tilespmem:$0x1E0];
	_ =	sdelay $0x4  }
0x556: {  	v62 =	vshll.u32 v3, $0x4  }
0x557: {  	v3 =	vand.u32 $0x7, v3;
	v4 =	vand.u32 $0xFFFFFF80, v62  }
0x558: {  	v3 =	vor.u32 v3, v4  }
0x559: {  	v4 =	vperm.xlane v3, v0;
	_ =	sdelay $0x1  }
0x55a: {  	v4 =	vadd.s32 v1, v4;
	_ =	sdelay $0x4  }
0x55b: {  	[tilespmem:s14], [sflag:$0x1] =	stream.indirect_vreg.gather [hbm4b:s2+s3], $0x80, v4, vm0, $0xb8;
	[tilespmem:$0x10200] =	vst v63  }
0x55c: {  	s18 =	simm.s32 $0xA00  }
0x55d: {  	[tilespmem:s18], [sflag:$0x1] =	stream.indirect_vreg.gather [hbm4b:s5+s3], $0x80, v4, vm0, $0xb8;
	[tilespmem:$0x10200] =	vst v63  }
0x55e: {  	s16 =	simm.s32 $0x1200  }
0x55f: {  	[tilespmem:s16], [sflag:$0x1] =	stream.indirect_vreg.gather [hbm4b:s6+s3], $0x80, v4, vm0, $0xb8;
	[tilespmem:$0x10200] =	vst v63  }
0x560: {  	s18 =	simm.s32 $0x1A00  }
0x561: {  	[tilespmem:s18], [sflag:$0x1] =	stream.indirect_vreg.gather [hbm4b:s7+s3], $0x80, v4, vm0, $0xb8;
	[tilespmem:$0x10200] =	vst v63  }
0x562: {  	s16 =	simm.s32 $0x2200  }
0x563: {  	[tilespmem:s16], [sflag:$0x1] =	stream.indirect_vreg.gather [hbm4b:s8+s3], $0x80, v4, vm0, $0xb8;
	[tilespmem:$0x10200] =	vst v63  }
0x564: {  	v3 =	vperm.xlane v3, v2;
	s18 =	simm.s32 $0x2A00  }
0x565: {  	[tilespmem:s18], [sflag:$0x1] =	stream.indirect_vreg.gather [hbm4b:s9+s3], $0x80, v4, vm0, $0xb8;
	[tilespmem:$0x10200] =	vst v63  }
0x566: {  	v3 =	vadd.s32 v1, v3;
	s16 =	simm.s32 $0x3200  }
0x567: {  	[tilespmem:s16], [sflag:$0x1] =	stream.indirect_vreg.gather [hbm4b:s10+s3], $0x80, v4, vm0, $0xb8;
	[tilespmem:$0x10200] =	vst v63  }
0x568: {  	s18 =	simm.s32 $0x3A00  }
0x569: {  	[tilespmem:s18], [sflag:$0x1] =	stream.indirect_vreg.gather [hbm4b:s11+s3], $0x80, v4, vm0, $0xb8;
	[tilespmem:$0x10200] =	vst v63  }
0x56a: {  	s16 =	simm.s32 $0x4200  }
0x56b: {  	[tilespmem:s16], [sflag:$0x1] =	stream.indirect_vreg.gather [hbm4b:s2+s3], $0x80, v3, vm0, $0xb8;
	[tilespmem:$0x10200] =	vst v63  }
0x56c: {  	s18 =	simm.s32 $0x4A00  }
0x56d: {  	[tilespmem:s18], [sflag:$0x1] =	stream.indirect_vreg.gather [hbm4b:s5+s3], $0x80, v3, vm0, $0xb8;
	[tilespmem:$0x10200] =	vst v63  }
0x56e: {  	s16 =	simm.s32 $0x5200  }
0x56f: {  	[tilespmem:s16], [sflag:$0x1] =	stream.indirect_vreg.gather [hbm4b:s6+s3], $0x80, v3, vm0, $0xb8;
	[tilespmem:$0x10200] =	vst v63  }
0x570: {  	s18 =	simm.s32 $0x5A00  }
0x571: {  	[tilespmem:s18], [sflag:$0x1] =	stream.indirect_vreg.gather [hbm4b:s7+s3], $0x80, v3, vm0, $0xb8;
	[tilespmem:$0x10200] =	vst v63  }
0x572: {  	s16 =	simm.s32 $0x6200  }
0x573: {  	[tilespmem:s16], [sflag:$0x1] =	stream.indirect_vreg.gather [hbm4b:s8+s3], $0x80, v3, vm0, $0xb8;
	[tilespmem:$0x10200] =	vst v63  }
0x574: {  	s18 =	simm.s32 $0x6A00  }
0x575: {  	[tilespmem:s18], [sflag:$0x1] =	stream.indirect_vreg.gather [hbm4b:s9+s3], $0x80, v3, vm0, $0xb8;
	[tilespmem:$0x10200] =	vst v63  }
0x576: {  	s16 =	simm.s32 $0x7200  }
0x577: {  	[tilespmem:s16], [sflag:$0x1] =	stream.indirect_vreg.gather [hbm4b:s10+s3], $0x80, v3, vm0, $0xb8;
	[tilespmem:$0x10200] =	vst v63  }
0x578: {  	s18 =	simm.s32 $0x7A00  }
0x579: {  	[tilespmem:s18], [sflag:$0x1] =	stream.indirect_vreg.gather [hbm4b:s11+s3], $0x80, v3, vm0, $0xb8;
	[tilespmem:$0x10200] =	vst v63  }
0x57a: {  	_ =	swait.ge [sflag:s28], $0x8000  }
0x57b: {  	s16 =	sld [smem:$0x7F8]  }
0x57c: {  	[sflag:s28] =	ssyncset.done $0x0  }
0x57d: {  	[sflag:s28] =	ssyncadd.s32 $0xFFFF8000  }
0x57e: {  	[hbm4b:s16+s3] =	stream.linear.scatter [tilespmem:s31], [sflag:$0x4], $0x8000, $0x38;
	[tilespmem:$0x10200] =	vst v63  }
0x57f: {  	_ =	swait.ge [sflag:s29], $0x8000  }
0x580: {  	[sflag:s29] =	ssyncset.done $0x0  }
0x581: {  	[sflag:s29] =	ssyncadd.s32 $0xFFFF8000  }
0x582: {  	v3 =	vld [tilespmem:$0x1F0];
	_ =	sdelay $0x4  }
0x583: {  	v63 =	vshll.u32 v3, $0x4  }
0x584: {  	v3 =	vand.u32 $0x7, v3;
	v4 =	vand.u32 $0xFFFFFF80, v63  }
0x585: {  	v3 =	vor.u32 v3, v4  }
0x586: {  	v4 =	vperm.xlane v3, v0;
	_ =	sdelay $0x1  }
0x587: {  	v4 =	vadd.s32 v1, v4;
	_ =	sdelay $0x4  }
0x588: {  	[tilespmem:s31], [sflag:$0x2] =	stream.indirect_vreg.gather [hbm4b:s2+s3], $0x80, v4, vm0, $0xb8;
	[tilespmem:$0x10200] =	vst v63  }
0x589: {  	s12 =	simm.s32 $0x8A00  }
0x58a: {  	[tilespmem:s12], [sflag:$0x2] =	stream.indirect_vreg.gather [hbm4b:s5+s3], $0x80, v4, vm0, $0xb8;
	[tilespmem:$0x10200] =	vst v63  }
0x58b: {  	s30 =	simm.s32 $0x9200  }
0x58c: {  	[tilespmem:s30], [sflag:$0x2] =	stream.indirect_vreg.gather [hbm4b:s6+s3], $0x80, v4, vm0, $0xb8;
	[tilespmem:$0x10200] =	vst v63  }
0x58d: {  	s13 =	simm.s32 $0x9A00  }
0x58e: {  	[tilespmem:s13], [sflag:$0x2] =	stream.indirect_vreg.gather [hbm4b:s7+s3], $0x80, v4, vm0, $0xb8;
	[tilespmem:$0x10200] =	vst v63  }
0x58f: {  	s1 =	simm.s32 $0xA200  }
0x590: {  	[tilespmem:s1], [sflag:$0x2] =	stream.indirect_vreg.gather [hbm4b:s8+s3], $0x80, v4, vm0, $0xb8;
	[tilespmem:$0x10200] =	vst v63  }
0x591: {  	s17 =	simm.s32 $0xAA00;
	v3 =	vperm.xlane v3, v2  }
0x592: {  	[tilespmem:s17], [sflag:$0x2] =	stream.indirect_vreg.gather [hbm4b:s9+s3], $0x80, v4, vm0, $0xb8;
	[tilespmem:$0x10200] =	vst v63  }
0x593: {  	s18 =	simm.s32 $0xB200;
	v3 =	vadd.s32 v1, v3  }
0x594: {  	[tilespmem:s18], [sflag:$0x2] =	stream.indirect_vreg.gather [hbm4b:s10+s3], $0x80, v4, vm0, $0xb8;
	[tilespmem:$0x10200] =	vst v63  }
0x595: {  	s23 =	simm.s32 $0xBA00  }
0x596: {  	[tilespmem:s23], [sflag:$0x2] =	stream.indirect_vreg.gather [hbm4b:s11+s3], $0x80, v4, vm0, $0xb8;
	[tilespmem:$0x10200] =	vst v63  }
0x597: {  	s20 =	simm.s32 $0xC200  }
0x598: {  	[tilespmem:s20], [sflag:$0x2] =	stream.indirect_vreg.gather [hbm4b:s2+s3], $0x80, v3, vm0, $0xb8;
	[tilespmem:$0x10200] =	vst v63  }
0x599: {  	s19 =	simm.s32 $0xCA00  }
0x59a: {  	[tilespmem:s19], [sflag:$0x2] =	stream.indirect_vreg.gather [hbm4b:s5+s3], $0x80, v3, vm0, $0xb8;
	[tilespmem:$0x10200] =	vst v63  }
0x59b: {  	s20 =	simm.s32 $0xD200  }
0x59c: {  	[tilespmem:s20], [sflag:$0x2] =	stream.indirect_vreg.gather [hbm4b:s6+s3], $0x80, v3, vm0, $0xb8;
	[tilespmem:$0x10200] =	vst v63  }
0x59d: {  	s22 =	simm.s32 $0xDA00  }
0x59e: {  	[tilespmem:s22], [sflag:$0x2] =	stream.indirect_vreg.gather [hbm4b:s7+s3], $0x80, v3, vm0, $0xb8;
	[tilespmem:$0x10200] =	vst v63  }
0x59f: {  	s15 =	simm.s32 $0xE200  }
0x5a0: {  	[tilespmem:s15], [sflag:$0x2] =	stream.indirect_vreg.gather [hbm4b:s8+s3], $0x80, v3, vm0, $0xb8;
	[tilespmem:$0x10200] =	vst v63  }
0x5a1: {  	s21 =	simm.s32 $0xEA00  }
0x5a2: {  	[tilespmem:s21], [sflag:$0x2] =	stream.indirect_vreg.gather [hbm4b:s9+s3], $0x80, v3, vm0, $0xb8;
	[tilespmem:$0x10200] =	vst v63  }
0x5a3: {  	s24 =	simm.s32 $0xF200  }
0x5a4: {  	[tilespmem:s24], [sflag:$0x2] =	stream.indirect_vreg.gather [hbm4b:s10+s3], $0x80, v3, vm0, $0xb8;
	[tilespmem:$0x10200] =	vst v63  }
0x5a5: {  	s4 =	simm.s32 $0xFA00  }
0x5a6: {  	[tilespmem:s4], [sflag:$0x2] =	stream.indirect_vreg.gather [hbm4b:s11+s3], $0x80, v3, vm0, $0xb8;
	[tilespmem:$0x10200] =	vst v63  }
0x5a7: {  	_ =	swait.ge [sflag:s25], $0x8000  }
0x5a8: {  	s23 =	sld [smem:$0x7F9]  }
0x5a9: {  	[sflag:s25] =	ssyncset.done $0x0  }
0x5aa: {  	[sflag:s25] =	ssyncadd.s32 $0xFFFF8000  }
0x5ab: {  	[hbm4b:s23+s3] =	stream.linear.scatter [tilespmem:s14], [sflag:$0x3], $0x8000, $0x38;
	[tilespmem:$0x10200] =	vst v63  }
0x5ac: {  	_ =	swait.ge [sflag:s28], $0x8000  }
0x5ad: {  	s24 =	sld [smem:$0x7FB]  }
0x5ae: {  	[sflag:s28] =	ssyncset.done $0x0;
	s30 =	sld [smem:$0x7F6]  }
0x5af: {  	[sflag:s28] =	ssyncadd.s32 $0xFFFF8000  }
0x5b0: {  	[hbm4b:s24+s3] =	stream.linear.scatter [tilespmem:s31], [sflag:$0x4], $0x8000, $0x38;
	[tilespmem:$0x10200] =	vst v63  }
0x5b1: {  	p0 =	sne.s32 s30, $0x1;
	_ =	swait.ge [sflag:s26], $0x8000  }
.Ltmp0:
0x5b2: {  	[sflag:s26] =	ssyncset.done $0x0;
	(pc) =	sbr.rel @p0 .LBB2_1-.Ltmp0, $4  }
0x5b3: {  	[sflag:s26] =	ssyncadd.s32 $0xFFFF8000  }
0x5b4: {  	_ =	swait.ge [sflag:s29], $0x8000  }
0x5b5: {  	[sflag:s29] =	ssyncset.done $0x0  }
0x5b6: {  	s0 =	sadd.s32 $0xFFFFFFFF, s30;
	[sflag:s29] =	ssyncadd.s32 $0xFFFF8000  }
0x5b7: {  	_ =	sfence.sel $0x180000  }
0x5b8: {  	[bflag:$0x0] =	sbarrier.arrive $0xFFFF  }
0x5b9: {  	_ =	strace $0x90000047  }
0x5ba: {  	s0 =	stileid.u32;
	[bflag:$0x2] =	sbarrier.arrive $0xFFFF  }
0x5bb: {  	p0 =	sne.s32 s0, $0x0;
	s0 =	rddreg [dreg:$0x3]  }
0x5bc: {  	s0 =	sadd.s32 @!p0 $0x100000, s0  }
0x5bd: {  	[sflag:s0] =	ssyncadd.tile.s32 @!p0 $0x1;
	_ =	shalt  }
.Lfunc_end2:
_tile_overlayer_lowered:
.L_overlay_start_2:
0x5be: {  	(tag) =	ssettag $0x2  }
0x5bf: {  	s0 =	rddreg [dreg:$0x0];
	s2 =	stileid.u32  }
0x5c0: {  	s1 =	rddreg [dreg:$0x1];
	p0 =	sne.s32 s2, $0x0  }
0x5c1: {  	s3 =	rddreg [dreg:$0x2];
	[bflag:$0x3] =	sbarrier.arrive $0xFFFF;
	s2 =	simm.s32 @!p0 $0x1C05  }
0x5c2: {  	[timem:s3], [sflag:s2] =	dma.local @!p0 [hbm:s0], s1  }
0x5c3: {  	s0 =	simm.s32 @!p0 $0x5  }
0x5c4: {  	_ =	swait.ge @!p0 [sflag:s0], s1  }
0x5c5: {  	s1 =	ssub.s32 @!p0 $0x0, s1;
	[sflag:s0] =	ssyncset.done @!p0 $0x0  }
0x5c6: {  	[sflag:s0] =	ssyncadd.s32 @!p0 s1  }
0x5c7: {  	[bflag:$0x3] =	sbarrier.arrive $0xFFFF  }
0x5c8: {  	_ =	shalt  }

</sc_bundles>
